<compile_context>
chip_gen: v7x
topology: tpu7x:2x2x1
jax: 0.10.2.dev20260603
libtpu: 0.0.44.dev20260713+nightly
codegen_flags: <defaults>
</compile_context>

<pallas_src>
import functools

import jax
import jax.numpy as jnp
from jax import lax
from jax.experimental import pallas as pl
from jax.experimental.pallas import tpu as pltpu
from jax.experimental.pallas import tpu_sc as plsc

NC = 2
NS = 16
LANES = 16
STEP = 128
NB = 2


def _xa_matmul(x, w):
    n = x.shape[0]
    blk = 2000
    grid = n // blk

    def body(x_ref, w_ref, o_ref):
        o_ref[...] = jnp.dot(x_ref[...], w_ref[...],
                             preferred_element_type=jnp.float32)

    return pl.pallas_call(
        body,
        grid=(grid,),
        in_specs=[
            pl.BlockSpec((blk, x.shape[1]), lambda i: (i, 0)),
            pl.BlockSpec(w.shape, lambda i: (0, 0)),
        ],
        out_specs=pl.BlockSpec((blk, w.shape[1]), lambda i: (i, 0)),
        out_shape=jax.ShapeDtypeStruct((n, w.shape[1]), jnp.float32),
    )(x, w)


def _ea_matmul(edge_attr, w, b):
    e, da = edge_attr.shape
    dh = w.shape[1]
    pk = 128 // da
    a_pack = edge_attr.reshape(e // pk, pk * da)
    w_bd = jnp.kron(jnp.eye(pk, dtype=w.dtype), w)
    b_t = jnp.tile(b, (1, pk))
    blk = 2000
    grid = (e // pk) // blk

    def body(a_ref, w_ref, b_ref, o_ref):
        o_ref[...] = jnp.dot(a_ref[...], w_ref[...],
                             preferred_element_type=jnp.float32) + b_ref[...]

    out = pl.pallas_call(
        body,
        grid=(grid,),
        in_specs=[
            pl.BlockSpec((blk, pk * da), lambda i: (i, 0)),
            pl.BlockSpec(w_bd.shape, lambda i: (0, 0)),
            pl.BlockSpec(b_t.shape, lambda i: (0, 0)),
        ],
        out_specs=pl.BlockSpec((blk, pk * dh), lambda i: (i, 0)),
        out_shape=jax.ShapeDtypeStruct((e // pk, pk * dh), jnp.float32),
    )(a_pack, w_bd, b_t)
    return out.reshape(e, dh)


def _sc_segment_sum(xa, ea, row, col):
    n, d = xa.shape
    e = ea.shape[0]
    nw = NC * NS
    nchunks = e // STEP
    nfull = nchunks // nw
    rem = nchunks - nfull * nw
    zc = 64
    npad = -(-n // (NS * zc)) * (NS * zc)
    rpt = npad // NS
    nz = rpt // zc

    mesh = plsc.VectorSubcoreMesh(core_axis_name="c", subcore_axis_name="s",
                                  num_cores=NC, num_subcores=NS)

    dw = d + LANES

    @functools.partial(
        pl.kernel,
        out_type=[
            jax.ShapeDtypeStruct((NC, npad, dw), jnp.float32),
        ],
        mesh=mesh,
        scratch_types=[
            pltpu.VMEM_SHARED((npad, dw), jnp.float32),
            pltpu.VMEM((NB, STEP), jnp.int32),
            pltpu.VMEM((NB, STEP), jnp.int32),
            pltpu.VMEM((NB, STEP), jnp.int32),
            pltpu.VMEM((NB, STEP, d), jnp.float32),
            pltpu.VMEM((NB, STEP, d), jnp.float32),
            pltpu.VMEM((NB, STEP, dw), jnp.float32),
            pltpu.VMEM((zc, dw), jnp.float32),
        ] + [pltpu.SemaphoreType.DMA] * (3 * NB + 1),
        compiler_params=pltpu.CompilerParams(use_tc_tiling_on_sc=False),
    )
    def sc_kernel(xa_hbm, ea_hbm, row_hbm, col_hbm, acc_out,
                  acc_sh, rbuf, cbuf, cbuf2, eabuf, gbuf, sbuf, zbuf,
                  *sems):
        seml = sems[0:NB]
        semg = sems[NB:2 * NB]
        semsc = sems[2 * NB:3 * NB]
        sem = sems[3 * NB]
        cid = lax.axis_index("c")
        sid = lax.axis_index("s")
        dv = d // LANES

        zeros = jnp.zeros((LANES,), jnp.float32)
        ones = jnp.ones((LANES,), jnp.float32)

        def fill_z(i, _):
            for j in range(dw // LANES):
                zbuf[i, pl.ds(j * LANES, LANES)] = zeros
            return 0

        lax.fori_loop(0, zc, fill_z, 0)

        def fill_o(i, _):
            for b in range(NB):
                sbuf[b, i, pl.ds(d, LANES)] = ones
            return 0

        lax.fori_loop(0, STEP, fill_o, 0)

        for k in range(nz):
            roff = sid * rpt + k * zc
            pltpu.sync_copy(zbuf, acc_sh.at[pl.ds(roff, zc)])
        plsc.subcore_barrier()

        w = sid * NC + cid
        nfp = (nfull // NB) * NB

        def start_load(k, b):
            c = w + nw * k
            off = pl.multiple_of(c * STEP, STEP)
            pltpu.async_copy(row_hbm.at[c], rbuf.at[b], seml[b])
            pltpu.async_copy(col_hbm.at[c], cbuf.at[b], seml[b])
            pltpu.async_copy(ea_hbm.at[pl.ds(off, STEP)], eabuf.at[b], seml[b])

        def wait_load(b):
            pltpu.make_async_copy(row_hbm.at[0], rbuf.at[b], seml[b]).wait()
            pltpu.make_async_copy(col_hbm.at[0], cbuf.at[b], seml[b]).wait()
            pltpu.make_async_copy(ea_hbm.at[pl.ds(0, STEP)], eabuf.at[b],
                                  seml[b]).wait()

        def start_gather(b):
            pltpu.async_copy(xa_hbm.at[rbuf.at[b]], gbuf.at[b], semg[b])

        def wait_gather(b):
            pltpu.make_async_copy(xa_hbm.at[rbuf.at[b]], gbuf.at[b],
                                  semg[b]).wait()

        def compute(b):
            def crow(i):
                for jj in range(dv):
                    sl = pl.ds(jj * LANES, LANES)
                    sbuf[b, i, sl] = jnp.maximum(
                        gbuf[b, i, sl] + eabuf[b, i, sl], 0.0)

            plsc.parallel_loop(0, STEP, unroll=4)(crow)

            def ccopy(i):
                sl = pl.ds(i, LANES)
                cbuf2[b, sl] = cbuf[b, sl]

            plsc.parallel_loop(0, STEP, step=LANES)(ccopy)

        def start_scatter(b):
            pltpu.async_copy(sbuf.at[b], acc_sh.at[cbuf2.at[b]], semsc[b],
                             add=True)

        def wait_scatter(b):
            pltpu.make_async_copy(sbuf.at[b], acc_sh.at[cbuf2.at[b]],
                                  semsc[b]).wait()

        def group(g, first):
            for b in range(NB):
                if not first:
                    wait_scatter(b)
                wait_load(b)
                start_gather(b)
            for b in range(NB):
                wait_gather(b)
                compute(b)
                start_scatter(b)

                @pl.when(g + NB + b < nfp)
                def _():
                    start_load(g + NB + b, b)

        if nfp >= NB:
            for b in range(NB):
                start_load(b, b)
            group(0, True)
            if nfp > NB:
                pl.loop(NB, nfp, step=NB)(lambda g: group(g, False))
            for b in range(NB):
                wait_scatter(b)

        for k in range(nfp, nfull):
            start_load(k, 0)
            wait_load(0)
            start_gather(0)
            wait_gather(0)
            compute(0)
            start_scatter(0)
            wait_scatter(0)

        if rem:
            @pl.when(w < rem)
            def _():
                start_load(nfull, 0)
                wait_load(0)
                start_gather(0)
                wait_gather(0)
                compute(0)
                start_scatter(0)
                wait_scatter(0)

        plsc.subcore_barrier()
        for k in range(nz):
            roff = sid * rpt + k * zc
            pltpu.sync_copy(acc_sh.at[pl.ds(roff, zc)],
                            acc_out.at[cid, pl.ds(roff, zc)])

    (acc_p,) = sc_kernel(xa, ea, row, col)
    return acc_p


def _node_mlp(x, acc_p, batch2d, u, W1b, b1b2, W2a, b2a2, W2b, b2b2):
    n, dn = x.shape
    d = W1b.shape[0]
    dw = acc_p.shape[2]
    nb = u.shape[0]
    dout = W2b.shape[1]
    blk = 2000
    grid = n // blk

    def body(x_ref, acc_ref, b_ref, u_ref, w1b_ref, b1b_ref,
             w2a_ref, b2a_ref, w2b_ref, b2b_ref, o_ref):
        sr = acc_ref[0, :, 0:d] + acc_ref[1, :, 0:d]
        cnt = acc_ref[0, :, d:d + 1] + acc_ref[1, :, d:d + 1]
        mean = sr / jnp.maximum(cnt, 1.0)
        mask = jnp.minimum(cnt, 1.0)
        w2a_x = w2a_ref[0:dn, :]
        w2a_m = w2a_ref[dn:dn + d, :]
        w2a_u = w2a_ref[dn + d:, :]
        wm = jnp.dot(w1b_ref[...], w2a_m, preferred_element_type=jnp.float32)
        bm = jnp.dot(b1b_ref[...], w2a_m, preferred_element_type=jnp.float32)
        up = jnp.dot(u_ref[...], w2a_u, preferred_element_type=jnp.float32)
        oh = (b_ref[...] == lax.broadcasted_iota(jnp.int32, (blk, nb), 1)
              ).astype(jnp.float32)
        pre = (jnp.dot(x_ref[...], w2a_x, preferred_element_type=jnp.float32)
               + jnp.dot(mean, wm, preferred_element_type=jnp.float32)
               + mask * bm
               + jnp.dot(oh, up, preferred_element_type=jnp.float32)
               + b2a_ref[...])
        h2 = jnp.maximum(pre, 0.0)
        o_ref[...] = jnp.dot(h2, w2b_ref[...],
                             preferred_element_type=jnp.float32) + b2b_ref[...]

    return pl.pallas_call(
        body,
        grid=(grid,),
        in_specs=[
            pl.BlockSpec((blk, dn), lambda i: (i, 0)),
            pl.BlockSpec((2, blk, dw), lambda i: (0, i, 0)),
            pl.BlockSpec((blk, 1), lambda i: (i, 0)),
            pl.BlockSpec(u.shape, lambda i: (0, 0)),
            pl.BlockSpec(W1b.shape, lambda i: (0, 0)),
            pl.BlockSpec(b1b2.shape, lambda i: (0, 0)),
            pl.BlockSpec(W2a.shape, lambda i: (0, 0)),
            pl.BlockSpec(b2a2.shape, lambda i: (0, 0)),
            pl.BlockSpec(W2b.shape, lambda i: (0, 0)),
            pl.BlockSpec(b2b2.shape, lambda i: (0, 0)),
        ],
        out_specs=pl.BlockSpec((blk, dout), lambda i: (i, 0)),
        out_shape=jax.ShapeDtypeStruct((n, dout), jnp.float32),
    )(x, acc_p, batch2d, u, W1b, b1b2, W2a, b2a2, W2b, b2b2)


def kernel(x, edge_index, edge_attr, u, batch,
           W1a, b1a, W1b, b1b, W2a, b2a, W2b, b2b):
    dn = x.shape[1]
    row = edge_index[0].astype(jnp.int32).reshape(-1, STEP)
    col = edge_index[1].astype(jnp.int32).reshape(-1, STEP)

    xa = _xa_matmul(x, W1a[:dn])
    ea = _ea_matmul(edge_attr, W1a[dn:], b1a.reshape(1, -1))
    acc_p = _sc_segment_sum(xa, ea, row, col)
    out = _node_mlp(x, acc_p, batch.astype(jnp.int32).reshape(-1, 1),
                    u, W1b, b1b.reshape(1, -1), W2a, b2a.reshape(1, -1),
                    W2b, b2b.reshape(1, -1))
    return out

# --- scband reference (transcript-rebuilt; emitter-appended) ---
"""Pipeline reference for scband-node-model-49246095016467 (READ-ONLY COPY).

The authoritative reference and input builder live on the scoring server;
editing this copy changes nothing except your own understanding.
"""

import jax, jax.numpy as jnp
import numpy as np

N, E, B = 10000, 320000, 16
D_NODE, D_EDGE, D_GLOB, D_HID, D_OUT = 128, 16, 64, 64, 128

def setup_inputs(seed: int = 0) -> dict:
    key = jax.random.key(seed)
    ks = jax.random.split(key, 16)
    x = jax.random.normal(ks[0], (N, D_NODE), dtype=jnp.float32)
    edge_index = jax.random.randint(ks[1], (2, E), 0, N)
    edge_attr = jax.random.normal(ks[2], (E, D_EDGE), dtype=jnp.float32)
    u = jax.random.normal(ks[3], (B, D_GLOB), dtype=jnp.float32)
    batch = jnp.sort(jax.random.randint(ks[4], (N,), 0, B))
    def lin(k, fan_in, fan_out):
        kw, kb = jax.random.split(k)
        s = 1.0 / np.sqrt(fan_in)
        W = jax.random.uniform(kw, (fan_in, fan_out), minval=-s, maxval=s, dtype=jnp.float32)
        b = jax.random.uniform(kb, (fan_out,), minval=-s, maxval=s, dtype=jnp.float32)
        return W, b
    W1a, b1a = lin(ks[5], D_NODE + D_EDGE, D_HID)
    W1b, b1b = lin(ks[6], D_HID, D_HID)
    W2a, b2a = lin(ks[7], D_NODE + D_HID + D_GLOB, D_HID)
    W2b, b2b = lin(ks[8], D_HID, D_OUT)
    return {"x": x, "edge_index": edge_index, "edge_attr": edge_attr, "u": u, "batch": batch,
            "W1a": W1a, "b1a": b1a, "W1b": W1b, "b1b": b1b,
            "W2a": W2a, "b2a": b2a, "W2b": W2b, "b2b": b2b}

def reference(x, edge_index, edge_attr, u, batch, W1a, b1a, W1b, b1b, W2a, b2a, W2b, b2b):
    row = edge_index[0]
    col = edge_index[1]
    msg_in = jnp.concatenate([jnp.take(x, row, axis=0), edge_attr], axis=1)
    h = jnp.maximum(msg_in @ W1a + b1a, 0.0) @ W1b + b1b
    n = x.shape[0]
    s = jax.ops.segment_sum(h, col, num_segments=n)
    cnt = jax.ops.segment_sum(jnp.ones((col.shape[0],), dtype=h.dtype), col, num_segments=n)
    agg = s / jnp.maximum(cnt, 1.0)[:, None]
    node_in = jnp.concatenate([x, agg, jnp.take(u, batch, axis=0)], axis=1)
    out = jnp.maximum(node_in @ W2a + b2a, 0.0) @ W2b + b2b
    return out

if __name__ == "__main__":
    import jax
    _d = setup_inputs()
    print(jax.jit(kernel)(*tuple(_d.values())))

</pallas_src>

<mosaic_0001>
#map = affine_map<(d0, d1) -> (0, 0)>
#map1 = affine_map<(d0, d1) -> (0, 0, 0)>
module attributes {stable_mosaic.version = 14 : i64} {
  func.func @sc_kernel(%arg0: i32, %arg1: i32, %arg2: memref<10000x64xf32, #tpu.memory_space<hbm>>, %arg3: memref<320000x64xf32, #tpu.memory_space<hbm>>, %arg4: memref<2500x128xi32, #tpu.memory_space<hbm>>, %arg5: memref<2500x128xi32, #tpu.memory_space<hbm>>, %arg6: memref<2x10240x80xf32, #tpu.memory_space<hbm>>, %arg7: memref<10240x80xf32, #tpu.memory_space<vmem_shared>>, %arg8: memref<2x128xi32, #tpu.memory_space<vmem>>, %arg9: memref<2x128xi32, #tpu.memory_space<vmem>>, %arg10: memref<2x128xi32, #tpu.memory_space<vmem>>, %arg11: memref<2x128x64xf32, #tpu.memory_space<vmem>>, %arg12: memref<2x128x64xf32, #tpu.memory_space<vmem>>, %arg13: memref<2x128x80xf32, #tpu.memory_space<vmem>>, %arg14: memref<64x80xf32, #tpu.memory_space<vmem>>, %arg15: memref<!tpu.dma_semaphore, #tpu.memory_space<semaphore_mem>>, %arg16: memref<!tpu.dma_semaphore, #tpu.memory_space<semaphore_mem>>, %arg17: memref<!tpu.dma_semaphore, #tpu.memory_space<semaphore_mem>>, %arg18: memref<!tpu.dma_semaphore, #tpu.memory_space<semaphore_mem>>, %arg19: memref<!tpu.dma_semaphore, #tpu.memory_space<semaphore_mem>>, %arg20: memref<!tpu.dma_semaphore, #tpu.memory_space<semaphore_mem>>, %arg21: memref<!tpu.dma_semaphore, #tpu.memory_space<semaphore_mem>>) attributes {dimension_semantics = [#tpu.dimension_semantics<core_parallel>, #tpu.dimension_semantics<subcore_parallel>], iteration_bounds = array<i64: 2, 16>, scalar_prefetch = 0 : i64, scratch_operands = 15 : i64, tpu.core_type = #tpu.core_type<sc_vector_subcore>, window_params = [{transform_indices = #map}, {transform_indices = #map}, {transform_indices = #map}, {transform_indices = #map}, {transform_indices = #map1}]} {
    %broadcast_in_dim3A = arith.constant 0.000000e+00 : f32
    %broadcast_in_dim3A_0 = vector.broadcast %broadcast_in_dim3A : f32 to vector<16xf32>
    %broadcast_in_dim3A_1 = arith.constant 1.000000e+00 : f32
    %broadcast_in_dim3A_2 = vector.broadcast %broadcast_in_dim3A_1 : f32 to vector<16xf32>
    %scan3A = arith.constant 0 : i32
    %scan3A_3 = arith.constant 0 : i32
    %scan3A_4 = arith.constant 64 : i32
    %scan3A_5 = arith.addi %scan3A_3, %scan3A_4 : i32
    %scan3A_6 = arith.constant 1 : i32
    %scan3A_7 = scf.for %scan3A_471 = %scan3A_3 to %scan3A_5 step %scan3A_6 iter_args(%scan3A_472 = %scan3A) -> (i32)  : i32 {
      %swap3A = arith.index_cast %scan3A_471 : i32 to index
      %swap3A_473 = arith.constant 0 : index
      %swap3A_474 = tpu.vector_load %arg14[%swap3A, %swap3A_473] {strides = array<i32>} : memref<64x80xf32, #tpu.memory_space<vmem>>, vector<1x16xf32>,
      %swap3A_475 = vector.shape_cast %swap3A_474 : vector<1x16xf32> to vector<16xf32>
      %swap3A_476 = vector.shape_cast %broadcast_in_dim3A_0 : vector<16xf32> to vector<1x16xf32>
      tpu.vector_store %arg14[%swap3A, %swap3A_473], %swap3A_476 {strides = array<i32>} : memref<64x80xf32, #tpu.memory_space<vmem>>, vector<1x16xf32>,
      %swap3A_477 = arith.index_cast %scan3A_471 : i32 to index
      %swap3A_478 = arith.constant 16 : index
      %swap3A_479 = tpu.vector_load %arg14[%swap3A_477, %swap3A_478] {strides = array<i32>} : memref<64x80xf32, #tpu.memory_space<vmem>>, vector<1x16xf32>,
      %swap3A_480 = vector.shape_cast %swap3A_479 : vector<1x16xf32> to vector<16xf32>
      %swap3A_481 = vector.shape_cast %broadcast_in_dim3A_0 : vector<16xf32> to vector<1x16xf32>
      tpu.vector_store %arg14[%swap3A_477, %swap3A_478], %swap3A_481 {strides = array<i32>} : memref<64x80xf32, #tpu.memory_space<vmem>>, vector<1x16xf32>,
      %swap3A_482 = arith.index_cast %scan3A_471 : i32 to index
      %swap3A_483 = arith.constant 32 : index
      %swap3A_484 = tpu.vector_load %arg14[%swap3A_482, %swap3A_483] {strides = array<i32>} : memref<64x80xf32, #tpu.memory_space<vmem>>, vector<1x16xf32>,
      %swap3A_485 = vector.shape_cast %swap3A_484 : vector<1x16xf32> to vector<16xf32>
      %swap3A_486 = vector.shape_cast %broadcast_in_dim3A_0 : vector<16xf32> to vector<1x16xf32>
      tpu.vector_store %arg14[%swap3A_482, %swap3A_483], %swap3A_486 {strides = array<i32>} : memref<64x80xf32, #tpu.memory_space<vmem>>, vector<1x16xf32>,
      %swap3A_487 = arith.index_cast %scan3A_471 : i32 to index
      %swap3A_488 = arith.constant 48 : index
      %swap3A_489 = tpu.vector_load %arg14[%swap3A_487, %swap3A_488] {strides = array<i32>} : memref<64x80xf32, #tpu.memory_space<vmem>>, vector<1x16xf32>,
      %swap3A_490 = vector.shape_cast %swap3A_489 : vector<1x16xf32> to vector<16xf32>
      %swap3A_491 = vector.shape_cast %broadcast_in_dim3A_0 : vector<16xf32> to vector<1x16xf32>
      tpu.vector_store %arg14[%swap3A_487, %swap3A_488], %swap3A_491 {strides = array<i32>} : memref<64x80xf32, #tpu.memory_space<vmem>>, vector<1x16xf32>,
      %swap3A_492 = arith.index_cast %scan3A_471 : i32 to index
      %swap3A_493 = arith.constant 64 : index
      %swap3A_494 = tpu.vector_load %arg14[%swap3A_492, %swap3A_493] {strides = array<i32>} : memref<64x80xf32, #tpu.memory_space<vmem>>, vector<1x16xf32>,
      %swap3A_495 = vector.shape_cast %swap3A_494 : vector<1x16xf32> to vector<16xf32>
      %swap3A_496 = vector.shape_cast %broadcast_in_dim3A_0 : vector<16xf32> to vector<1x16xf32>
      tpu.vector_store %arg14[%swap3A_492, %swap3A_493], %swap3A_496 {strides = array<i32>} : memref<64x80xf32, #tpu.memory_space<vmem>>, vector<1x16xf32>,
      %scan3A_497 = arith.constant 0 : i32
      scf.yield %scan3A_497 : i32
    }
    %scan3A_8 = arith.constant 64 : i32
    %scan3A_9 = arith.constant 0 : i32
    %scan3A_10 = arith.constant 0 : i32
    %scan3A_11 = arith.constant 128 : i32
    %scan3A_12 = arith.addi %scan3A_10, %scan3A_11 : i32
    %scan3A_13 = arith.constant 1 : i32
    %scan3A_14 = scf.for %scan3A_471 = %scan3A_10 to %scan3A_12 step %scan3A_13 iter_args(%scan3A_472 = %scan3A_9) -> (i32)  : i32 {
      %swap3A = arith.constant 0 : i32
      %swap3A_473 = arith.index_cast %swap3A : i32 to index
      %swap3A_474 = arith.index_cast %scan3A_471 : i32 to index
      %swap3A_475 = arith.constant 64 : index
      %swap3A_476 = tpu.vector_load %arg13[%swap3A_473, %swap3A_474, %swap3A_475] {strides = array<i32>} : memref<2x128x80xf32, #tpu.memory_space<vmem>>, vector<1x1x16xf32>,
      %swap3A_477 = vector.shape_cast %swap3A_476 : vector<1x1x16xf32> to vector<16xf32>
      %swap3A_478 = vector.shape_cast %broadcast_in_dim3A_2 : vector<16xf32> to vector<1x1x16xf32>
      tpu.vector_store %arg13[%swap3A_473, %swap3A_474, %swap3A_475], %swap3A_478 {strides = array<i32>} : memref<2x128x80xf32, #tpu.memory_space<vmem>>, vector<1x1x16xf32>,
      %swap3A_479 = arith.constant 1 : i32
      %swap3A_480 = arith.index_cast %swap3A_479 : i32 to index
      %swap3A_481 = arith.index_cast %scan3A_471 : i32 to index
      %swap3A_482 = arith.constant 64 : index
      %swap3A_483 = tpu.vector_load %arg13[%swap3A_480, %swap3A_481, %swap3A_482] {strides = array<i32>} : memref<2x128x80xf32, #tpu.memory_space<vmem>>, vector<1x1x16xf32>,
      %swap3A_484 = vector.shape_cast %swap3A_483 : vector<1x1x16xf32> to vector<16xf32>
      %swap3A_485 = vector.shape_cast %broadcast_in_dim3A_2 : vector<16xf32> to vector<1x1x16xf32>
      tpu.vector_store %arg13[%swap3A_480, %swap3A_481, %swap3A_482], %swap3A_485 {strides = array<i32>} : memref<2x128x80xf32, #tpu.memory_space<vmem>>, vector<1x1x16xf32>,
      %scan3A_486 = arith.constant 0 : i32
      scf.yield %scan3A_486 : i32
    }
    %scan3A_15 = arith.constant 128 : i32
    %mul3A = arith.constant 640 : i32
    %mul3A_16 = arith.muli %arg1, %mul3A : i32
    %add3A = arith.constant 0 : i32
    %add3A_17 = arith.addi %mul3A_16, %add3A : i32
    "tpu.region"() ({
      %run_scoped3A = tpu.sem_alloc : memref<!tpu.dma_semaphore, #tpu.memory_space<semaphore_mem>>
      %dma_start3A_471 = arith.constant 0 : i32
      %dma_start3A_472 = tpu.memref_slice %arg7[%add3A_17, %dma_start3A_471] : memref<10240x80xf32, #tpu.memory_space<vmem_shared>> -> memref<64x80xf32, #tpu.memory_space<vmem_shared>>
      %dma_start3A_473 = arith.constant 0 : i32
      %dma_start3A_474 = tpu.memref_slice %arg7[%add3A_17, %dma_start3A_473] : memref<10240x80xf32, #tpu.memory_space<vmem_shared>> -> memref<64x80xf32, #tpu.memory_space<vmem_shared>>
      tpu.enqueue_dma source(%arg14 : memref<64x80xf32, #tpu.memory_space<vmem>>) target(%dma_start3A_474 : memref<64x80xf32, #tpu.memory_space<vmem_shared>>) target_semaphore(%run_scoped3A : memref<!tpu.dma_semaphore, #tpu.memory_space<semaphore_mem>>)
      %dma_wait3A_475 = arith.constant 0 : i32
      %dma_wait3A_476 = tpu.memref_slice %arg7[%add3A_17, %dma_wait3A_475] : memref<10240x80xf32, #tpu.memory_space<vmem_shared>> -> memref<64x80xf32, #tpu.memory_space<vmem_shared>>
      %dma_wait3A_477 = arith.constant 0 : i32
      %dma_wait3A_478 = tpu.memref_slice %arg7[%add3A_17, %dma_wait3A_477] : memref<10240x80xf32, #tpu.memory_space<vmem_shared>> -> memref<64x80xf32, #tpu.memory_space<vmem_shared>>
      tpu.wait_dma2 semaphore(%run_scoped3A : memref<!tpu.dma_semaphore, #tpu.memory_space<semaphore_mem>>) src(%arg14 : memref<64x80xf32, #tpu.memory_space<vmem>>) dst(%dma_wait3A_478 : memref<64x80xf32, #tpu.memory_space<vmem_shared>>)
      tpu.yield
    }) : () -> ()
    %mul3A_18 = arith.constant 640 : i32
    %mul3A_19 = arith.muli %arg1, %mul3A_18 : i32
    %add3A_20 = arith.constant 64 : i32
    %add3A_21 = arith.addi %mul3A_19, %add3A_20 : i32
    "tpu.region"() ({
      %run_scoped3A = tpu.sem_alloc : memref<!tpu.dma_semaphore, #tpu.memory_space<semaphore_mem>>
      %dma_start3A_471 = arith.constant 0 : i32
      %dma_start3A_472 = tpu.memref_slice %arg7[%add3A_21, %dma_start3A_471] : memref<10240x80xf32, #tpu.memory_space<vmem_shared>> -> memref<64x80xf32, #tpu.memory_space<vmem_shared>>
      %dma_start3A_473 = arith.constant 0 : i32
      %dma_start3A_474 = tpu.memref_slice %arg7[%add3A_21, %dma_start3A_473] : memref<10240x80xf32, #tpu.memory_space<vmem_shared>> -> memref<64x80xf32, #tpu.memory_space<vmem_shared>>
      tpu.enqueue_dma source(%arg14 : memref<64x80xf32, #tpu.memory_space<vmem>>) target(%dma_start3A_474 : memref<64x80xf32, #tpu.memory_space<vmem_shared>>) target_semaphore(%run_scoped3A : memref<!tpu.dma_semaphore, #tpu.memory_space<semaphore_mem>>)
      %dma_wait3A_475 = arith.constant 0 : i32
      %dma_wait3A_476 = tpu.memref_slice %arg7[%add3A_21, %dma_wait3A_475] : memref<10240x80xf32, #tpu.memory_space<vmem_shared>> -> memref<64x80xf32, #tpu.memory_space<vmem_shared>>
      %dma_wait3A_477 = arith.constant 0 : i32
      %dma_wait3A_478 = tpu.memref_slice %arg7[%add3A_21, %dma_wait3A_477] : memref<10240x80xf32, #tpu.memory_space<vmem_shared>> -> memref<64x80xf32, #tpu.memory_space<vmem_shared>>
      tpu.wait_dma2 semaphore(%run_scoped3A : memref<!tpu.dma_semaphore, #tpu.memory_space<semaphore_mem>>) src(%arg14 : memref<64x80xf32, #tpu.memory_space<vmem>>) dst(%dma_wait3A_478 : memref<64x80xf32, #tpu.memory_space<vmem_shared>>)
      tpu.yield
    }) : () -> ()
    %mul3A_22 = arith.constant 640 : i32
    %mul3A_23 = arith.muli %arg1, %mul3A_22 : i32
    %add3A_24 = arith.constant 128 : i32
    %add3A_25 = arith.addi %mul3A_23, %add3A_24 : i32
    "tpu.region"() ({
      %run_scoped3A = tpu.sem_alloc : memref<!tpu.dma_semaphore, #tpu.memory_space<semaphore_mem>>
      %dma_start3A_471 = arith.constant 0 : i32
      %dma_start3A_472 = tpu.memref_slice %arg7[%add3A_25, %dma_start3A_471] : memref<10240x80xf32, #tpu.memory_space<vmem_shared>> -> memref<64x80xf32, #tpu.memory_space<vmem_shared>>
      %dma_start3A_473 = arith.constant 0 : i32
      %dma_start3A_474 = tpu.memref_slice %arg7[%add3A_25, %dma_start3A_473] : memref<10240x80xf32, #tpu.memory_space<vmem_shared>> -> memref<64x80xf32, #tpu.memory_space<vmem_shared>>
      tpu.enqueue_dma source(%arg14 : memref<64x80xf32, #tpu.memory_space<vmem>>) target(%dma_start3A_474 : memref<64x80xf32, #tpu.memory_space<vmem_shared>>) target_semaphore(%run_scoped3A : memref<!tpu.dma_semaphore, #tpu.memory_space<semaphore_mem>>)
      %dma_wait3A_475 = arith.constant 0 : i32
      %dma_wait3A_476 = tpu.memref_slice %arg7[%add3A_25, %dma_wait3A_475] : memref<10240x80xf32, #tpu.memory_space<vmem_shared>> -> memref<64x80xf32, #tpu.memory_space<vmem_shared>>
      %dma_wait3A_477 = arith.constant 0 : i32
      %dma_wait3A_478 = tpu.memref_slice %arg7[%add3A_25, %dma_wait3A_477] : memref<10240x80xf32, #tpu.memory_space<vmem_shared>> -> memref<64x80xf32, #tpu.memory_space<vmem_shared>>
      tpu.wait_dma2 semaphore(%run_scoped3A : memref<!tpu.dma_semaphore, #tpu.memory_space<semaphore_mem>>) src(%arg14 : memref<64x80xf32, #tpu.memory_space<vmem>>) dst(%dma_wait3A_478 : memref<64x80xf32, #tpu.memory_space<vmem_shared>>)
      tpu.yield
    }) : () -> ()
    %mul3A_26 = arith.constant 640 : i32
    %mul3A_27 = arith.muli %arg1, %mul3A_26 : i32
    %add3A_28 = arith.constant 192 : i32
    %add3A_29 = arith.addi %mul3A_27, %add3A_28 : i32
    "tpu.region"() ({
      %run_scoped3A = tpu.sem_alloc : memref<!tpu.dma_semaphore, #tpu.memory_space<semaphore_mem>>
      %dma_start3A_471 = arith.constant 0 : i32
      %dma_start3A_472 = tpu.memref_slice %arg7[%add3A_29, %dma_start3A_471] : memref<10240x80xf32, #tpu.memory_space<vmem_shared>> -> memref<64x80xf32, #tpu.memory_space<vmem_shared>>
      %dma_start3A_473 = arith.constant 0 : i32
      %dma_start3A_474 = tpu.memref_slice %arg7[%add3A_29, %dma_start3A_473] : memref<10240x80xf32, #tpu.memory_space<vmem_shared>> -> memref<64x80xf32, #tpu.memory_space<vmem_shared>>
      tpu.enqueue_dma source(%arg14 : memref<64x80xf32, #tpu.memory_space<vmem>>) target(%dma_start3A_474 : memref<64x80xf32, #tpu.memory_space<vmem_shared>>) target_semaphore(%run_scoped3A : memref<!tpu.dma_semaphore, #tpu.memory_space<semaphore_mem>>)
      %dma_wait3A_475 = arith.constant 0 : i32
      %dma_wait3A_476 = tpu.memref_slice %arg7[%add3A_29, %dma_wait3A_475] : memref<10240x80xf32, #tpu.memory_space<vmem_shared>> -> memref<64x80xf32, #tpu.memory_space<vmem_shared>>
      %dma_wait3A_477 = arith.constant 0 : i32
      %dma_wait3A_478 = tpu.memref_slice %arg7[%add3A_29, %dma_wait3A_477] : memref<10240x80xf32, #tpu.memory_space<vmem_shared>> -> memref<64x80xf32, #tpu.memory_space<vmem_shared>>
      tpu.wait_dma2 semaphore(%run_scoped3A : memref<!tpu.dma_semaphore, #tpu.memory_space<semaphore_mem>>) src(%arg14 : memref<64x80xf32, #tpu.memory_space<vmem>>) dst(%dma_wait3A_478 : memref<64x80xf32, #tpu.memory_space<vmem_shared>>)
      tpu.yield
    }) : () -> ()
    %mul3A_30 = arith.constant 640 : i32
    %mul3A_31 = arith.muli %arg1, %mul3A_30 : i32
    %add3A_32 = arith.constant 256 : i32
    %add3A_33 = arith.addi %mul3A_31, %add3A_32 : i32
    "tpu.region"() ({
      %run_scoped3A = tpu.sem_alloc : memref<!tpu.dma_semaphore, #tpu.memory_space<semaphore_mem>>
      %dma_start3A_471 = arith.constant 0 : i32
      %dma_start3A_472 = tpu.memref_slice %arg7[%add3A_33, %dma_start3A_471] : memref<10240x80xf32, #tpu.memory_space<vmem_shared>> -> memref<64x80xf32, #tpu.memory_space<vmem_shared>>
      %dma_start3A_473 = arith.constant 0 : i32
      %dma_start3A_474 = tpu.memref_slice %arg7[%add3A_33, %dma_start3A_473] : memref<10240x80xf32, #tpu.memory_space<vmem_shared>> -> memref<64x80xf32, #tpu.memory_space<vmem_shared>>
      tpu.enqueue_dma source(%arg14 : memref<64x80xf32, #tpu.memory_space<vmem>>) target(%dma_start3A_474 : memref<64x80xf32, #tpu.memory_space<vmem_shared>>) target_semaphore(%run_scoped3A : memref<!tpu.dma_semaphore, #tpu.memory_space<semaphore_mem>>)
      %dma_wait3A_475 = arith.constant 0 : i32
      %dma_wait3A_476 = tpu.memref_slice %arg7[%add3A_33, %dma_wait3A_475] : memref<10240x80xf32, #tpu.memory_space<vmem_shared>> -> memref<64x80xf32, #tpu.memory_space<vmem_shared>>
      %dma_wait3A_477 = arith.constant 0 : i32
      %dma_wait3A_478 = tpu.memref_slice %arg7[%add3A_33, %dma_wait3A_477] : memref<10240x80xf32, #tpu.memory_space<vmem_shared>> -> memref<64x80xf32, #tpu.memory_space<vmem_shared>>
      tpu.wait_dma2 semaphore(%run_scoped3A : memref<!tpu.dma_semaphore, #tpu.memory_space<semaphore_mem>>) src(%arg14 : memref<64x80xf32, #tpu.memory_space<vmem>>) dst(%dma_wait3A_478 : memref<64x80xf32, #tpu.memory_space<vmem_shared>>)
      tpu.yield
    }) : () -> ()
    %mul3A_34 = arith.constant 640 : i32
    %mul3A_35 = arith.muli %arg1, %mul3A_34 : i32
    %add3A_36 = arith.constant 320 : i32
    %add3A_37 = arith.addi %mul3A_35, %add3A_36 : i32
    "tpu.region"() ({
      %run_scoped3A = tpu.sem_alloc : memref<!tpu.dma_semaphore, #tpu.memory_space<semaphore_mem>>
      %dma_start3A_471 = arith.constant 0 : i32
      %dma_start3A_472 = tpu.memref_slice %arg7[%add3A_37, %dma_start3A_471] : memref<10240x80xf32, #tpu.memory_space<vmem_shared>> -> memref<64x80xf32, #tpu.memory_space<vmem_shared>>
      %dma_start3A_473 = arith.constant 0 : i32
      %dma_start3A_474 = tpu.memref_slice %arg7[%add3A_37, %dma_start3A_473] : memref<10240x80xf32, #tpu.memory_space<vmem_shared>> -> memref<64x80xf32, #tpu.memory_space<vmem_shared>>
      tpu.enqueue_dma source(%arg14 : memref<64x80xf32, #tpu.memory_space<vmem>>) target(%dma_start3A_474 : memref<64x80xf32, #tpu.memory_space<vmem_shared>>) target_semaphore(%run_scoped3A : memref<!tpu.dma_semaphore, #tpu.memory_space<semaphore_mem>>)
      %dma_wait3A_475 = arith.constant 0 : i32
      %dma_wait3A_476 = tpu.memref_slice %arg7[%add3A_37, %dma_wait3A_475] : memref<10240x80xf32, #tpu.memory_space<vmem_shared>> -> memref<64x80xf32, #tpu.memory_space<vmem_shared>>
      %dma_wait3A_477 = arith.constant 0 : i32
      %dma_wait3A_478 = tpu.memref_slice %arg7[%add3A_37, %dma_wait3A_477] : memref<10240x80xf32, #tpu.memory_space<vmem_shared>> -> memref<64x80xf32, #tpu.memory_space<vmem_shared>>
      tpu.wait_dma2 semaphore(%run_scoped3A : memref<!tpu.dma_semaphore, #tpu.memory_space<semaphore_mem>>) src(%arg14 : memref<64x80xf32, #tpu.memory_space<vmem>>) dst(%dma_wait3A_478 : memref<64x80xf32, #tpu.memory_space<vmem_shared>>)
      tpu.yield
    }) : () -> ()
    %mul3A_38 = arith.constant 640 : i32
    %mul3A_39 = arith.muli %arg1, %mul3A_38 : i32
    %add3A_40 = arith.constant 384 : i32
    %add3A_41 = arith.addi %mul3A_39, %add3A_40 : i32
    "tpu.region"() ({
      %run_scoped3A = tpu.sem_alloc : memref<!tpu.dma_semaphore, #tpu.memory_space<semaphore_mem>>
      %dma_start3A_471 = arith.constant 0 : i32
      %dma_start3A_472 = tpu.memref_slice %arg7[%add3A_41, %dma_start3A_471] : memref<10240x80xf32, #tpu.memory_space<vmem_shared>> -> memref<64x80xf32, #tpu.memory_space<vmem_shared>>
      %dma_start3A_473 = arith.constant 0 : i32
      %dma_start3A_474 = tpu.memref_slice %arg7[%add3A_41, %dma_start3A_473] : memref<10240x80xf32, #tpu.memory_space<vmem_shared>> -> memref<64x80xf32, #tpu.memory_space<vmem_shared>>
      tpu.enqueue_dma source(%arg14 : memref<64x80xf32, #tpu.memory_space<vmem>>) target(%dma_start3A_474 : memref<64x80xf32, #tpu.memory_space<vmem_shared>>) target_semaphore(%run_scoped3A : memref<!tpu.dma_semaphore, #tpu.memory_space<semaphore_mem>>)
      %dma_wait3A_475 = arith.constant 0 : i32
      %dma_wait3A_476 = tpu.memref_slice %arg7[%add3A_41, %dma_wait3A_475] : memref<10240x80xf32, #tpu.memory_space<vmem_shared>> -> memref<64x80xf32, #tpu.memory_space<vmem_shared>>
      %dma_wait3A_477 = arith.constant 0 : i32
      %dma_wait3A_478 = tpu.memref_slice %arg7[%add3A_41, %dma_wait3A_477] : memref<10240x80xf32, #tpu.memory_space<vmem_shared>> -> memref<64x80xf32, #tpu.memory_space<vmem_shared>>
      tpu.wait_dma2 semaphore(%run_scoped3A : memref<!tpu.dma_semaphore, #tpu.memory_space<semaphore_mem>>) src(%arg14 : memref<64x80xf32, #tpu.memory_space<vmem>>) dst(%dma_wait3A_478 : memref<64x80xf32, #tpu.memory_space<vmem_shared>>)
      tpu.yield
    }) : () -> ()
    %mul3A_42 = arith.constant 640 : i32
    %mul3A_43 = arith.muli %arg1, %mul3A_42 : i32
    %add3A_44 = arith.constant 448 : i32
    %add3A_45 = arith.addi %mul3A_43, %add3A_44 : i32
    "tpu.region"() ({
      %run_scoped3A = tpu.sem_alloc : memref<!tpu.dma_semaphore, #tpu.memory_space<semaphore_mem>>
      %dma_start3A_471 = arith.constant 0 : i32
      %dma_start3A_472 = tpu.memref_slice %arg7[%add3A_45, %dma_start3A_471] : memref<10240x80xf32, #tpu.memory_space<vmem_shared>> -> memref<64x80xf32, #tpu.memory_space<vmem_shared>>
      %dma_start3A_473 = arith.constant 0 : i32
      %dma_start3A_474 = tpu.memref_slice %arg7[%add3A_45, %dma_start3A_473] : memref<10240x80xf32, #tpu.memory_space<vmem_shared>> -> memref<64x80xf32, #tpu.memory_space<vmem_shared>>
      tpu.enqueue_dma source(%arg14 : memref<64x80xf32, #tpu.memory_space<vmem>>) target(%dma_start3A_474 : memref<64x80xf32, #tpu.memory_space<vmem_shared>>) target_semaphore(%run_scoped3A : memref<!tpu.dma_semaphore, #tpu.memory_space<semaphore_mem>>)
      %dma_wait3A_475 = arith.constant 0 : i32
      %dma_wait3A_476 = tpu.memref_slice %arg7[%add3A_45, %dma_wait3A_475] : memref<10240x80xf32, #tpu.memory_space<vmem_shared>> -> memref<64x80xf32, #tpu.memory_space<vmem_shared>>
      %dma_wait3A_477 = arith.constant 0 : i32
      %dma_wait3A_478 = tpu.memref_slice %arg7[%add3A_45, %dma_wait3A_477] : memref<10240x80xf32, #tpu.memory_space<vmem_shared>> -> memref<64x80xf32, #tpu.memory_space<vmem_shared>>
      tpu.wait_dma2 semaphore(%run_scoped3A : memref<!tpu.dma_semaphore, #tpu.memory_space<semaphore_mem>>) src(%arg14 : memref<64x80xf32, #tpu.memory_space<vmem>>) dst(%dma_wait3A_478 : memref<64x80xf32, #tpu.memory_space<vmem_shared>>)
      tpu.yield
    }) : () -> ()
    %mul3A_46 = arith.constant 640 : i32
    %mul3A_47 = arith.muli %arg1, %mul3A_46 : i32
    %add3A_48 = arith.constant 512 : i32
    %add3A_49 = arith.addi %mul3A_47, %add3A_48 : i32
    "tpu.region"() ({
      %run_scoped3A = tpu.sem_alloc : memref<!tpu.dma_semaphore, #tpu.memory_space<semaphore_mem>>
      %dma_start3A_471 = arith.constant 0 : i32
      %dma_start3A_472 = tpu.memref_slice %arg7[%add3A_49, %dma_start3A_471] : memref<10240x80xf32, #tpu.memory_space<vmem_shared>> -> memref<64x80xf32, #tpu.memory_space<vmem_shared>>
      %dma_start3A_473 = arith.constant 0 : i32
      %dma_start3A_474 = tpu.memref_slice %arg7[%add3A_49, %dma_start3A_473] : memref<10240x80xf32, #tpu.memory_space<vmem_shared>> -> memref<64x80xf32, #tpu.memory_space<vmem_shared>>
      tpu.enqueue_dma source(%arg14 : memref<64x80xf32, #tpu.memory_space<vmem>>) target(%dma_start3A_474 : memref<64x80xf32, #tpu.memory_space<vmem_shared>>) target_semaphore(%run_scoped3A : memref<!tpu.dma_semaphore, #tpu.memory_space<semaphore_mem>>)
      %dma_wait3A_475 = arith.constant 0 : i32
      %dma_wait3A_476 = tpu.memref_slice %arg7[%add3A_49, %dma_wait3A_475] : memref<10240x80xf32, #tpu.memory_space<vmem_shared>> -> memref<64x80xf32, #tpu.memory_space<vmem_shared>>
      %dma_wait3A_477 = arith.constant 0 : i32
      %dma_wait3A_478 = tpu.memref_slice %arg7[%add3A_49, %dma_wait3A_477] : memref<10240x80xf32, #tpu.memory_space<vmem_shared>> -> memref<64x80xf32, #tpu.memory_space<vmem_shared>>
      tpu.wait_dma2 semaphore(%run_scoped3A : memref<!tpu.dma_semaphore, #tpu.memory_space<semaphore_mem>>) src(%arg14 : memref<64x80xf32, #tpu.memory_space<vmem>>) dst(%dma_wait3A_478 : memref<64x80xf32, #tpu.memory_space<vmem_shared>>)
      tpu.yield
    }) : () -> ()
    %mul3A_50 = arith.constant 640 : i32
    %mul3A_51 = arith.muli %arg1, %mul3A_50 : i32
    %add3A_52 = arith.constant 576 : i32
    %add3A_53 = arith.addi %mul3A_51, %add3A_52 : i32
    "tpu.region"() ({
      %run_scoped3A = tpu.sem_alloc : memref<!tpu.dma_semaphore, #tpu.memory_space<semaphore_mem>>
      %dma_start3A_471 = arith.constant 0 : i32
      %dma_start3A_472 = tpu.memref_slice %arg7[%add3A_53, %dma_start3A_471] : memref<10240x80xf32, #tpu.memory_space<vmem_shared>> -> memref<64x80xf32, #tpu.memory_space<vmem_shared>>
      %dma_start3A_473 = arith.constant 0 : i32
      %dma_start3A_474 = tpu.memref_slice %arg7[%add3A_53, %dma_start3A_473] : memref<10240x80xf32, #tpu.memory_space<vmem_shared>> -> memref<64x80xf32, #tpu.memory_space<vmem_shared>>
      tpu.enqueue_dma source(%arg14 : memref<64x80xf32, #tpu.memory_space<vmem>>) target(%dma_start3A_474 : memref<64x80xf32, #tpu.memory_space<vmem_shared>>) target_semaphore(%run_scoped3A : memref<!tpu.dma_semaphore, #tpu.memory_space<semaphore_mem>>)
      %dma_wait3A_475 = arith.constant 0 : i32
      %dma_wait3A_476 = tpu.memref_slice %arg7[%add3A_53, %dma_wait3A_475] : memref<10240x80xf32, #tpu.memory_space<vmem_shared>> -> memref<64x80xf32, #tpu.memory_space<vmem_shared>>
      %dma_wait3A_477 = arith.constant 0 : i32
      %dma_wait3A_478 = tpu.memref_slice %arg7[%add3A_53, %dma_wait3A_477] : memref<10240x80xf32, #tpu.memory_space<vmem_shared>> -> memref<64x80xf32, #tpu.memory_space<vmem_shared>>
      tpu.wait_dma2 semaphore(%run_scoped3A : memref<!tpu.dma_semaphore, #tpu.memory_space<semaphore_mem>>) src(%arg14 : memref<64x80xf32, #tpu.memory_space<vmem>>) dst(%dma_wait3A_478 : memref<64x80xf32, #tpu.memory_space<vmem_shared>>)
      tpu.yield
    }) : () -> ()
    %barrier3A = arith.constant 0 : index
    tpu.barrier barrier_id(%barrier3A)
    %mul3A_54 = arith.constant 2 : i32
    %mul3A_55 = arith.muli %arg1, %mul3A_54 : i32
    %add3A_56 = arith.addi %mul3A_55, %arg0 : i32
    %add3A_57 = arith.constant 0 : i32
    %add3A_58 = arith.addi %add3A_56, %add3A_57 : i32
    %mul3A_59 = arith.constant 128 : i32
    %mul3A_60 = arith.muli %add3A_58, %mul3A_59 : i32
    %multiple_of3A = tpu.assume_multiple %mul3A_60, 128 : i32
    %dma_start3A = arith.constant 0 : i32
    %dma_start3A_61 = arith.constant 0 : i32
    %dma_start3A_62 = tpu.memref_slice %arg8[%dma_start3A, %dma_start3A_61] : memref<2x128xi32, #tpu.memory_space<vmem>> -> memref<1x128xi32, #tpu.memory_space<vmem>>
    %dma_start3A_63 = tpu.memref_squeeze %dma_start3A_62 : memref<1x128xi32, #tpu.memory_space<vmem>> -> memref<128xi32, #tpu.memory_space<vmem>>
    %dma_start3A_64 = arith.constant 0 : i32
    %dma_start3A_65 = tpu.memref_slice %arg4[%add3A_58, %dma_start3A_64] : memref<2500x128xi32, #tpu.memory_space<hbm>> -> memref<1x128xi32, #tpu.memory_space<hbm>>
    %dma_start3A_66 = tpu.memref_squeeze %dma_start3A_65 : memref<1x128xi32, #tpu.memory_space<hbm>> -> memref<128xi32, #tpu.memory_space<hbm>>
    %dma_start3A_67 = arith.constant 0 : i32
    %dma_start3A_68 = tpu.memref_slice %arg8[%dma_start3A, %dma_start3A_67] : memref<2x128xi32, #tpu.memory_space<vmem>> -> memref<1x128xi32, #tpu.memory_space<vmem>>
    %dma_start3A_69 = tpu.memref_squeeze %dma_start3A_68 : memref<1x128xi32, #tpu.memory_space<vmem>> -> memref<128xi32, #tpu.memory_space<vmem>>
    %dma_start3A_70 = arith.constant 0 : i32
    %dma_start3A_71 = tpu.memref_slice %arg4[%add3A_58, %dma_start3A_70] : memref<2500x128xi32, #tpu.memory_space<hbm>> -> memref<1x128xi32, #tpu.memory_space<hbm>>
    %dma_start3A_72 = tpu.memref_squeeze %dma_start3A_71 : memref<1x128xi32, #tpu.memory_space<hbm>> -> memref<128xi32, #tpu.memory_space<hbm>>
    tpu.enqueue_dma source(%dma_start3A_72 : memref<128xi32, #tpu.memory_space<hbm>>) target(%dma_start3A_69 : memref<128xi32, #tpu.memory_space<vmem>>) target_semaphore(%arg15 : memref<!tpu.dma_semaphore, #tpu.memory_space<semaphore_mem>>)
    %dma_start3A_73 = arith.constant 0 : i32
    %dma_start3A_74 = arith.constant 0 : i32
    %dma_start3A_75 = tpu.memref_slice %arg9[%dma_start3A_73, %dma_start3A_74] : memref<2x128xi32, #tpu.memory_space<vmem>> -> memref<1x128xi32, #tpu.memory_space<vmem>>
    %dma_start3A_76 = tpu.memref_squeeze %dma_start3A_75 : memref<1x128xi32, #tpu.memory_space<vmem>> -> memref<128xi32, #tpu.memory_space<vmem>>
    %dma_start3A_77 = arith.constant 0 : i32
    %dma_start3A_78 = tpu.memref_slice %arg5[%add3A_58, %dma_start3A_77] : memref<2500x128xi32, #tpu.memory_space<hbm>> -> memref<1x128xi32, #tpu.memory_space<hbm>>
    %dma_start3A_79 = tpu.memref_squeeze %dma_start3A_78 : memref<1x128xi32, #tpu.memory_space<hbm>> -> memref<128xi32, #tpu.memory_space<hbm>>
    %dma_start3A_80 = arith.constant 0 : i32
    %dma_start3A_81 = tpu.memref_slice %arg9[%dma_start3A_73, %dma_start3A_80] : memref<2x128xi32, #tpu.memory_space<vmem>> -> memref<1x128xi32, #tpu.memory_space<vmem>>
    %dma_start3A_82 = tpu.memref_squeeze %dma_start3A_81 : memref<1x128xi32, #tpu.memory_space<vmem>> -> memref<128xi32, #tpu.memory_space<vmem>>
    %dma_start3A_83 = arith.constant 0 : i32
    %dma_start3A_84 = tpu.memref_slice %arg5[%add3A_58, %dma_start3A_83] : memref<2500x128xi32, #tpu.memory_space<hbm>> -> memref<1x128xi32, #tpu.memory_space<hbm>>
    %dma_start3A_85 = tpu.memref_squeeze %dma_start3A_84 : memref<1x128xi32, #tpu.memory_space<hbm>> -> memref<128xi32, #tpu.memory_space<hbm>>
    tpu.enqueue_dma source(%dma_start3A_85 : memref<128xi32, #tpu.memory_space<hbm>>) target(%dma_start3A_82 : memref<128xi32, #tpu.memory_space<vmem>>) target_semaphore(%arg15 : memref<!tpu.dma_semaphore, #tpu.memory_space<semaphore_mem>>)
    %dma_start3A_86 = arith.constant 0 : i32
    %dma_start3A_87 = arith.constant 0 : i32
    %dma_start3A_88 = arith.constant 0 : i32
    %dma_start3A_89 = tpu.memref_slice %arg11[%dma_start3A_86, %dma_start3A_87, %dma_start3A_88] : memref<2x128x64xf32, #tpu.memory_space<vmem>> -> memref<1x128x64xf32, #tpu.memory_space<vmem>>
    %dma_start3A_90 = tpu.memref_squeeze %dma_start3A_89 : memref<1x128x64xf32, #tpu.memory_space<vmem>> -> memref<128x64xf32, #tpu.memory_space<vmem>>
    %dma_start3A_91 = arith.constant 0 : i32
    %dma_start3A_92 = tpu.memref_slice %arg3[%multiple_of3A, %dma_start3A_91] : memref<320000x64xf32, #tpu.memory_space<hbm>> -> memref<128x64xf32, #tpu.memory_space<hbm>>
    %dma_start3A_93 = arith.constant 0 : i32
    %dma_start3A_94 = arith.constant 0 : i32
    %dma_start3A_95 = tpu.memref_slice %arg11[%dma_start3A_86, %dma_start3A_93, %dma_start3A_94] : memref<2x128x64xf32, #tpu.memory_space<vmem>> -> memref<1x128x64xf32, #tpu.memory_space<vmem>>
    %dma_start3A_96 = tpu.memref_squeeze %dma_start3A_95 : memref<1x128x64xf32, #tpu.memory_space<vmem>> -> memref<128x64xf32, #tpu.memory_space<vmem>>
    %dma_start3A_97 = arith.constant 0 : i32
    %dma_start3A_98 = tpu.memref_slice %arg3[%multiple_of3A, %dma_start3A_97] : memref<320000x64xf32, #tpu.memory_space<hbm>> -> memref<128x64xf32, #tpu.memory_space<hbm>>
    tpu.enqueue_dma source(%dma_start3A_98 : memref<128x64xf32, #tpu.memory_space<hbm>>) target(%dma_start3A_96 : memref<128x64xf32, #tpu.memory_space<vmem>>) target_semaphore(%arg15 : memref<!tpu.dma_semaphore, #tpu.memory_space<semaphore_mem>>)
    %add3A_99 = arith.constant 32 : i32
    %add3A_100 = arith.addi %add3A_56, %add3A_99 : i32
    %mul3A_101 = arith.constant 128 : i32
    %mul3A_102 = arith.muli %add3A_100, %mul3A_101 : i32
    %multiple_of3A_103 = tpu.assume_multiple %mul3A_102, 128 : i32
    %dma_start3A_104 = arith.constant 1 : i32
    %dma_start3A_105 = arith.constant 0 : i32
    %dma_start3A_106 = tpu.memref_slice %arg8[%dma_start3A_104, %dma_start3A_105] : memref<2x128xi32, #tpu.memory_space<vmem>> -> memref<1x128xi32, #tpu.memory_space<vmem>>
    %dma_start3A_107 = tpu.memref_squeeze %dma_start3A_106 : memref<1x128xi32, #tpu.memory_space<vmem>> -> memref<128xi32, #tpu.memory_space<vmem>>
    %dma_start3A_108 = arith.constant 0 : i32
    %dma_start3A_109 = tpu.memref_slice %arg4[%add3A_100, %dma_start3A_108] : memref<2500x128xi32, #tpu.memory_space<hbm>> -> memref<1x128xi32, #tpu.memory_space<hbm>>
    %dma_start3A_110 = tpu.memref_squeeze %dma_start3A_109 : memref<1x128xi32, #tpu.memory_space<hbm>> -> memref<128xi32, #tpu.memory_space<hbm>>
    %dma_start3A_111 = arith.constant 0 : i32
    %dma_start3A_112 = tpu.memref_slice %arg8[%dma_start3A_104, %dma_start3A_111] : memref<2x128xi32, #tpu.memory_space<vmem>> -> memref<1x128xi32, #tpu.memory_space<vmem>>
    %dma_start3A_113 = tpu.memref_squeeze %dma_start3A_112 : memref<1x128xi32, #tpu.memory_space<vmem>> -> memref<128xi32, #tpu.memory_space<vmem>>
    %dma_start3A_114 = arith.constant 0 : i32
    %dma_start3A_115 = tpu.memref_slice %arg4[%add3A_100, %dma_start3A_114] : memref<2500x128xi32, #tpu.memory_space<hbm>> -> memref<1x128xi32, #tpu.memory_space<hbm>>
    %dma_start3A_116 = tpu.memref_squeeze %dma_start3A_115 : memref<1x128xi32, #tpu.memory_space<hbm>> -> memref<128xi32, #tpu.memory_space<hbm>>
    tpu.enqueue_dma source(%dma_start3A_116 : memref<128xi32, #tpu.memory_space<hbm>>) target(%dma_start3A_113 : memref<128xi32, #tpu.memory_space<vmem>>) target_semaphore(%arg16 : memref<!tpu.dma_semaphore, #tpu.memory_space<semaphore_mem>>)
    %dma_start3A_117 = arith.constant 1 : i32
    %dma_start3A_118 = arith.constant 0 : i32
    %dma_start3A_119 = tpu.memref_slice %arg9[%dma_start3A_117, %dma_start3A_118] : memref<2x128xi32, #tpu.memory_space<vmem>> -> memref<1x128xi32, #tpu.memory_space<vmem>>
    %dma_start3A_120 = tpu.memref_squeeze %dma_start3A_119 : memref<1x128xi32, #tpu.memory_space<vmem>> -> memref<128xi32, #tpu.memory_space<vmem>>
    %dma_start3A_121 = arith.constant 0 : i32
    %dma_start3A_122 = tpu.memref_slice %arg5[%add3A_100, %dma_start3A_121] : memref<2500x128xi32, #tpu.memory_space<hbm>> -> memref<1x128xi32, #tpu.memory_space<hbm>>
    %dma_start3A_123 = tpu.memref_squeeze %dma_start3A_122 : memref<1x128xi32, #tpu.memory_space<hbm>> -> memref<128xi32, #tpu.memory_space<hbm>>
    %dma_start3A_124 = arith.constant 0 : i32
    %dma_start3A_125 = tpu.memref_slice %arg9[%dma_start3A_117, %dma_start3A_124] : memref<2x128xi32, #tpu.memory_space<vmem>> -> memref<1x128xi32, #tpu.memory_space<vmem>>
    %dma_start3A_126 = tpu.memref_squeeze %dma_start3A_125 : memref<1x128xi32, #tpu.memory_space<vmem>> -> memref<128xi32, #tpu.memory_space<vmem>>
    %dma_start3A_127 = arith.constant 0 : i32
    %dma_start3A_128 = tpu.memref_slice %arg5[%add3A_100, %dma_start3A_127] : memref<2500x128xi32, #tpu.memory_space<hbm>> -> memref<1x128xi32, #tpu.memory_space<hbm>>
    %dma_start3A_129 = tpu.memref_squeeze %dma_start3A_128 : memref<1x128xi32, #tpu.memory_space<hbm>> -> memref<128xi32, #tpu.memory_space<hbm>>
    tpu.enqueue_dma source(%dma_start3A_129 : memref<128xi32, #tpu.memory_space<hbm>>) target(%dma_start3A_126 : memref<128xi32, #tpu.memory_space<vmem>>) target_semaphore(%arg16 : memref<!tpu.dma_semaphore, #tpu.memory_space<semaphore_mem>>)
    %dma_start3A_130 = arith.constant 1 : i32
    %dma_start3A_131 = arith.constant 0 : i32
    %dma_start3A_132 = arith.constant 0 : i32
    %dma_start3A_133 = tpu.memref_slice %arg11[%dma_start3A_130, %dma_start3A_131, %dma_start3A_132] : memref<2x128x64xf32, #tpu.memory_space<vmem>> -> memref<1x128x64xf32, #tpu.memory_space<vmem>>
    %dma_start3A_134 = tpu.memref_squeeze %dma_start3A_133 : memref<1x128x64xf32, #tpu.memory_space<vmem>> -> memref<128x64xf32, #tpu.memory_space<vmem>>
    %dma_start3A_135 = arith.constant 0 : i32
    %dma_start3A_136 = tpu.memref_slice %arg3[%multiple_of3A_103, %dma_start3A_135] : memref<320000x64xf32, #tpu.memory_space<hbm>> -> memref<128x64xf32, #tpu.memory_space<hbm>>
    %dma_start3A_137 = arith.constant 0 : i32
    %dma_start3A_138 = arith.constant 0 : i32
    %dma_start3A_139 = tpu.memref_slice %arg11[%dma_start3A_130, %dma_start3A_137, %dma_start3A_138] : memref<2x128x64xf32, #tpu.memory_space<vmem>> -> memref<1x128x64xf32, #tpu.memory_space<vmem>>
    %dma_start3A_140 = tpu.memref_squeeze %dma_start3A_139 : memref<1x128x64xf32, #tpu.memory_space<vmem>> -> memref<128x64xf32, #tpu.memory_space<vmem>>
    %dma_start3A_141 = arith.constant 0 : i32
    %dma_start3A_142 = tpu.memref_slice %arg3[%multiple_of3A_103, %dma_start3A_141] : memref<320000x64xf32, #tpu.memory_space<hbm>> -> memref<128x64xf32, #tpu.memory_space<hbm>>
    tpu.enqueue_dma source(%dma_start3A_142 : memref<128x64xf32, #tpu.memory_space<hbm>>) target(%dma_start3A_140 : memref<128x64xf32, #tpu.memory_space<vmem>>) target_semaphore(%arg16 : memref<!tpu.dma_semaphore, #tpu.memory_space<semaphore_mem>>)
    %dma_wait3A = arith.constant 0 : i32
    %dma_wait3A_143 = arith.constant 0 : i32
    %dma_wait3A_144 = arith.constant 0 : i32
    %dma_wait3A_145 = tpu.memref_slice %arg8[%dma_wait3A_143, %dma_wait3A_144] : memref<2x128xi32, #tpu.memory_space<vmem>> -> memref<1x128xi32, #tpu.memory_space<vmem>>
    %dma_wait3A_146 = tpu.memref_squeeze %dma_wait3A_145 : memref<1x128xi32, #tpu.memory_space<vmem>> -> memref<128xi32, #tpu.memory_space<vmem>>
    %dma_wait3A_147 = arith.constant 0 : i32
    %dma_wait3A_148 = tpu.memref_slice %arg4[%dma_wait3A, %dma_wait3A_147] : memref<2500x128xi32, #tpu.memory_space<hbm>> -> memref<1x128xi32, #tpu.memory_space<hbm>>
    %dma_wait3A_149 = tpu.memref_squeeze %dma_wait3A_148 : memref<1x128xi32, #tpu.memory_space<hbm>> -> memref<128xi32, #tpu.memory_space<hbm>>
    %dma_wait3A_150 = arith.constant 0 : i32
    %dma_wait3A_151 = tpu.memref_slice %arg8[%dma_wait3A_143, %dma_wait3A_150] : memref<2x128xi32, #tpu.memory_space<vmem>> -> memref<1x128xi32, #tpu.memory_space<vmem>>
    %dma_wait3A_152 = tpu.memref_squeeze %dma_wait3A_151 : memref<1x128xi32, #tpu.memory_space<vmem>> -> memref<128xi32, #tpu.memory_space<vmem>>
    %dma_wait3A_153 = arith.constant 0 : i32
    %dma_wait3A_154 = tpu.memref_slice %arg4[%dma_wait3A, %dma_wait3A_153] : memref<2500x128xi32, #tpu.memory_space<hbm>> -> memref<1x128xi32, #tpu.memory_space<hbm>>
    %dma_wait3A_155 = tpu.memref_squeeze %dma_wait3A_154 : memref<1x128xi32, #tpu.memory_space<hbm>> -> memref<128xi32, #tpu.memory_space<hbm>>
    tpu.wait_dma2 semaphore(%arg15 : memref<!tpu.dma_semaphore, #tpu.memory_space<semaphore_mem>>) src(%dma_wait3A_155 : memref<128xi32, #tpu.memory_space<hbm>>) dst(%dma_wait3A_152 : memref<128xi32, #tpu.memory_space<vmem>>)
    %dma_wait3A_156 = arith.constant 0 : i32
    %dma_wait3A_157 = arith.constant 0 : i32
    %dma_wait3A_158 = arith.constant 0 : i32
    %dma_wait3A_159 = tpu.memref_slice %arg9[%dma_wait3A_157, %dma_wait3A_158] : memref<2x128xi32, #tpu.memory_space<vmem>> -> memref<1x128xi32, #tpu.memory_space<vmem>>
    %dma_wait3A_160 = tpu.memref_squeeze %dma_wait3A_159 : memref<1x128xi32, #tpu.memory_space<vmem>> -> memref<128xi32, #tpu.memory_space<vmem>>
    %dma_wait3A_161 = arith.constant 0 : i32
    %dma_wait3A_162 = tpu.memref_slice %arg5[%dma_wait3A_156, %dma_wait3A_161] : memref<2500x128xi32, #tpu.memory_space<hbm>> -> memref<1x128xi32, #tpu.memory_space<hbm>>
    %dma_wait3A_163 = tpu.memref_squeeze %dma_wait3A_162 : memref<1x128xi32, #tpu.memory_space<hbm>> -> memref<128xi32, #tpu.memory_space<hbm>>
    %dma_wait3A_164 = arith.constant 0 : i32
    %dma_wait3A_165 = tpu.memref_slice %arg9[%dma_wait3A_157, %dma_wait3A_164] : memref<2x128xi32, #tpu.memory_space<vmem>> -> memref<1x128xi32, #tpu.memory_space<vmem>>
    %dma_wait3A_166 = tpu.memref_squeeze %dma_wait3A_165 : memref<1x128xi32, #tpu.memory_space<vmem>> -> memref<128xi32, #tpu.memory_space<vmem>>
    %dma_wait3A_167 = arith.constant 0 : i32
    %dma_wait3A_168 = tpu.memref_slice %arg5[%dma_wait3A_156, %dma_wait3A_167] : memref<2500x128xi32, #tpu.memory_space<hbm>> -> memref<1x128xi32, #tpu.memory_space<hbm>>
    %dma_wait3A_169 = tpu.memref_squeeze %dma_wait3A_168 : memref<1x128xi32, #tpu.memory_space<hbm>> -> memref<128xi32, #tpu.memory_space<hbm>>
    tpu.wait_dma2 semaphore(%arg15 : memref<!tpu.dma_semaphore, #tpu.memory_space<semaphore_mem>>) src(%dma_wait3A_169 : memref<128xi32, #tpu.memory_space<hbm>>) dst(%dma_wait3A_166 : memref<128xi32, #tpu.memory_space<vmem>>)
    %dma_wait3A_170 = arith.constant 0 : i32
    %dma_wait3A_171 = arith.constant 0 : i32
    %dma_wait3A_172 = arith.constant 0 : i32
    %dma_wait3A_173 = tpu.memref_slice %arg11[%dma_wait3A_170, %dma_wait3A_171, %dma_wait3A_172] : memref<2x128x64xf32, #tpu.memory_space<vmem>> -> memref<1x128x64xf32, #tpu.memory_space<vmem>>
    %dma_wait3A_174 = tpu.memref_squeeze %dma_wait3A_173 : memref<1x128x64xf32, #tpu.memory_space<vmem>> -> memref<128x64xf32, #tpu.memory_space<vmem>>
    %dma_wait3A_175 = arith.constant 0 : i32
    %dma_wait3A_176 = arith.constant 0 : i32
    %dma_wait3A_177 = tpu.memref_slice %arg3[%dma_wait3A_175, %dma_wait3A_176] : memref<320000x64xf32, #tpu.memory_space<hbm>> -> memref<128x64xf32, #tpu.memory_space<hbm>>
    %dma_wait3A_178 = arith.constant 0 : i32
    %dma_wait3A_179 = arith.constant 0 : i32
    %dma_wait3A_180 = tpu.memref_slice %arg11[%dma_wait3A_170, %dma_wait3A_178, %dma_wait3A_179] : memref<2x128x64xf32, #tpu.memory_space<vmem>> -> memref<1x128x64xf32, #tpu.memory_space<vmem>>
    %dma_wait3A_181 = tpu.memref_squeeze %dma_wait3A_180 : memref<1x128x64xf32, #tpu.memory_space<vmem>> -> memref<128x64xf32, #tpu.memory_space<vmem>>
    %dma_wait3A_182 = arith.constant 0 : i32
    %dma_wait3A_183 = arith.constant 0 : i32
    %dma_wait3A_184 = tpu.memref_slice %arg3[%dma_wait3A_182, %dma_wait3A_183] : memref<320000x64xf32, #tpu.memory_space<hbm>> -> memref<128x64xf32, #tpu.memory_space<hbm>>
    tpu.wait_dma2 semaphore(%arg15 : memref<!tpu.dma_semaphore, #tpu.memory_space<semaphore_mem>>) src(%dma_wait3A_184 : memref<128x64xf32, #tpu.memory_space<hbm>>) dst(%dma_wait3A_181 : memref<128x64xf32, #tpu.memory_space<vmem>>)
    %dma_start3A_185 = arith.constant 0 : i32
    %dma_start3A_186 = arith.constant 0 : i32
    %dma_start3A_187 = arith.constant 0 : i32
    %dma_start3A_188 = arith.constant 0 : i32
    %dma_start3A_189 = tpu.memref_slice %arg12[%dma_start3A_186, %dma_start3A_187, %dma_start3A_188] : memref<2x128x64xf32, #tpu.memory_space<vmem>> -> memref<1x128x64xf32, #tpu.memory_space<vmem>>
    %dma_start3A_190 = tpu.memref_squeeze %dma_start3A_189 : memref<1x128x64xf32, #tpu.memory_space<vmem>> -> memref<128x64xf32, #tpu.memory_space<vmem>>
    %dma_start3A_191 = arith.constant 0 : i32
    %dma_start3A_192 = tpu.memref_slice %arg8[%dma_start3A_185, %dma_start3A_191] : memref<2x128xi32, #tpu.memory_space<vmem>> -> memref<1x128xi32, #tpu.memory_space<vmem>>
    %dma_start3A_193 = tpu.memref_squeeze %dma_start3A_192 : memref<1x128xi32, #tpu.memory_space<vmem>> -> memref<128xi32, #tpu.memory_space<vmem>>
    %dma_start3A_194 = arith.constant 0 : i32
    %dma_start3A_195 = arith.constant 0 : i32
    %dma_start3A_196 = tpu.memref_slice %arg2[%dma_start3A_194, %dma_start3A_195] : memref<10000x64xf32, #tpu.memory_space<hbm>> -> memref<10000x64xf32, #tpu.memory_space<hbm>>
    tpu.enqueue_indirect_dma source(%dma_start3A_196 : memref<10000x64xf32, #tpu.memory_space<hbm>>) target(%dma_start3A_190 : memref<128x64xf32, #tpu.memory_space<vmem>>) offsets(%dma_start3A_193 : memref<128xi32, #tpu.memory_space<vmem>>) semaphore(%arg17 : memref<!tpu.dma_semaphore, #tpu.memory_space<semaphore_mem>>)
    %dma_wait3A_197 = arith.constant 0 : i32
    %dma_wait3A_198 = arith.constant 1 : i32
    %dma_wait3A_199 = arith.constant 0 : i32
    %dma_wait3A_200 = tpu.memref_slice %arg8[%dma_wait3A_198, %dma_wait3A_199] : memref<2x128xi32, #tpu.memory_space<vmem>> -> memref<1x128xi32, #tpu.memory_space<vmem>>
    %dma_wait3A_201 = tpu.memref_squeeze %dma_wait3A_200 : memref<1x128xi32, #tpu.memory_space<vmem>> -> memref<128xi32, #tpu.memory_space<vmem>>
    %dma_wait3A_202 = arith.constant 0 : i32
    %dma_wait3A_203 = tpu.memref_slice %arg4[%dma_wait3A_197, %dma_wait3A_202] : memref<2500x128xi32, #tpu.memory_space<hbm>> -> memref<1x128xi32, #tpu.memory_space<hbm>>
    %dma_wait3A_204 = tpu.memref_squeeze %dma_wait3A_203 : memref<1x128xi32, #tpu.memory_space<hbm>> -> memref<128xi32, #tpu.memory_space<hbm>>
    %dma_wait3A_205 = arith.constant 0 : i32
    %dma_wait3A_206 = tpu.memref_slice %arg8[%dma_wait3A_198, %dma_wait3A_205] : memref<2x128xi32, #tpu.memory_space<vmem>> -> memref<1x128xi32, #tpu.memory_space<vmem>>
    %dma_wait3A_207 = tpu.memref_squeeze %dma_wait3A_206 : memref<1x128xi32, #tpu.memory_space<vmem>> -> memref<128xi32, #tpu.memory_space<vmem>>
    %dma_wait3A_208 = arith.constant 0 : i32
    %dma_wait3A_209 = tpu.memref_slice %arg4[%dma_wait3A_197, %dma_wait3A_208] : memref<2500x128xi32, #tpu.memory_space<hbm>> -> memref<1x128xi32, #tpu.memory_space<hbm>>
    %dma_wait3A_210 = tpu.memref_squeeze %dma_wait3A_209 : memref<1x128xi32, #tpu.memory_space<hbm>> -> memref<128xi32, #tpu.memory_space<hbm>>
    tpu.wait_dma2 semaphore(%arg16 : memref<!tpu.dma_semaphore, #tpu.memory_space<semaphore_mem>>) src(%dma_wait3A_210 : memref<128xi32, #tpu.memory_space<hbm>>) dst(%dma_wait3A_207 : memref<128xi32, #tpu.memory_space<vmem>>)
    %dma_wait3A_211 = arith.constant 0 : i32
    %dma_wait3A_212 = arith.constant 1 : i32
    %dma_wait3A_213 = arith.constant 0 : i32
    %dma_wait3A_214 = tpu.memref_slice %arg9[%dma_wait3A_212, %dma_wait3A_213] : memref<2x128xi32, #tpu.memory_space<vmem>> -> memref<1x128xi32, #tpu.memory_space<vmem>>
    %dma_wait3A_215 = tpu.memref_squeeze %dma_wait3A_214 : memref<1x128xi32, #tpu.memory_space<vmem>> -> memref<128xi32, #tpu.memory_space<vmem>>
    %dma_wait3A_216 = arith.constant 0 : i32
    %dma_wait3A_217 = tpu.memref_slice %arg5[%dma_wait3A_211, %dma_wait3A_216] : memref<2500x128xi32, #tpu.memory_space<hbm>> -> memref<1x128xi32, #tpu.memory_space<hbm>>
    %dma_wait3A_218 = tpu.memref_squeeze %dma_wait3A_217 : memref<1x128xi32, #tpu.memory_space<hbm>> -> memref<128xi32, #tpu.memory_space<hbm>>
    %dma_wait3A_219 = arith.constant 0 : i32
    %dma_wait3A_220 = tpu.memref_slice %arg9[%dma_wait3A_212, %dma_wait3A_219] : memref<2x128xi32, #tpu.memory_space<vmem>> -> memref<1x128xi32, #tpu.memory_space<vmem>>
    %dma_wait3A_221 = tpu.memref_squeeze %dma_wait3A_220 : memref<1x128xi32, #tpu.memory_space<vmem>> -> memref<128xi32, #tpu.memory_space<vmem>>
    %dma_wait3A_222 = arith.constant 0 : i32
    %dma_wait3A_223 = tpu.memref_slice %arg5[%dma_wait3A_211, %dma_wait3A_222] : memref<2500x128xi32, #tpu.memory_space<hbm>> -> memref<1x128xi32, #tpu.memory_space<hbm>>
    %dma_wait3A_224 = tpu.memref_squeeze %dma_wait3A_223 : memref<1x128xi32, #tpu.memory_space<hbm>> -> memref<128xi32, #tpu.memory_space<hbm>>
    tpu.wait_dma2 semaphore(%arg16 : memref<!tpu.dma_semaphore, #tpu.memory_space<semaphore_mem>>) src(%dma_wait3A_224 : memref<128xi32, #tpu.memory_space<hbm>>) dst(%dma_wait3A_221 : memref<128xi32, #tpu.memory_space<vmem>>)
    %dma_wait3A_225 = arith.constant 1 : i32
    %dma_wait3A_226 = arith.constant 0 : i32
    %dma_wait3A_227 = arith.constant 0 : i32
    %dma_wait3A_228 = tpu.memref_slice %arg11[%dma_wait3A_225, %dma_wait3A_226, %dma_wait3A_227] : memref<2x128x64xf32, #tpu.memory_space<vmem>> -> memref<1x128x64xf32, #tpu.memory_space<vmem>>
    %dma_wait3A_229 = tpu.memref_squeeze %dma_wait3A_228 : memref<1x128x64xf32, #tpu.memory_space<vmem>> -> memref<128x64xf32, #tpu.memory_space<vmem>>
    %dma_wait3A_230 = arith.constant 0 : i32
    %dma_wait3A_231 = arith.constant 0 : i32
    %dma_wait3A_232 = tpu.memref_slice %arg3[%dma_wait3A_230, %dma_wait3A_231] : memref<320000x64xf32, #tpu.memory_space<hbm>> -> memref<128x64xf32, #tpu.memory_space<hbm>>
    %dma_wait3A_233 = arith.constant 0 : i32
    %dma_wait3A_234 = arith.constant 0 : i32
    %dma_wait3A_235 = tpu.memref_slice %arg11[%dma_wait3A_225, %dma_wait3A_233, %dma_wait3A_234] : memref<2x128x64xf32, #tpu.memory_space<vmem>> -> memref<1x128x64xf32, #tpu.memory_space<vmem>>
    %dma_wait3A_236 = tpu.memref_squeeze %dma_wait3A_235 : memref<1x128x64xf32, #tpu.memory_space<vmem>> -> memref<128x64xf32, #tpu.memory_space<vmem>>
    %dma_wait3A_237 = arith.constant 0 : i32
    %dma_wait3A_238 = arith.constant 0 : i32
    %dma_wait3A_239 = tpu.memref_slice %arg3[%dma_wait3A_237, %dma_wait3A_238] : memref<320000x64xf32, #tpu.memory_space<hbm>> -> memref<128x64xf32, #tpu.memory_space<hbm>>
    tpu.wait_dma2 semaphore(%arg16 : memref<!tpu.dma_semaphore, #tpu.memory_space<semaphore_mem>>) src(%dma_wait3A_239 : memref<128x64xf32, #tpu.memory_space<hbm>>) dst(%dma_wait3A_236 : memref<128x64xf32, #tpu.memory_space<vmem>>)
    %dma_start3A_240 = arith.constant 1 : i32
    %dma_start3A_241 = arith.constant 1 : i32
    %dma_start3A_242 = arith.constant 0 : i32
    %dma_start3A_243 = arith.constant 0 : i32
    %dma_start3A_244 = tpu.memref_slice %arg12[%dma_start3A_241, %dma_start3A_242, %dma_start3A_243] : memref<2x128x64xf32, #tpu.memory_space<vmem>> -> memref<1x128x64xf32, #tpu.memory_space<vmem>>
    %dma_start3A_245 = tpu.memref_squeeze %dma_start3A_244 : memref<1x128x64xf32, #tpu.memory_space<vmem>> -> memref<128x64xf32, #tpu.memory_space<vmem>>
    %dma_start3A_246 = arith.constant 0 : i32
    %dma_start3A_247 = tpu.memref_slice %arg8[%dma_start3A_240, %dma_start3A_246] : memref<2x128xi32, #tpu.memory_space<vmem>> -> memref<1x128xi32, #tpu.memory_space<vmem>>
    %dma_start3A_248 = tpu.memref_squeeze %dma_start3A_247 : memref<1x128xi32, #tpu.memory_space<vmem>> -> memref<128xi32, #tpu.memory_space<vmem>>
    %dma_start3A_249 = arith.constant 0 : i32
    %dma_start3A_250 = arith.constant 0 : i32
    %dma_start3A_251 = tpu.memref_slice %arg2[%dma_start3A_249, %dma_start3A_250] : memref<10000x64xf32, #tpu.memory_space<hbm>> -> memref<10000x64xf32, #tpu.memory_space<hbm>>
    tpu.enqueue_indirect_dma source(%dma_start3A_251 : memref<10000x64xf32, #tpu.memory_space<hbm>>) target(%dma_start3A_245 : memref<128x64xf32, #tpu.memory_space<vmem>>) offsets(%dma_start3A_248 : memref<128xi32, #tpu.memory_space<vmem>>) semaphore(%arg18 : memref<!tpu.dma_semaphore, #tpu.memory_space<semaphore_mem>>)
    %dma_wait3A_252 = arith.constant 0 : i32
    %dma_wait3A_253 = arith.constant 0 : i32
    %dma_wait3A_254 = arith.constant 0 : i32
    %dma_wait3A_255 = arith.constant 0 : i32
    %dma_wait3A_256 = tpu.memref_slice %arg12[%dma_wait3A_253, %dma_wait3A_254, %dma_wait3A_255] : memref<2x128x64xf32, #tpu.memory_space<vmem>> -> memref<1x128x64xf32, #tpu.memory_space<vmem>>
    %dma_wait3A_257 = tpu.memref_squeeze %dma_wait3A_256 : memref<1x128x64xf32, #tpu.memory_space<vmem>> -> memref<128x64xf32, #tpu.memory_space<vmem>>
    %dma_wait3A_258 = arith.constant 0 : i32
    %dma_wait3A_259 = tpu.memref_slice %arg8[%dma_wait3A_252, %dma_wait3A_258] : memref<2x128xi32, #tpu.memory_space<vmem>> -> memref<1x128xi32, #tpu.memory_space<vmem>>
    %dma_wait3A_260 = tpu.memref_squeeze %dma_wait3A_259 : memref<1x128xi32, #tpu.memory_space<vmem>> -> memref<128xi32, #tpu.memory_space<vmem>>
    %dma_wait3A_261 = arith.constant 0 : i32
    %dma_wait3A_262 = arith.constant 0 : i32
    %dma_wait3A_263 = tpu.memref_slice %arg2[%dma_wait3A_261, %dma_wait3A_262] : memref<10000x64xf32, #tpu.memory_space<hbm>> -> memref<10000x64xf32, #tpu.memory_space<hbm>>
    tpu.wait_indirect_dma semaphore(%arg17 : memref<!tpu.dma_semaphore, #tpu.memory_space<semaphore_mem>>) src(%dma_wait3A_263 : memref<10000x64xf32, #tpu.memory_space<hbm>>) dst(%dma_wait3A_257 : memref<128x64xf32, #tpu.memory_space<vmem>>)
    %parallel_loop3A = arith.constant 0 : i32
    %parallel_loop3A_264 = arith.constant 128 : i32
    %parallel_loop3A_265 = arith.constant 1 : i32
    scf.for %parallel_loop3A_471 = %parallel_loop3A to %parallel_loop3A_264 step %parallel_loop3A_265  : i32 {
      %parallel_loop3A_472 = arith.constant 0 : i32
      %parallel_loop3A_473 = arith.index_cast %parallel_loop3A_472 : i32 to index
      %parallel_loop3A_474 = arith.index_cast %parallel_loop3A_471 : i32 to index
      %parallel_loop3A_475 = arith.constant 0 : index
      %parallel_loop3A_476 = tpu.vector_load %arg12[%parallel_loop3A_473, %parallel_loop3A_474, %parallel_loop3A_475] {strides = array<i32>} : memref<2x128x64xf32, #tpu.memory_space<vmem>>, vector<1x1x16xf32>,
      %parallel_loop3A_477 = vector.shape_cast %parallel_loop3A_476 : vector<1x1x16xf32> to vector<16xf32>
      %parallel_loop3A_478 = arith.constant 0 : i32
      %parallel_loop3A_479 = arith.index_cast %parallel_loop3A_478 : i32 to index
      %parallel_loop3A_480 = arith.index_cast %parallel_loop3A_471 : i32 to index
      %parallel_loop3A_481 = arith.constant 0 : index
      %parallel_loop3A_482 = tpu.vector_load %arg11[%parallel_loop3A_479, %parallel_loop3A_480, %parallel_loop3A_481] {strides = array<i32>} : memref<2x128x64xf32, #tpu.memory_space<vmem>>, vector<1x1x16xf32>,
      %parallel_loop3A_483 = vector.shape_cast %parallel_loop3A_482 : vector<1x1x16xf32> to vector<16xf32>
      %parallel_loop3A_484 = arith.addf %parallel_loop3A_477, %parallel_loop3A_483 : vector<16xf32>
      %parallel_loop3A_485 = arith.constant 0.000000e+00 : f32
      %parallel_loop3A_486 = vector.broadcast %parallel_loop3A_485 : f32 to vector<16xf32>
      %parallel_loop3A_487 = arith.maximumf %parallel_loop3A_484, %parallel_loop3A_486 : vector<16xf32>
      %parallel_loop3A_488 = arith.constant 0 : i32
      %parallel_loop3A_489 = arith.index_cast %parallel_loop3A_488 : i32 to index
      %parallel_loop3A_490 = arith.index_cast %parallel_loop3A_471 : i32 to index
      %parallel_loop3A_491 = arith.constant 0 : index
      %parallel_loop3A_492 = tpu.vector_load %arg13[%parallel_loop3A_489, %parallel_loop3A_490, %parallel_loop3A_491] {strides = array<i32>} : memref<2x128x80xf32, #tpu.memory_space<vmem>>, vector<1x1x16xf32>,
      %parallel_loop3A_493 = vector.shape_cast %parallel_loop3A_492 : vector<1x1x16xf32> to vector<16xf32>
      %parallel_loop3A_494 = vector.shape_cast %parallel_loop3A_487 : vector<16xf32> to vector<1x1x16xf32>
      tpu.vector_store %arg13[%parallel_loop3A_489, %parallel_loop3A_490, %parallel_loop3A_491], %parallel_loop3A_494 {strides = array<i32>} : memref<2x128x80xf32, #tpu.memory_space<vmem>>, vector<1x1x16xf32>,
      %parallel_loop3A_495 = arith.constant 0 : i32
      %parallel_loop3A_496 = arith.index_cast %parallel_loop3A_495 : i32 to index
      %parallel_loop3A_497 = arith.index_cast %parallel_loop3A_471 : i32 to index
      %parallel_loop3A_498 = arith.constant 16 : index
      %parallel_loop3A_499 = tpu.vector_load %arg12[%parallel_loop3A_496, %parallel_loop3A_497, %parallel_loop3A_498] {strides = array<i32>} : memref<2x128x64xf32, #tpu.memory_space<vmem>>, vector<1x1x16xf32>,
      %parallel_loop3A_500 = vector.shape_cast %parallel_loop3A_499 : vector<1x1x16xf32> to vector<16xf32>
      %parallel_loop3A_501 = arith.constant 0 : i32
      %parallel_loop3A_502 = arith.index_cast %parallel_loop3A_501 : i32 to index
      %parallel_loop3A_503 = arith.index_cast %parallel_loop3A_471 : i32 to index
      %parallel_loop3A_504 = arith.constant 16 : index
      %parallel_loop3A_505 = tpu.vector_load %arg11[%parallel_loop3A_502, %parallel_loop3A_503, %parallel_loop3A_504] {strides = array<i32>} : memref<2x128x64xf32, #tpu.memory_space<vmem>>, vector<1x1x16xf32>,
      %parallel_loop3A_506 = vector.shape_cast %parallel_loop3A_505 : vector<1x1x16xf32> to vector<16xf32>
      %parallel_loop3A_507 = arith.addf %parallel_loop3A_500, %parallel_loop3A_506 : vector<16xf32>
      %parallel_loop3A_508 = arith.constant 0.000000e+00 : f32
      %parallel_loop3A_509 = vector.broadcast %parallel_loop3A_508 : f32 to vector<16xf32>
      %parallel_loop3A_510 = arith.maximumf %parallel_loop3A_507, %parallel_loop3A_509 : vector<16xf32>
      %parallel_loop3A_511 = arith.constant 0 : i32
      %parallel_loop3A_512 = arith.index_cast %parallel_loop3A_511 : i32 to index
      %parallel_loop3A_513 = arith.index_cast %parallel_loop3A_471 : i32 to index
      %parallel_loop3A_514 = arith.constant 16 : index
      %parallel_loop3A_515 = tpu.vector_load %arg13[%parallel_loop3A_512, %parallel_loop3A_513, %parallel_loop3A_514] {strides = array<i32>} : memref<2x128x80xf32, #tpu.memory_space<vmem>>, vector<1x1x16xf32>,
      %parallel_loop3A_516 = vector.shape_cast %parallel_loop3A_515 : vector<1x1x16xf32> to vector<16xf32>
      %parallel_loop3A_517 = vector.shape_cast %parallel_loop3A_510 : vector<16xf32> to vector<1x1x16xf32>
      tpu.vector_store %arg13[%parallel_loop3A_512, %parallel_loop3A_513, %parallel_loop3A_514], %parallel_loop3A_517 {strides = array<i32>} : memref<2x128x80xf32, #tpu.memory_space<vmem>>, vector<1x1x16xf32>,
      %parallel_loop3A_518 = arith.constant 0 : i32
      %parallel_loop3A_519 = arith.index_cast %parallel_loop3A_518 : i32 to index
      %parallel_loop3A_520 = arith.index_cast %parallel_loop3A_471 : i32 to index
      %parallel_loop3A_521 = arith.constant 32 : index
      %parallel_loop3A_522 = tpu.vector_load %arg12[%parallel_loop3A_519, %parallel_loop3A_520, %parallel_loop3A_521] {strides = array<i32>} : memref<2x128x64xf32, #tpu.memory_space<vmem>>, vector<1x1x16xf32>,
      %parallel_loop3A_523 = vector.shape_cast %parallel_loop3A_522 : vector<1x1x16xf32> to vector<16xf32>
      %parallel_loop3A_524 = arith.constant 0 : i32
      %parallel_loop3A_525 = arith.index_cast %parallel_loop3A_524 : i32 to index
      %parallel_loop3A_526 = arith.index_cast %parallel_loop3A_471 : i32 to index
      %parallel_loop3A_527 = arith.constant 32 : index
      %parallel_loop3A_528 = tpu.vector_load %arg11[%parallel_loop3A_525, %parallel_loop3A_526, %parallel_loop3A_527] {strides = array<i32>} : memref<2x128x64xf32, #tpu.memory_space<vmem>>, vector<1x1x16xf32>,
      %parallel_loop3A_529 = vector.shape_cast %parallel_loop3A_528 : vector<1x1x16xf32> to vector<16xf32>
      %parallel_loop3A_530 = arith.addf %parallel_loop3A_523, %parallel_loop3A_529 : vector<16xf32>
      %parallel_loop3A_531 = arith.constant 0.000000e+00 : f32
      %parallel_loop3A_532 = vector.broadcast %parallel_loop3A_531 : f32 to vector<16xf32>
      %parallel_loop3A_533 = arith.maximumf %parallel_loop3A_530, %parallel_loop3A_532 : vector<16xf32>
      %parallel_loop3A_534 = arith.constant 0 : i32
      %parallel_loop3A_535 = arith.index_cast %parallel_loop3A_534 : i32 to index
      %parallel_loop3A_536 = arith.index_cast %parallel_loop3A_471 : i32 to index
      %parallel_loop3A_537 = arith.constant 32 : index
      %parallel_loop3A_538 = tpu.vector_load %arg13[%parallel_loop3A_535, %parallel_loop3A_536, %parallel_loop3A_537] {strides = array<i32>} : memref<2x128x80xf32, #tpu.memory_space<vmem>>, vector<1x1x16xf32>,
      %parallel_loop3A_539 = vector.shape_cast %parallel_loop3A_538 : vector<1x1x16xf32> to vector<16xf32>
      %parallel_loop3A_540 = vector.shape_cast %parallel_loop3A_533 : vector<16xf32> to vector<1x1x16xf32>
      tpu.vector_store %arg13[%parallel_loop3A_535, %parallel_loop3A_536, %parallel_loop3A_537], %parallel_loop3A_540 {strides = array<i32>} : memref<2x128x80xf32, #tpu.memory_space<vmem>>, vector<1x1x16xf32>,
      %parallel_loop3A_541 = arith.constant 0 : i32
      %parallel_loop3A_542 = arith.index_cast %parallel_loop3A_541 : i32 to index
      %parallel_loop3A_543 = arith.index_cast %parallel_loop3A_471 : i32 to index
      %parallel_loop3A_544 = arith.constant 48 : index
      %parallel_loop3A_545 = tpu.vector_load %arg12[%parallel_loop3A_542, %parallel_loop3A_543, %parallel_loop3A_544] {strides = array<i32>} : memref<2x128x64xf32, #tpu.memory_space<vmem>>, vector<1x1x16xf32>,
      %parallel_loop3A_546 = vector.shape_cast %parallel_loop3A_545 : vector<1x1x16xf32> to vector<16xf32>
      %parallel_loop3A_547 = arith.constant 0 : i32
      %parallel_loop3A_548 = arith.index_cast %parallel_loop3A_547 : i32 to index
      %parallel_loop3A_549 = arith.index_cast %parallel_loop3A_471 : i32 to index
      %parallel_loop3A_550 = arith.constant 48 : index
      %parallel_loop3A_551 = tpu.vector_load %arg11[%parallel_loop3A_548, %parallel_loop3A_549, %parallel_loop3A_550] {strides = array<i32>} : memref<2x128x64xf32, #tpu.memory_space<vmem>>, vector<1x1x16xf32>,
      %parallel_loop3A_552 = vector.shape_cast %parallel_loop3A_551 : vector<1x1x16xf32> to vector<16xf32>
      %parallel_loop3A_553 = arith.addf %parallel_loop3A_546, %parallel_loop3A_552 : vector<16xf32>
      %parallel_loop3A_554 = arith.constant 0.000000e+00 : f32
      %parallel_loop3A_555 = vector.broadcast %parallel_loop3A_554 : f32 to vector<16xf32>
      %parallel_loop3A_556 = arith.maximumf %parallel_loop3A_553, %parallel_loop3A_555 : vector<16xf32>
      %parallel_loop3A_557 = arith.constant 0 : i32
      %parallel_loop3A_558 = arith.index_cast %parallel_loop3A_557 : i32 to index
      %parallel_loop3A_559 = arith.index_cast %parallel_loop3A_471 : i32 to index
      %parallel_loop3A_560 = arith.constant 48 : index
      %parallel_loop3A_561 = tpu.vector_load %arg13[%parallel_loop3A_558, %parallel_loop3A_559, %parallel_loop3A_560] {strides = array<i32>} : memref<2x128x80xf32, #tpu.memory_space<vmem>>, vector<1x1x16xf32>,
      %parallel_loop3A_562 = vector.shape_cast %parallel_loop3A_561 : vector<1x1x16xf32> to vector<16xf32>
      %parallel_loop3A_563 = vector.shape_cast %parallel_loop3A_556 : vector<16xf32> to vector<1x1x16xf32>
      tpu.vector_store %arg13[%parallel_loop3A_558, %parallel_loop3A_559, %parallel_loop3A_560], %parallel_loop3A_563 {strides = array<i32>} : memref<2x128x80xf32, #tpu.memory_space<vmem>>, vector<1x1x16xf32>,
    } {sc.loop_unroll_factor = 4 : i64, sc.parallel_access}
    %parallel_loop3A_266 = arith.constant 0 : i32
    %parallel_loop3A_267 = arith.constant 128 : i32
    %parallel_loop3A_268 = arith.constant 16 : i32
    scf.for %parallel_loop3A_471 = %parallel_loop3A_266 to %parallel_loop3A_267 step %parallel_loop3A_268  : i32 {
      %parallel_loop3A_472 = arith.constant 0 : i32
      %parallel_loop3A_473 = arith.index_cast %parallel_loop3A_472 : i32 to index
      %parallel_loop3A_474 = arith.index_cast %parallel_loop3A_471 : i32 to index
      %parallel_loop3A_475 = tpu.vector_load %arg9[%parallel_loop3A_473, %parallel_loop3A_474] {strides = array<i32>} : memref<2x128xi32, #tpu.memory_space<vmem>>, vector<1x16xi32>,
      %parallel_loop3A_476 = vector.shape_cast %parallel_loop3A_475 : vector<1x16xi32> to vector<16xi32>
      %parallel_loop3A_477 = arith.constant 0 : i32
      %parallel_loop3A_478 = arith.index_cast %parallel_loop3A_477 : i32 to index
      %parallel_loop3A_479 = arith.index_cast %parallel_loop3A_471 : i32 to index
      %parallel_loop3A_480 = tpu.vector_load %arg10[%parallel_loop3A_478, %parallel_loop3A_479] {strides = array<i32>} : memref<2x128xi32, #tpu.memory_space<vmem>>, vector<1x16xi32>,
      %parallel_loop3A_481 = vector.shape_cast %parallel_loop3A_480 : vector<1x16xi32> to vector<16xi32>
      %parallel_loop3A_482 = vector.shape_cast %parallel_loop3A_476 : vector<16xi32> to vector<1x16xi32>
      tpu.vector_store %arg10[%parallel_loop3A_478, %parallel_loop3A_479], %parallel_loop3A_482 {strides = array<i32>} : memref<2x128xi32, #tpu.memory_space<vmem>>, vector<1x16xi32>,
    } {sc.loop_unroll_factor = 1 : i64, sc.parallel_access}
    %dma_start3A_269 = arith.constant 0 : i32
    %dma_start3A_270 = arith.constant 0 : i32
    %dma_start3A_271 = arith.constant 0 : i32
    %dma_start3A_272 = arith.constant 0 : i32
    %dma_start3A_273 = tpu.memref_slice %arg13[%dma_start3A_269, %dma_start3A_271, %dma_start3A_272] : memref<2x128x80xf32, #tpu.memory_space<vmem>> -> memref<1x128x80xf32, #tpu.memory_space<vmem>>
    %dma_start3A_274 = tpu.memref_squeeze %dma_start3A_273 : memref<1x128x80xf32, #tpu.memory_space<vmem>> -> memref<128x80xf32, #tpu.memory_space<vmem>>
    %dma_start3A_275 = arith.constant 0 : i32
    %dma_start3A_276 = tpu.memref_slice %arg10[%dma_start3A_270, %dma_start3A_275] : memref<2x128xi32, #tpu.memory_space<vmem>> -> memref<1x128xi32, #tpu.memory_space<vmem>>
    %dma_start3A_277 = tpu.memref_squeeze %dma_start3A_276 : memref<1x128xi32, #tpu.memory_space<vmem>> -> memref<128xi32, #tpu.memory_space<vmem>>
    %dma_start3A_278 = arith.constant 0 : i32
    %dma_start3A_279 = arith.constant 0 : i32
    %dma_start3A_280 = tpu.memref_slice %arg7[%dma_start3A_278, %dma_start3A_279] : memref<10240x80xf32, #tpu.memory_space<vmem_shared>> -> memref<10240x80xf32, #tpu.memory_space<vmem_shared>>
    tpu.enqueue_indirect_dma source(%dma_start3A_274 : memref<128x80xf32, #tpu.memory_space<vmem>>) target(%dma_start3A_280 : memref<10240x80xf32, #tpu.memory_space<vmem_shared>>) offsets(%dma_start3A_277 : memref<128xi32, #tpu.memory_space<vmem>>) semaphore(%arg19 : memref<!tpu.dma_semaphore, #tpu.memory_space<semaphore_mem>>) {add = true}
    %add3A_281 = arith.constant 64 : i32
    %add3A_282 = arith.addi %add3A_56, %add3A_281 : i32
    %mul3A_283 = arith.constant 128 : i32
    %mul3A_284 = arith.muli %add3A_282, %mul3A_283 : i32
    %multiple_of3A_285 = tpu.assume_multiple %mul3A_284, 128 : i32
    %dma_start3A_286 = arith.constant 0 : i32
    %dma_start3A_287 = arith.constant 0 : i32
    %dma_start3A_288 = tpu.memref_slice %arg8[%dma_start3A_286, %dma_start3A_287] : memref<2x128xi32, #tpu.memory_space<vmem>> -> memref<1x128xi32, #tpu.memory_space<vmem>>
    %dma_start3A_289 = tpu.memref_squeeze %dma_start3A_288 : memref<1x128xi32, #tpu.memory_space<vmem>> -> memref<128xi32, #tpu.memory_space<vmem>>
    %dma_start3A_290 = arith.constant 0 : i32
    %dma_start3A_291 = tpu.memref_slice %arg4[%add3A_282, %dma_start3A_290] : memref<2500x128xi32, #tpu.memory_space<hbm>> -> memref<1x128xi32, #tpu.memory_space<hbm>>
    %dma_start3A_292 = tpu.memref_squeeze %dma_start3A_291 : memref<1x128xi32, #tpu.memory_space<hbm>> -> memref<128xi32, #tpu.memory_space<hbm>>
    %dma_start3A_293 = arith.constant 0 : i32
    %dma_start3A_294 = tpu.memref_slice %arg8[%dma_start3A_286, %dma_start3A_293] : memref<2x128xi32, #tpu.memory_space<vmem>> -> memref<1x128xi32, #tpu.memory_space<vmem>>
    %dma_start3A_295 = tpu.memref_squeeze %dma_start3A_294 : memref<1x128xi32, #tpu.memory_space<vmem>> -> memref<128xi32, #tpu.memory_space<vmem>>
    %dma_start3A_296 = arith.constant 0 : i32
    %dma_start3A_297 = tpu.memref_slice %arg4[%add3A_282, %dma_start3A_296] : memref<2500x128xi32, #tpu.memory_space<hbm>> -> memref<1x128xi32, #tpu.memory_space<hbm>>
    %dma_start3A_298 = tpu.memref_squeeze %dma_start3A_297 : memref<1x128xi32, #tpu.memory_space<hbm>> -> memref<128xi32, #tpu.memory_space<hbm>>
    tpu.enqueue_dma source(%dma_start3A_298 : memref<128xi32, #tpu.memory_space<hbm>>) target(%dma_start3A_295 : memref<128xi32, #tpu.memory_space<vmem>>) target_semaphore(%arg15 : memref<!tpu.dma_semaphore, #tpu.memory_space<semaphore_mem>>)
    %dma_start3A_299 = arith.constant 0 : i32
    %dma_start3A_300 = arith.constant 0 : i32
    %dma_start3A_301 = tpu.memref_slice %arg9[%dma_start3A_299, %dma_start3A_300] : memref<2x128xi32, #tpu.memory_space<vmem>> -> memref<1x128xi32, #tpu.memory_space<vmem>>
    %dma_start3A_302 = tpu.memref_squeeze %dma_start3A_301 : memref<1x128xi32, #tpu.memory_space<vmem>> -> memref<128xi32, #tpu.memory_space<vmem>>
    %dma_start3A_303 = arith.constant 0 : i32
    %dma_start3A_304 = tpu.memref_slice %arg5[%add3A_282, %dma_start3A_303] : memref<2500x128xi32, #tpu.memory_space<hbm>> -> memref<1x128xi32, #tpu.memory_space<hbm>>
    %dma_start3A_305 = tpu.memref_squeeze %dma_start3A_304 : memref<1x128xi32, #tpu.memory_space<hbm>> -> memref<128xi32, #tpu.memory_space<hbm>>
    %dma_start3A_306 = arith.constant 0 : i32
    %dma_start3A_307 = tpu.memref_slice %arg9[%dma_start3A_299, %dma_start3A_306] : memref<2x128xi32, #tpu.memory_space<vmem>> -> memref<1x128xi32, #tpu.memory_space<vmem>>
    %dma_start3A_308 = tpu.memref_squeeze %dma_start3A_307 : memref<1x128xi32, #tpu.memory_space<vmem>> -> memref<128xi32, #tpu.memory_space<vmem>>
    %dma_start3A_309 = arith.constant 0 : i32
    %dma_start3A_310 = tpu.memref_slice %arg5[%add3A_282, %dma_start3A_309] : memref<2500x128xi32, #tpu.memory_space<hbm>> -> memref<1x128xi32, #tpu.memory_space<hbm>>
    %dma_start3A_311 = tpu.memref_squeeze %dma_start3A_310 : memref<1x128xi32, #tpu.memory_space<hbm>> -> memref<128xi32, #tpu.memory_space<hbm>>
    tpu.enqueue_dma source(%dma_start3A_311 : memref<128xi32, #tpu.memory_space<hbm>>) target(%dma_start3A_308 : memref<128xi32, #tpu.memory_space<vmem>>) target_semaphore(%arg15 : memref<!tpu.dma_semaphore, #tpu.memory_space<semaphore_mem>>)
    %dma_start3A_312 = arith.constant 0 : i32
    %dma_start3A_313 = arith.constant 0 : i32
    %dma_start3A_314 = arith.constant 0 : i32
    %dma_start3A_315 = tpu.memref_slice %arg11[%dma_start3A_312, %dma_start3A_313, %dma_start3A_314] : memref<2x128x64xf32, #tpu.memory_space<vmem>> -> memref<1x128x64xf32, #tpu.memory_space<vmem>>
    %dma_start3A_316 = tpu.memref_squeeze %dma_start3A_315 : memref<1x128x64xf32, #tpu.memory_space<vmem>> -> memref<128x64xf32, #tpu.memory_space<vmem>>
    %dma_start3A_317 = arith.constant 0 : i32
    %dma_start3A_318 = tpu.memref_slice %arg3[%multiple_of3A_285, %dma_start3A_317] : memref<320000x64xf32, #tpu.memory_space<hbm>> -> memref<128x64xf32, #tpu.memory_space<hbm>>
    %dma_start3A_319 = arith.constant 0 : i32
    %dma_start3A_320 = arith.constant 0 : i32
    %dma_start3A_321 = tpu.memref_slice %arg11[%dma_start3A_312, %dma_start3A_319, %dma_start3A_320] : memref<2x128x64xf32, #tpu.memory_space<vmem>> -> memref<1x128x64xf32, #tpu.memory_space<vmem>>
    %dma_start3A_322 = tpu.memref_squeeze %dma_start3A_321 : memref<1x128x64xf32, #tpu.memory_space<vmem>> -> memref<128x64xf32, #tpu.memory_space<vmem>>
    %dma_start3A_323 = arith.constant 0 : i32
    %dma_start3A_324 = tpu.memref_slice %arg3[%multiple_of3A_285, %dma_start3A_323] : memref<320000x64xf32, #tpu.memory_space<hbm>> -> memref<128x64xf32, #tpu.memory_space<hbm>>
    tpu.enqueue_dma source(%dma_start3A_324 : memref<128x64xf32, #tpu.memory_space<hbm>>) target(%dma_start3A_322 : memref<128x64xf32, #tpu.memory_space<vmem>>) target_semaphore(%arg15 : memref<!tpu.dma_semaphore, #tpu.memory_space<semaphore_mem>>)
    %dma_wait3A_325 = arith.constant 1 : i32
    %dma_wait3A_326 = arith.constant 1 : i32
    %dma_wait3A_327 = arith.constant 0 : i32
    %dma_wait3A_328 = arith.constant 0 : i32
    %dma_wait3A_329 = tpu.memref_slice %arg12[%dma_wait3A_326, %dma_wait3A_327, %dma_wait3A_328] : memref<2x128x64xf32, #tpu.memory_space<vmem>> -> memref<1x128x64xf32, #tpu.memory_space<vmem>>
    %dma_wait3A_330 = tpu.memref_squeeze %dma_wait3A_329 : memref<1x128x64xf32, #tpu.memory_space<vmem>> -> memref<128x64xf32, #tpu.memory_space<vmem>>
    %dma_wait3A_331 = arith.constant 0 : i32
    %dma_wait3A_332 = tpu.memref_slice %arg8[%dma_wait3A_325, %dma_wait3A_331] : memref<2x128xi32, #tpu.memory_space<vmem>> -> memref<1x128xi32, #tpu.memory_space<vmem>>
    %dma_wait3A_333 = tpu.memref_squeeze %dma_wait3A_332 : memref<1x128xi32, #tpu.memory_space<vmem>> -> memref<128xi32, #tpu.memory_space<vmem>>
    %dma_wait3A_334 = arith.constant 0 : i32
    %dma_wait3A_335 = arith.constant 0 : i32
    %dma_wait3A_336 = tpu.memref_slice %arg2[%dma_wait3A_334, %dma_wait3A_335] : memref<10000x64xf32, #tpu.memory_space<hbm>> -> memref<10000x64xf32, #tpu.memory_space<hbm>>
    tpu.wait_indirect_dma semaphore(%arg18 : memref<!tpu.dma_semaphore, #tpu.memory_space<semaphore_mem>>) src(%dma_wait3A_336 : memref<10000x64xf32, #tpu.memory_space<hbm>>) dst(%dma_wait3A_330 : memref<128x64xf32, #tpu.memory_space<vmem>>)
    %parallel_loop3A_337 = arith.constant 0 : i32
    %parallel_loop3A_338 = arith.constant 128 : i32
    %parallel_loop3A_339 = arith.constant 1 : i32
    scf.for %parallel_loop3A_471 = %parallel_loop3A_337 to %parallel_loop3A_338 step %parallel_loop3A_339  : i32 {
      %parallel_loop3A_472 = arith.constant 1 : i32
      %parallel_loop3A_473 = arith.index_cast %parallel_loop3A_472 : i32 to index
      %parallel_loop3A_474 = arith.index_cast %parallel_loop3A_471 : i32 to index
      %parallel_loop3A_475 = arith.constant 0 : index
      %parallel_loop3A_476 = tpu.vector_load %arg12[%parallel_loop3A_473, %parallel_loop3A_474, %parallel_loop3A_475] {strides = array<i32>} : memref<2x128x64xf32, #tpu.memory_space<vmem>>, vector<1x1x16xf32>,
      %parallel_loop3A_477 = vector.shape_cast %parallel_loop3A_476 : vector<1x1x16xf32> to vector<16xf32>
      %parallel_loop3A_478 = arith.constant 1 : i32
      %parallel_loop3A_479 = arith.index_cast %parallel_loop3A_478 : i32 to index
      %parallel_loop3A_480 = arith.index_cast %parallel_loop3A_471 : i32 to index
      %parallel_loop3A_481 = arith.constant 0 : index
      %parallel_loop3A_482 = tpu.vector_load %arg11[%parallel_loop3A_479, %parallel_loop3A_480, %parallel_loop3A_481] {strides = array<i32>} : memref<2x128x64xf32, #tpu.memory_space<vmem>>, vector<1x1x16xf32>,
      %parallel_loop3A_483 = vector.shape_cast %parallel_loop3A_482 : vector<1x1x16xf32> to vector<16xf32>
      %parallel_loop3A_484 = arith.addf %parallel_loop3A_477, %parallel_loop3A_483 : vector<16xf32>
      %parallel_loop3A_485 = arith.constant 0.000000e+00 : f32
      %parallel_loop3A_486 = vector.broadcast %parallel_loop3A_485 : f32 to vector<16xf32>
      %parallel_loop3A_487 = arith.maximumf %parallel_loop3A_484, %parallel_loop3A_486 : vector<16xf32>
      %parallel_loop3A_488 = arith.constant 1 : i32
      %parallel_loop3A_489 = arith.index_cast %parallel_loop3A_488 : i32 to index
      %parallel_loop3A_490 = arith.index_cast %parallel_loop3A_471 : i32 to index
      %parallel_loop3A_491 = arith.constant 0 : index
      %parallel_loop3A_492 = tpu.vector_load %arg13[%parallel_loop3A_489, %parallel_loop3A_490, %parallel_loop3A_491] {strides = array<i32>} : memref<2x128x80xf32, #tpu.memory_space<vmem>>, vector<1x1x16xf32>,
      %parallel_loop3A_493 = vector.shape_cast %parallel_loop3A_492 : vector<1x1x16xf32> to vector<16xf32>
      %parallel_loop3A_494 = vector.shape_cast %parallel_loop3A_487 : vector<16xf32> to vector<1x1x16xf32>
      tpu.vector_store %arg13[%parallel_loop3A_489, %parallel_loop3A_490, %parallel_loop3A_491], %parallel_loop3A_494 {strides = array<i32>} : memref<2x128x80xf32, #tpu.memory_space<vmem>>, vector<1x1x16xf32>,
      %parallel_loop3A_495 = arith.constant 1 : i32
      %parallel_loop3A_496 = arith.index_cast %parallel_loop3A_495 : i32 to index
      %parallel_loop3A_497 = arith.index_cast %parallel_loop3A_471 : i32 to index
      %parallel_loop3A_498 = arith.constant 16 : index
      %parallel_loop3A_499 = tpu.vector_load %arg12[%parallel_loop3A_496, %parallel_loop3A_497, %parallel_loop3A_498] {strides = array<i32>} : memref<2x128x64xf32, #tpu.memory_space<vmem>>, vector<1x1x16xf32>,
      %parallel_loop3A_500 = vector.shape_cast %parallel_loop3A_499 : vector<1x1x16xf32> to vector<16xf32>
      %parallel_loop3A_501 = arith.constant 1 : i32
      %parallel_loop3A_502 = arith.index_cast %parallel_loop3A_501 : i32 to index
      %parallel_loop3A_503 = arith.index_cast %parallel_loop3A_471 : i32 to index
      %parallel_loop3A_504 = arith.constant 16 : index
      %parallel_loop3A_505 = tpu.vector_load %arg11[%parallel_loop3A_502, %parallel_loop3A_503, %parallel_loop3A_504] {strides = array<i32>} : memref<2x128x64xf32, #tpu.memory_space<vmem>>, vector<1x1x16xf32>,
      %parallel_loop3A_506 = vector.shape_cast %parallel_loop3A_505 : vector<1x1x16xf32> to vector<16xf32>
      %parallel_loop3A_507 = arith.addf %parallel_loop3A_500, %parallel_loop3A_506 : vector<16xf32>
      %parallel_loop3A_508 = arith.constant 0.000000e+00 : f32
      %parallel_loop3A_509 = vector.broadcast %parallel_loop3A_508 : f32 to vector<16xf32>
      %parallel_loop3A_510 = arith.maximumf %parallel_loop3A_507, %parallel_loop3A_509 : vector<16xf32>
      %parallel_loop3A_511 = arith.constant 1 : i32
      %parallel_loop3A_512 = arith.index_cast %parallel_loop3A_511 : i32 to index
      %parallel_loop3A_513 = arith.index_cast %parallel_loop3A_471 : i32 to index
      %parallel_loop3A_514 = arith.constant 16 : index
      %parallel_loop3A_515 = tpu.vector_load %arg13[%parallel_loop3A_512, %parallel_loop3A_513, %parallel_loop3A_514] {strides = array<i32>} : memref<2x128x80xf32, #tpu.memory_space<vmem>>, vector<1x1x16xf32>,
      %parallel_loop3A_516 = vector.shape_cast %parallel_loop3A_515 : vector<1x1x16xf32> to vector<16xf32>
      %parallel_loop3A_517 = vector.shape_cast %parallel_loop3A_510 : vector<16xf32> to vector<1x1x16xf32>
      tpu.vector_store %arg13[%parallel_loop3A_512, %parallel_loop3A_513, %parallel_loop3A_514], %parallel_loop3A_517 {strides = array<i32>} : memref<2x128x80xf32, #tpu.memory_space<vmem>>, vector<1x1x16xf32>,
      %parallel_loop3A_518 = arith.constant 1 : i32
      %parallel_loop3A_519 = arith.index_cast %parallel_loop3A_518 : i32 to index
      %parallel_loop3A_520 = arith.index_cast %parallel_loop3A_471 : i32 to index
      %parallel_loop3A_521 = arith.constant 32 : index
      %parallel_loop3A_522 = tpu.vector_load %arg12[%parallel_loop3A_519, %parallel_loop3A_520, %parallel_loop3A_521] {strides = array<i32>} : memref<2x128x64xf32, #tpu.memory_space<vmem>>, vector<1x1x16xf32>,
      %parallel_loop3A_523 = vector.shape_cast %parallel_loop3A_522 : vector<1x1x16xf32> to vector<16xf32>
      %parallel_loop3A_524 = arith.constant 1 : i32
      %parallel_loop3A_525 = arith.index_cast %parallel_loop3A_524 : i32 to index
      %parallel_loop3A_526 = arith.index_cast %parallel_loop3A_471 : i32 to index
      %parallel_loop3A_527 = arith.constant 32 : index
      %parallel_loop3A_528 = tpu.vector_load %arg11[%parallel_loop3A_525, %parallel_loop3A_526, %parallel_loop3A_527] {strides = array<i32>} : memref<2x128x64xf32, #tpu.memory_space<vmem>>, vector<1x1x16xf32>,
      %parallel_loop3A_529 = vector.shape_cast %parallel_loop3A_528 : vector<1x1x16xf32> to vector<16xf32>
      %parallel_loop3A_530 = arith.addf %parallel_loop3A_523, %parallel_loop3A_529 : vector<16xf32>
      %parallel_loop3A_531 = arith.constant 0.000000e+00 : f32
      %parallel_loop3A_532 = vector.broadcast %parallel_loop3A_531 : f32 to vector<16xf32>
      %parallel_loop3A_533 = arith.maximumf %parallel_loop3A_530, %parallel_loop3A_532 : vector<16xf32>
      %parallel_loop3A_534 = arith.constant 1 : i32
      %parallel_loop3A_535 = arith.index_cast %parallel_loop3A_534 : i32 to index
      %parallel_loop3A_536 = arith.index_cast %parallel_loop3A_471 : i32 to index
      %parallel_loop3A_537 = arith.constant 32 : index
      %parallel_loop3A_538 = tpu.vector_load %arg13[%parallel_loop3A_535, %parallel_loop3A_536, %parallel_loop3A_537] {strides = array<i32>} : memref<2x128x80xf32, #tpu.memory_space<vmem>>, vector<1x1x16xf32>,
      %parallel_loop3A_539 = vector.shape_cast %parallel_loop3A_538 : vector<1x1x16xf32> to vector<16xf32>
      %parallel_loop3A_540 = vector.shape_cast %parallel_loop3A_533 : vector<16xf32> to vector<1x1x16xf32>
      tpu.vector_store %arg13[%parallel_loop3A_535, %parallel_loop3A_536, %parallel_loop3A_537], %parallel_loop3A_540 {strides = array<i32>} : memref<2x128x80xf32, #tpu.memory_space<vmem>>, vector<1x1x16xf32>,
      %parallel_loop3A_541 = arith.constant 1 : i32
      %parallel_loop3A_542 = arith.index_cast %parallel_loop3A_541 : i32 to index
      %parallel_loop3A_543 = arith.index_cast %parallel_loop3A_471 : i32 to index
      %parallel_loop3A_544 = arith.constant 48 : index
      %parallel_loop3A_545 = tpu.vector_load %arg12[%parallel_loop3A_542, %parallel_loop3A_543, %parallel_loop3A_544] {strides = array<i32>} : memref<2x128x64xf32, #tpu.memory_space<vmem>>, vector<1x1x16xf32>,
      %parallel_loop3A_546 = vector.shape_cast %parallel_loop3A_545 : vector<1x1x16xf32> to vector<16xf32>
      %parallel_loop3A_547 = arith.constant 1 : i32
      %parallel_loop3A_548 = arith.index_cast %parallel_loop3A_547 : i32 to index
      %parallel_loop3A_549 = arith.index_cast %parallel_loop3A_471 : i32 to index
      %parallel_loop3A_550 = arith.constant 48 : index
      %parallel_loop3A_551 = tpu.vector_load %arg11[%parallel_loop3A_548, %parallel_loop3A_549, %parallel_loop3A_550] {strides = array<i32>} : memref<2x128x64xf32, #tpu.memory_space<vmem>>, vector<1x1x16xf32>,
      %parallel_loop3A_552 = vector.shape_cast %parallel_loop3A_551 : vector<1x1x16xf32> to vector<16xf32>
      %parallel_loop3A_553 = arith.addf %parallel_loop3A_546, %parallel_loop3A_552 : vector<16xf32>
      %parallel_loop3A_554 = arith.constant 0.000000e+00 : f32
      %parallel_loop3A_555 = vector.broadcast %parallel_loop3A_554 : f32 to vector<16xf32>
      %parallel_loop3A_556 = arith.maximumf %parallel_loop3A_553, %parallel_loop3A_555 : vector<16xf32>
      %parallel_loop3A_557 = arith.constant 1 : i32
      %parallel_loop3A_558 = arith.index_cast %parallel_loop3A_557 : i32 to index
      %parallel_loop3A_559 = arith.index_cast %parallel_loop3A_471 : i32 to index
      %parallel_loop3A_560 = arith.constant 48 : index
      %parallel_loop3A_561 = tpu.vector_load %arg13[%parallel_loop3A_558, %parallel_loop3A_559, %parallel_loop3A_560] {strides = array<i32>} : memref<2x128x80xf32, #tpu.memory_space<vmem>>, vector<1x1x16xf32>,
      %parallel_loop3A_562 = vector.shape_cast %parallel_loop3A_561 : vector<1x1x16xf32> to vector<16xf32>
      %parallel_loop3A_563 = vector.shape_cast %parallel_loop3A_556 : vector<16xf32> to vector<1x1x16xf32>
      tpu.vector_store %arg13[%parallel_loop3A_558, %parallel_loop3A_559, %parallel_loop3A_560], %parallel_loop3A_563 {strides = array<i32>} : memref<2x128x80xf32, #tpu.memory_space<vmem>>, vector<1x1x16xf32>,
    } {sc.loop_unroll_factor = 4 : i64, sc.parallel_access}
    %parallel_loop3A_340 = arith.constant 0 : i32
    %parallel_loop3A_341 = arith.constant 128 : i32
    %parallel_loop3A_342 = arith.constant 16 : i32
    scf.for %parallel_loop3A_471 = %parallel_loop3A_340 to %parallel_loop3A_341 step %parallel_loop3A_342  : i32 {
      %parallel_loop3A_472 = arith.constant 1 : i32
      %parallel_loop3A_473 = arith.index_cast %parallel_loop3A_472 : i32 to index
      %parallel_loop3A_474 = arith.index_cast %parallel_loop3A_471 : i32 to index
      %parallel_loop3A_475 = tpu.vector_load %arg9[%parallel_loop3A_473, %parallel_loop3A_474] {strides = array<i32>} : memref<2x128xi32, #tpu.memory_space<vmem>>, vector<1x16xi32>,
      %parallel_loop3A_476 = vector.shape_cast %parallel_loop3A_475 : vector<1x16xi32> to vector<16xi32>
      %parallel_loop3A_477 = arith.constant 1 : i32
      %parallel_loop3A_478 = arith.index_cast %parallel_loop3A_477 : i32 to index
      %parallel_loop3A_479 = arith.index_cast %parallel_loop3A_471 : i32 to index
      %parallel_loop3A_480 = tpu.vector_load %arg10[%parallel_loop3A_478, %parallel_loop3A_479] {strides = array<i32>} : memref<2x128xi32, #tpu.memory_space<vmem>>, vector<1x16xi32>,
      %parallel_loop3A_481 = vector.shape_cast %parallel_loop3A_480 : vector<1x16xi32> to vector<16xi32>
      %parallel_loop3A_482 = vector.shape_cast %parallel_loop3A_476 : vector<16xi32> to vector<1x16xi32>
      tpu.vector_store %arg10[%parallel_loop3A_478, %parallel_loop3A_479], %parallel_loop3A_482 {strides = array<i32>} : memref<2x128xi32, #tpu.memory_space<vmem>>, vector<1x16xi32>,
    } {sc.loop_unroll_factor = 1 : i64, sc.parallel_access}
    %dma_start3A_343 = arith.constant 1 : i32
    %dma_start3A_344 = arith.constant 1 : i32
    %dma_start3A_345 = arith.constant 0 : i32
    %dma_start3A_346 = arith.constant 0 : i32
    %dma_start3A_347 = tpu.memref_slice %arg13[%dma_start3A_343, %dma_start3A_345, %dma_start3A_346] : memref<2x128x80xf32, #tpu.memory_space<vmem>> -> memref<1x128x80xf32, #tpu.memory_space<vmem>>
    %dma_start3A_348 = tpu.memref_squeeze %dma_start3A_347 : memref<1x128x80xf32, #tpu.memory_space<vmem>> -> memref<128x80xf32, #tpu.memory_space<vmem>>
    %dma_start3A_349 = arith.constant 0 : i32
    %dma_start3A_350 = tpu.memref_slice %arg10[%dma_start3A_344, %dma_start3A_349] : memref<2x128xi32, #tpu.memory_space<vmem>> -> memref<1x128xi32, #tpu.memory_space<vmem>>
    %dma_start3A_351 = tpu.memref_squeeze %dma_start3A_350 : memref<1x128xi32, #tpu.memory_space<vmem>> -> memref<128xi32, #tpu.memory_space<vmem>>
    %dma_start3A_352 = arith.constant 0 : i32
    %dma_start3A_353 = arith.constant 0 : i32
    %dma_start3A_354 = tpu.memref_slice %arg7[%dma_start3A_352, %dma_start3A_353] : memref<10240x80xf32, #tpu.memory_space<vmem_shared>> -> memref<10240x80xf32, #tpu.memory_space<vmem_shared>>
    tpu.enqueue_indirect_dma source(%dma_start3A_348 : memref<128x80xf32, #tpu.memory_space<vmem>>) target(%dma_start3A_354 : memref<10240x80xf32, #tpu.memory_space<vmem_shared>>) offsets(%dma_start3A_351 : memref<128xi32, #tpu.memory_space<vmem>>) semaphore(%arg20 : memref<!tpu.dma_semaphore, #tpu.memory_space<semaphore_mem>>) {add = true}
    %add3A_355 = arith.constant 96 : i32
    %add3A_356 = arith.addi %add3A_56, %add3A_355 : i32
    %mul3A_357 = arith.constant 128 : i32
    %mul3A_358 = arith.muli %add3A_356, %mul3A_357 : i32
    %multiple_of3A_359 = tpu.assume_multiple %mul3A_358, 128 : i32
    %dma_start3A_360 = arith.constant 1 : i32
    %dma_start3A_361 = arith.constant 0 : i32
    %dma_start3A_362 = tpu.memref_slice %arg8[%dma_start3A_360, %dma_start3A_361] : memref<2x128xi32, #tpu.memory_space<vmem>> -> memref<1x128xi32, #tpu.memory_space<vmem>>
    %dma_start3A_363 = tpu.memref_squeeze %dma_start3A_362 : memref<1x128xi32, #tpu.memory_space<vmem>> -> memref<128xi32, #tpu.memory_space<vmem>>
    %dma_start3A_364 = arith.constant 0 : i32
    %dma_start3A_365 = tpu.memref_slice %arg4[%add3A_356, %dma_start3A_364] : memref<2500x128xi32, #tpu.memory_space<hbm>> -> memref<1x128xi32, #tpu.memory_space<hbm>>
    %dma_start3A_366 = tpu.memref_squeeze %dma_start3A_365 : memref<1x128xi32, #tpu.memory_space<hbm>> -> memref<128xi32, #tpu.memory_space<hbm>>
    %dma_start3A_367 = arith.constant 0 : i32
    %dma_start3A_368 = tpu.memref_slice %arg8[%dma_start3A_360, %dma_start3A_367] : memref<2x128xi32, #tpu.memory_space<vmem>> -> memref<1x128xi32, #tpu.memory_space<vmem>>
    %dma_start3A_369 = tpu.memref_squeeze %dma_start3A_368 : memref<1x128xi32, #tpu.memory_space<vmem>> -> memref<128xi32, #tpu.memory_space<vmem>>
    %dma_start3A_370 = arith.constant 0 : i32
    %dma_start3A_371 = tpu.memref_slice %arg4[%add3A_356, %dma_start3A_370] : memref<2500x128xi32, #tpu.memory_space<hbm>> -> memref<1x128xi32, #tpu.memory_space<hbm>>
    %dma_start3A_372 = tpu.memref_squeeze %dma_start3A_371 : memref<1x128xi32, #tpu.memory_space<hbm>> -> memref<128xi32, #tpu.memory_space<hbm>>
    tpu.enqueue_dma source(%dma_start3A_372 : memref<128xi32, #tpu.memory_space<hbm>>) target(%dma_start3A_369 : memref<128xi32, #tpu.memory_space<vmem>>) target_semaphore(%arg16 : memref<!tpu.dma_semaphore, #tpu.memory_space<semaphore_mem>>)
    %dma_start3A_373 = arith.constant 1 : i32
    %dma_start3A_374 = arith.constant 0 : i32
    %dma_start3A_375 = tpu.memref_slice %arg9[%dma_start3A_373, %dma_start3A_374] : memref<2x128xi32, #tpu.memory_space<vmem>> -> memref<1x128xi32, #tpu.memory_space<vmem>>
    %dma_start3A_376 = tpu.memref_squeeze %dma_start3A_375 : memref<1x128xi32, #tpu.memory_space<vmem>> -> memref<128xi32, #tpu.memory_space<vmem>>
    %dma_start3A_377 = arith.constant 0 : i32
    %dma_start3A_378 = tpu.memref_slice %arg5[%add3A_356, %dma_start3A_377] : memref<2500x128xi32, #tpu.memory_space<hbm>> -> memref<1x128xi32, #tpu.memory_space<hbm>>
    %dma_start3A_379 = tpu.memref_squeeze %dma_start3A_378 : memref<1x128xi32, #tpu.memory_space<hbm>> -> memref<128xi32, #tpu.memory_space<hbm>>
    %dma_start3A_380 = arith.constant 0 : i32
    %dma_start3A_381 = tpu.memref_slice %arg9[%dma_start3A_373, %dma_start3A_380] : memref<2x128xi32, #tpu.memory_space<vmem>> -> memref<1x128xi32, #tpu.memory_space<vmem>>
    %dma_start3A_382 = tpu.memref_squeeze %dma_start3A_381 : memref<1x128xi32, #tpu.memory_space<vmem>> -> memref<128xi32, #tpu.memory_space<vmem>>
    %dma_start3A_383 = arith.constant 0 : i32
    %dma_start3A_384 = tpu.memref_slice %arg5[%add3A_356, %dma_start3A_383] : memref<2500x128xi32, #tpu.memory_space<hbm>> -> memref<1x128xi32, #tpu.memory_space<hbm>>
    %dma_start3A_385 = tpu.memref_squeeze %dma_start3A_384 : memref<1x128xi32, #tpu.memory_space<hbm>> -> memref<128xi32, #tpu.memory_space<hbm>>
    tpu.enqueue_dma source(%dma_start3A_385 : memref<128xi32, #tpu.memory_space<hbm>>) target(%dma_start3A_382 : memref<128xi32, #tpu.memory_space<vmem>>) target_semaphore(%arg16 : memref<!tpu.dma_semaphore, #tpu.memory_space<semaphore_mem>>)
    %dma_start3A_386 = arith.constant 1 : i32
    %dma_start3A_387 = arith.constant 0 : i32
    %dma_start3A_388 = arith.constant 0 : i32
    %dma_start3A_389 = tpu.memref_slice %arg11[%dma_start3A_386, %dma_start3A_387, %dma_start3A_388] : memref<2x128x64xf32, #tpu.memory_space<vmem>> -> memref<1x128x64xf32, #tpu.memory_space<vmem>>
    %dma_start3A_390 = tpu.memref_squeeze %dma_start3A_389 : memref<1x128x64xf32, #tpu.memory_space<vmem>> -> memref<128x64xf32, #tpu.memory_space<vmem>>
    %dma_start3A_391 = arith.constant 0 : i32
    %dma_start3A_392 = tpu.memref_slice %arg3[%multiple_of3A_359, %dma_start3A_391] : memref<320000x64xf32, #tpu.memory_space<hbm>> -> memref<128x64xf32, #tpu.memory_space<hbm>>
    %dma_start3A_393 = arith.constant 0 : i32
    %dma_start3A_394 = arith.constant 0 : i32
    %dma_start3A_395 = tpu.memref_slice %arg11[%dma_start3A_386, %dma_start3A_393, %dma_start3A_394] : memref<2x128x64xf32, #tpu.memory_space<vmem>> -> memref<1x128x64xf32, #tpu.memory_space<vmem>>
    %dma_start3A_396 = tpu.memref_squeeze %dma_start3A_395 : memref<1x128x64xf32, #tpu.memory_space<vmem>> -> memref<128x64xf32, #tpu.memory_space<vmem>>
    %dma_start3A_397 = arith.constant 0 : i32
    %dma_start3A_398 = tpu.memref_slice %arg3[%multiple_of3A_359, %dma_start3A_397] : memref<320000x64xf32, #tpu.memory_space<hbm>> -> memref<128x64xf32, #tpu.memory_space<hbm>>
    tpu.enqueue_dma source(%dma_start3A_398 : memref<128x64xf32, #tpu.memory_space<hbm>>) target(%dma_start3A_396 : memref<128x64xf32, #tpu.memory_space<vmem>>) target_semaphore(%arg16 : memref<!tpu.dma_semaphore, #tpu.memory_space<semaphore_mem>>)
    %scan3A_399 = arith.constant 0 : i32
    %scan3A_400 = arith.constant 38 : i32
    %scan3A_401 = arith.addi %scan3A_399, %scan3A_400 : i32
    %scan3A_402 = arith.constant 1 : i32
    scf.for %scan3A_471 = %scan3A_399 to %scan3A_401 step %scan3A_402  : i32 {
      %mul3A_472 = arith.constant 2 : i32
      %mul3A_473 = arith.muli %scan3A_471, %mul3A_472 : i32
      %add3A_474 = arith.constant 2 : i32
      %add3A_475 = arith.addi %add3A_474, %mul3A_473 : i32
      %dma_wait3A_476 = arith.constant 0 : i32
      %dma_wait3A_477 = arith.constant 0 : i32
      %dma_wait3A_478 = arith.constant 0 : i32
      %dma_wait3A_479 = arith.constant 0 : i32
      %dma_wait3A_480 = tpu.memref_slice %arg13[%dma_wait3A_476, %dma_wait3A_478, %dma_wait3A_479] : memref<2x128x80xf32, #tpu.memory_space<vmem>> -> memref<1x128x80xf32, #tpu.memory_space<vmem>>
      %dma_wait3A_481 = tpu.memref_squeeze %dma_wait3A_480 : memref<1x128x80xf32, #tpu.memory_space<vmem>> -> memref<128x80xf32, #tpu.memory_space<vmem>>
      %dma_wait3A_482 = arith.constant 0 : i32
      %dma_wait3A_483 = tpu.memref_slice %arg10[%dma_wait3A_477, %dma_wait3A_482] : memref<2x128xi32, #tpu.memory_space<vmem>> -> memref<1x128xi32, #tpu.memory_space<vmem>>
      %dma_wait3A_484 = tpu.memref_squeeze %dma_wait3A_483 : memref<1x128xi32, #tpu.memory_space<vmem>> -> memref<128xi32, #tpu.memory_space<vmem>>
      %dma_wait3A_485 = arith.constant 0 : i32
      %dma_wait3A_486 = arith.constant 0 : i32
      %dma_wait3A_487 = tpu.memref_slice %arg7[%dma_wait3A_485, %dma_wait3A_486] : memref<10240x80xf32, #tpu.memory_space<vmem_shared>> -> memref<10240x80xf32, #tpu.memory_space<vmem_shared>>
      tpu.wait_indirect_dma semaphore(%arg19 : memref<!tpu.dma_semaphore, #tpu.memory_space<semaphore_mem>>) src(%dma_wait3A_481 : memref<128x80xf32, #tpu.memory_space<vmem>>) dst(%dma_wait3A_487 : memref<10240x80xf32, #tpu.memory_space<vmem_shared>>)
      %dma_wait3A_488 = arith.constant 0 : i32
      %dma_wait3A_489 = arith.constant 0 : i32
      %dma_wait3A_490 = arith.constant 0 : i32
      %dma_wait3A_491 = tpu.memref_slice %arg8[%dma_wait3A_489, %dma_wait3A_490] : memref<2x128xi32, #tpu.memory_space<vmem>> -> memref<1x128xi32, #tpu.memory_space<vmem>>
      %dma_wait3A_492 = tpu.memref_squeeze %dma_wait3A_491 : memref<1x128xi32, #tpu.memory_space<vmem>> -> memref<128xi32, #tpu.memory_space<vmem>>
      %dma_wait3A_493 = arith.constant 0 : i32
      %dma_wait3A_494 = tpu.memref_slice %arg4[%dma_wait3A_488, %dma_wait3A_493] : memref<2500x128xi32, #tpu.memory_space<hbm>> -> memref<1x128xi32, #tpu.memory_space<hbm>>
      %dma_wait3A_495 = tpu.memref_squeeze %dma_wait3A_494 : memref<1x128xi32, #tpu.memory_space<hbm>> -> memref<128xi32, #tpu.memory_space<hbm>>
      %dma_wait3A_496 = arith.constant 0 : i32
      %dma_wait3A_497 = tpu.memref_slice %arg8[%dma_wait3A_489, %dma_wait3A_496] : memref<2x128xi32, #tpu.memory_space<vmem>> -> memref<1x128xi32, #tpu.memory_space<vmem>>
      %dma_wait3A_498 = tpu.memref_squeeze %dma_wait3A_497 : memref<1x128xi32, #tpu.memory_space<vmem>> -> memref<128xi32, #tpu.memory_space<vmem>>
      %dma_wait3A_499 = arith.constant 0 : i32
      %dma_wait3A_500 = tpu.memref_slice %arg4[%dma_wait3A_488, %dma_wait3A_499] : memref<2500x128xi32, #tpu.memory_space<hbm>> -> memref<1x128xi32, #tpu.memory_space<hbm>>
      %dma_wait3A_501 = tpu.memref_squeeze %dma_wait3A_500 : memref<1x128xi32, #tpu.memory_space<hbm>> -> memref<128xi32, #tpu.memory_space<hbm>>
      tpu.wait_dma2 semaphore(%arg15 : memref<!tpu.dma_semaphore, #tpu.memory_space<semaphore_mem>>) src(%dma_wait3A_501 : memref<128xi32, #tpu.memory_space<hbm>>) dst(%dma_wait3A_498 : memref<128xi32, #tpu.memory_space<vmem>>)
      %dma_wait3A_502 = arith.constant 0 : i32
      %dma_wait3A_503 = arith.constant 0 : i32
      %dma_wait3A_504 = arith.constant 0 : i32
      %dma_wait3A_505 = tpu.memref_slice %arg9[%dma_wait3A_503, %dma_wait3A_504] : memref<2x128xi32, #tpu.memory_space<vmem>> -> memref<1x128xi32, #tpu.memory_space<vmem>>
      %dma_wait3A_506 = tpu.memref_squeeze %dma_wait3A_505 : memref<1x128xi32, #tpu.memory_space<vmem>> -> memref<128xi32, #tpu.memory_space<vmem>>
      %dma_wait3A_507 = arith.constant 0 : i32
      %dma_wait3A_508 = tpu.memref_slice %arg5[%dma_wait3A_502, %dma_wait3A_507] : memref<2500x128xi32, #tpu.memory_space<hbm>> -> memref<1x128xi32, #tpu.memory_space<hbm>>
      %dma_wait3A_509 = tpu.memref_squeeze %dma_wait3A_508 : memref<1x128xi32, #tpu.memory_space<hbm>> -> memref<128xi32, #tpu.memory_space<hbm>>
      %dma_wait3A_510 = arith.constant 0 : i32
      %dma_wait3A_511 = tpu.memref_slice %arg9[%dma_wait3A_503, %dma_wait3A_510] : memref<2x128xi32, #tpu.memory_space<vmem>> -> memref<1x128xi32, #tpu.memory_space<vmem>>
      %dma_wait3A_512 = tpu.memref_squeeze %dma_wait3A_511 : memref<1x128xi32, #tpu.memory_space<vmem>> -> memref<128xi32, #tpu.memory_space<vmem>>
      %dma_wait3A_513 = arith.constant 0 : i32
      %dma_wait3A_514 = tpu.memref_slice %arg5[%dma_wait3A_502, %dma_wait3A_513] : memref<2500x128xi32, #tpu.memory_space<hbm>> -> memref<1x128xi32, #tpu.memory_space<hbm>>
      %dma_wait3A_515 = tpu.memref_squeeze %dma_wait3A_514 : memref<1x128xi32, #tpu.memory_space<hbm>> -> memref<128xi32, #tpu.memory_space<hbm>>
      tpu.wait_dma2 semaphore(%arg15 : memref<!tpu.dma_semaphore, #tpu.memory_space<semaphore_mem>>) src(%dma_wait3A_515 : memref<128xi32, #tpu.memory_space<hbm>>) dst(%dma_wait3A_512 : memref<128xi32, #tpu.memory_space<vmem>>)
      %dma_wait3A_516 = arith.constant 0 : i32
      %dma_wait3A_517 = arith.constant 0 : i32
      %dma_wait3A_518 = arith.constant 0 : i32
      %dma_wait3A_519 = tpu.memref_slice %arg11[%dma_wait3A_516, %dma_wait3A_517, %dma_wait3A_518] : memref<2x128x64xf32, #tpu.memory_space<vmem>> -> memref<1x128x64xf32, #tpu.memory_space<vmem>>
      %dma_wait3A_520 = tpu.memref_squeeze %dma_wait3A_519 : memref<1x128x64xf32, #tpu.memory_space<vmem>> -> memref<128x64xf32, #tpu.memory_space<vmem>>
      %dma_wait3A_521 = arith.constant 0 : i32
      %dma_wait3A_522 = arith.constant 0 : i32
      %dma_wait3A_523 = tpu.memref_slice %arg3[%dma_wait3A_521, %dma_wait3A_522] : memref<320000x64xf32, #tpu.memory_space<hbm>> -> memref<128x64xf32, #tpu.memory_space<hbm>>
      %dma_wait3A_524 = arith.constant 0 : i32
      %dma_wait3A_525 = arith.constant 0 : i32
      %dma_wait3A_526 = tpu.memref_slice %arg11[%dma_wait3A_516, %dma_wait3A_524, %dma_wait3A_525] : memref<2x128x64xf32, #tpu.memory_space<vmem>> -> memref<1x128x64xf32, #tpu.memory_space<vmem>>
      %dma_wait3A_527 = tpu.memref_squeeze %dma_wait3A_526 : memref<1x128x64xf32, #tpu.memory_space<vmem>> -> memref<128x64xf32, #tpu.memory_space<vmem>>
      %dma_wait3A_528 = arith.constant 0 : i32
      %dma_wait3A_529 = arith.constant 0 : i32
      %dma_wait3A_530 = tpu.memref_slice %arg3[%dma_wait3A_528, %dma_wait3A_529] : memref<320000x64xf32, #tpu.memory_space<hbm>> -> memref<128x64xf32, #tpu.memory_space<hbm>>
      tpu.wait_dma2 semaphore(%arg15 : memref<!tpu.dma_semaphore, #tpu.memory_space<semaphore_mem>>) src(%dma_wait3A_530 : memref<128x64xf32, #tpu.memory_space<hbm>>) dst(%dma_wait3A_527 : memref<128x64xf32, #tpu.memory_space<vmem>>)
      %dma_start3A_531 = arith.constant 0 : i32
      %dma_start3A_532 = arith.constant 0 : i32
      %dma_start3A_533 = arith.constant 0 : i32
      %dma_start3A_534 = arith.constant 0 : i32
      %dma_start3A_535 = tpu.memref_slice %arg12[%dma_start3A_532, %dma_start3A_533, %dma_start3A_534] : memref<2x128x64xf32, #tpu.memory_space<vmem>> -> memref<1x128x64xf32, #tpu.memory_space<vmem>>
      %dma_start3A_536 = tpu.memref_squeeze %dma_start3A_535 : memref<1x128x64xf32, #tpu.memory_space<vmem>> -> memref<128x64xf32, #tpu.memory_space<vmem>>
      %dma_start3A_537 = arith.constant 0 : i32
      %dma_start3A_538 = tpu.memref_slice %arg8[%dma_start3A_531, %dma_start3A_537] : memref<2x128xi32, #tpu.memory_space<vmem>> -> memref<1x128xi32, #tpu.memory_space<vmem>>
      %dma_start3A_539 = tpu.memref_squeeze %dma_start3A_538 : memref<1x128xi32, #tpu.memory_space<vmem>> -> memref<128xi32, #tpu.memory_space<vmem>>
      %dma_start3A_540 = arith.constant 0 : i32
      %dma_start3A_541 = arith.constant 0 : i32
      %dma_start3A_542 = tpu.memref_slice %arg2[%dma_start3A_540, %dma_start3A_541] : memref<10000x64xf32, #tpu.memory_space<hbm>> -> memref<10000x64xf32, #tpu.memory_space<hbm>>
      tpu.enqueue_indirect_dma source(%dma_start3A_542 : memref<10000x64xf32, #tpu.memory_space<hbm>>) target(%dma_start3A_536 : memref<128x64xf32, #tpu.memory_space<vmem>>) offsets(%dma_start3A_539 : memref<128xi32, #tpu.memory_space<vmem>>) semaphore(%arg17 : memref<!tpu.dma_semaphore, #tpu.memory_space<semaphore_mem>>)
      %dma_wait3A_543 = arith.constant 1 : i32
      %dma_wait3A_544 = arith.constant 1 : i32
      %dma_wait3A_545 = arith.constant 0 : i32
      %dma_wait3A_546 = arith.constant 0 : i32
      %dma_wait3A_547 = tpu.memref_slice %arg13[%dma_wait3A_543, %dma_wait3A_545, %dma_wait3A_546] : memref<2x128x80xf32, #tpu.memory_space<vmem>> -> memref<1x128x80xf32, #tpu.memory_space<vmem>>
      %dma_wait3A_548 = tpu.memref_squeeze %dma_wait3A_547 : memref<1x128x80xf32, #tpu.memory_space<vmem>> -> memref<128x80xf32, #tpu.memory_space<vmem>>
      %dma_wait3A_549 = arith.constant 0 : i32
      %dma_wait3A_550 = tpu.memref_slice %arg10[%dma_wait3A_544, %dma_wait3A_549] : memref<2x128xi32, #tpu.memory_space<vmem>> -> memref<1x128xi32, #tpu.memory_space<vmem>>
      %dma_wait3A_551 = tpu.memref_squeeze %dma_wait3A_550 : memref<1x128xi32, #tpu.memory_space<vmem>> -> memref<128xi32, #tpu.memory_space<vmem>>
      %dma_wait3A_552 = arith.constant 0 : i32
      %dma_wait3A_553 = arith.constant 0 : i32
      %dma_wait3A_554 = tpu.memref_slice %arg7[%dma_wait3A_552, %dma_wait3A_553] : memref<10240x80xf32, #tpu.memory_space<vmem_shared>> -> memref<10240x80xf32, #tpu.memory_space<vmem_shared>>
      tpu.wait_indirect_dma semaphore(%arg20 : memref<!tpu.dma_semaphore, #tpu.memory_space<semaphore_mem>>) src(%dma_wait3A_548 : memref<128x80xf32, #tpu.memory_space<vmem>>) dst(%dma_wait3A_554 : memref<10240x80xf32, #tpu.memory_space<vmem_shared>>)
      %dma_wait3A_555 = arith.constant 0 : i32
      %dma_wait3A_556 = arith.constant 1 : i32
      %dma_wait3A_557 = arith.constant 0 : i32
      %dma_wait3A_558 = tpu.memref_slice %arg8[%dma_wait3A_556, %dma_wait3A_557] : memref<2x128xi32, #tpu.memory_space<vmem>> -> memref<1x128xi32, #tpu.memory_space<vmem>>
      %dma_wait3A_559 = tpu.memref_squeeze %dma_wait3A_558 : memref<1x128xi32, #tpu.memory_space<vmem>> -> memref<128xi32, #tpu.memory_space<vmem>>
      %dma_wait3A_560 = arith.constant 0 : i32
      %dma_wait3A_561 = tpu.memref_slice %arg4[%dma_wait3A_555, %dma_wait3A_560] : memref<2500x128xi32, #tpu.memory_space<hbm>> -> memref<1x128xi32, #tpu.memory_space<hbm>>
      %dma_wait3A_562 = tpu.memref_squeeze %dma_wait3A_561 : memref<1x128xi32, #tpu.memory_space<hbm>> -> memref<128xi32, #tpu.memory_space<hbm>>
      %dma_wait3A_563 = arith.constant 0 : i32
      %dma_wait3A_564 = tpu.memref_slice %arg8[%dma_wait3A_556, %dma_wait3A_563] : memref<2x128xi32, #tpu.memory_space<vmem>> -> memref<1x128xi32, #tpu.memory_space<vmem>>
      %dma_wait3A_565 = tpu.memref_squeeze %dma_wait3A_564 : memref<1x128xi32, #tpu.memory_space<vmem>> -> memref<128xi32, #tpu.memory_space<vmem>>
      %dma_wait3A_566 = arith.constant 0 : i32
      %dma_wait3A_567 = tpu.memref_slice %arg4[%dma_wait3A_555, %dma_wait3A_566] : memref<2500x128xi32, #tpu.memory_space<hbm>> -> memref<1x128xi32, #tpu.memory_space<hbm>>
      %dma_wait3A_568 = tpu.memref_squeeze %dma_wait3A_567 : memref<1x128xi32, #tpu.memory_space<hbm>> -> memref<128xi32, #tpu.memory_space<hbm>>
      tpu.wait_dma2 semaphore(%arg16 : memref<!tpu.dma_semaphore, #tpu.memory_space<semaphore_mem>>) src(%dma_wait3A_568 : memref<128xi32, #tpu.memory_space<hbm>>) dst(%dma_wait3A_565 : memref<128xi32, #tpu.memory_space<vmem>>)
      %dma_wait3A_569 = arith.constant 0 : i32
      %dma_wait3A_570 = arith.constant 1 : i32
      %dma_wait3A_571 = arith.constant 0 : i32
      %dma_wait3A_572 = tpu.memref_slice %arg9[%dma_wait3A_570, %dma_wait3A_571] : memref<2x128xi32, #tpu.memory_space<vmem>> -> memref<1x128xi32, #tpu.memory_space<vmem>>
      %dma_wait3A_573 = tpu.memref_squeeze %dma_wait3A_572 : memref<1x128xi32, #tpu.memory_space<vmem>> -> memref<128xi32, #tpu.memory_space<vmem>>
      %dma_wait3A_574 = arith.constant 0 : i32
      %dma_wait3A_575 = tpu.memref_slice %arg5[%dma_wait3A_569, %dma_wait3A_574] : memref<2500x128xi32, #tpu.memory_space<hbm>> -> memref<1x128xi32, #tpu.memory_space<hbm>>
      %dma_wait3A_576 = tpu.memref_squeeze %dma_wait3A_575 : memref<1x128xi32, #tpu.memory_space<hbm>> -> memref<128xi32, #tpu.memory_space<hbm>>
      %dma_wait3A_577 = arith.constant 0 : i32
      %dma_wait3A_578 = tpu.memref_slice %arg9[%dma_wait3A_570, %dma_wait3A_577] : memref<2x128xi32, #tpu.memory_space<vmem>> -> memref<1x128xi32, #tpu.memory_space<vmem>>
      %dma_wait3A_579 = tpu.memref_squeeze %dma_wait3A_578 : memref<1x128xi32, #tpu.memory_space<vmem>> -> memref<128xi32, #tpu.memory_space<vmem>>
      %dma_wait3A_580 = arith.constant 0 : i32
      %dma_wait3A_581 = tpu.memref_slice %arg5[%dma_wait3A_569, %dma_wait3A_580] : memref<2500x128xi32, #tpu.memory_space<hbm>> -> memref<1x128xi32, #tpu.memory_space<hbm>>
      %dma_wait3A_582 = tpu.memref_squeeze %dma_wait3A_581 : memref<1x128xi32, #tpu.memory_space<hbm>> -> memref<128xi32, #tpu.memory_space<hbm>>
      tpu.wait_dma2 semaphore(%arg16 : memref<!tpu.dma_semaphore, #tpu.memory_space<semaphore_mem>>) src(%dma_wait3A_582 : memref<128xi32, #tpu.memory_space<hbm>>) dst(%dma_wait3A_579 : memref<128xi32, #tpu.memory_space<vmem>>)
      %dma_wait3A_583 = arith.constant 1 : i32
      %dma_wait3A_584 = arith.constant 0 : i32
      %dma_wait3A_585 = arith.constant 0 : i32
      %dma_wait3A_586 = tpu.memref_slice %arg11[%dma_wait3A_583, %dma_wait3A_584, %dma_wait3A_585] : memref<2x128x64xf32, #tpu.memory_space<vmem>> -> memref<1x128x64xf32, #tpu.memory_space<vmem>>
      %dma_wait3A_587 = tpu.memref_squeeze %dma_wait3A_586 : memref<1x128x64xf32, #tpu.memory_space<vmem>> -> memref<128x64xf32, #tpu.memory_space<vmem>>
      %dma_wait3A_588 = arith.constant 0 : i32
      %dma_wait3A_589 = arith.constant 0 : i32
      %dma_wait3A_590 = tpu.memref_slice %arg3[%dma_wait3A_588, %dma_wait3A_589] : memref<320000x64xf32, #tpu.memory_space<hbm>> -> memref<128x64xf32, #tpu.memory_space<hbm>>
      %dma_wait3A_591 = arith.constant 0 : i32
      %dma_wait3A_592 = arith.constant 0 : i32
      %dma_wait3A_593 = tpu.memref_slice %arg11[%dma_wait3A_583, %dma_wait3A_591, %dma_wait3A_592] : memref<2x128x64xf32, #tpu.memory_space<vmem>> -> memref<1x128x64xf32, #tpu.memory_space<vmem>>
      %dma_wait3A_594 = tpu.memref_squeeze %dma_wait3A_593 : memref<1x128x64xf32, #tpu.memory_space<vmem>> -> memref<128x64xf32, #tpu.memory_space<vmem>>
      %dma_wait3A_595 = arith.constant 0 : i32
      %dma_wait3A_596 = arith.constant 0 : i32
      %dma_wait3A_597 = tpu.memref_slice %arg3[%dma_wait3A_595, %dma_wait3A_596] : memref<320000x64xf32, #tpu.memory_space<hbm>> -> memref<128x64xf32, #tpu.memory_space<hbm>>
      tpu.wait_dma2 semaphore(%arg16 : memref<!tpu.dma_semaphore, #tpu.memory_space<semaphore_mem>>) src(%dma_wait3A_597 : memref<128x64xf32, #tpu.memory_space<hbm>>) dst(%dma_wait3A_594 : memref<128x64xf32, #tpu.memory_space<vmem>>)
      %dma_start3A_598 = arith.constant 1 : i32
      %dma_start3A_599 = arith.constant 1 : i32
      %dma_start3A_600 = arith.constant 0 : i32
      %dma_start3A_601 = arith.constant 0 : i32
      %dma_start3A_602 = tpu.memref_slice %arg12[%dma_start3A_599, %dma_start3A_600, %dma_start3A_601] : memref<2x128x64xf32, #tpu.memory_space<vmem>> -> memref<1x128x64xf32, #tpu.memory_space<vmem>>
      %dma_start3A_603 = tpu.memref_squeeze %dma_start3A_602 : memref<1x128x64xf32, #tpu.memory_space<vmem>> -> memref<128x64xf32, #tpu.memory_space<vmem>>
      %dma_start3A_604 = arith.constant 0 : i32
      %dma_start3A_605 = tpu.memref_slice %arg8[%dma_start3A_598, %dma_start3A_604] : memref<2x128xi32, #tpu.memory_space<vmem>> -> memref<1x128xi32, #tpu.memory_space<vmem>>
      %dma_start3A_606 = tpu.memref_squeeze %dma_start3A_605 : memref<1x128xi32, #tpu.memory_space<vmem>> -> memref<128xi32, #tpu.memory_space<vmem>>
      %dma_start3A_607 = arith.constant 0 : i32
      %dma_start3A_608 = arith.constant 0 : i32
      %dma_start3A_609 = tpu.memref_slice %arg2[%dma_start3A_607, %dma_start3A_608] : memref<10000x64xf32, #tpu.memory_space<hbm>> -> memref<10000x64xf32, #tpu.memory_space<hbm>>
      tpu.enqueue_indirect_dma source(%dma_start3A_609 : memref<10000x64xf32, #tpu.memory_space<hbm>>) target(%dma_start3A_603 : memref<128x64xf32, #tpu.memory_space<vmem>>) offsets(%dma_start3A_606 : memref<128xi32, #tpu.memory_space<vmem>>) semaphore(%arg18 : memref<!tpu.dma_semaphore, #tpu.memory_space<semaphore_mem>>)
      %dma_wait3A_610 = arith.constant 0 : i32
      %dma_wait3A_611 = arith.constant 0 : i32
      %dma_wait3A_612 = arith.constant 0 : i32
      %dma_wait3A_613 = arith.constant 0 : i32
      %dma_wait3A_614 = tpu.memref_slice %arg12[%dma_wait3A_611, %dma_wait3A_612, %dma_wait3A_613] : memref<2x128x64xf32, #tpu.memory_space<vmem>> -> memref<1x128x64xf32, #tpu.memory_space<vmem>>
      %dma_wait3A_615 = tpu.memref_squeeze %dma_wait3A_614 : memref<1x128x64xf32, #tpu.memory_space<vmem>> -> memref<128x64xf32, #tpu.memory_space<vmem>>
      %dma_wait3A_616 = arith.constant 0 : i32
      %dma_wait3A_617 = tpu.memref_slice %arg8[%dma_wait3A_610, %dma_wait3A_616] : memref<2x128xi32, #tpu.memory_space<vmem>> -> memref<1x128xi32, #tpu.memory_space<vmem>>
      %dma_wait3A_618 = tpu.memref_squeeze %dma_wait3A_617 : memref<1x128xi32, #tpu.memory_space<vmem>> -> memref<128xi32, #tpu.memory_space<vmem>>
      %dma_wait3A_619 = arith.constant 0 : i32
      %dma_wait3A_620 = arith.constant 0 : i32
      %dma_wait3A_621 = tpu.memref_slice %arg2[%dma_wait3A_619, %dma_wait3A_620] : memref<10000x64xf32, #tpu.memory_space<hbm>> -> memref<10000x64xf32, #tpu.memory_space<hbm>>
      tpu.wait_indirect_dma semaphore(%arg17 : memref<!tpu.dma_semaphore, #tpu.memory_space<semaphore_mem>>) src(%dma_wait3A_621 : memref<10000x64xf32, #tpu.memory_space<hbm>>) dst(%dma_wait3A_615 : memref<128x64xf32, #tpu.memory_space<vmem>>)
      %parallel_loop3A_622 = arith.constant 0 : i32
      %parallel_loop3A_623 = arith.constant 128 : i32
      %parallel_loop3A_624 = arith.constant 1 : i32
      scf.for %parallel_loop3A_688 = %parallel_loop3A_622 to %parallel_loop3A_623 step %parallel_loop3A_624  : i32 {
        %parallel_loop3A_689 = arith.constant 0 : i32
        %parallel_loop3A_690 = arith.index_cast %parallel_loop3A_689 : i32 to index
        %parallel_loop3A_691 = arith.index_cast %parallel_loop3A_688 : i32 to index
        %parallel_loop3A_692 = arith.constant 0 : index
        %parallel_loop3A_693 = tpu.vector_load %arg12[%parallel_loop3A_690, %parallel_loop3A_691, %parallel_loop3A_692] {strides = array<i32>} : memref<2x128x64xf32, #tpu.memory_space<vmem>>, vector<1x1x16xf32>,
        %parallel_loop3A_694 = vector.shape_cast %parallel_loop3A_693 : vector<1x1x16xf32> to vector<16xf32>
        %parallel_loop3A_695 = arith.constant 0 : i32
        %parallel_loop3A_696 = arith.index_cast %parallel_loop3A_695 : i32 to index
        %parallel_loop3A_697 = arith.index_cast %parallel_loop3A_688 : i32 to index
        %parallel_loop3A_698 = arith.constant 0 : index
        %parallel_loop3A_699 = tpu.vector_load %arg11[%parallel_loop3A_696, %parallel_loop3A_697, %parallel_loop3A_698] {strides = array<i32>} : memref<2x128x64xf32, #tpu.memory_space<vmem>>, vector<1x1x16xf32>,
        %parallel_loop3A_700 = vector.shape_cast %parallel_loop3A_699 : vector<1x1x16xf32> to vector<16xf32>
        %parallel_loop3A_701 = arith.addf %parallel_loop3A_694, %parallel_loop3A_700 : vector<16xf32>
        %parallel_loop3A_702 = arith.constant 0.000000e+00 : f32
        %parallel_loop3A_703 = vector.broadcast %parallel_loop3A_702 : f32 to vector<16xf32>
        %parallel_loop3A_704 = arith.maximumf %parallel_loop3A_701, %parallel_loop3A_703 : vector<16xf32>
        %parallel_loop3A_705 = arith.constant 0 : i32
        %parallel_loop3A_706 = arith.index_cast %parallel_loop3A_705 : i32 to index
        %parallel_loop3A_707 = arith.index_cast %parallel_loop3A_688 : i32 to index
        %parallel_loop3A_708 = arith.constant 0 : index
        %parallel_loop3A_709 = tpu.vector_load %arg13[%parallel_loop3A_706, %parallel_loop3A_707, %parallel_loop3A_708] {strides = array<i32>} : memref<2x128x80xf32, #tpu.memory_space<vmem>>, vector<1x1x16xf32>,
        %parallel_loop3A_710 = vector.shape_cast %parallel_loop3A_709 : vector<1x1x16xf32> to vector<16xf32>
        %parallel_loop3A_711 = vector.shape_cast %parallel_loop3A_704 : vector<16xf32> to vector<1x1x16xf32>
        tpu.vector_store %arg13[%parallel_loop3A_706, %parallel_loop3A_707, %parallel_loop3A_708], %parallel_loop3A_711 {strides = array<i32>} : memref<2x128x80xf32, #tpu.memory_space<vmem>>, vector<1x1x16xf32>,
        %parallel_loop3A_712 = arith.constant 0 : i32
        %parallel_loop3A_713 = arith.index_cast %parallel_loop3A_712 : i32 to index
        %parallel_loop3A_714 = arith.index_cast %parallel_loop3A_688 : i32 to index
        %parallel_loop3A_715 = arith.constant 16 : index
        %parallel_loop3A_716 = tpu.vector_load %arg12[%parallel_loop3A_713, %parallel_loop3A_714, %parallel_loop3A_715] {strides = array<i32>} : memref<2x128x64xf32, #tpu.memory_space<vmem>>, vector<1x1x16xf32>,
        %parallel_loop3A_717 = vector.shape_cast %parallel_loop3A_716 : vector<1x1x16xf32> to vector<16xf32>
        %parallel_loop3A_718 = arith.constant 0 : i32
        %parallel_loop3A_719 = arith.index_cast %parallel_loop3A_718 : i32 to index
        %parallel_loop3A_720 = arith.index_cast %parallel_loop3A_688 : i32 to index
        %parallel_loop3A_721 = arith.constant 16 : index
        %parallel_loop3A_722 = tpu.vector_load %arg11[%parallel_loop3A_719, %parallel_loop3A_720, %parallel_loop3A_721] {strides = array<i32>} : memref<2x128x64xf32, #tpu.memory_space<vmem>>, vector<1x1x16xf32>,
        %parallel_loop3A_723 = vector.shape_cast %parallel_loop3A_722 : vector<1x1x16xf32> to vector<16xf32>
        %parallel_loop3A_724 = arith.addf %parallel_loop3A_717, %parallel_loop3A_723 : vector<16xf32>
        %parallel_loop3A_725 = arith.constant 0.000000e+00 : f32
        %parallel_loop3A_726 = vector.broadcast %parallel_loop3A_725 : f32 to vector<16xf32>
        %parallel_loop3A_727 = arith.maximumf %parallel_loop3A_724, %parallel_loop3A_726 : vector<16xf32>
        %parallel_loop3A_728 = arith.constant 0 : i32
        %parallel_loop3A_729 = arith.index_cast %parallel_loop3A_728 : i32 to index
        %parallel_loop3A_730 = arith.index_cast %parallel_loop3A_688 : i32 to index
        %parallel_loop3A_731 = arith.constant 16 : index
        %parallel_loop3A_732 = tpu.vector_load %arg13[%parallel_loop3A_729, %parallel_loop3A_730, %parallel_loop3A_731] {strides = array<i32>} : memref<2x128x80xf32, #tpu.memory_space<vmem>>, vector<1x1x16xf32>,
        %parallel_loop3A_733 = vector.shape_cast %parallel_loop3A_732 : vector<1x1x16xf32> to vector<16xf32>
        %parallel_loop3A_734 = vector.shape_cast %parallel_loop3A_727 : vector<16xf32> to vector<1x1x16xf32>
        tpu.vector_store %arg13[%parallel_loop3A_729, %parallel_loop3A_730, %parallel_loop3A_731], %parallel_loop3A_734 {strides = array<i32>} : memref<2x128x80xf32, #tpu.memory_space<vmem>>, vector<1x1x16xf32>,
        %parallel_loop3A_735 = arith.constant 0 : i32
        %parallel_loop3A_736 = arith.index_cast %parallel_loop3A_735 : i32 to index
        %parallel_loop3A_737 = arith.index_cast %parallel_loop3A_688 : i32 to index
        %parallel_loop3A_738 = arith.constant 32 : index
        %parallel_loop3A_739 = tpu.vector_load %arg12[%parallel_loop3A_736, %parallel_loop3A_737, %parallel_loop3A_738] {strides = array<i32>} : memref<2x128x64xf32, #tpu.memory_space<vmem>>, vector<1x1x16xf32>,
        %parallel_loop3A_740 = vector.shape_cast %parallel_loop3A_739 : vector<1x1x16xf32> to vector<16xf32>
        %parallel_loop3A_741 = arith.constant 0 : i32
        %parallel_loop3A_742 = arith.index_cast %parallel_loop3A_741 : i32 to index
        %parallel_loop3A_743 = arith.index_cast %parallel_loop3A_688 : i32 to index
        %parallel_loop3A_744 = arith.constant 32 : index
        %parallel_loop3A_745 = tpu.vector_load %arg11[%parallel_loop3A_742, %parallel_loop3A_743, %parallel_loop3A_744] {strides = array<i32>} : memref<2x128x64xf32, #tpu.memory_space<vmem>>, vector<1x1x16xf32>,
        %parallel_loop3A_746 = vector.shape_cast %parallel_loop3A_745 : vector<1x1x16xf32> to vector<16xf32>
        %parallel_loop3A_747 = arith.addf %parallel_loop3A_740, %parallel_loop3A_746 : vector<16xf32>
        %parallel_loop3A_748 = arith.constant 0.000000e+00 : f32
        %parallel_loop3A_749 = vector.broadcast %parallel_loop3A_748 : f32 to vector<16xf32>
        %parallel_loop3A_750 = arith.maximumf %parallel_loop3A_747, %parallel_loop3A_749 : vector<16xf32>
        %parallel_loop3A_751 = arith.constant 0 : i32
        %parallel_loop3A_752 = arith.index_cast %parallel_loop3A_751 : i32 to index
        %parallel_loop3A_753 = arith.index_cast %parallel_loop3A_688 : i32 to index
        %parallel_loop3A_754 = arith.constant 32 : index
        %parallel_loop3A_755 = tpu.vector_load %arg13[%parallel_loop3A_752, %parallel_loop3A_753, %parallel_loop3A_754] {strides = array<i32>} : memref<2x128x80xf32, #tpu.memory_space<vmem>>, vector<1x1x16xf32>,
        %parallel_loop3A_756 = vector.shape_cast %parallel_loop3A_755 : vector<1x1x16xf32> to vector<16xf32>
        %parallel_loop3A_757 = vector.shape_cast %parallel_loop3A_750 : vector<16xf32> to vector<1x1x16xf32>
        tpu.vector_store %arg13[%parallel_loop3A_752, %parallel_loop3A_753, %parallel_loop3A_754], %parallel_loop3A_757 {strides = array<i32>} : memref<2x128x80xf32, #tpu.memory_space<vmem>>, vector<1x1x16xf32>,
        %parallel_loop3A_758 = arith.constant 0 : i32
        %parallel_loop3A_759 = arith.index_cast %parallel_loop3A_758 : i32 to index
        %parallel_loop3A_760 = arith.index_cast %parallel_loop3A_688 : i32 to index
        %parallel_loop3A_761 = arith.constant 48 : index
        %parallel_loop3A_762 = tpu.vector_load %arg12[%parallel_loop3A_759, %parallel_loop3A_760, %parallel_loop3A_761] {strides = array<i32>} : memref<2x128x64xf32, #tpu.memory_space<vmem>>, vector<1x1x16xf32>,
        %parallel_loop3A_763 = vector.shape_cast %parallel_loop3A_762 : vector<1x1x16xf32> to vector<16xf32>
        %parallel_loop3A_764 = arith.constant 0 : i32
        %parallel_loop3A_765 = arith.index_cast %parallel_loop3A_764 : i32 to index
        %parallel_loop3A_766 = arith.index_cast %parallel_loop3A_688 : i32 to index
        %parallel_loop3A_767 = arith.constant 48 : index
        %parallel_loop3A_768 = tpu.vector_load %arg11[%parallel_loop3A_765, %parallel_loop3A_766, %parallel_loop3A_767] {strides = array<i32>} : memref<2x128x64xf32, #tpu.memory_space<vmem>>, vector<1x1x16xf32>,
        %parallel_loop3A_769 = vector.shape_cast %parallel_loop3A_768 : vector<1x1x16xf32> to vector<16xf32>
        %parallel_loop3A_770 = arith.addf %parallel_loop3A_763, %parallel_loop3A_769 : vector<16xf32>
        %parallel_loop3A_771 = arith.constant 0.000000e+00 : f32
        %parallel_loop3A_772 = vector.broadcast %parallel_loop3A_771 : f32 to vector<16xf32>
        %parallel_loop3A_773 = arith.maximumf %parallel_loop3A_770, %parallel_loop3A_772 : vector<16xf32>
        %parallel_loop3A_774 = arith.constant 0 : i32
        %parallel_loop3A_775 = arith.index_cast %parallel_loop3A_774 : i32 to index
        %parallel_loop3A_776 = arith.index_cast %parallel_loop3A_688 : i32 to index
        %parallel_loop3A_777 = arith.constant 48 : index
        %parallel_loop3A_778 = tpu.vector_load %arg13[%parallel_loop3A_775, %parallel_loop3A_776, %parallel_loop3A_777] {strides = array<i32>} : memref<2x128x80xf32, #tpu.memory_space<vmem>>, vector<1x1x16xf32>,
        %parallel_loop3A_779 = vector.shape_cast %parallel_loop3A_778 : vector<1x1x16xf32> to vector<16xf32>
        %parallel_loop3A_780 = vector.shape_cast %parallel_loop3A_773 : vector<16xf32> to vector<1x1x16xf32>
        tpu.vector_store %arg13[%parallel_loop3A_775, %parallel_loop3A_776, %parallel_loop3A_777], %parallel_loop3A_780 {strides = array<i32>} : memref<2x128x80xf32, #tpu.memory_space<vmem>>, vector<1x1x16xf32>,
      } {sc.loop_unroll_factor = 4 : i64, sc.parallel_access}
      %parallel_loop3A_625 = arith.constant 0 : i32
      %parallel_loop3A_626 = arith.constant 128 : i32
      %parallel_loop3A_627 = arith.constant 16 : i32
      scf.for %parallel_loop3A_688 = %parallel_loop3A_625 to %parallel_loop3A_626 step %parallel_loop3A_627  : i32 {
        %parallel_loop3A_689 = arith.constant 0 : i32
        %parallel_loop3A_690 = arith.index_cast %parallel_loop3A_689 : i32 to index
        %parallel_loop3A_691 = arith.index_cast %parallel_loop3A_688 : i32 to index
        %parallel_loop3A_692 = tpu.vector_load %arg9[%parallel_loop3A_690, %parallel_loop3A_691] {strides = array<i32>} : memref<2x128xi32, #tpu.memory_space<vmem>>, vector<1x16xi32>,
        %parallel_loop3A_693 = vector.shape_cast %parallel_loop3A_692 : vector<1x16xi32> to vector<16xi32>
        %parallel_loop3A_694 = arith.constant 0 : i32
        %parallel_loop3A_695 = arith.index_cast %parallel_loop3A_694 : i32 to index
        %parallel_loop3A_696 = arith.index_cast %parallel_loop3A_688 : i32 to index
        %parallel_loop3A_697 = tpu.vector_load %arg10[%parallel_loop3A_695, %parallel_loop3A_696] {strides = array<i32>} : memref<2x128xi32, #tpu.memory_space<vmem>>, vector<1x16xi32>,
        %parallel_loop3A_698 = vector.shape_cast %parallel_loop3A_697 : vector<1x16xi32> to vector<16xi32>
        %parallel_loop3A_699 = vector.shape_cast %parallel_loop3A_693 : vector<16xi32> to vector<1x16xi32>
        tpu.vector_store %arg10[%parallel_loop3A_695, %parallel_loop3A_696], %parallel_loop3A_699 {strides = array<i32>} : memref<2x128xi32, #tpu.memory_space<vmem>>, vector<1x16xi32>,
      } {sc.loop_unroll_factor = 1 : i64, sc.parallel_access}
      %dma_start3A_628 = arith.constant 0 : i32
      %dma_start3A_629 = arith.constant 0 : i32
      %dma_start3A_630 = arith.constant 0 : i32
      %dma_start3A_631 = arith.constant 0 : i32
      %dma_start3A_632 = tpu.memref_slice %arg13[%dma_start3A_628, %dma_start3A_630, %dma_start3A_631] : memref<2x128x80xf32, #tpu.memory_space<vmem>> -> memref<1x128x80xf32, #tpu.memory_space<vmem>>
      %dma_start3A_633 = tpu.memref_squeeze %dma_start3A_632 : memref<1x128x80xf32, #tpu.memory_space<vmem>> -> memref<128x80xf32, #tpu.memory_space<vmem>>
      %dma_start3A_634 = arith.constant 0 : i32
      %dma_start3A_635 = tpu.memref_slice %arg10[%dma_start3A_629, %dma_start3A_634] : memref<2x128xi32, #tpu.memory_space<vmem>> -> memref<1x128xi32, #tpu.memory_space<vmem>>
      %dma_start3A_636 = tpu.memref_squeeze %dma_start3A_635 : memref<1x128xi32, #tpu.memory_space<vmem>> -> memref<128xi32, #tpu.memory_space<vmem>>
      %dma_start3A_637 = arith.constant 0 : i32
      %dma_start3A_638 = arith.constant 0 : i32
      %dma_start3A_639 = tpu.memref_slice %arg7[%dma_start3A_637, %dma_start3A_638] : memref<10240x80xf32, #tpu.memory_space<vmem_shared>> -> memref<10240x80xf32, #tpu.memory_space<vmem_shared>>
      tpu.enqueue_indirect_dma source(%dma_start3A_633 : memref<128x80xf32, #tpu.memory_space<vmem>>) target(%dma_start3A_639 : memref<10240x80xf32, #tpu.memory_space<vmem_shared>>) offsets(%dma_start3A_636 : memref<128xi32, #tpu.memory_space<vmem>>) semaphore(%arg19 : memref<!tpu.dma_semaphore, #tpu.memory_space<semaphore_mem>>) {add = true}
      %add3A_640 = arith.constant 2 : i32
      %add3A_641 = arith.addi %add3A_475, %add3A_640 : i32
      %add3A_642 = arith.constant 0 : i32
      %add3A_643 = arith.addi %add3A_641, %add3A_642 : i32
      %lt3A_644 = arith.constant 78 : i32
      %lt3A_645 = arith.cmpi slt, %add3A_643, %lt3A_644 : i32
      %convert_element_type3A_646 = arith.extui %lt3A_645 : i1 to i32
      %cond3A_647 = arith.constant 0 : i32
      %cond3A_648 = arith.cmpi ne, %convert_element_type3A_646, %cond3A_647 : i32
      scf.if %cond3A_648 {
        %add3A_688 = arith.constant 2 : i32
        %add3A_689 = arith.addi %add3A_475, %add3A_688 : i32
        %add3A_690 = arith.constant 0 : i32
        %add3A_691 = arith.addi %add3A_689, %add3A_690 : i32
        %mul3A_692 = arith.constant 32 : i32
        %mul3A_693 = arith.muli %mul3A_692, %add3A_691 : i32
        %add3A_694 = arith.addi %add3A_56, %mul3A_693 : i32
        %mul3A_695 = arith.constant 128 : i32
        %mul3A_696 = arith.muli %add3A_694, %mul3A_695 : i32
        %multiple_of3A_697 = tpu.assume_multiple %mul3A_696, 128 : i32
        %dma_start3A_698 = arith.constant 0 : i32
        %dma_start3A_699 = arith.constant 0 : i32
        %dma_start3A_700 = tpu.memref_slice %arg8[%dma_start3A_698, %dma_start3A_699] : memref<2x128xi32, #tpu.memory_space<vmem>> -> memref<1x128xi32, #tpu.memory_space<vmem>>
        %dma_start3A_701 = tpu.memref_squeeze %dma_start3A_700 : memref<1x128xi32, #tpu.memory_space<vmem>> -> memref<128xi32, #tpu.memory_space<vmem>>
        %dma_start3A_702 = arith.constant 0 : i32
        %dma_start3A_703 = tpu.memref_slice %arg4[%add3A_694, %dma_start3A_702] : memref<2500x128xi32, #tpu.memory_space<hbm>> -> memref<1x128xi32, #tpu.memory_space<hbm>>
        %dma_start3A_704 = tpu.memref_squeeze %dma_start3A_703 : memref<1x128xi32, #tpu.memory_space<hbm>> -> memref<128xi32, #tpu.memory_space<hbm>>
        %dma_start3A_705 = arith.constant 0 : i32
        %dma_start3A_706 = tpu.memref_slice %arg8[%dma_start3A_698, %dma_start3A_705] : memref<2x128xi32, #tpu.memory_space<vmem>> -> memref<1x128xi32, #tpu.memory_space<vmem>>
        %dma_start3A_707 = tpu.memref_squeeze %dma_start3A_706 : memref<1x128xi32, #tpu.memory_space<vmem>> -> memref<128xi32, #tpu.memory_space<vmem>>
        %dma_start3A_708 = arith.constant 0 : i32
        %dma_start3A_709 = tpu.memref_slice %arg4[%add3A_694, %dma_start3A_708] : memref<2500x128xi32, #tpu.memory_space<hbm>> -> memref<1x128xi32, #tpu.memory_space<hbm>>
        %dma_start3A_710 = tpu.memref_squeeze %dma_start3A_709 : memref<1x128xi32, #tpu.memory_space<hbm>> -> memref<128xi32, #tpu.memory_space<hbm>>
        tpu.enqueue_dma source(%dma_start3A_710 : memref<128xi32, #tpu.memory_space<hbm>>) target(%dma_start3A_707 : memref<128xi32, #tpu.memory_space<vmem>>) target_semaphore(%arg15 : memref<!tpu.dma_semaphore, #tpu.memory_space<semaphore_mem>>)
        %dma_start3A_711 = arith.constant 0 : i32
        %dma_start3A_712 = arith.constant 0 : i32
        %dma_start3A_713 = tpu.memref_slice %arg9[%dma_start3A_711, %dma_start3A_712] : memref<2x128xi32, #tpu.memory_space<vmem>> -> memref<1x128xi32, #tpu.memory_space<vmem>>
        %dma_start3A_714 = tpu.memref_squeeze %dma_start3A_713 : memref<1x128xi32, #tpu.memory_space<vmem>> -> memref<128xi32, #tpu.memory_space<vmem>>
        %dma_start3A_715 = arith.constant 0 : i32
        %dma_start3A_716 = tpu.memref_slice %arg5[%add3A_694, %dma_start3A_715] : memref<2500x128xi32, #tpu.memory_space<hbm>> -> memref<1x128xi32, #tpu.memory_space<hbm>>
        %dma_start3A_717 = tpu.memref_squeeze %dma_start3A_716 : memref<1x128xi32, #tpu.memory_space<hbm>> -> memref<128xi32, #tpu.memory_space<hbm>>
        %dma_start3A_718 = arith.constant 0 : i32
        %dma_start3A_719 = tpu.memref_slice %arg9[%dma_start3A_711, %dma_start3A_718] : memref<2x128xi32, #tpu.memory_space<vmem>> -> memref<1x128xi32, #tpu.memory_space<vmem>>
        %dma_start3A_720 = tpu.memref_squeeze %dma_start3A_719 : memref<1x128xi32, #tpu.memory_space<vmem>> -> memref<128xi32, #tpu.memory_space<vmem>>
        %dma_start3A_721 = arith.constant 0 : i32
        %dma_start3A_722 = tpu.memref_slice %arg5[%add3A_694, %dma_start3A_721] : memref<2500x128xi32, #tpu.memory_space<hbm>> -> memref<1x128xi32, #tpu.memory_space<hbm>>
        %dma_start3A_723 = tpu.memref_squeeze %dma_start3A_722 : memref<1x128xi32, #tpu.memory_space<hbm>> -> memref<128xi32, #tpu.memory_space<hbm>>
        tpu.enqueue_dma source(%dma_start3A_723 : memref<128xi32, #tpu.memory_space<hbm>>) target(%dma_start3A_720 : memref<128xi32, #tpu.memory_space<vmem>>) target_semaphore(%arg15 : memref<!tpu.dma_semaphore, #tpu.memory_space<semaphore_mem>>)
        %dma_start3A_724 = arith.constant 0 : i32
        %dma_start3A_725 = arith.constant 0 : i32
        %dma_start3A_726 = arith.constant 0 : i32
        %dma_start3A_727 = tpu.memref_slice %arg11[%dma_start3A_724, %dma_start3A_725, %dma_start3A_726] : memref<2x128x64xf32, #tpu.memory_space<vmem>> -> memref<1x128x64xf32, #tpu.memory_space<vmem>>
        %dma_start3A_728 = tpu.memref_squeeze %dma_start3A_727 : memref<1x128x64xf32, #tpu.memory_space<vmem>> -> memref<128x64xf32, #tpu.memory_space<vmem>>
        %dma_start3A_729 = arith.constant 0 : i32
        %dma_start3A_730 = tpu.memref_slice %arg3[%multiple_of3A_697, %dma_start3A_729] : memref<320000x64xf32, #tpu.memory_space<hbm>> -> memref<128x64xf32, #tpu.memory_space<hbm>>
        %dma_start3A_731 = arith.constant 0 : i32
        %dma_start3A_732 = arith.constant 0 : i32
        %dma_start3A_733 = tpu.memref_slice %arg11[%dma_start3A_724, %dma_start3A_731, %dma_start3A_732] : memref<2x128x64xf32, #tpu.memory_space<vmem>> -> memref<1x128x64xf32, #tpu.memory_space<vmem>>
        %dma_start3A_734 = tpu.memref_squeeze %dma_start3A_733 : memref<1x128x64xf32, #tpu.memory_space<vmem>> -> memref<128x64xf32, #tpu.memory_space<vmem>>
        %dma_start3A_735 = arith.constant 0 : i32
        %dma_start3A_736 = tpu.memref_slice %arg3[%multiple_of3A_697, %dma_start3A_735] : memref<320000x64xf32, #tpu.memory_space<hbm>> -> memref<128x64xf32, #tpu.memory_space<hbm>>
        tpu.enqueue_dma source(%dma_start3A_736 : memref<128x64xf32, #tpu.memory_space<hbm>>) target(%dma_start3A_734 : memref<128x64xf32, #tpu.memory_space<vmem>>) target_semaphore(%arg15 : memref<!tpu.dma_semaphore, #tpu.memory_space<semaphore_mem>>)
      } else {
      }
      %dma_wait3A_649 = arith.constant 1 : i32
      %dma_wait3A_650 = arith.constant 1 : i32
      %dma_wait3A_651 = arith.constant 0 : i32
      %dma_wait3A_652 = arith.constant 0 : i32
      %dma_wait3A_653 = tpu.memref_slice %arg12[%dma_wait3A_650, %dma_wait3A_651, %dma_wait3A_652] : memref<2x128x64xf32, #tpu.memory_space<vmem>> -> memref<1x128x64xf32, #tpu.memory_space<vmem>>
      %dma_wait3A_654 = tpu.memref_squeeze %dma_wait3A_653 : memref<1x128x64xf32, #tpu.memory_space<vmem>> -> memref<128x64xf32, #tpu.memory_space<vmem>>
      %dma_wait3A_655 = arith.constant 0 : i32
      %dma_wait3A_656 = tpu.memref_slice %arg8[%dma_wait3A_649, %dma_wait3A_655] : memref<2x128xi32, #tpu.memory_space<vmem>> -> memref<1x128xi32, #tpu.memory_space<vmem>>
      %dma_wait3A_657 = tpu.memref_squeeze %dma_wait3A_656 : memref<1x128xi32, #tpu.memory_space<vmem>> -> memref<128xi32, #tpu.memory_space<vmem>>
      %dma_wait3A_658 = arith.constant 0 : i32
      %dma_wait3A_659 = arith.constant 0 : i32
      %dma_wait3A_660 = tpu.memref_slice %arg2[%dma_wait3A_658, %dma_wait3A_659] : memref<10000x64xf32, #tpu.memory_space<hbm>> -> memref<10000x64xf32, #tpu.memory_space<hbm>>
      tpu.wait_indirect_dma semaphore(%arg18 : memref<!tpu.dma_semaphore, #tpu.memory_space<semaphore_mem>>) src(%dma_wait3A_660 : memref<10000x64xf32, #tpu.memory_space<hbm>>) dst(%dma_wait3A_654 : memref<128x64xf32, #tpu.memory_space<vmem>>)
      %parallel_loop3A_661 = arith.constant 0 : i32
      %parallel_loop3A_662 = arith.constant 128 : i32
      %parallel_loop3A_663 = arith.constant 1 : i32
      scf.for %parallel_loop3A_688 = %parallel_loop3A_661 to %parallel_loop3A_662 step %parallel_loop3A_663  : i32 {
        %parallel_loop3A_689 = arith.constant 1 : i32
        %parallel_loop3A_690 = arith.index_cast %parallel_loop3A_689 : i32 to index
        %parallel_loop3A_691 = arith.index_cast %parallel_loop3A_688 : i32 to index
        %parallel_loop3A_692 = arith.constant 0 : index
        %parallel_loop3A_693 = tpu.vector_load %arg12[%parallel_loop3A_690, %parallel_loop3A_691, %parallel_loop3A_692] {strides = array<i32>} : memref<2x128x64xf32, #tpu.memory_space<vmem>>, vector<1x1x16xf32>,
        %parallel_loop3A_694 = vector.shape_cast %parallel_loop3A_693 : vector<1x1x16xf32> to vector<16xf32>
        %parallel_loop3A_695 = arith.constant 1 : i32
        %parallel_loop3A_696 = arith.index_cast %parallel_loop3A_695 : i32 to index
        %parallel_loop3A_697 = arith.index_cast %parallel_loop3A_688 : i32 to index
        %parallel_loop3A_698 = arith.constant 0 : index
        %parallel_loop3A_699 = tpu.vector_load %arg11[%parallel_loop3A_696, %parallel_loop3A_697, %parallel_loop3A_698] {strides = array<i32>} : memref<2x128x64xf32, #tpu.memory_space<vmem>>, vector<1x1x16xf32>,
        %parallel_loop3A_700 = vector.shape_cast %parallel_loop3A_699 : vector<1x1x16xf32> to vector<16xf32>
        %parallel_loop3A_701 = arith.addf %parallel_loop3A_694, %parallel_loop3A_700 : vector<16xf32>
        %parallel_loop3A_702 = arith.constant 0.000000e+00 : f32
        %parallel_loop3A_703 = vector.broadcast %parallel_loop3A_702 : f32 to vector<16xf32>
        %parallel_loop3A_704 = arith.maximumf %parallel_loop3A_701, %parallel_loop3A_703 : vector<16xf32>
        %parallel_loop3A_705 = arith.constant 1 : i32
        %parallel_loop3A_706 = arith.index_cast %parallel_loop3A_705 : i32 to index
        %parallel_loop3A_707 = arith.index_cast %parallel_loop3A_688 : i32 to index
        %parallel_loop3A_708 = arith.constant 0 : index
        %parallel_loop3A_709 = tpu.vector_load %arg13[%parallel_loop3A_706, %parallel_loop3A_707, %parallel_loop3A_708] {strides = array<i32>} : memref<2x128x80xf32, #tpu.memory_space<vmem>>, vector<1x1x16xf32>,
        %parallel_loop3A_710 = vector.shape_cast %parallel_loop3A_709 : vector<1x1x16xf32> to vector<16xf32>
        %parallel_loop3A_711 = vector.shape_cast %parallel_loop3A_704 : vector<16xf32> to vector<1x1x16xf32>
        tpu.vector_store %arg13[%parallel_loop3A_706, %parallel_loop3A_707, %parallel_loop3A_708], %parallel_loop3A_711 {strides = array<i32>} : memref<2x128x80xf32, #tpu.memory_space<vmem>>, vector<1x1x16xf32>,
        %parallel_loop3A_712 = arith.constant 1 : i32
        %parallel_loop3A_713 = arith.index_cast %parallel_loop3A_712 : i32 to index
        %parallel_loop3A_714 = arith.index_cast %parallel_loop3A_688 : i32 to index
        %parallel_loop3A_715 = arith.constant 16 : index
        %parallel_loop3A_716 = tpu.vector_load %arg12[%parallel_loop3A_713, %parallel_loop3A_714, %parallel_loop3A_715] {strides = array<i32>} : memref<2x128x64xf32, #tpu.memory_space<vmem>>, vector<1x1x16xf32>,
        %parallel_loop3A_717 = vector.shape_cast %parallel_loop3A_716 : vector<1x1x16xf32> to vector<16xf32>
        %parallel_loop3A_718 = arith.constant 1 : i32
        %parallel_loop3A_719 = arith.index_cast %parallel_loop3A_718 : i32 to index
        %parallel_loop3A_720 = arith.index_cast %parallel_loop3A_688 : i32 to index
        %parallel_loop3A_721 = arith.constant 16 : index
        %parallel_loop3A_722 = tpu.vector_load %arg11[%parallel_loop3A_719, %parallel_loop3A_720, %parallel_loop3A_721] {strides = array<i32>} : memref<2x128x64xf32, #tpu.memory_space<vmem>>, vector<1x1x16xf32>,
        %parallel_loop3A_723 = vector.shape_cast %parallel_loop3A_722 : vector<1x1x16xf32> to vector<16xf32>
        %parallel_loop3A_724 = arith.addf %parallel_loop3A_717, %parallel_loop3A_723 : vector<16xf32>
        %parallel_loop3A_725 = arith.constant 0.000000e+00 : f32
        %parallel_loop3A_726 = vector.broadcast %parallel_loop3A_725 : f32 to vector<16xf32>
        %parallel_loop3A_727 = arith.maximumf %parallel_loop3A_724, %parallel_loop3A_726 : vector<16xf32>
        %parallel_loop3A_728 = arith.constant 1 : i32
        %parallel_loop3A_729 = arith.index_cast %parallel_loop3A_728 : i32 to index
        %parallel_loop3A_730 = arith.index_cast %parallel_loop3A_688 : i32 to index
        %parallel_loop3A_731 = arith.constant 16 : index
        %parallel_loop3A_732 = tpu.vector_load %arg13[%parallel_loop3A_729, %parallel_loop3A_730, %parallel_loop3A_731] {strides = array<i32>} : memref<2x128x80xf32, #tpu.memory_space<vmem>>, vector<1x1x16xf32>,
        %parallel_loop3A_733 = vector.shape_cast %parallel_loop3A_732 : vector<1x1x16xf32> to vector<16xf32>
        %parallel_loop3A_734 = vector.shape_cast %parallel_loop3A_727 : vector<16xf32> to vector<1x1x16xf32>
        tpu.vector_store %arg13[%parallel_loop3A_729, %parallel_loop3A_730, %parallel_loop3A_731], %parallel_loop3A_734 {strides = array<i32>} : memref<2x128x80xf32, #tpu.memory_space<vmem>>, vector<1x1x16xf32>,
        %parallel_loop3A_735 = arith.constant 1 : i32
        %parallel_loop3A_736 = arith.index_cast %parallel_loop3A_735 : i32 to index
        %parallel_loop3A_737 = arith.index_cast %parallel_loop3A_688 : i32 to index
        %parallel_loop3A_738 = arith.constant 32 : index
        %parallel_loop3A_739 = tpu.vector_load %arg12[%parallel_loop3A_736, %parallel_loop3A_737, %parallel_loop3A_738] {strides = array<i32>} : memref<2x128x64xf32, #tpu.memory_space<vmem>>, vector<1x1x16xf32>,
        %parallel_loop3A_740 = vector.shape_cast %parallel_loop3A_739 : vector<1x1x16xf32> to vector<16xf32>
        %parallel_loop3A_741 = arith.constant 1 : i32
        %parallel_loop3A_742 = arith.index_cast %parallel_loop3A_741 : i32 to index
        %parallel_loop3A_743 = arith.index_cast %parallel_loop3A_688 : i32 to index
        %parallel_loop3A_744 = arith.constant 32 : index
        %parallel_loop3A_745 = tpu.vector_load %arg11[%parallel_loop3A_742, %parallel_loop3A_743, %parallel_loop3A_744] {strides = array<i32>} : memref<2x128x64xf32, #tpu.memory_space<vmem>>, vector<1x1x16xf32>,
        %parallel_loop3A_746 = vector.shape_cast %parallel_loop3A_745 : vector<1x1x16xf32> to vector<16xf32>
        %parallel_loop3A_747 = arith.addf %parallel_loop3A_740, %parallel_loop3A_746 : vector<16xf32>
        %parallel_loop3A_748 = arith.constant 0.000000e+00 : f32
        %parallel_loop3A_749 = vector.broadcast %parallel_loop3A_748 : f32 to vector<16xf32>
        %parallel_loop3A_750 = arith.maximumf %parallel_loop3A_747, %parallel_loop3A_749 : vector<16xf32>
        %parallel_loop3A_751 = arith.constant 1 : i32
        %parallel_loop3A_752 = arith.index_cast %parallel_loop3A_751 : i32 to index
        %parallel_loop3A_753 = arith.index_cast %parallel_loop3A_688 : i32 to index
        %parallel_loop3A_754 = arith.constant 32 : index
        %parallel_loop3A_755 = tpu.vector_load %arg13[%parallel_loop3A_752, %parallel_loop3A_753, %parallel_loop3A_754] {strides = array<i32>} : memref<2x128x80xf32, #tpu.memory_space<vmem>>, vector<1x1x16xf32>,
        %parallel_loop3A_756 = vector.shape_cast %parallel_loop3A_755 : vector<1x1x16xf32> to vector<16xf32>
        %parallel_loop3A_757 = vector.shape_cast %parallel_loop3A_750 : vector<16xf32> to vector<1x1x16xf32>
        tpu.vector_store %arg13[%parallel_loop3A_752, %parallel_loop3A_753, %parallel_loop3A_754], %parallel_loop3A_757 {strides = array<i32>} : memref<2x128x80xf32, #tpu.memory_space<vmem>>, vector<1x1x16xf32>,
        %parallel_loop3A_758 = arith.constant 1 : i32
        %parallel_loop3A_759 = arith.index_cast %parallel_loop3A_758 : i32 to index
        %parallel_loop3A_760 = arith.index_cast %parallel_loop3A_688 : i32 to index
        %parallel_loop3A_761 = arith.constant 48 : index
        %parallel_loop3A_762 = tpu.vector_load %arg12[%parallel_loop3A_759, %parallel_loop3A_760, %parallel_loop3A_761] {strides = array<i32>} : memref<2x128x64xf32, #tpu.memory_space<vmem>>, vector<1x1x16xf32>,
        %parallel_loop3A_763 = vector.shape_cast %parallel_loop3A_762 : vector<1x1x16xf32> to vector<16xf32>
        %parallel_loop3A_764 = arith.constant 1 : i32
        %parallel_loop3A_765 = arith.index_cast %parallel_loop3A_764 : i32 to index
        %parallel_loop3A_766 = arith.index_cast %parallel_loop3A_688 : i32 to index
        %parallel_loop3A_767 = arith.constant 48 : index
        %parallel_loop3A_768 = tpu.vector_load %arg11[%parallel_loop3A_765, %parallel_loop3A_766, %parallel_loop3A_767] {strides = array<i32>} : memref<2x128x64xf32, #tpu.memory_space<vmem>>, vector<1x1x16xf32>,
        %parallel_loop3A_769 = vector.shape_cast %parallel_loop3A_768 : vector<1x1x16xf32> to vector<16xf32>
        %parallel_loop3A_770 = arith.addf %parallel_loop3A_763, %parallel_loop3A_769 : vector<16xf32>
        %parallel_loop3A_771 = arith.constant 0.000000e+00 : f32
        %parallel_loop3A_772 = vector.broadcast %parallel_loop3A_771 : f32 to vector<16xf32>
        %parallel_loop3A_773 = arith.maximumf %parallel_loop3A_770, %parallel_loop3A_772 : vector<16xf32>
        %parallel_loop3A_774 = arith.constant 1 : i32
        %parallel_loop3A_775 = arith.index_cast %parallel_loop3A_774 : i32 to index
        %parallel_loop3A_776 = arith.index_cast %parallel_loop3A_688 : i32 to index
        %parallel_loop3A_777 = arith.constant 48 : index
        %parallel_loop3A_778 = tpu.vector_load %arg13[%parallel_loop3A_775, %parallel_loop3A_776, %parallel_loop3A_777] {strides = array<i32>} : memref<2x128x80xf32, #tpu.memory_space<vmem>>, vector<1x1x16xf32>,
        %parallel_loop3A_779 = vector.shape_cast %parallel_loop3A_778 : vector<1x1x16xf32> to vector<16xf32>
        %parallel_loop3A_780 = vector.shape_cast %parallel_loop3A_773 : vector<16xf32> to vector<1x1x16xf32>
        tpu.vector_store %arg13[%parallel_loop3A_775, %parallel_loop3A_776, %parallel_loop3A_777], %parallel_loop3A_780 {strides = array<i32>} : memref<2x128x80xf32, #tpu.memory_space<vmem>>, vector<1x1x16xf32>,
      } {sc.loop_unroll_factor = 4 : i64, sc.parallel_access}
      %parallel_loop3A_664 = arith.constant 0 : i32
      %parallel_loop3A_665 = arith.constant 128 : i32
      %parallel_loop3A_666 = arith.constant 16 : i32
      scf.for %parallel_loop3A_688 = %parallel_loop3A_664 to %parallel_loop3A_665 step %parallel_loop3A_666  : i32 {
        %parallel_loop3A_689 = arith.constant 1 : i32
        %parallel_loop3A_690 = arith.index_cast %parallel_loop3A_689 : i32 to index
        %parallel_loop3A_691 = arith.index_cast %parallel_loop3A_688 : i32 to index
        %parallel_loop3A_692 = tpu.vector_load %arg9[%parallel_loop3A_690, %parallel_loop3A_691] {strides = array<i32>} : memref<2x128xi32, #tpu.memory_space<vmem>>, vector<1x16xi32>,
        %parallel_loop3A_693 = vector.shape_cast %parallel_loop3A_692 : vector<1x16xi32> to vector<16xi32>
        %parallel_loop3A_694 = arith.constant 1 : i32
        %parallel_loop3A_695 = arith.index_cast %parallel_loop3A_694 : i32 to index
        %parallel_loop3A_696 = arith.index_cast %parallel_loop3A_688 : i32 to index
        %parallel_loop3A_697 = tpu.vector_load %arg10[%parallel_loop3A_695, %parallel_loop3A_696] {strides = array<i32>} : memref<2x128xi32, #tpu.memory_space<vmem>>, vector<1x16xi32>,
        %parallel_loop3A_698 = vector.shape_cast %parallel_loop3A_697 : vector<1x16xi32> to vector<16xi32>
        %parallel_loop3A_699 = vector.shape_cast %parallel_loop3A_693 : vector<16xi32> to vector<1x16xi32>
        tpu.vector_store %arg10[%parallel_loop3A_695, %parallel_loop3A_696], %parallel_loop3A_699 {strides = array<i32>} : memref<2x128xi32, #tpu.memory_space<vmem>>, vector<1x16xi32>,
      } {sc.loop_unroll_factor = 1 : i64, sc.parallel_access}
      %dma_start3A_667 = arith.constant 1 : i32
      %dma_start3A_668 = arith.constant 1 : i32
      %dma_start3A_669 = arith.constant 0 : i32
      %dma_start3A_670 = arith.constant 0 : i32
      %dma_start3A_671 = tpu.memref_slice %arg13[%dma_start3A_667, %dma_start3A_669, %dma_start3A_670] : memref<2x128x80xf32, #tpu.memory_space<vmem>> -> memref<1x128x80xf32, #tpu.memory_space<vmem>>
      %dma_start3A_672 = tpu.memref_squeeze %dma_start3A_671 : memref<1x128x80xf32, #tpu.memory_space<vmem>> -> memref<128x80xf32, #tpu.memory_space<vmem>>
      %dma_start3A_673 = arith.constant 0 : i32
      %dma_start3A_674 = tpu.memref_slice %arg10[%dma_start3A_668, %dma_start3A_673] : memref<2x128xi32, #tpu.memory_space<vmem>> -> memref<1x128xi32, #tpu.memory_space<vmem>>
      %dma_start3A_675 = tpu.memref_squeeze %dma_start3A_674 : memref<1x128xi32, #tpu.memory_space<vmem>> -> memref<128xi32, #tpu.memory_space<vmem>>
      %dma_start3A_676 = arith.constant 0 : i32
      %dma_start3A_677 = arith.constant 0 : i32
      %dma_start3A_678 = tpu.memref_slice %arg7[%dma_start3A_676, %dma_start3A_677] : memref<10240x80xf32, #tpu.memory_space<vmem_shared>> -> memref<10240x80xf32, #tpu.memory_space<vmem_shared>>
      tpu.enqueue_indirect_dma source(%dma_start3A_672 : memref<128x80xf32, #tpu.memory_space<vmem>>) target(%dma_start3A_678 : memref<10240x80xf32, #tpu.memory_space<vmem_shared>>) offsets(%dma_start3A_675 : memref<128xi32, #tpu.memory_space<vmem>>) semaphore(%arg20 : memref<!tpu.dma_semaphore, #tpu.memory_space<semaphore_mem>>) {add = true}
      %add3A_679 = arith.constant 2 : i32
      %add3A_680 = arith.addi %add3A_475, %add3A_679 : i32
      %add3A_681 = arith.constant 1 : i32
      %add3A_682 = arith.addi %add3A_680, %add3A_681 : i32
      %lt3A_683 = arith.constant 78 : i32
      %lt3A_684 = arith.cmpi slt, %add3A_682, %lt3A_683 : i32
      %convert_element_type3A_685 = arith.extui %lt3A_684 : i1 to i32
      %cond3A_686 = arith.constant 0 : i32
      %cond3A_687 = arith.cmpi ne, %convert_element_type3A_685, %cond3A_686 : i32
      scf.if %cond3A_687 {
        %add3A_688 = arith.constant 2 : i32
        %add3A_689 = arith.addi %add3A_475, %add3A_688 : i32
        %add3A_690 = arith.constant 1 : i32
        %add3A_691 = arith.addi %add3A_689, %add3A_690 : i32
        %mul3A_692 = arith.constant 32 : i32
        %mul3A_693 = arith.muli %mul3A_692, %add3A_691 : i32
        %add3A_694 = arith.addi %add3A_56, %mul3A_693 : i32
        %mul3A_695 = arith.constant 128 : i32
        %mul3A_696 = arith.muli %add3A_694, %mul3A_695 : i32
        %multiple_of3A_697 = tpu.assume_multiple %mul3A_696, 128 : i32
        %dma_start3A_698 = arith.constant 1 : i32
        %dma_start3A_699 = arith.constant 0 : i32
        %dma_start3A_700 = tpu.memref_slice %arg8[%dma_start3A_698, %dma_start3A_699] : memref<2x128xi32, #tpu.memory_space<vmem>> -> memref<1x128xi32, #tpu.memory_space<vmem>>
        %dma_start3A_701 = tpu.memref_squeeze %dma_start3A_700 : memref<1x128xi32, #tpu.memory_space<vmem>> -> memref<128xi32, #tpu.memory_space<vmem>>
        %dma_start3A_702 = arith.constant 0 : i32
        %dma_start3A_703 = tpu.memref_slice %arg4[%add3A_694, %dma_start3A_702] : memref<2500x128xi32, #tpu.memory_space<hbm>> -> memref<1x128xi32, #tpu.memory_space<hbm>>
        %dma_start3A_704 = tpu.memref_squeeze %dma_start3A_703 : memref<1x128xi32, #tpu.memory_space<hbm>> -> memref<128xi32, #tpu.memory_space<hbm>>
        %dma_start3A_705 = arith.constant 0 : i32
        %dma_start3A_706 = tpu.memref_slice %arg8[%dma_start3A_698, %dma_start3A_705] : memref<2x128xi32, #tpu.memory_space<vmem>> -> memref<1x128xi32, #tpu.memory_space<vmem>>
        %dma_start3A_707 = tpu.memref_squeeze %dma_start3A_706 : memref<1x128xi32, #tpu.memory_space<vmem>> -> memref<128xi32, #tpu.memory_space<vmem>>
        %dma_start3A_708 = arith.constant 0 : i32
        %dma_start3A_709 = tpu.memref_slice %arg4[%add3A_694, %dma_start3A_708] : memref<2500x128xi32, #tpu.memory_space<hbm>> -> memref<1x128xi32, #tpu.memory_space<hbm>>
        %dma_start3A_710 = tpu.memref_squeeze %dma_start3A_709 : memref<1x128xi32, #tpu.memory_space<hbm>> -> memref<128xi32, #tpu.memory_space<hbm>>
        tpu.enqueue_dma source(%dma_start3A_710 : memref<128xi32, #tpu.memory_space<hbm>>) target(%dma_start3A_707 : memref<128xi32, #tpu.memory_space<vmem>>) target_semaphore(%arg16 : memref<!tpu.dma_semaphore, #tpu.memory_space<semaphore_mem>>)
        %dma_start3A_711 = arith.constant 1 : i32
        %dma_start3A_712 = arith.constant 0 : i32
        %dma_start3A_713 = tpu.memref_slice %arg9[%dma_start3A_711, %dma_start3A_712] : memref<2x128xi32, #tpu.memory_space<vmem>> -> memref<1x128xi32, #tpu.memory_space<vmem>>
        %dma_start3A_714 = tpu.memref_squeeze %dma_start3A_713 : memref<1x128xi32, #tpu.memory_space<vmem>> -> memref<128xi32, #tpu.memory_space<vmem>>
        %dma_start3A_715 = arith.constant 0 : i32
        %dma_start3A_716 = tpu.memref_slice %arg5[%add3A_694, %dma_start3A_715] : memref<2500x128xi32, #tpu.memory_space<hbm>> -> memref<1x128xi32, #tpu.memory_space<hbm>>
        %dma_start3A_717 = tpu.memref_squeeze %dma_start3A_716 : memref<1x128xi32, #tpu.memory_space<hbm>> -> memref<128xi32, #tpu.memory_space<hbm>>
        %dma_start3A_718 = arith.constant 0 : i32
        %dma_start3A_719 = tpu.memref_slice %arg9[%dma_start3A_711, %dma_start3A_718] : memref<2x128xi32, #tpu.memory_space<vmem>> -> memref<1x128xi32, #tpu.memory_space<vmem>>
        %dma_start3A_720 = tpu.memref_squeeze %dma_start3A_719 : memref<1x128xi32, #tpu.memory_space<vmem>> -> memref<128xi32, #tpu.memory_space<vmem>>
        %dma_start3A_721 = arith.constant 0 : i32
        %dma_start3A_722 = tpu.memref_slice %arg5[%add3A_694, %dma_start3A_721] : memref<2500x128xi32, #tpu.memory_space<hbm>> -> memref<1x128xi32, #tpu.memory_space<hbm>>
        %dma_start3A_723 = tpu.memref_squeeze %dma_start3A_722 : memref<1x128xi32, #tpu.memory_space<hbm>> -> memref<128xi32, #tpu.memory_space<hbm>>
        tpu.enqueue_dma source(%dma_start3A_723 : memref<128xi32, #tpu.memory_space<hbm>>) target(%dma_start3A_720 : memref<128xi32, #tpu.memory_space<vmem>>) target_semaphore(%arg16 : memref<!tpu.dma_semaphore, #tpu.memory_space<semaphore_mem>>)
        %dma_start3A_724 = arith.constant 1 : i32
        %dma_start3A_725 = arith.constant 0 : i32
        %dma_start3A_726 = arith.constant 0 : i32
        %dma_start3A_727 = tpu.memref_slice %arg11[%dma_start3A_724, %dma_start3A_725, %dma_start3A_726] : memref<2x128x64xf32, #tpu.memory_space<vmem>> -> memref<1x128x64xf32, #tpu.memory_space<vmem>>
        %dma_start3A_728 = tpu.memref_squeeze %dma_start3A_727 : memref<1x128x64xf32, #tpu.memory_space<vmem>> -> memref<128x64xf32, #tpu.memory_space<vmem>>
        %dma_start3A_729 = arith.constant 0 : i32
        %dma_start3A_730 = tpu.memref_slice %arg3[%multiple_of3A_697, %dma_start3A_729] : memref<320000x64xf32, #tpu.memory_space<hbm>> -> memref<128x64xf32, #tpu.memory_space<hbm>>
        %dma_start3A_731 = arith.constant 0 : i32
        %dma_start3A_732 = arith.constant 0 : i32
        %dma_start3A_733 = tpu.memref_slice %arg11[%dma_start3A_724, %dma_start3A_731, %dma_start3A_732] : memref<2x128x64xf32, #tpu.memory_space<vmem>> -> memref<1x128x64xf32, #tpu.memory_space<vmem>>
        %dma_start3A_734 = tpu.memref_squeeze %dma_start3A_733 : memref<1x128x64xf32, #tpu.memory_space<vmem>> -> memref<128x64xf32, #tpu.memory_space<vmem>>
        %dma_start3A_735 = arith.constant 0 : i32
        %dma_start3A_736 = tpu.memref_slice %arg3[%multiple_of3A_697, %dma_start3A_735] : memref<320000x64xf32, #tpu.memory_space<hbm>> -> memref<128x64xf32, #tpu.memory_space<hbm>>
        tpu.enqueue_dma source(%dma_start3A_736 : memref<128x64xf32, #tpu.memory_space<hbm>>) target(%dma_start3A_734 : memref<128x64xf32, #tpu.memory_space<vmem>>) target_semaphore(%arg16 : memref<!tpu.dma_semaphore, #tpu.memory_space<semaphore_mem>>)
      } else {
      }
    }
    %scan3A_403 = arith.constant 38 : i32
    %dma_wait3A_404 = arith.constant 0 : i32
    %dma_wait3A_405 = arith.constant 0 : i32
    %dma_wait3A_406 = arith.constant 0 : i32
    %dma_wait3A_407 = arith.constant 0 : i32
    %dma_wait3A_408 = tpu.memref_slice %arg13[%dma_wait3A_404, %dma_wait3A_406, %dma_wait3A_407] : memref<2x128x80xf32, #tpu.memory_space<vmem>> -> memref<1x128x80xf32, #tpu.memory_space<vmem>>
    %dma_wait3A_409 = tpu.memref_squeeze %dma_wait3A_408 : memref<1x128x80xf32, #tpu.memory_space<vmem>> -> memref<128x80xf32, #tpu.memory_space<vmem>>
    %dma_wait3A_410 = arith.constant 0 : i32
    %dma_wait3A_411 = tpu.memref_slice %arg10[%dma_wait3A_405, %dma_wait3A_410] : memref<2x128xi32, #tpu.memory_space<vmem>> -> memref<1x128xi32, #tpu.memory_space<vmem>>
    %dma_wait3A_412 = tpu.memref_squeeze %dma_wait3A_411 : memref<1x128xi32, #tpu.memory_space<vmem>> -> memref<128xi32, #tpu.memory_space<vmem>>
    %dma_wait3A_413 = arith.constant 0 : i32
    %dma_wait3A_414 = arith.constant 0 : i32
    %dma_wait3A_415 = tpu.memref_slice %arg7[%dma_wait3A_413, %dma_wait3A_414] : memref<10240x80xf32, #tpu.memory_space<vmem_shared>> -> memref<10240x80xf32, #tpu.memory_space<vmem_shared>>
    tpu.wait_indirect_dma semaphore(%arg19 : memref<!tpu.dma_semaphore, #tpu.memory_space<semaphore_mem>>) src(%dma_wait3A_409 : memref<128x80xf32, #tpu.memory_space<vmem>>) dst(%dma_wait3A_415 : memref<10240x80xf32, #tpu.memory_space<vmem_shared>>)
    %dma_wait3A_416 = arith.constant 1 : i32
    %dma_wait3A_417 = arith.constant 1 : i32
    %dma_wait3A_418 = arith.constant 0 : i32
    %dma_wait3A_419 = arith.constant 0 : i32
    %dma_wait3A_420 = tpu.memref_slice %arg13[%dma_wait3A_416, %dma_wait3A_418, %dma_wait3A_419] : memref<2x128x80xf32, #tpu.memory_space<vmem>> -> memref<1x128x80xf32, #tpu.memory_space<vmem>>
    %dma_wait3A_421 = tpu.memref_squeeze %dma_wait3A_420 : memref<1x128x80xf32, #tpu.memory_space<vmem>> -> memref<128x80xf32, #tpu.memory_space<vmem>>
    %dma_wait3A_422 = arith.constant 0 : i32
    %dma_wait3A_423 = tpu.memref_slice %arg10[%dma_wait3A_417, %dma_wait3A_422] : memref<2x128xi32, #tpu.memory_space<vmem>> -> memref<1x128xi32, #tpu.memory_space<vmem>>
    %dma_wait3A_424 = tpu.memref_squeeze %dma_wait3A_423 : memref<1x128xi32, #tpu.memory_space<vmem>> -> memref<128xi32, #tpu.memory_space<vmem>>
    %dma_wait3A_425 = arith.constant 0 : i32
    %dma_wait3A_426 = arith.constant 0 : i32
    %dma_wait3A_427 = tpu.memref_slice %arg7[%dma_wait3A_425, %dma_wait3A_426] : memref<10240x80xf32, #tpu.memory_space<vmem_shared>> -> memref<10240x80xf32, #tpu.memory_space<vmem_shared>>
    tpu.wait_indirect_dma semaphore(%arg20 : memref<!tpu.dma_semaphore, #tpu.memory_space<semaphore_mem>>) src(%dma_wait3A_421 : memref<128x80xf32, #tpu.memory_space<vmem>>) dst(%dma_wait3A_427 : memref<10240x80xf32, #tpu.memory_space<vmem_shared>>)
    %lt3A = arith.constant 4 : i32
    %lt3A_428 = arith.cmpi slt, %add3A_56, %lt3A : i32
    %convert_element_type3A = arith.extui %lt3A_428 : i1 to i32
    %cond3A = arith.constant 0 : i32
    %cond3A_429 = arith.cmpi ne, %convert_element_type3A, %cond3A : i32
    scf.if %cond3A_429 {
      %add3A_471 = arith.constant 2496 : i32
      %add3A_472 = arith.addi %add3A_56, %add3A_471 : i32
      %mul3A_473 = arith.constant 128 : i32
      %mul3A_474 = arith.muli %add3A_472, %mul3A_473 : i32
      %multiple_of3A_475 = tpu.assume_multiple %mul3A_474, 128 : i32
      %dma_start3A_476 = arith.constant 0 : i32
      %dma_start3A_477 = arith.constant 0 : i32
      %dma_start3A_478 = tpu.memref_slice %arg8[%dma_start3A_476, %dma_start3A_477] : memref<2x128xi32, #tpu.memory_space<vmem>> -> memref<1x128xi32, #tpu.memory_space<vmem>>
      %dma_start3A_479 = tpu.memref_squeeze %dma_start3A_478 : memref<1x128xi32, #tpu.memory_space<vmem>> -> memref<128xi32, #tpu.memory_space<vmem>>
      %dma_start3A_480 = arith.constant 0 : i32
      %dma_start3A_481 = tpu.memref_slice %arg4[%add3A_472, %dma_start3A_480] : memref<2500x128xi32, #tpu.memory_space<hbm>> -> memref<1x128xi32, #tpu.memory_space<hbm>>
      %dma_start3A_482 = tpu.memref_squeeze %dma_start3A_481 : memref<1x128xi32, #tpu.memory_space<hbm>> -> memref<128xi32, #tpu.memory_space<hbm>>
      %dma_start3A_483 = arith.constant 0 : i32
      %dma_start3A_484 = tpu.memref_slice %arg8[%dma_start3A_476, %dma_start3A_483] : memref<2x128xi32, #tpu.memory_space<vmem>> -> memref<1x128xi32, #tpu.memory_space<vmem>>
      %dma_start3A_485 = tpu.memref_squeeze %dma_start3A_484 : memref<1x128xi32, #tpu.memory_space<vmem>> -> memref<128xi32, #tpu.memory_space<vmem>>
      %dma_start3A_486 = arith.constant 0 : i32
      %dma_start3A_487 = tpu.memref_slice %arg4[%add3A_472, %dma_start3A_486] : memref<2500x128xi32, #tpu.memory_space<hbm>> -> memref<1x128xi32, #tpu.memory_space<hbm>>
      %dma_start3A_488 = tpu.memref_squeeze %dma_start3A_487 : memref<1x128xi32, #tpu.memory_space<hbm>> -> memref<128xi32, #tpu.memory_space<hbm>>
      tpu.enqueue_dma source(%dma_start3A_488 : memref<128xi32, #tpu.memory_space<hbm>>) target(%dma_start3A_485 : memref<128xi32, #tpu.memory_space<vmem>>) target_semaphore(%arg15 : memref<!tpu.dma_semaphore, #tpu.memory_space<semaphore_mem>>)
      %dma_start3A_489 = arith.constant 0 : i32
      %dma_start3A_490 = arith.constant 0 : i32
      %dma_start3A_491 = tpu.memref_slice %arg9[%dma_start3A_489, %dma_start3A_490] : memref<2x128xi32, #tpu.memory_space<vmem>> -> memref<1x128xi32, #tpu.memory_space<vmem>>
      %dma_start3A_492 = tpu.memref_squeeze %dma_start3A_491 : memref<1x128xi32, #tpu.memory_space<vmem>> -> memref<128xi32, #tpu.memory_space<vmem>>
      %dma_start3A_493 = arith.constant 0 : i32
      %dma_start3A_494 = tpu.memref_slice %arg5[%add3A_472, %dma_start3A_493] : memref<2500x128xi32, #tpu.memory_space<hbm>> -> memref<1x128xi32, #tpu.memory_space<hbm>>
      %dma_start3A_495 = tpu.memref_squeeze %dma_start3A_494 : memref<1x128xi32, #tpu.memory_space<hbm>> -> memref<128xi32, #tpu.memory_space<hbm>>
      %dma_start3A_496 = arith.constant 0 : i32
      %dma_start3A_497 = tpu.memref_slice %arg9[%dma_start3A_489, %dma_start3A_496] : memref<2x128xi32, #tpu.memory_space<vmem>> -> memref<1x128xi32, #tpu.memory_space<vmem>>
      %dma_start3A_498 = tpu.memref_squeeze %dma_start3A_497 : memref<1x128xi32, #tpu.memory_space<vmem>> -> memref<128xi32, #tpu.memory_space<vmem>>
      %dma_start3A_499 = arith.constant 0 : i32
      %dma_start3A_500 = tpu.memref_slice %arg5[%add3A_472, %dma_start3A_499] : memref<2500x128xi32, #tpu.memory_space<hbm>> -> memref<1x128xi32, #tpu.memory_space<hbm>>
      %dma_start3A_501 = tpu.memref_squeeze %dma_start3A_500 : memref<1x128xi32, #tpu.memory_space<hbm>> -> memref<128xi32, #tpu.memory_space<hbm>>
      tpu.enqueue_dma source(%dma_start3A_501 : memref<128xi32, #tpu.memory_space<hbm>>) target(%dma_start3A_498 : memref<128xi32, #tpu.memory_space<vmem>>) target_semaphore(%arg15 : memref<!tpu.dma_semaphore, #tpu.memory_space<semaphore_mem>>)
      %dma_start3A_502 = arith.constant 0 : i32
      %dma_start3A_503 = arith.constant 0 : i32
      %dma_start3A_504 = arith.constant 0 : i32
      %dma_start3A_505 = tpu.memref_slice %arg11[%dma_start3A_502, %dma_start3A_503, %dma_start3A_504] : memref<2x128x64xf32, #tpu.memory_space<vmem>> -> memref<1x128x64xf32, #tpu.memory_space<vmem>>
      %dma_start3A_506 = tpu.memref_squeeze %dma_start3A_505 : memref<1x128x64xf32, #tpu.memory_space<vmem>> -> memref<128x64xf32, #tpu.memory_space<vmem>>
      %dma_start3A_507 = arith.constant 0 : i32
      %dma_start3A_508 = tpu.memref_slice %arg3[%multiple_of3A_475, %dma_start3A_507] : memref<320000x64xf32, #tpu.memory_space<hbm>> -> memref<128x64xf32, #tpu.memory_space<hbm>>
      %dma_start3A_509 = arith.constant 0 : i32
      %dma_start3A_510 = arith.constant 0 : i32
      %dma_start3A_511 = tpu.memref_slice %arg11[%dma_start3A_502, %dma_start3A_509, %dma_start3A_510] : memref<2x128x64xf32, #tpu.memory_space<vmem>> -> memref<1x128x64xf32, #tpu.memory_space<vmem>>
      %dma_start3A_512 = tpu.memref_squeeze %dma_start3A_511 : memref<1x128x64xf32, #tpu.memory_space<vmem>> -> memref<128x64xf32, #tpu.memory_space<vmem>>
      %dma_start3A_513 = arith.constant 0 : i32
      %dma_start3A_514 = tpu.memref_slice %arg3[%multiple_of3A_475, %dma_start3A_513] : memref<320000x64xf32, #tpu.memory_space<hbm>> -> memref<128x64xf32, #tpu.memory_space<hbm>>
      tpu.enqueue_dma source(%dma_start3A_514 : memref<128x64xf32, #tpu.memory_space<hbm>>) target(%dma_start3A_512 : memref<128x64xf32, #tpu.memory_space<vmem>>) target_semaphore(%arg15 : memref<!tpu.dma_semaphore, #tpu.memory_space<semaphore_mem>>)
      %dma_wait3A_515 = arith.constant 0 : i32
      %dma_wait3A_516 = arith.constant 0 : i32
      %dma_wait3A_517 = arith.constant 0 : i32
      %dma_wait3A_518 = tpu.memref_slice %arg8[%dma_wait3A_516, %dma_wait3A_517] : memref<2x128xi32, #tpu.memory_space<vmem>> -> memref<1x128xi32, #tpu.memory_space<vmem>>
      %dma_wait3A_519 = tpu.memref_squeeze %dma_wait3A_518 : memref<1x128xi32, #tpu.memory_space<vmem>> -> memref<128xi32, #tpu.memory_space<vmem>>
      %dma_wait3A_520 = arith.constant 0 : i32
      %dma_wait3A_521 = tpu.memref_slice %arg4[%dma_wait3A_515, %dma_wait3A_520] : memref<2500x128xi32, #tpu.memory_space<hbm>> -> memref<1x128xi32, #tpu.memory_space<hbm>>
      %dma_wait3A_522 = tpu.memref_squeeze %dma_wait3A_521 : memref<1x128xi32, #tpu.memory_space<hbm>> -> memref<128xi32, #tpu.memory_space<hbm>>
      %dma_wait3A_523 = arith.constant 0 : i32
      %dma_wait3A_524 = tpu.memref_slice %arg8[%dma_wait3A_516, %dma_wait3A_523] : memref<2x128xi32, #tpu.memory_space<vmem>> -> memref<1x128xi32, #tpu.memory_space<vmem>>
      %dma_wait3A_525 = tpu.memref_squeeze %dma_wait3A_524 : memref<1x128xi32, #tpu.memory_space<vmem>> -> memref<128xi32, #tpu.memory_space<vmem>>
      %dma_wait3A_526 = arith.constant 0 : i32
      %dma_wait3A_527 = tpu.memref_slice %arg4[%dma_wait3A_515, %dma_wait3A_526] : memref<2500x128xi32, #tpu.memory_space<hbm>> -> memref<1x128xi32, #tpu.memory_space<hbm>>
      %dma_wait3A_528 = tpu.memref_squeeze %dma_wait3A_527 : memref<1x128xi32, #tpu.memory_space<hbm>> -> memref<128xi32, #tpu.memory_space<hbm>>
      tpu.wait_dma2 semaphore(%arg15 : memref<!tpu.dma_semaphore, #tpu.memory_space<semaphore_mem>>) src(%dma_wait3A_528 : memref<128xi32, #tpu.memory_space<hbm>>) dst(%dma_wait3A_525 : memref<128xi32, #tpu.memory_space<vmem>>)
      %dma_wait3A_529 = arith.constant 0 : i32
      %dma_wait3A_530 = arith.constant 0 : i32
      %dma_wait3A_531 = arith.constant 0 : i32
      %dma_wait3A_532 = tpu.memref_slice %arg9[%dma_wait3A_530, %dma_wait3A_531] : memref<2x128xi32, #tpu.memory_space<vmem>> -> memref<1x128xi32, #tpu.memory_space<vmem>>
      %dma_wait3A_533 = tpu.memref_squeeze %dma_wait3A_532 : memref<1x128xi32, #tpu.memory_space<vmem>> -> memref<128xi32, #tpu.memory_space<vmem>>
      %dma_wait3A_534 = arith.constant 0 : i32
      %dma_wait3A_535 = tpu.memref_slice %arg5[%dma_wait3A_529, %dma_wait3A_534] : memref<2500x128xi32, #tpu.memory_space<hbm>> -> memref<1x128xi32, #tpu.memory_space<hbm>>
      %dma_wait3A_536 = tpu.memref_squeeze %dma_wait3A_535 : memref<1x128xi32, #tpu.memory_space<hbm>> -> memref<128xi32, #tpu.memory_space<hbm>>
      %dma_wait3A_537 = arith.constant 0 : i32
      %dma_wait3A_538 = tpu.memref_slice %arg9[%dma_wait3A_530, %dma_wait3A_537] : memref<2x128xi32, #tpu.memory_space<vmem>> -> memref<1x128xi32, #tpu.memory_space<vmem>>
      %dma_wait3A_539 = tpu.memref_squeeze %dma_wait3A_538 : memref<1x128xi32, #tpu.memory_space<vmem>> -> memref<128xi32, #tpu.memory_space<vmem>>
      %dma_wait3A_540 = arith.constant 0 : i32
      %dma_wait3A_541 = tpu.memref_slice %arg5[%dma_wait3A_529, %dma_wait3A_540] : memref<2500x128xi32, #tpu.memory_space<hbm>> -> memref<1x128xi32, #tpu.memory_space<hbm>>
      %dma_wait3A_542 = tpu.memref_squeeze %dma_wait3A_541 : memref<1x128xi32, #tpu.memory_space<hbm>> -> memref<128xi32, #tpu.memory_space<hbm>>
      tpu.wait_dma2 semaphore(%arg15 : memref<!tpu.dma_semaphore, #tpu.memory_space<semaphore_mem>>) src(%dma_wait3A_542 : memref<128xi32, #tpu.memory_space<hbm>>) dst(%dma_wait3A_539 : memref<128xi32, #tpu.memory_space<vmem>>)
      %dma_wait3A_543 = arith.constant 0 : i32
      %dma_wait3A_544 = arith.constant 0 : i32
      %dma_wait3A_545 = arith.constant 0 : i32
      %dma_wait3A_546 = tpu.memref_slice %arg11[%dma_wait3A_543, %dma_wait3A_544, %dma_wait3A_545] : memref<2x128x64xf32, #tpu.memory_space<vmem>> -> memref<1x128x64xf32, #tpu.memory_space<vmem>>
      %dma_wait3A_547 = tpu.memref_squeeze %dma_wait3A_546 : memref<1x128x64xf32, #tpu.memory_space<vmem>> -> memref<128x64xf32, #tpu.memory_space<vmem>>
      %dma_wait3A_548 = arith.constant 0 : i32
      %dma_wait3A_549 = arith.constant 0 : i32
      %dma_wait3A_550 = tpu.memref_slice %arg3[%dma_wait3A_548, %dma_wait3A_549] : memref<320000x64xf32, #tpu.memory_space<hbm>> -> memref<128x64xf32, #tpu.memory_space<hbm>>
      %dma_wait3A_551 = arith.constant 0 : i32
      %dma_wait3A_552 = arith.constant 0 : i32
      %dma_wait3A_553 = tpu.memref_slice %arg11[%dma_wait3A_543, %dma_wait3A_551, %dma_wait3A_552] : memref<2x128x64xf32, #tpu.memory_space<vmem>> -> memref<1x128x64xf32, #tpu.memory_space<vmem>>
      %dma_wait3A_554 = tpu.memref_squeeze %dma_wait3A_553 : memref<1x128x64xf32, #tpu.memory_space<vmem>> -> memref<128x64xf32, #tpu.memory_space<vmem>>
      %dma_wait3A_555 = arith.constant 0 : i32
      %dma_wait3A_556 = arith.constant 0 : i32
      %dma_wait3A_557 = tpu.memref_slice %arg3[%dma_wait3A_555, %dma_wait3A_556] : memref<320000x64xf32, #tpu.memory_space<hbm>> -> memref<128x64xf32, #tpu.memory_space<hbm>>
      tpu.wait_dma2 semaphore(%arg15 : memref<!tpu.dma_semaphore, #tpu.memory_space<semaphore_mem>>) src(%dma_wait3A_557 : memref<128x64xf32, #tpu.memory_space<hbm>>) dst(%dma_wait3A_554 : memref<128x64xf32, #tpu.memory_space<vmem>>)
      %dma_start3A_558 = arith.constant 0 : i32
      %dma_start3A_559 = arith.constant 0 : i32
      %dma_start3A_560 = arith.constant 0 : i32
      %dma_start3A_561 = arith.constant 0 : i32
      %dma_start3A_562 = tpu.memref_slice %arg12[%dma_start3A_559, %dma_start3A_560, %dma_start3A_561] : memref<2x128x64xf32, #tpu.memory_space<vmem>> -> memref<1x128x64xf32, #tpu.memory_space<vmem>>
      %dma_start3A_563 = tpu.memref_squeeze %dma_start3A_562 : memref<1x128x64xf32, #tpu.memory_space<vmem>> -> memref<128x64xf32, #tpu.memory_space<vmem>>
      %dma_start3A_564 = arith.constant 0 : i32
      %dma_start3A_565 = tpu.memref_slice %arg8[%dma_start3A_558, %dma_start3A_564] : memref<2x128xi32, #tpu.memory_space<vmem>> -> memref<1x128xi32, #tpu.memory_space<vmem>>
      %dma_start3A_566 = tpu.memref_squeeze %dma_start3A_565 : memref<1x128xi32, #tpu.memory_space<vmem>> -> memref<128xi32, #tpu.memory_space<vmem>>
      %dma_start3A_567 = arith.constant 0 : i32
      %dma_start3A_568 = arith.constant 0 : i32
      %dma_start3A_569 = tpu.memref_slice %arg2[%dma_start3A_567, %dma_start3A_568] : memref<10000x64xf32, #tpu.memory_space<hbm>> -> memref<10000x64xf32, #tpu.memory_space<hbm>>
      tpu.enqueue_indirect_dma source(%dma_start3A_569 : memref<10000x64xf32, #tpu.memory_space<hbm>>) target(%dma_start3A_563 : memref<128x64xf32, #tpu.memory_space<vmem>>) offsets(%dma_start3A_566 : memref<128xi32, #tpu.memory_space<vmem>>) semaphore(%arg17 : memref<!tpu.dma_semaphore, #tpu.memory_space<semaphore_mem>>)
      %dma_wait3A_570 = arith.constant 0 : i32
      %dma_wait3A_571 = arith.constant 0 : i32
      %dma_wait3A_572 = arith.constant 0 : i32
      %dma_wait3A_573 = arith.constant 0 : i32
      %dma_wait3A_574 = tpu.memref_slice %arg12[%dma_wait3A_571, %dma_wait3A_572, %dma_wait3A_573] : memref<2x128x64xf32, #tpu.memory_space<vmem>> -> memref<1x128x64xf32, #tpu.memory_space<vmem>>
      %dma_wait3A_575 = tpu.memref_squeeze %dma_wait3A_574 : memref<1x128x64xf32, #tpu.memory_space<vmem>> -> memref<128x64xf32, #tpu.memory_space<vmem>>
      %dma_wait3A_576 = arith.constant 0 : i32
      %dma_wait3A_577 = tpu.memref_slice %arg8[%dma_wait3A_570, %dma_wait3A_576] : memref<2x128xi32, #tpu.memory_space<vmem>> -> memref<1x128xi32, #tpu.memory_space<vmem>>
      %dma_wait3A_578 = tpu.memref_squeeze %dma_wait3A_577 : memref<1x128xi32, #tpu.memory_space<vmem>> -> memref<128xi32, #tpu.memory_space<vmem>>
      %dma_wait3A_579 = arith.constant 0 : i32
      %dma_wait3A_580 = arith.constant 0 : i32
      %dma_wait3A_581 = tpu.memref_slice %arg2[%dma_wait3A_579, %dma_wait3A_580] : memref<10000x64xf32, #tpu.memory_space<hbm>> -> memref<10000x64xf32, #tpu.memory_space<hbm>>
      tpu.wait_indirect_dma semaphore(%arg17 : memref<!tpu.dma_semaphore, #tpu.memory_space<semaphore_mem>>) src(%dma_wait3A_581 : memref<10000x64xf32, #tpu.memory_space<hbm>>) dst(%dma_wait3A_575 : memref<128x64xf32, #tpu.memory_space<vmem>>)
      %parallel_loop3A_582 = arith.constant 0 : i32
      %parallel_loop3A_583 = arith.constant 128 : i32
      %parallel_loop3A_584 = arith.constant 1 : i32
      scf.for %parallel_loop3A_612 = %parallel_loop3A_582 to %parallel_loop3A_583 step %parallel_loop3A_584  : i32 {
        %parallel_loop3A_613 = arith.constant 0 : i32
        %parallel_loop3A_614 = arith.index_cast %parallel_loop3A_613 : i32 to index
        %parallel_loop3A_615 = arith.index_cast %parallel_loop3A_612 : i32 to index
        %parallel_loop3A_616 = arith.constant 0 : index
        %parallel_loop3A_617 = tpu.vector_load %arg12[%parallel_loop3A_614, %parallel_loop3A_615, %parallel_loop3A_616] {strides = array<i32>} : memref<2x128x64xf32, #tpu.memory_space<vmem>>, vector<1x1x16xf32>,
        %parallel_loop3A_618 = vector.shape_cast %parallel_loop3A_617 : vector<1x1x16xf32> to vector<16xf32>
        %parallel_loop3A_619 = arith.constant 0 : i32
        %parallel_loop3A_620 = arith.index_cast %parallel_loop3A_619 : i32 to index
        %parallel_loop3A_621 = arith.index_cast %parallel_loop3A_612 : i32 to index
        %parallel_loop3A_622 = arith.constant 0 : index
        %parallel_loop3A_623 = tpu.vector_load %arg11[%parallel_loop3A_620, %parallel_loop3A_621, %parallel_loop3A_622] {strides = array<i32>} : memref<2x128x64xf32, #tpu.memory_space<vmem>>, vector<1x1x16xf32>,
        %parallel_loop3A_624 = vector.shape_cast %parallel_loop3A_623 : vector<1x1x16xf32> to vector<16xf32>
        %parallel_loop3A_625 = arith.addf %parallel_loop3A_618, %parallel_loop3A_624 : vector<16xf32>
        %parallel_loop3A_626 = arith.constant 0.000000e+00 : f32
        %parallel_loop3A_627 = vector.broadcast %parallel_loop3A_626 : f32 to vector<16xf32>
        %parallel_loop3A_628 = arith.maximumf %parallel_loop3A_625, %parallel_loop3A_627 : vector<16xf32>
        %parallel_loop3A_629 = arith.constant 0 : i32
        %parallel_loop3A_630 = arith.index_cast %parallel_loop3A_629 : i32 to index
        %parallel_loop3A_631 = arith.index_cast %parallel_loop3A_612 : i32 to index
        %parallel_loop3A_632 = arith.constant 0 : index
        %parallel_loop3A_633 = tpu.vector_load %arg13[%parallel_loop3A_630, %parallel_loop3A_631, %parallel_loop3A_632] {strides = array<i32>} : memref<2x128x80xf32, #tpu.memory_space<vmem>>, vector<1x1x16xf32>,
        %parallel_loop3A_634 = vector.shape_cast %parallel_loop3A_633 : vector<1x1x16xf32> to vector<16xf32>
        %parallel_loop3A_635 = vector.shape_cast %parallel_loop3A_628 : vector<16xf32> to vector<1x1x16xf32>
        tpu.vector_store %arg13[%parallel_loop3A_630, %parallel_loop3A_631, %parallel_loop3A_632], %parallel_loop3A_635 {strides = array<i32>} : memref<2x128x80xf32, #tpu.memory_space<vmem>>, vector<1x1x16xf32>,
        %parallel_loop3A_636 = arith.constant 0 : i32
        %parallel_loop3A_637 = arith.index_cast %parallel_loop3A_636 : i32 to index
        %parallel_loop3A_638 = arith.index_cast %parallel_loop3A_612 : i32 to index
        %parallel_loop3A_639 = arith.constant 16 : index
        %parallel_loop3A_640 = tpu.vector_load %arg12[%parallel_loop3A_637, %parallel_loop3A_638, %parallel_loop3A_639] {strides = array<i32>} : memref<2x128x64xf32, #tpu.memory_space<vmem>>, vector<1x1x16xf32>,
        %parallel_loop3A_641 = vector.shape_cast %parallel_loop3A_640 : vector<1x1x16xf32> to vector<16xf32>
        %parallel_loop3A_642 = arith.constant 0 : i32
        %parallel_loop3A_643 = arith.index_cast %parallel_loop3A_642 : i32 to index
        %parallel_loop3A_644 = arith.index_cast %parallel_loop3A_612 : i32 to index
        %parallel_loop3A_645 = arith.constant 16 : index
        %parallel_loop3A_646 = tpu.vector_load %arg11[%parallel_loop3A_643, %parallel_loop3A_644, %parallel_loop3A_645] {strides = array<i32>} : memref<2x128x64xf32, #tpu.memory_space<vmem>>, vector<1x1x16xf32>,
        %parallel_loop3A_647 = vector.shape_cast %parallel_loop3A_646 : vector<1x1x16xf32> to vector<16xf32>
        %parallel_loop3A_648 = arith.addf %parallel_loop3A_641, %parallel_loop3A_647 : vector<16xf32>
        %parallel_loop3A_649 = arith.constant 0.000000e+00 : f32
        %parallel_loop3A_650 = vector.broadcast %parallel_loop3A_649 : f32 to vector<16xf32>
        %parallel_loop3A_651 = arith.maximumf %parallel_loop3A_648, %parallel_loop3A_650 : vector<16xf32>
        %parallel_loop3A_652 = arith.constant 0 : i32
        %parallel_loop3A_653 = arith.index_cast %parallel_loop3A_652 : i32 to index
        %parallel_loop3A_654 = arith.index_cast %parallel_loop3A_612 : i32 to index
        %parallel_loop3A_655 = arith.constant 16 : index
        %parallel_loop3A_656 = tpu.vector_load %arg13[%parallel_loop3A_653, %parallel_loop3A_654, %parallel_loop3A_655] {strides = array<i32>} : memref<2x128x80xf32, #tpu.memory_space<vmem>>, vector<1x1x16xf32>,
        %parallel_loop3A_657 = vector.shape_cast %parallel_loop3A_656 : vector<1x1x16xf32> to vector<16xf32>
        %parallel_loop3A_658 = vector.shape_cast %parallel_loop3A_651 : vector<16xf32> to vector<1x1x16xf32>
        tpu.vector_store %arg13[%parallel_loop3A_653, %parallel_loop3A_654, %parallel_loop3A_655], %parallel_loop3A_658 {strides = array<i32>} : memref<2x128x80xf32, #tpu.memory_space<vmem>>, vector<1x1x16xf32>,
        %parallel_loop3A_659 = arith.constant 0 : i32
        %parallel_loop3A_660 = arith.index_cast %parallel_loop3A_659 : i32 to index
        %parallel_loop3A_661 = arith.index_cast %parallel_loop3A_612 : i32 to index
        %parallel_loop3A_662 = arith.constant 32 : index
        %parallel_loop3A_663 = tpu.vector_load %arg12[%parallel_loop3A_660, %parallel_loop3A_661, %parallel_loop3A_662] {strides = array<i32>} : memref<2x128x64xf32, #tpu.memory_space<vmem>>, vector<1x1x16xf32>,
        %parallel_loop3A_664 = vector.shape_cast %parallel_loop3A_663 : vector<1x1x16xf32> to vector<16xf32>
        %parallel_loop3A_665 = arith.constant 0 : i32
        %parallel_loop3A_666 = arith.index_cast %parallel_loop3A_665 : i32 to index
        %parallel_loop3A_667 = arith.index_cast %parallel_loop3A_612 : i32 to index
        %parallel_loop3A_668 = arith.constant 32 : index
        %parallel_loop3A_669 = tpu.vector_load %arg11[%parallel_loop3A_666, %parallel_loop3A_667, %parallel_loop3A_668] {strides = array<i32>} : memref<2x128x64xf32, #tpu.memory_space<vmem>>, vector<1x1x16xf32>,
        %parallel_loop3A_670 = vector.shape_cast %parallel_loop3A_669 : vector<1x1x16xf32> to vector<16xf32>
        %parallel_loop3A_671 = arith.addf %parallel_loop3A_664, %parallel_loop3A_670 : vector<16xf32>
        %parallel_loop3A_672 = arith.constant 0.000000e+00 : f32
        %parallel_loop3A_673 = vector.broadcast %parallel_loop3A_672 : f32 to vector<16xf32>
        %parallel_loop3A_674 = arith.maximumf %parallel_loop3A_671, %parallel_loop3A_673 : vector<16xf32>
        %parallel_loop3A_675 = arith.constant 0 : i32
        %parallel_loop3A_676 = arith.index_cast %parallel_loop3A_675 : i32 to index
        %parallel_loop3A_677 = arith.index_cast %parallel_loop3A_612 : i32 to index
        %parallel_loop3A_678 = arith.constant 32 : index
        %parallel_loop3A_679 = tpu.vector_load %arg13[%parallel_loop3A_676, %parallel_loop3A_677, %parallel_loop3A_678] {strides = array<i32>} : memref<2x128x80xf32, #tpu.memory_space<vmem>>, vector<1x1x16xf32>,
        %parallel_loop3A_680 = vector.shape_cast %parallel_loop3A_679 : vector<1x1x16xf32> to vector<16xf32>
        %parallel_loop3A_681 = vector.shape_cast %parallel_loop3A_674 : vector<16xf32> to vector<1x1x16xf32>
        tpu.vector_store %arg13[%parallel_loop3A_676, %parallel_loop3A_677, %parallel_loop3A_678], %parallel_loop3A_681 {strides = array<i32>} : memref<2x128x80xf32, #tpu.memory_space<vmem>>, vector<1x1x16xf32>,
        %parallel_loop3A_682 = arith.constant 0 : i32
        %parallel_loop3A_683 = arith.index_cast %parallel_loop3A_682 : i32 to index
        %parallel_loop3A_684 = arith.index_cast %parallel_loop3A_612 : i32 to index
        %parallel_loop3A_685 = arith.constant 48 : index
        %parallel_loop3A_686 = tpu.vector_load %arg12[%parallel_loop3A_683, %parallel_loop3A_684, %parallel_loop3A_685] {strides = array<i32>} : memref<2x128x64xf32, #tpu.memory_space<vmem>>, vector<1x1x16xf32>,
        %parallel_loop3A_687 = vector.shape_cast %parallel_loop3A_686 : vector<1x1x16xf32> to vector<16xf32>
        %parallel_loop3A_688 = arith.constant 0 : i32
        %parallel_loop3A_689 = arith.index_cast %parallel_loop3A_688 : i32 to index
        %parallel_loop3A_690 = arith.index_cast %parallel_loop3A_612 : i32 to index
        %parallel_loop3A_691 = arith.constant 48 : index
        %parallel_loop3A_692 = tpu.vector_load %arg11[%parallel_loop3A_689, %parallel_loop3A_690, %parallel_loop3A_691] {strides = array<i32>} : memref<2x128x64xf32, #tpu.memory_space<vmem>>, vector<1x1x16xf32>,
        %parallel_loop3A_693 = vector.shape_cast %parallel_loop3A_692 : vector<1x1x16xf32> to vector<16xf32>
        %parallel_loop3A_694 = arith.addf %parallel_loop3A_687, %parallel_loop3A_693 : vector<16xf32>
        %parallel_loop3A_695 = arith.constant 0.000000e+00 : f32
        %parallel_loop3A_696 = vector.broadcast %parallel_loop3A_695 : f32 to vector<16xf32>
        %parallel_loop3A_697 = arith.maximumf %parallel_loop3A_694, %parallel_loop3A_696 : vector<16xf32>
        %parallel_loop3A_698 = arith.constant 0 : i32
        %parallel_loop3A_699 = arith.index_cast %parallel_loop3A_698 : i32 to index
        %parallel_loop3A_700 = arith.index_cast %parallel_loop3A_612 : i32 to index
        %parallel_loop3A_701 = arith.constant 48 : index
        %parallel_loop3A_702 = tpu.vector_load %arg13[%parallel_loop3A_699, %parallel_loop3A_700, %parallel_loop3A_701] {strides = array<i32>} : memref<2x128x80xf32, #tpu.memory_space<vmem>>, vector<1x1x16xf32>,
        %parallel_loop3A_703 = vector.shape_cast %parallel_loop3A_702 : vector<1x1x16xf32> to vector<16xf32>
        %parallel_loop3A_704 = vector.shape_cast %parallel_loop3A_697 : vector<16xf32> to vector<1x1x16xf32>
        tpu.vector_store %arg13[%parallel_loop3A_699, %parallel_loop3A_700, %parallel_loop3A_701], %parallel_loop3A_704 {strides = array<i32>} : memref<2x128x80xf32, #tpu.memory_space<vmem>>, vector<1x1x16xf32>,
      } {sc.loop_unroll_factor = 4 : i64, sc.parallel_access}
      %parallel_loop3A_585 = arith.constant 0 : i32
      %parallel_loop3A_586 = arith.constant 128 : i32
      %parallel_loop3A_587 = arith.constant 16 : i32
      scf.for %parallel_loop3A_612 = %parallel_loop3A_585 to %parallel_loop3A_586 step %parallel_loop3A_587  : i32 {
        %parallel_loop3A_613 = arith.constant 0 : i32
        %parallel_loop3A_614 = arith.index_cast %parallel_loop3A_613 : i32 to index
        %parallel_loop3A_615 = arith.index_cast %parallel_loop3A_612 : i32 to index
        %parallel_loop3A_616 = tpu.vector_load %arg9[%parallel_loop3A_614, %parallel_loop3A_615] {strides = array<i32>} : memref<2x128xi32, #tpu.memory_space<vmem>>, vector<1x16xi32>,
        %parallel_loop3A_617 = vector.shape_cast %parallel_loop3A_616 : vector<1x16xi32> to vector<16xi32>
        %parallel_loop3A_618 = arith.constant 0 : i32
        %parallel_loop3A_619 = arith.index_cast %parallel_loop3A_618 : i32 to index
        %parallel_loop3A_620 = arith.index_cast %parallel_loop3A_612 : i32 to index
        %parallel_loop3A_621 = tpu.vector_load %arg10[%parallel_loop3A_619, %parallel_loop3A_620] {strides = array<i32>} : memref<2x128xi32, #tpu.memory_space<vmem>>, vector<1x16xi32>,
        %parallel_loop3A_622 = vector.shape_cast %parallel_loop3A_621 : vector<1x16xi32> to vector<16xi32>
        %parallel_loop3A_623 = vector.shape_cast %parallel_loop3A_617 : vector<16xi32> to vector<1x16xi32>
        tpu.vector_store %arg10[%parallel_loop3A_619, %parallel_loop3A_620], %parallel_loop3A_623 {strides = array<i32>} : memref<2x128xi32, #tpu.memory_space<vmem>>, vector<1x16xi32>,
      } {sc.loop_unroll_factor = 1 : i64, sc.parallel_access}
      %dma_start3A_588 = arith.constant 0 : i32
      %dma_start3A_589 = arith.constant 0 : i32
      %dma_start3A_590 = arith.constant 0 : i32
      %dma_start3A_591 = arith.constant 0 : i32
      %dma_start3A_592 = tpu.memref_slice %arg13[%dma_start3A_588, %dma_start3A_590, %dma_start3A_591] : memref<2x128x80xf32, #tpu.memory_space<vmem>> -> memref<1x128x80xf32, #tpu.memory_space<vmem>>
      %dma_start3A_593 = tpu.memref_squeeze %dma_start3A_592 : memref<1x128x80xf32, #tpu.memory_space<vmem>> -> memref<128x80xf32, #tpu.memory_space<vmem>>
      %dma_start3A_594 = arith.constant 0 : i32
      %dma_start3A_595 = tpu.memref_slice %arg10[%dma_start3A_589, %dma_start3A_594] : memref<2x128xi32, #tpu.memory_space<vmem>> -> memref<1x128xi32, #tpu.memory_space<vmem>>
      %dma_start3A_596 = tpu.memref_squeeze %dma_start3A_595 : memref<1x128xi32, #tpu.memory_space<vmem>> -> memref<128xi32, #tpu.memory_space<vmem>>
      %dma_start3A_597 = arith.constant 0 : i32
      %dma_start3A_598 = arith.constant 0 : i32
      %dma_start3A_599 = tpu.memref_slice %arg7[%dma_start3A_597, %dma_start3A_598] : memref<10240x80xf32, #tpu.memory_space<vmem_shared>> -> memref<10240x80xf32, #tpu.memory_space<vmem_shared>>
      tpu.enqueue_indirect_dma source(%dma_start3A_593 : memref<128x80xf32, #tpu.memory_space<vmem>>) target(%dma_start3A_599 : memref<10240x80xf32, #tpu.memory_space<vmem_shared>>) offsets(%dma_start3A_596 : memref<128xi32, #tpu.memory_space<vmem>>) semaphore(%arg19 : memref<!tpu.dma_semaphore, #tpu.memory_space<semaphore_mem>>) {add = true}
      %dma_wait3A_600 = arith.constant 0 : i32
      %dma_wait3A_601 = arith.constant 0 : i32
      %dma_wait3A_602 = arith.constant 0 : i32
      %dma_wait3A_603 = arith.constant 0 : i32
      %dma_wait3A_604 = tpu.memref_slice %arg13[%dma_wait3A_600, %dma_wait3A_602, %dma_wait3A_603] : memref<2x128x80xf32, #tpu.memory_space<vmem>> -> memref<1x128x80xf32, #tpu.memory_space<vmem>>
      %dma_wait3A_605 = tpu.memref_squeeze %dma_wait3A_604 : memref<1x128x80xf32, #tpu.memory_space<vmem>> -> memref<128x80xf32, #tpu.memory_space<vmem>>
      %dma_wait3A_606 = arith.constant 0 : i32
      %dma_wait3A_607 = tpu.memref_slice %arg10[%dma_wait3A_601, %dma_wait3A_606] : memref<2x128xi32, #tpu.memory_space<vmem>> -> memref<1x128xi32, #tpu.memory_space<vmem>>
      %dma_wait3A_608 = tpu.memref_squeeze %dma_wait3A_607 : memref<1x128xi32, #tpu.memory_space<vmem>> -> memref<128xi32, #tpu.memory_space<vmem>>
      %dma_wait3A_609 = arith.constant 0 : i32
      %dma_wait3A_610 = arith.constant 0 : i32
      %dma_wait3A_611 = tpu.memref_slice %arg7[%dma_wait3A_609, %dma_wait3A_610] : memref<10240x80xf32, #tpu.memory_space<vmem_shared>> -> memref<10240x80xf32, #tpu.memory_space<vmem_shared>>
      tpu.wait_indirect_dma semaphore(%arg19 : memref<!tpu.dma_semaphore, #tpu.memory_space<semaphore_mem>>) src(%dma_wait3A_605 : memref<128x80xf32, #tpu.memory_space<vmem>>) dst(%dma_wait3A_611 : memref<10240x80xf32, #tpu.memory_space<vmem_shared>>)
    } else {
    }
    %barrier3A_430 = arith.constant 0 : index
    tpu.barrier barrier_id(%barrier3A_430)
    %mul3A_431 = arith.constant 640 : i32
    %mul3A_432 = arith.muli %arg1, %mul3A_431 : i32
    %add3A_433 = arith.constant 0 : i32
    %add3A_434 = arith.addi %mul3A_432, %add3A_433 : i32
    "tpu.region"() ({
      %run_scoped3A = tpu.sem_alloc : memref<!tpu.dma_semaphore, #tpu.memory_space<semaphore_mem>>
      %dma_start3A_471 = arith.constant 0 : i32
      %dma_start3A_472 = tpu.memref_slice %arg6[%arg0, %add3A_434, %dma_start3A_471] : memref<2x10240x80xf32, #tpu.memory_space<hbm>> -> memref<1x64x80xf32, #tpu.memory_space<hbm>>
      %dma_start3A_473 = tpu.memref_squeeze %dma_start3A_472 : memref<1x64x80xf32, #tpu.memory_space<hbm>> -> memref<64x80xf32, #tpu.memory_space<hbm>>
      %dma_start3A_474 = arith.constant 0 : i32
      %dma_start3A_475 = tpu.memref_slice %arg7[%add3A_434, %dma_start3A_474] : memref<10240x80xf32, #tpu.memory_space<vmem_shared>> -> memref<64x80xf32, #tpu.memory_space<vmem_shared>>
      tpu.enqueue_dma source(%dma_start3A_475 : memref<64x80xf32, #tpu.memory_space<vmem_shared>>) target(%dma_start3A_473 : memref<64x80xf32, #tpu.memory_space<hbm>>) target_semaphore(%run_scoped3A : memref<!tpu.dma_semaphore, #tpu.memory_space<semaphore_mem>>)
      %dma_wait3A_476 = arith.constant 0 : i32
      %dma_wait3A_477 = tpu.memref_slice %arg6[%arg0, %add3A_434, %dma_wait3A_476] : memref<2x10240x80xf32, #tpu.memory_space<hbm>> -> memref<1x64x80xf32, #tpu.memory_space<hbm>>
      %dma_wait3A_478 = tpu.memref_squeeze %dma_wait3A_477 : memref<1x64x80xf32, #tpu.memory_space<hbm>> -> memref<64x80xf32, #tpu.memory_space<hbm>>
      %dma_wait3A_479 = arith.constant 0 : i32
      %dma_wait3A_480 = tpu.memref_slice %arg7[%add3A_434, %dma_wait3A_479] : memref<10240x80xf32, #tpu.memory_space<vmem_shared>> -> memref<64x80xf32, #tpu.memory_space<vmem_shared>>
      tpu.wait_dma2 semaphore(%run_scoped3A : memref<!tpu.dma_semaphore, #tpu.memory_space<semaphore_mem>>) src(%dma_wait3A_480 : memref<64x80xf32, #tpu.memory_space<vmem_shared>>) dst(%dma_wait3A_478 : memref<64x80xf32, #tpu.memory_space<hbm>>)
      tpu.yield
    }) : () -> ()
    %mul3A_435 = arith.constant 640 : i32
    %mul3A_436 = arith.muli %arg1, %mul3A_435 : i32
    %add3A_437 = arith.constant 64 : i32
    %add3A_438 = arith.addi %mul3A_436, %add3A_437 : i32
    "tpu.region"() ({
      %run_scoped3A = tpu.sem_alloc : memref<!tpu.dma_semaphore, #tpu.memory_space<semaphore_mem>>
      %dma_start3A_471 = arith.constant 0 : i32
      %dma_start3A_472 = tpu.memref_slice %arg6[%arg0, %add3A_438, %dma_start3A_471] : memref<2x10240x80xf32, #tpu.memory_space<hbm>> -> memref<1x64x80xf32, #tpu.memory_space<hbm>>
      %dma_start3A_473 = tpu.memref_squeeze %dma_start3A_472 : memref<1x64x80xf32, #tpu.memory_space<hbm>> -> memref<64x80xf32, #tpu.memory_space<hbm>>
      %dma_start3A_474 = arith.constant 0 : i32
      %dma_start3A_475 = tpu.memref_slice %arg7[%add3A_438, %dma_start3A_474] : memref<10240x80xf32, #tpu.memory_space<vmem_shared>> -> memref<64x80xf32, #tpu.memory_space<vmem_shared>>
      tpu.enqueue_dma source(%dma_start3A_475 : memref<64x80xf32, #tpu.memory_space<vmem_shared>>) target(%dma_start3A_473 : memref<64x80xf32, #tpu.memory_space<hbm>>) target_semaphore(%run_scoped3A : memref<!tpu.dma_semaphore, #tpu.memory_space<semaphore_mem>>)
      %dma_wait3A_476 = arith.constant 0 : i32
      %dma_wait3A_477 = tpu.memref_slice %arg6[%arg0, %add3A_438, %dma_wait3A_476] : memref<2x10240x80xf32, #tpu.memory_space<hbm>> -> memref<1x64x80xf32, #tpu.memory_space<hbm>>
      %dma_wait3A_478 = tpu.memref_squeeze %dma_wait3A_477 : memref<1x64x80xf32, #tpu.memory_space<hbm>> -> memref<64x80xf32, #tpu.memory_space<hbm>>
      %dma_wait3A_479 = arith.constant 0 : i32
      %dma_wait3A_480 = tpu.memref_slice %arg7[%add3A_438, %dma_wait3A_479] : memref<10240x80xf32, #tpu.memory_space<vmem_shared>> -> memref<64x80xf32, #tpu.memory_space<vmem_shared>>
      tpu.wait_dma2 semaphore(%run_scoped3A : memref<!tpu.dma_semaphore, #tpu.memory_space<semaphore_mem>>) src(%dma_wait3A_480 : memref<64x80xf32, #tpu.memory_space<vmem_shared>>) dst(%dma_wait3A_478 : memref<64x80xf32, #tpu.memory_space<hbm>>)
      tpu.yield
    }) : () -> ()
    %mul3A_439 = arith.constant 640 : i32
    %mul3A_440 = arith.muli %arg1, %mul3A_439 : i32
    %add3A_441 = arith.constant 128 : i32
    %add3A_442 = arith.addi %mul3A_440, %add3A_441 : i32
    "tpu.region"() ({
      %run_scoped3A = tpu.sem_alloc : memref<!tpu.dma_semaphore, #tpu.memory_space<semaphore_mem>>
      %dma_start3A_471 = arith.constant 0 : i32
      %dma_start3A_472 = tpu.memref_slice %arg6[%arg0, %add3A_442, %dma_start3A_471] : memref<2x10240x80xf32, #tpu.memory_space<hbm>> -> memref<1x64x80xf32, #tpu.memory_space<hbm>>
      %dma_start3A_473 = tpu.memref_squeeze %dma_start3A_472 : memref<1x64x80xf32, #tpu.memory_space<hbm>> -> memref<64x80xf32, #tpu.memory_space<hbm>>
      %dma_start3A_474 = arith.constant 0 : i32
      %dma_start3A_475 = tpu.memref_slice %arg7[%add3A_442, %dma_start3A_474] : memref<10240x80xf32, #tpu.memory_space<vmem_shared>> -> memref<64x80xf32, #tpu.memory_space<vmem_shared>>
      tpu.enqueue_dma source(%dma_start3A_475 : memref<64x80xf32, #tpu.memory_space<vmem_shared>>) target(%dma_start3A_473 : memref<64x80xf32, #tpu.memory_space<hbm>>) target_semaphore(%run_scoped3A : memref<!tpu.dma_semaphore, #tpu.memory_space<semaphore_mem>>)
      %dma_wait3A_476 = arith.constant 0 : i32
      %dma_wait3A_477 = tpu.memref_slice %arg6[%arg0, %add3A_442, %dma_wait3A_476] : memref<2x10240x80xf32, #tpu.memory_space<hbm>> -> memref<1x64x80xf32, #tpu.memory_space<hbm>>
      %dma_wait3A_478 = tpu.memref_squeeze %dma_wait3A_477 : memref<1x64x80xf32, #tpu.memory_space<hbm>> -> memref<64x80xf32, #tpu.memory_space<hbm>>
      %dma_wait3A_479 = arith.constant 0 : i32
      %dma_wait3A_480 = tpu.memref_slice %arg7[%add3A_442, %dma_wait3A_479] : memref<10240x80xf32, #tpu.memory_space<vmem_shared>> -> memref<64x80xf32, #tpu.memory_space<vmem_shared>>
      tpu.wait_dma2 semaphore(%run_scoped3A : memref<!tpu.dma_semaphore, #tpu.memory_space<semaphore_mem>>) src(%dma_wait3A_480 : memref<64x80xf32, #tpu.memory_space<vmem_shared>>) dst(%dma_wait3A_478 : memref<64x80xf32, #tpu.memory_space<hbm>>)
      tpu.yield
    }) : () -> ()
    %mul3A_443 = arith.constant 640 : i32
    %mul3A_444 = arith.muli %arg1, %mul3A_443 : i32
    %add3A_445 = arith.constant 192 : i32
    %add3A_446 = arith.addi %mul3A_444, %add3A_445 : i32
    "tpu.region"() ({
      %run_scoped3A = tpu.sem_alloc : memref<!tpu.dma_semaphore, #tpu.memory_space<semaphore_mem>>
      %dma_start3A_471 = arith.constant 0 : i32
      %dma_start3A_472 = tpu.memref_slice %arg6[%arg0, %add3A_446, %dma_start3A_471] : memref<2x10240x80xf32, #tpu.memory_space<hbm>> -> memref<1x64x80xf32, #tpu.memory_space<hbm>>
      %dma_start3A_473 = tpu.memref_squeeze %dma_start3A_472 : memref<1x64x80xf32, #tpu.memory_space<hbm>> -> memref<64x80xf32, #tpu.memory_space<hbm>>
      %dma_start3A_474 = arith.constant 0 : i32
      %dma_start3A_475 = tpu.memref_slice %arg7[%add3A_446, %dma_start3A_474] : memref<10240x80xf32, #tpu.memory_space<vmem_shared>> -> memref<64x80xf32, #tpu.memory_space<vmem_shared>>
      tpu.enqueue_dma source(%dma_start3A_475 : memref<64x80xf32, #tpu.memory_space<vmem_shared>>) target(%dma_start3A_473 : memref<64x80xf32, #tpu.memory_space<hbm>>) target_semaphore(%run_scoped3A : memref<!tpu.dma_semaphore, #tpu.memory_space<semaphore_mem>>)
      %dma_wait3A_476 = arith.constant 0 : i32
      %dma_wait3A_477 = tpu.memref_slice %arg6[%arg0, %add3A_446, %dma_wait3A_476] : memref<2x10240x80xf32, #tpu.memory_space<hbm>> -> memref<1x64x80xf32, #tpu.memory_space<hbm>>
      %dma_wait3A_478 = tpu.memref_squeeze %dma_wait3A_477 : memref<1x64x80xf32, #tpu.memory_space<hbm>> -> memref<64x80xf32, #tpu.memory_space<hbm>>
      %dma_wait3A_479 = arith.constant 0 : i32
      %dma_wait3A_480 = tpu.memref_slice %arg7[%add3A_446, %dma_wait3A_479] : memref<10240x80xf32, #tpu.memory_space<vmem_shared>> -> memref<64x80xf32, #tpu.memory_space<vmem_shared>>
      tpu.wait_dma2 semaphore(%run_scoped3A : memref<!tpu.dma_semaphore, #tpu.memory_space<semaphore_mem>>) src(%dma_wait3A_480 : memref<64x80xf32, #tpu.memory_space<vmem_shared>>) dst(%dma_wait3A_478 : memref<64x80xf32, #tpu.memory_space<hbm>>)
      tpu.yield
    }) : () -> ()
    %mul3A_447 = arith.constant 640 : i32
    %mul3A_448 = arith.muli %arg1, %mul3A_447 : i32
    %add3A_449 = arith.constant 256 : i32
    %add3A_450 = arith.addi %mul3A_448, %add3A_449 : i32
    "tpu.region"() ({
      %run_scoped3A = tpu.sem_alloc : memref<!tpu.dma_semaphore, #tpu.memory_space<semaphore_mem>>
      %dma_start3A_471 = arith.constant 0 : i32
      %dma_start3A_472 = tpu.memref_slice %arg6[%arg0, %add3A_450, %dma_start3A_471] : memref<2x10240x80xf32, #tpu.memory_space<hbm>> -> memref<1x64x80xf32, #tpu.memory_space<hbm>>
      %dma_start3A_473 = tpu.memref_squeeze %dma_start3A_472 : memref<1x64x80xf32, #tpu.memory_space<hbm>> -> memref<64x80xf32, #tpu.memory_space<hbm>>
      %dma_start3A_474 = arith.constant 0 : i32
      %dma_start3A_475 = tpu.memref_slice %arg7[%add3A_450, %dma_start3A_474] : memref<10240x80xf32, #tpu.memory_space<vmem_shared>> -> memref<64x80xf32, #tpu.memory_space<vmem_shared>>
      tpu.enqueue_dma source(%dma_start3A_475 : memref<64x80xf32, #tpu.memory_space<vmem_shared>>) target(%dma_start3A_473 : memref<64x80xf32, #tpu.memory_space<hbm>>) target_semaphore(%run_scoped3A : memref<!tpu.dma_semaphore, #tpu.memory_space<semaphore_mem>>)
      %dma_wait3A_476 = arith.constant 0 : i32
      %dma_wait3A_477 = tpu.memref_slice %arg6[%arg0, %add3A_450, %dma_wait3A_476] : memref<2x10240x80xf32, #tpu.memory_space<hbm>> -> memref<1x64x80xf32, #tpu.memory_space<hbm>>
      %dma_wait3A_478 = tpu.memref_squeeze %dma_wait3A_477 : memref<1x64x80xf32, #tpu.memory_space<hbm>> -> memref<64x80xf32, #tpu.memory_space<hbm>>
      %dma_wait3A_479 = arith.constant 0 : i32
      %dma_wait3A_480 = tpu.memref_slice %arg7[%add3A_450, %dma_wait3A_479] : memref<10240x80xf32, #tpu.memory_space<vmem_shared>> -> memref<64x80xf32, #tpu.memory_space<vmem_shared>>
      tpu.wait_dma2 semaphore(%run_scoped3A : memref<!tpu.dma_semaphore, #tpu.memory_space<semaphore_mem>>) src(%dma_wait3A_480 : memref<64x80xf32, #tpu.memory_space<vmem_shared>>) dst(%dma_wait3A_478 : memref<64x80xf32, #tpu.memory_space<hbm>>)
      tpu.yield
    }) : () -> ()
    %mul3A_451 = arith.constant 640 : i32
    %mul3A_452 = arith.muli %arg1, %mul3A_451 : i32
    %add3A_453 = arith.constant 320 : i32
    %add3A_454 = arith.addi %mul3A_452, %add3A_453 : i32
    "tpu.region"() ({
      %run_scoped3A = tpu.sem_alloc : memref<!tpu.dma_semaphore, #tpu.memory_space<semaphore_mem>>
      %dma_start3A_471 = arith.constant 0 : i32
      %dma_start3A_472 = tpu.memref_slice %arg6[%arg0, %add3A_454, %dma_start3A_471] : memref<2x10240x80xf32, #tpu.memory_space<hbm>> -> memref<1x64x80xf32, #tpu.memory_space<hbm>>
      %dma_start3A_473 = tpu.memref_squeeze %dma_start3A_472 : memref<1x64x80xf32, #tpu.memory_space<hbm>> -> memref<64x80xf32, #tpu.memory_space<hbm>>
      %dma_start3A_474 = arith.constant 0 : i32
      %dma_start3A_475 = tpu.memref_slice %arg7[%add3A_454, %dma_start3A_474] : memref<10240x80xf32, #tpu.memory_space<vmem_shared>> -> memref<64x80xf32, #tpu.memory_space<vmem_shared>>
      tpu.enqueue_dma source(%dma_start3A_475 : memref<64x80xf32, #tpu.memory_space<vmem_shared>>) target(%dma_start3A_473 : memref<64x80xf32, #tpu.memory_space<hbm>>) target_semaphore(%run_scoped3A : memref<!tpu.dma_semaphore, #tpu.memory_space<semaphore_mem>>)
      %dma_wait3A_476 = arith.constant 0 : i32
      %dma_wait3A_477 = tpu.memref_slice %arg6[%arg0, %add3A_454, %dma_wait3A_476] : memref<2x10240x80xf32, #tpu.memory_space<hbm>> -> memref<1x64x80xf32, #tpu.memory_space<hbm>>
      %dma_wait3A_478 = tpu.memref_squeeze %dma_wait3A_477 : memref<1x64x80xf32, #tpu.memory_space<hbm>> -> memref<64x80xf32, #tpu.memory_space<hbm>>
      %dma_wait3A_479 = arith.constant 0 : i32
      %dma_wait3A_480 = tpu.memref_slice %arg7[%add3A_454, %dma_wait3A_479] : memref<10240x80xf32, #tpu.memory_space<vmem_shared>> -> memref<64x80xf32, #tpu.memory_space<vmem_shared>>
      tpu.wait_dma2 semaphore(%run_scoped3A : memref<!tpu.dma_semaphore, #tpu.memory_space<semaphore_mem>>) src(%dma_wait3A_480 : memref<64x80xf32, #tpu.memory_space<vmem_shared>>) dst(%dma_wait3A_478 : memref<64x80xf32, #tpu.memory_space<hbm>>)
      tpu.yield
    }) : () -> ()
    %mul3A_455 = arith.constant 640 : i32
    %mul3A_456 = arith.muli %arg1, %mul3A_455 : i32
    %add3A_457 = arith.constant 384 : i32
    %add3A_458 = arith.addi %mul3A_456, %add3A_457 : i32
    "tpu.region"() ({
      %run_scoped3A = tpu.sem_alloc : memref<!tpu.dma_semaphore, #tpu.memory_space<semaphore_mem>>
      %dma_start3A_471 = arith.constant 0 : i32
      %dma_start3A_472 = tpu.memref_slice %arg6[%arg0, %add3A_458, %dma_start3A_471] : memref<2x10240x80xf32, #tpu.memory_space<hbm>> -> memref<1x64x80xf32, #tpu.memory_space<hbm>>
      %dma_start3A_473 = tpu.memref_squeeze %dma_start3A_472 : memref<1x64x80xf32, #tpu.memory_space<hbm>> -> memref<64x80xf32, #tpu.memory_space<hbm>>
      %dma_start3A_474 = arith.constant 0 : i32
      %dma_start3A_475 = tpu.memref_slice %arg7[%add3A_458, %dma_start3A_474] : memref<10240x80xf32, #tpu.memory_space<vmem_shared>> -> memref<64x80xf32, #tpu.memory_space<vmem_shared>>
      tpu.enqueue_dma source(%dma_start3A_475 : memref<64x80xf32, #tpu.memory_space<vmem_shared>>) target(%dma_start3A_473 : memref<64x80xf32, #tpu.memory_space<hbm>>) target_semaphore(%run_scoped3A : memref<!tpu.dma_semaphore, #tpu.memory_space<semaphore_mem>>)
      %dma_wait3A_476 = arith.constant 0 : i32
      %dma_wait3A_477 = tpu.memref_slice %arg6[%arg0, %add3A_458, %dma_wait3A_476] : memref<2x10240x80xf32, #tpu.memory_space<hbm>> -> memref<1x64x80xf32, #tpu.memory_space<hbm>>
      %dma_wait3A_478 = tpu.memref_squeeze %dma_wait3A_477 : memref<1x64x80xf32, #tpu.memory_space<hbm>> -> memref<64x80xf32, #tpu.memory_space<hbm>>
      %dma_wait3A_479 = arith.constant 0 : i32
      %dma_wait3A_480 = tpu.memref_slice %arg7[%add3A_458, %dma_wait3A_479] : memref<10240x80xf32, #tpu.memory_space<vmem_shared>> -> memref<64x80xf32, #tpu.memory_space<vmem_shared>>
      tpu.wait_dma2 semaphore(%run_scoped3A : memref<!tpu.dma_semaphore, #tpu.memory_space<semaphore_mem>>) src(%dma_wait3A_480 : memref<64x80xf32, #tpu.memory_space<vmem_shared>>) dst(%dma_wait3A_478 : memref<64x80xf32, #tpu.memory_space<hbm>>)
      tpu.yield
    }) : () -> ()
    %mul3A_459 = arith.constant 640 : i32
    %mul3A_460 = arith.muli %arg1, %mul3A_459 : i32
    %add3A_461 = arith.constant 448 : i32
    %add3A_462 = arith.addi %mul3A_460, %add3A_461 : i32
    "tpu.region"() ({
      %run_scoped3A = tpu.sem_alloc : memref<!tpu.dma_semaphore, #tpu.memory_space<semaphore_mem>>
      %dma_start3A_471 = arith.constant 0 : i32
      %dma_start3A_472 = tpu.memref_slice %arg6[%arg0, %add3A_462, %dma_start3A_471] : memref<2x10240x80xf32, #tpu.memory_space<hbm>> -> memref<1x64x80xf32, #tpu.memory_space<hbm>>
      %dma_start3A_473 = tpu.memref_squeeze %dma_start3A_472 : memref<1x64x80xf32, #tpu.memory_space<hbm>> -> memref<64x80xf32, #tpu.memory_space<hbm>>
      %dma_start3A_474 = arith.constant 0 : i32
      %dma_start3A_475 = tpu.memref_slice %arg7[%add3A_462, %dma_start3A_474] : memref<10240x80xf32, #tpu.memory_space<vmem_shared>> -> memref<64x80xf32, #tpu.memory_space<vmem_shared>>
      tpu.enqueue_dma source(%dma_start3A_475 : memref<64x80xf32, #tpu.memory_space<vmem_shared>>) target(%dma_start3A_473 : memref<64x80xf32, #tpu.memory_space<hbm>>) target_semaphore(%run_scoped3A : memref<!tpu.dma_semaphore, #tpu.memory_space<semaphore_mem>>)
      %dma_wait3A_476 = arith.constant 0 : i32
      %dma_wait3A_477 = tpu.memref_slice %arg6[%arg0, %add3A_462, %dma_wait3A_476] : memref<2x10240x80xf32, #tpu.memory_space<hbm>> -> memref<1x64x80xf32, #tpu.memory_space<hbm>>
      %dma_wait3A_478 = tpu.memref_squeeze %dma_wait3A_477 : memref<1x64x80xf32, #tpu.memory_space<hbm>> -> memref<64x80xf32, #tpu.memory_space<hbm>>
      %dma_wait3A_479 = arith.constant 0 : i32
      %dma_wait3A_480 = tpu.memref_slice %arg7[%add3A_462, %dma_wait3A_479] : memref<10240x80xf32, #tpu.memory_space<vmem_shared>> -> memref<64x80xf32, #tpu.memory_space<vmem_shared>>
      tpu.wait_dma2 semaphore(%run_scoped3A : memref<!tpu.dma_semaphore, #tpu.memory_space<semaphore_mem>>) src(%dma_wait3A_480 : memref<64x80xf32, #tpu.memory_space<vmem_shared>>) dst(%dma_wait3A_478 : memref<64x80xf32, #tpu.memory_space<hbm>>)
      tpu.yield
    }) : () -> ()
    %mul3A_463 = arith.constant 640 : i32
    %mul3A_464 = arith.muli %arg1, %mul3A_463 : i32
    %add3A_465 = arith.constant 512 : i32
    %add3A_466 = arith.addi %mul3A_464, %add3A_465 : i32
    "tpu.region"() ({
      %run_scoped3A = tpu.sem_alloc : memref<!tpu.dma_semaphore, #tpu.memory_space<semaphore_mem>>
      %dma_start3A_471 = arith.constant 0 : i32
      %dma_start3A_472 = tpu.memref_slice %arg6[%arg0, %add3A_466, %dma_start3A_471] : memref<2x10240x80xf32, #tpu.memory_space<hbm>> -> memref<1x64x80xf32, #tpu.memory_space<hbm>>
      %dma_start3A_473 = tpu.memref_squeeze %dma_start3A_472 : memref<1x64x80xf32, #tpu.memory_space<hbm>> -> memref<64x80xf32, #tpu.memory_space<hbm>>
      %dma_start3A_474 = arith.constant 0 : i32
      %dma_start3A_475 = tpu.memref_slice %arg7[%add3A_466, %dma_start3A_474] : memref<10240x80xf32, #tpu.memory_space<vmem_shared>> -> memref<64x80xf32, #tpu.memory_space<vmem_shared>>
      tpu.enqueue_dma source(%dma_start3A_475 : memref<64x80xf32, #tpu.memory_space<vmem_shared>>) target(%dma_start3A_473 : memref<64x80xf32, #tpu.memory_space<hbm>>) target_semaphore(%run_scoped3A : memref<!tpu.dma_semaphore, #tpu.memory_space<semaphore_mem>>)
      %dma_wait3A_476 = arith.constant 0 : i32
      %dma_wait3A_477 = tpu.memref_slice %arg6[%arg0, %add3A_466, %dma_wait3A_476] : memref<2x10240x80xf32, #tpu.memory_space<hbm>> -> memref<1x64x80xf32, #tpu.memory_space<hbm>>
      %dma_wait3A_478 = tpu.memref_squeeze %dma_wait3A_477 : memref<1x64x80xf32, #tpu.memory_space<hbm>> -> memref<64x80xf32, #tpu.memory_space<hbm>>
      %dma_wait3A_479 = arith.constant 0 : i32
      %dma_wait3A_480 = tpu.memref_slice %arg7[%add3A_466, %dma_wait3A_479] : memref<10240x80xf32, #tpu.memory_space<vmem_shared>> -> memref<64x80xf32, #tpu.memory_space<vmem_shared>>
      tpu.wait_dma2 semaphore(%run_scoped3A : memref<!tpu.dma_semaphore, #tpu.memory_space<semaphore_mem>>) src(%dma_wait3A_480 : memref<64x80xf32, #tpu.memory_space<vmem_shared>>) dst(%dma_wait3A_478 : memref<64x80xf32, #tpu.memory_space<hbm>>)
      tpu.yield
    }) : () -> ()
    %mul3A_467 = arith.constant 640 : i32
    %mul3A_468 = arith.muli %arg1, %mul3A_467 : i32
    %add3A_469 = arith.constant 576 : i32
    %add3A_470 = arith.addi %mul3A_468, %add3A_469 : i32
    "tpu.region"() ({
      %run_scoped3A = tpu.sem_alloc : memref<!tpu.dma_semaphore, #tpu.memory_space<semaphore_mem>>
      %dma_start3A_471 = arith.constant 0 : i32
      %dma_start3A_472 = tpu.memref_slice %arg6[%arg0, %add3A_470, %dma_start3A_471] : memref<2x10240x80xf32, #tpu.memory_space<hbm>> -> memref<1x64x80xf32, #tpu.memory_space<hbm>>
      %dma_start3A_473 = tpu.memref_squeeze %dma_start3A_472 : memref<1x64x80xf32, #tpu.memory_space<hbm>> -> memref<64x80xf32, #tpu.memory_space<hbm>>
      %dma_start3A_474 = arith.constant 0 : i32
      %dma_start3A_475 = tpu.memref_slice %arg7[%add3A_470, %dma_start3A_474] : memref<10240x80xf32, #tpu.memory_space<vmem_shared>> -> memref<64x80xf32, #tpu.memory_space<vmem_shared>>
      tpu.enqueue_dma source(%dma_start3A_475 : memref<64x80xf32, #tpu.memory_space<vmem_shared>>) target(%dma_start3A_473 : memref<64x80xf32, #tpu.memory_space<hbm>>) target_semaphore(%run_scoped3A : memref<!tpu.dma_semaphore, #tpu.memory_space<semaphore_mem>>)
      %dma_wait3A_476 = arith.constant 0 : i32
      %dma_wait3A_477 = tpu.memref_slice %arg6[%arg0, %add3A_470, %dma_wait3A_476] : memref<2x10240x80xf32, #tpu.memory_space<hbm>> -> memref<1x64x80xf32, #tpu.memory_space<hbm>>
      %dma_wait3A_478 = tpu.memref_squeeze %dma_wait3A_477 : memref<1x64x80xf32, #tpu.memory_space<hbm>> -> memref<64x80xf32, #tpu.memory_space<hbm>>
      %dma_wait3A_479 = arith.constant 0 : i32
      %dma_wait3A_480 = tpu.memref_slice %arg7[%add3A_470, %dma_wait3A_479] : memref<10240x80xf32, #tpu.memory_space<vmem_shared>> -> memref<64x80xf32, #tpu.memory_space<vmem_shared>>
      tpu.wait_dma2 semaphore(%run_scoped3A : memref<!tpu.dma_semaphore, #tpu.memory_space<semaphore_mem>>) src(%dma_wait3A_480 : memref<64x80xf32, #tpu.memory_space<vmem_shared>>) dst(%dma_wait3A_478 : memref<64x80xf32, #tpu.memory_space<hbm>>)
      tpu.yield
    }) : () -> ()
    return
  }
}

module attributes {stable_mosaic.version = 14 : i64} {
  func.func @body(%arg0: i32, %arg1: memref<2000x128xf32, #tpu.memory_space<vmem>>, %arg2: memref<128x512xf32, #tpu.memory_space<vmem>>, %arg3: memref<1x512xf32, #tpu.memory_space<vmem>>, %arg4: memref<2000x512xf32, #tpu.memory_space<vmem>>) attributes {dimension_semantics = [#tpu.dimension_semantics<arbitrary>], iteration_bounds = array<i64: 20>, scalar_prefetch = 0 : i64, scratch_operands = 0 : i64, tpu.core_type = #tpu.core_type<tc>, window_params = [{transform_indices = @transform_0, window_bounds = array<i64: 2000, 128>}, {pipeline_mode = #tpu.pipeline_mode<synchronous>, transform_indices = @transform_1, window_bounds = array<i64: 128, 512>}, {pipeline_mode = #tpu.pipeline_mode<synchronous>, transform_indices = @transform_2, window_bounds = array<i64: 1, 512>}, {transform_indices = @transform_3, window_bounds = array<i64: 2000, 512>}]} {
    %get3A = arith.constant 0 : index
    %get3A_0 = arith.constant 0 : index
    %get3A_1 = vector.load %arg1[%get3A, %get3A_0] : memref<2000x128xf32, #tpu.memory_space<vmem>>, vector<2000x128xf32>
    %get3A_2 = arith.constant 0 : index
    %get3A_3 = arith.constant 0 : index
    %get3A_4 = vector.load %arg2[%get3A_2, %get3A_3] : memref<128x512xf32, #tpu.memory_space<vmem>>, vector<128x512xf32>
    %dot_general3A = arith.constant dense<0.000000e+00> : vector<2000x512xf32>
    %dot_general3A_5 = tpu.matmul %get3A_1, %get3A_4, %dot_general3A {dimension_numbers = #tpu.dot_dimension_numbers<[1], [0], [0], [1], [0, 0, 1, 1], [], []>, transpose_lhs_hint = false} : vector<2000x128xf32>, vector<128x512xf32>, vector<2000x512xf32> -> vector<2000x512xf32>
    %get3A_6 = arith.constant 0 : index
    %get3A_7 = arith.constant 0 : index
    %get3A_8 = vector.load %arg3[%get3A_6, %get3A_7] : memref<1x512xf32, #tpu.memory_space<vmem>>, vector<1x512xf32>
    %add3A = vector.broadcast %get3A_8 : vector<1x512xf32> to vector<2000x512xf32>
    %add3A_9 = arith.addf %dot_general3A_5, %add3A : vector<2000x512xf32>
    %swap3A = arith.constant 0 : index
    %swap3A_10 = arith.constant 0 : index
    %swap3A_11 = vector.load %arg4[%swap3A, %swap3A_10] : memref<2000x512xf32, #tpu.memory_space<vmem>>, vector<2000x512xf32>
    tpu.vector_store %arg4[%swap3A, %swap3A_10], %add3A_9 {strides = array<i32>} : memref<2000x512xf32, #tpu.memory_space<vmem>>, vector<2000x512xf32>,
    return
  }
  func.func @transform_0(%arg0: i32) -> (i32, i32) {
    %c0_i32 = arith.constant 0 : i32
    %c0_i32_0 = arith.constant 0 : i32
    return %arg0, %c0_i32 : i32, i32
  }
  func.func @transform_1(%arg0: i32) -> (i32, i32) {
    %c0_i32 = arith.constant 0 : i32
    %c0_i32_0 = arith.constant 0 : i32
    %c0_i32_1 = arith.constant 0 : i32
    return %c0_i32, %c0_i32_0 : i32, i32
  }
  func.func @transform_2(%arg0: i32) -> (i32, i32) {
    %c0_i32 = arith.constant 0 : i32
    %c0_i32_0 = arith.constant 0 : i32
    %c0_i32_1 = arith.constant 0 : i32
    return %c0_i32, %c0_i32_0 : i32, i32
  }
  func.func @transform_3(%arg0: i32) -> (i32, i32) {
    %c0_i32 = arith.constant 0 : i32
    %c0_i32_0 = arith.constant 0 : i32
    return %arg0, %c0_i32 : i32, i32
  }
}

module attributes {stable_mosaic.version = 14 : i64} {
  func.func @body(%arg0: i32, %arg1: memref<2000x128xf32, #tpu.memory_space<vmem>>, %arg2: memref<128x64xf32, #tpu.memory_space<vmem>>, %arg3: memref<2000x64xf32, #tpu.memory_space<vmem>>) attributes {dimension_semantics = [#tpu.dimension_semantics<arbitrary>], iteration_bounds = array<i64: 5>, scalar_prefetch = 0 : i64, scratch_operands = 0 : i64, tpu.core_type = #tpu.core_type<tc>, window_params = [{transform_indices = @transform_0, window_bounds = array<i64: 2000, 128>}, {pipeline_mode = #tpu.pipeline_mode<synchronous>, transform_indices = @transform_1, window_bounds = array<i64: 128, 64>}, {transform_indices = @transform_2, window_bounds = array<i64: 2000, 64>}]} {
    %get3A = arith.constant 0 : index
    %get3A_0 = arith.constant 0 : index
    %get3A_1 = vector.load %arg1[%get3A, %get3A_0] : memref<2000x128xf32, #tpu.memory_space<vmem>>, vector<2000x128xf32>
    %get3A_2 = arith.constant 0 : index
    %get3A_3 = arith.constant 0 : index
    %get3A_4 = vector.load %arg2[%get3A_2, %get3A_3] : memref<128x64xf32, #tpu.memory_space<vmem>>, vector<128x64xf32>
    %dot_general3A = arith.constant dense<0.000000e+00> : vector<2000x64xf32>
    %dot_general3A_5 = tpu.matmul %get3A_1, %get3A_4, %dot_general3A {dimension_numbers = #tpu.dot_dimension_numbers<[1], [0], [0], [1], [0, 0, 1, 1], [], []>, transpose_lhs_hint = false} : vector<2000x128xf32>, vector<128x64xf32>, vector<2000x64xf32> -> vector<2000x64xf32>
    %swap3A = arith.constant 0 : index
    %swap3A_6 = arith.constant 0 : index
    %swap3A_7 = vector.load %arg3[%swap3A, %swap3A_6] : memref<2000x64xf32, #tpu.memory_space<vmem>>, vector<2000x64xf32>
    tpu.vector_store %arg3[%swap3A, %swap3A_6], %dot_general3A_5 {strides = array<i32>} : memref<2000x64xf32, #tpu.memory_space<vmem>>, vector<2000x64xf32>,
    return
  }
  func.func @transform_0(%arg0: i32) -> (i32, i32) {
    %c0_i32 = arith.constant 0 : i32
    %c0_i32_0 = arith.constant 0 : i32
    return %arg0, %c0_i32 : i32, i32
  }
  func.func @transform_1(%arg0: i32) -> (i32, i32) {
    %c0_i32 = arith.constant 0 : i32
    %c0_i32_0 = arith.constant 0 : i32
    %c0_i32_1 = arith.constant 0 : i32
    return %c0_i32, %c0_i32_0 : i32, i32
  }
  func.func @transform_2(%arg0: i32) -> (i32, i32) {
    %c0_i32 = arith.constant 0 : i32
    %c0_i32_0 = arith.constant 0 : i32
    return %arg0, %c0_i32 : i32, i32
  }
}

module attributes {stable_mosaic.version = 14 : i64} {
  func.func @body(%arg0: i32, %arg1: memref<2000x128xf32, #tpu.memory_space<vmem>>, %arg2: memref<2x2000x80xf32, #tpu.memory_space<vmem>>, %arg3: memref<2000x1xi32, #tpu.memory_space<vmem>>, %arg4: memref<16x64xf32, #tpu.memory_space<vmem>>, %arg5: memref<64x64xf32, #tpu.memory_space<vmem>>, %arg6: memref<1x64xf32, #tpu.memory_space<vmem>>, %arg7: memref<256x64xf32, #tpu.memory_space<vmem>>, %arg8: memref<1x64xf32, #tpu.memory_space<vmem>>, %arg9: memref<64x128xf32, #tpu.memory_space<vmem>>, %arg10: memref<1x128xf32, #tpu.memory_space<vmem>>, %arg11: memref<2000x128xf32, #tpu.memory_space<vmem>>) attributes {dimension_semantics = [#tpu.dimension_semantics<arbitrary>], iteration_bounds = array<i64: 5>, scalar_prefetch = 0 : i64, scratch_operands = 0 : i64, tpu.core_type = #tpu.core_type<tc>, window_params = [{transform_indices = @transform_0, window_bounds = array<i64: 2000, 128>}, {transform_indices = @transform_1, window_bounds = array<i64: 2, 2000, 80>}, {transform_indices = @transform_2, window_bounds = array<i64: 2000, 1>}, {pipeline_mode = #tpu.pipeline_mode<synchronous>, transform_indices = @transform_3, window_bounds = array<i64: 16, 64>}, {pipeline_mode = #tpu.pipeline_mode<synchronous>, transform_indices = @transform_4, window_bounds = array<i64: 64, 64>}, {pipeline_mode = #tpu.pipeline_mode<synchronous>, transform_indices = @transform_5, window_bounds = array<i64: 1, 64>}, {pipeline_mode = #tpu.pipeline_mode<synchronous>, transform_indices = @transform_6, window_bounds = array<i64: 256, 64>}, {pipeline_mode = #tpu.pipeline_mode<synchronous>, transform_indices = @transform_7, window_bounds = array<i64: 1, 64>}, {pipeline_mode = #tpu.pipeline_mode<synchronous>, transform_indices = @transform_8, window_bounds = array<i64: 64, 128>}, {pipeline_mode = #tpu.pipeline_mode<synchronous>, transform_indices = @transform_9, window_bounds = array<i64: 1, 128>}, {transform_indices = @transform_10, window_bounds = array<i64: 2000, 128>}]} {
    %get3A = arith.constant 0 : index
    %get3A_0 = arith.constant 0 : index
    %get3A_1 = arith.constant 0 : index
    %get3A_2 = vector.load %arg2[%get3A, %get3A_0, %get3A_1] : memref<2x2000x80xf32, #tpu.memory_space<vmem>>, vector<1x2000x64xf32>
    %get3A_3 = vector.shape_cast %get3A_2 : vector<1x2000x64xf32> to vector<2000x64xf32>
    %get3A_4 = arith.constant 1 : index
    %get3A_5 = arith.constant 0 : index
    %get3A_6 = arith.constant 0 : index
    %get3A_7 = vector.load %arg2[%get3A_4, %get3A_5, %get3A_6] : memref<2x2000x80xf32, #tpu.memory_space<vmem>>, vector<1x2000x64xf32>
    %get3A_8 = vector.shape_cast %get3A_7 : vector<1x2000x64xf32> to vector<2000x64xf32>
    %add3A = arith.addf %get3A_3, %get3A_8 : vector<2000x64xf32>
    %get3A_9 = arith.constant 0 : index
    %get3A_10 = arith.constant 0 : index
    %get3A_11 = arith.constant 64 : index
    %get3A_12 = vector.load %arg2[%get3A_9, %get3A_10, %get3A_11] : memref<2x2000x80xf32, #tpu.memory_space<vmem>>, vector<1x2000x1xf32>
    %get3A_13 = vector.shape_cast %get3A_12 : vector<1x2000x1xf32> to vector<2000x1xf32>
    %get3A_14 = arith.constant 1 : index
    %get3A_15 = arith.constant 0 : index
    %get3A_16 = arith.constant 64 : index
    %get3A_17 = vector.load %arg2[%get3A_14, %get3A_15, %get3A_16] : memref<2x2000x80xf32, #tpu.memory_space<vmem>>, vector<1x2000x1xf32>
    %get3A_18 = vector.shape_cast %get3A_17 : vector<1x2000x1xf32> to vector<2000x1xf32>
    %add3A_19 = arith.addf %get3A_13, %get3A_18 : vector<2000x1xf32>
    %max3A = arith.constant 1.000000e+00 : f32
    %max3A_20 = vector.broadcast %max3A : f32 to vector<2000x1xf32>
    %max3A_21 = arith.maximumf %add3A_19, %max3A_20 : vector<2000x1xf32>
    %div3A = vector.broadcast %max3A_21 : vector<2000x1xf32> to vector<2000x64xf32>
    %div3A_22 = arith.divf %add3A, %div3A : vector<2000x64xf32>
    %min3A = arith.constant 1.000000e+00 : f32
    %min3A_23 = vector.broadcast %min3A : f32 to vector<2000x1xf32>
    %min3A_24 = arith.minimumf %add3A_19, %min3A_23 : vector<2000x1xf32>
    %get3A_25 = arith.constant 0 : index
    %get3A_26 = arith.constant 0 : index
    %get3A_27 = vector.load %arg7[%get3A_25, %get3A_26] : memref<256x64xf32, #tpu.memory_space<vmem>>, vector<128x64xf32>
    %get3A_28 = arith.constant 128 : index
    %get3A_29 = arith.constant 0 : index
    %get3A_30 = vector.load %arg7[%get3A_28, %get3A_29] : memref<256x64xf32, #tpu.memory_space<vmem>>, vector<64x64xf32>
    %get3A_31 = arith.constant 192 : index
    %get3A_32 = arith.constant 0 : index
    %get3A_33 = vector.load %arg7[%get3A_31, %get3A_32] : memref<256x64xf32, #tpu.memory_space<vmem>>, vector<64x64xf32>
    %get3A_34 = arith.constant 0 : index
    %get3A_35 = arith.constant 0 : index
    %get3A_36 = vector.load %arg5[%get3A_34, %get3A_35] : memref<64x64xf32, #tpu.memory_space<vmem>>, vector<64x64xf32>
    %dot_general3A = arith.constant dense<0.000000e+00> : vector<64x64xf32>
    %dot_general3A_37 = tpu.matmul %get3A_36, %get3A_30, %dot_general3A {dimension_numbers = #tpu.dot_dimension_numbers<[1], [0], [0], [1], [0, 0, 1, 1], [], []>, transpose_lhs_hint = false} : vector<64x64xf32>, vector<64x64xf32>, vector<64x64xf32> -> vector<64x64xf32>
    %get3A_38 = arith.constant 0 : index
    %get3A_39 = arith.constant 0 : index
    %get3A_40 = vector.load %arg6[%get3A_38, %get3A_39] : memref<1x64xf32, #tpu.memory_space<vmem>>, vector<1x64xf32>
    %dot_general3A_41 = arith.constant dense<0.000000e+00> : vector<1x64xf32>
    %dot_general3A_42 = tpu.matmul %get3A_40, %get3A_30, %dot_general3A_41 {dimension_numbers = #tpu.dot_dimension_numbers<[1], [0], [0], [1], [0, 0, 1, 1], [], []>, transpose_lhs_hint = false} : vector<1x64xf32>, vector<64x64xf32>, vector<1x64xf32> -> vector<1x64xf32>
    %get3A_43 = arith.constant 0 : index
    %get3A_44 = arith.constant 0 : index
    %get3A_45 = vector.load %arg4[%get3A_43, %get3A_44] : memref<16x64xf32, #tpu.memory_space<vmem>>, vector<16x64xf32>
    %dot_general3A_46 = arith.constant dense<0.000000e+00> : vector<16x64xf32>
    %dot_general3A_47 = tpu.matmul %get3A_45, %get3A_33, %dot_general3A_46 {dimension_numbers = #tpu.dot_dimension_numbers<[1], [0], [0], [1], [0, 0, 1, 1], [], []>, transpose_lhs_hint = false} : vector<16x64xf32>, vector<64x64xf32>, vector<16x64xf32> -> vector<16x64xf32>
    %get3A_48 = arith.constant 0 : index
    %get3A_49 = arith.constant 0 : index
    %get3A_50 = vector.load %arg3[%get3A_48, %get3A_49] : memref<2000x1xi32, #tpu.memory_space<vmem>>, vector<2000x1xi32>
    %iota3A = tpu.iota {dimensions = array<i32: 1>} : vector<2000x16xi32>
    %eq3A = vector.broadcast %get3A_50 : vector<2000x1xi32> to vector<2000x16xi32>
    %eq3A_51 = arith.cmpi eq, %eq3A, %iota3A : vector<2000x16xi32>
    %convert_element_type3A = arith.extui %eq3A_51 : vector<2000x16xi1> to vector<2000x16xi32>
    %convert_element_type3A_52 = arith.sitofp %convert_element_type3A : vector<2000x16xi32> to vector<2000x16xf32>
    %get3A_53 = arith.constant 0 : index
    %get3A_54 = arith.constant 0 : index
    %get3A_55 = vector.load %arg1[%get3A_53, %get3A_54] : memref<2000x128xf32, #tpu.memory_space<vmem>>, vector<2000x128xf32>
    %dot_general3A_56 = arith.constant dense<0.000000e+00> : vector<2000x64xf32>
    %dot_general3A_57 = tpu.matmul %get3A_55, %get3A_27, %dot_general3A_56 {dimension_numbers = #tpu.dot_dimension_numbers<[1], [0], [0], [1], [0, 0, 1, 1], [], []>, transpose_lhs_hint = false} : vector<2000x128xf32>, vector<128x64xf32>, vector<2000x64xf32> -> vector<2000x64xf32>
    %dot_general3A_58 = arith.constant dense<0.000000e+00> : vector<2000x64xf32>
    %dot_general3A_59 = tpu.matmul %div3A_22, %dot_general3A_37, %dot_general3A_58 {dimension_numbers = #tpu.dot_dimension_numbers<[1], [0], [0], [1], [0, 0, 1, 1], [], []>, transpose_lhs_hint = false} : vector<2000x64xf32>, vector<64x64xf32>, vector<2000x64xf32> -> vector<2000x64xf32>
    %add3A_60 = arith.addf %dot_general3A_57, %dot_general3A_59 : vector<2000x64xf32>
    %mul3A = vector.broadcast %min3A_24 : vector<2000x1xf32> to vector<2000x64xf32>
    %mul3A_61 = vector.broadcast %dot_general3A_42 : vector<1x64xf32> to vector<2000x64xf32>
    %mul3A_62 = arith.mulf %mul3A, %mul3A_61 : vector<2000x64xf32>
    %add3A_63 = arith.addf %add3A_60, %mul3A_62 : vector<2000x64xf32>
    %dot_general3A_64 = arith.constant dense<0.000000e+00> : vector<2000x64xf32>
    %dot_general3A_65 = tpu.matmul %convert_element_type3A_52, %dot_general3A_47, %dot_general3A_64 {dimension_numbers = #tpu.dot_dimension_numbers<[1], [0], [0], [1], [0, 0, 1, 1], [], []>, transpose_lhs_hint = false} : vector<2000x16xf32>, vector<16x64xf32>, vector<2000x64xf32> -> vector<2000x64xf32>
    %add3A_66 = arith.addf %add3A_63, %dot_general3A_65 : vector<2000x64xf32>
    %get3A_67 = arith.constant 0 : index
    %get3A_68 = arith.constant 0 : index
    %get3A_69 = vector.load %arg8[%get3A_67, %get3A_68] : memref<1x64xf32, #tpu.memory_space<vmem>>, vector<1x64xf32>
    %add3A_70 = vector.broadcast %get3A_69 : vector<1x64xf32> to vector<2000x64xf32>
    %add3A_71 = arith.addf %add3A_66, %add3A_70 : vector<2000x64xf32>
    %max3A_72 = arith.constant 0.000000e+00 : f32
    %max3A_73 = vector.broadcast %max3A_72 : f32 to vector<2000x64xf32>
    %max3A_74 = arith.maximumf %add3A_71, %max3A_73 : vector<2000x64xf32>
    %get3A_75 = arith.constant 0 : index
    %get3A_76 = arith.constant 0 : index
    %get3A_77 = vector.load %arg9[%get3A_75, %get3A_76] : memref<64x128xf32, #tpu.memory_space<vmem>>, vector<64x128xf32>
    %dot_general3A_78 = arith.constant dense<0.000000e+00> : vector<2000x128xf32>
    %dot_general3A_79 = tpu.matmul %max3A_74, %get3A_77, %dot_general3A_78 {dimension_numbers = #tpu.dot_dimension_numbers<[1], [0], [0], [1], [0, 0, 1, 1], [], []>, transpose_lhs_hint = false} : vector<2000x64xf32>, vector<64x128xf32>, vector<2000x128xf32> -> vector<2000x128xf32>
    %get3A_80 = arith.constant 0 : index
    %get3A_81 = arith.constant 0 : index
    %get3A_82 = vector.load %arg10[%get3A_80, %get3A_81] : memref<1x128xf32, #tpu.memory_space<vmem>>, vector<1x128xf32>
    %add3A_83 = vector.broadcast %get3A_82 : vector<1x128xf32> to vector<2000x128xf32>
    %add3A_84 = arith.addf %dot_general3A_79, %add3A_83 : vector<2000x128xf32>
    %swap3A = arith.constant 0 : index
    %swap3A_85 = arith.constant 0 : index
    %swap3A_86 = vector.load %arg11[%swap3A, %swap3A_85] : memref<2000x128xf32, #tpu.memory_space<vmem>>, vector<2000x128xf32>
    tpu.vector_store %arg11[%swap3A, %swap3A_85], %add3A_84 {strides = array<i32>} : memref<2000x128xf32, #tpu.memory_space<vmem>>, vector<2000x128xf32>,
    return
  }
  func.func @transform_0(%arg0: i32) -> (i32, i32) {
    %c0_i32 = arith.constant 0 : i32
    %c0_i32_0 = arith.constant 0 : i32
    return %arg0, %c0_i32 : i32, i32
  }
  func.func @transform_1(%arg0: i32) -> (i32, i32, i32) {
    %c0_i32 = arith.constant 0 : i32
    %c0_i32_0 = arith.constant 0 : i32
    %c0_i32_1 = arith.constant 0 : i32
    return %c0_i32, %arg0, %c0_i32_0 : i32, i32, i32
  }
  func.func @transform_2(%arg0: i32) -> (i32, i32) {
    %c0_i32 = arith.constant 0 : i32
    %c0_i32_0 = arith.constant 0 : i32
    return %arg0, %c0_i32 : i32, i32
  }
  func.func @transform_3(%arg0: i32) -> (i32, i32) {
    %c0_i32 = arith.constant 0 : i32
    %c0_i32_0 = arith.constant 0 : i32
    %c0_i32_1 = arith.constant 0 : i32
    return %c0_i32, %c0_i32_0 : i32, i32
  }
  func.func @transform_4(%arg0: i32) -> (i32, i32) {
    %c0_i32 = arith.constant 0 : i32
    %c0_i32_0 = arith.constant 0 : i32
    %c0_i32_1 = arith.constant 0 : i32
    return %c0_i32, %c0_i32_0 : i32, i32
  }
  func.func @transform_5(%arg0: i32) -> (i32, i32) {
    %c0_i32 = arith.constant 0 : i32
    %c0_i32_0 = arith.constant 0 : i32
    %c0_i32_1 = arith.constant 0 : i32
    return %c0_i32, %c0_i32_0 : i32, i32
  }
  func.func @transform_6(%arg0: i32) -> (i32, i32) {
    %c0_i32 = arith.constant 0 : i32
    %c0_i32_0 = arith.constant 0 : i32
    %c0_i32_1 = arith.constant 0 : i32
    return %c0_i32, %c0_i32_0 : i32, i32
  }
  func.func @transform_7(%arg0: i32) -> (i32, i32) {
    %c0_i32 = arith.constant 0 : i32
    %c0_i32_0 = arith.constant 0 : i32
    %c0_i32_1 = arith.constant 0 : i32
    return %c0_i32, %c0_i32_0 : i32, i32
  }
  func.func @transform_8(%arg0: i32) -> (i32, i32) {
    %c0_i32 = arith.constant 0 : i32
    %c0_i32_0 = arith.constant 0 : i32
    %c0_i32_1 = arith.constant 0 : i32
    return %c0_i32, %c0_i32_0 : i32, i32
  }
  func.func @transform_9(%arg0: i32) -> (i32, i32) {
    %c0_i32 = arith.constant 0 : i32
    %c0_i32_0 = arith.constant 0 : i32
    %c0_i32_1 = arith.constant 0 : i32
    return %c0_i32, %c0_i32_0 : i32, i32
  }
  func.func @transform_10(%arg0: i32) -> (i32, i32) {
    %c0_i32 = arith.constant 0 : i32
    %c0_i32_0 = arith.constant 0 : i32
    return %arg0, %c0_i32 : i32, i32
  }
}

</mosaic_0001>

<sc_bundles>
// kernel: kernel.6.cloned.1.call-start
scs
__scs_entry_jumppad:
0x0: {  	(pc) =	sbr.rel $0x88, $3  }
0x1: {  	(tag) =	ssettag $0x0;
	lr =	simm.s32 $0x1  }
0x2: {  	[smem:$0x3F94] =	sst lr;
	_ =	strace $0xD0000000  }
0x3: {  	_ = 	snop  }
0x4: {  	_ = 	snop  }
0x5: {  	_ = 	snop  }
0x6: {  	_ = 	snop  }
0x7: {  	_ = 	snop  }
__scs_overlays_trampoline_lowered:
0x8: {  	[smem:$0x3FA3] =	sst s0  }
0x9: {  	[smem:$0x3FA4] =	sst s1  }
0xa: {  	[smem:$0x3FA5] =	sst s2  }
0xb: {  	[smem:$0x3FA6] =	sst s3  }
0xc: {  	[smem:$0x3FA7] =	sst s4  }
0xd: {  	[smem:$0x3FA8] =	sst s5  }
0xe: {  	[smem:$0x3FA9] =	sst s6  }
0xf: {  	[smem:$0x3FAA] =	sst s7  }
0x10: {  	[smem:$0x3FAB] =	sst s8  }
0x11: {  	[smem:$0x3FAC] =	sst s9;
	s0 =	simm.s32 @!p0 $0x0  }
0x12: {  	s1 =	sld [smem:$0x3F92];
	s0 =	simm.s32 @p0 $0x1  }
0x13: {  	[smem:$0x3FAD] =	sst s0;
	s0 =	simm.s32 @!p1 $0x0  }
0x14: {  	s2 =	sld [smem:$0x3F91];
	s0 =	simm.s32 @p1 $0x1  }
0x15: {  	[smem:$0x3FAE] =	sst s0;
	s0 =	simm.s32 @!p2 $0x0  }
0x16: {  	s3 =	sld [smem:$0x3FDB];
	s0 =	simm.s32 @p2 $0x1  }
0x17: {  	s4 =	simm.s32 $0x1BF5;
	[smem:$0x3FB0] =	sst s0  }
0x18: {  	s0 =	sld [smem:$0x3F93];
	_ =	swait.ge [sflag:s4], $0x0  }
0x19: {  	s7 =	sld [smem:$0x3F94]  }
0x1a: {  	s8 =	sadd.s32 $0xFFFFE003, lr  }
0x1b: {  	s9 =	sadd.s32 $0xFFFFFEF7, lr;
	s5 =	simm.s32 $0xFFFFFFFF;
	p2 =	slt.u32 s8, $0xFFFFF086  }
0x1c: {  	p1 =	slt.u32 s9, $0xF7A;
	s5 =	simm.s32 @!p2 $0x0  }
0x1d: {  	s5 =	simm.s32 @p1 $0x1;
	p0 =	seq.s32 s7, s2  }
0x1e: {  	s7 =	smul.u32 @!p0 $0xF7A, s2;
	p2 =	seq.s32 @!p0 s5, $0x0  }
0x1f: {  	s9 =	smul.u32 $0xF7A, s1;
	s8 =	simm.s32 @!p0 $0x1BF5;
	p2 =	por !p2, p0  }
0x20: {  	[sflag:s8] =	ssyncset.s32 @!p0 $0xFFFFF086;
	s6 =	sadd.s32 @!p0 s3, s7;
	s7 =	simm.s32 @!p0 $0x108  }
0x21: {  	s3 =	sadd.s32 s3, s9;
	s6 =	sadd.s32 @!p0 $0x88, s6;
	s7 =	simm.s32 @p2 $0x1082  }
0x22: {  	[simem:s7], [sflag:s8] =	dma.local @!p0 [hbm:s6], $0xF7A  }
0x23: {  	s9 =	sor.u32 $0xD0000000, s2;
	s6 =	simm.s32 $0x108;
	_ =	swait.ge @!p0 [sflag:s8], $0x0  }
0x24: {  	s3 =	sadd.s32 $0x88, s3;
	s6 =	simm.s32 @!p1 $0x1082;
	[sflag:s4] =	ssyncset.s32 $0xFFFFF086  }
0x25: {  	[simem:s6], [sflag:s4] =	dma.local [hbm:s3], $0xF7A  }
0x26: {  	[smem:$0x3F94] =	sst s1;
	(tag) =	ssettag s2;
	_ =	strace s9  }
0x27: {  	s1 =	sld [smem:$0x3FA4]  }
0x28: {  	s2 =	sld [smem:$0x3FA5]  }
0x29: {  	s4 =	sld [smem:$0x3FA7]  }
0x2a: {  	p0 =	seq.s32 s5, $0x0;
	s5 =	sld [smem:$0x3FA8]  }
0x2b: {  	s6 =	sld [smem:$0x3FA9]  }
0x2c: {  	s7 =	sld [smem:$0x3FAA]  }
0x2d: {  	s3 =	simm.s32 $0x108;
	s8 =	sld [smem:$0x3FAB]  }
0x2e: {  	s3 =	simm.s32 @!p0 $0x1082;
	s9 =	sld [smem:$0x3FAC]  }
0x2f: {  	lr =	sadd.s32 s0, s3;
	s0 =	sld [smem:$0x3FA3]  }
0x30: {  	s3 =	sld [smem:$0x3FA6]  }
0x31: {  	[smem:$0x3FAF] =	sst s10  }
0x32: {  	s10 =	sld [smem:$0x3FAD];
	_ =	sdelay $0x3  }
0x33: {  	p0 =	seq.s32 s10, $0x1;
	s10 =	sld [smem:$0x3FAF];
	_ =	sdelay $0x3  }
0x34: {  	[smem:$0x3FAF] =	sst s10  }
0x35: {  	s10 =	sld [smem:$0x3FAE];
	_ =	sdelay $0x3  }
0x36: {  	p1 =	seq.s32 s10, $0x1;
	s10 =	sld [smem:$0x3FAF];
	_ =	sdelay $0x3  }
0x37: {  	[smem:$0x3FAF] =	sst s10  }
0x38: {  	s10 =	sld [smem:$0x3FB0]  }
0x39: {  	_ = 	snop;
	(pc) =	sbr.ind lr, $3  }
0x3a: {  	_ = 	snop  }
0x3b: {  	_ = 	snop  }
0x3c: {  	p2 =	seq.s32 s10, $0x1;
	s10 =	sld [smem:$0x3FAF]  }
0x3d: {  	_ =	shalt  }
0x3e: {  	_ =	shalt  }
0x3f: {  	_ =	shalt  }
0x40: {  	_ =	shalt  }
0x41: {  	_ =	shalt  }
0x42: {  	_ =	shalt  }
0x43: {  	_ =	shalt  }
0x44: {  	_ =	shalt  }
0x45: {  	_ =	shalt  }
0x46: {  	_ =	shalt  }
0x47: {  	_ =	shalt  }
0x48: {  	_ =	shalt  }
0x49: {  	_ =	shalt  }
0x4a: {  	_ =	shalt  }
0x4b: {  	_ =	shalt  }
0x4c: {  	_ =	shalt  }
0x4d: {  	_ =	shalt  }
0x4e: {  	_ =	shalt  }
0x4f: {  	_ =	shalt  }
0x50: {  	_ =	shalt  }
0x51: {  	_ =	shalt  }
0x52: {  	_ =	shalt  }
0x53: {  	_ =	shalt  }
0x54: {  	_ =	shalt  }
0x55: {  	_ =	shalt  }
0x56: {  	_ =	shalt  }
0x57: {  	_ =	shalt  }
0x58: {  	_ =	shalt  }
0x59: {  	_ =	shalt  }
0x5a: {  	_ =	shalt  }
0x5b: {  	_ =	shalt  }
0x5c: {  	_ =	shalt  }
0x5d: {  	_ =	shalt  }
0x5e: {  	_ =	shalt  }
0x5f: {  	_ =	shalt  }
0x60: {  	_ =	shalt  }
0x61: {  	_ =	shalt  }
0x62: {  	_ =	shalt  }
0x63: {  	_ =	shalt  }
0x64: {  	_ =	shalt  }
0x65: {  	_ =	shalt  }
0x66: {  	_ =	shalt  }
0x67: {  	_ =	shalt  }
0x68: {  	_ =	shalt  }
0x69: {  	_ =	shalt  }
0x6a: {  	_ =	shalt  }
0x6b: {  	_ =	shalt  }
0x6c: {  	_ =	shalt  }
0x6d: {  	_ =	shalt  }
0x6e: {  	_ =	shalt  }
0x6f: {  	_ =	shalt  }
0x70: {  	_ =	shalt  }
0x71: {  	_ =	shalt  }
0x72: {  	_ =	shalt  }
0x73: {  	_ =	shalt  }
0x74: {  	_ =	shalt  }
0x75: {  	_ =	shalt  }
0x76: {  	_ =	shalt  }
0x77: {  	_ =	shalt  }
0x78: {  	_ =	shalt  }
0x79: {  	_ =	shalt  }
0x7a: {  	_ =	shalt  }
0x7b: {  	_ =	shalt  }
0x7c: {  	_ =	shalt  }
0x7d: {  	_ =	shalt  }
0x7e: {  	_ =	shalt  }
0x7f: {  	_ =	shalt  }
0x80: {  	_ =	shalt  }
0x81: {  	_ =	shalt  }
0x82: {  	_ =	shalt  }
0x83: {  	_ =	shalt  }
0x84: {  	_ =	shalt  }
0x85: {  	_ =	shalt  }
0x86: {  	_ =	shalt  }
0x87: {  	_ =	shalt  }
.Lfunc_end0:
.L_simem_size_0:
called_computation.1_lowered:
.L_overlay_start_0:
0x88: {  	s2 =	sld [smem:$0x3FD9]  }
0x89: {  	s3 =	sld [smem:$0x3FFE];
	_ =	sdelay $0x1  }
0x8a: {  	s1 =	srdreg.scid  }
0x8b: {  	s0 =	sand.u32 $0x1, s1  }
0x8c: {  	s17 =	sshll.u32 s0, $0xA;
	s2 =	sadd.s32 s3, s2  }
0x8d: {  	s2 =	sadd.s32 s2, s17  }
0x8e: {  	[smem:$0x3FBB] =	sst s2  }
0x8f: {  	_ = 	snop  }
0x90: {  	s2 =	sld [smem:$0x3FD0];
	(tm) =	ssettm $0x1  }
0x91: {  	s18 =	sld [smem:$0x3FFB];
	_ =	sdelay $0x3  }
0x92: {  	_ =	strace s18  }
0x93: {  	s3 =	sld [smem:$0x3FFC];
	_ =	sdelay $0x3  }
0x94: {  	_ =	strace s3  }
0x95: {  	s3 =	sld [smem:$0x3FFD];
	_ =	sdelay $0x3  }
0x96: {  	_ =	strace s3  }
0x97: {  	_ =	strace $0x8FFFFFFF  }
0x98: {  	s19 =	sld [smem:$0x3FDB];
	_ =	sdelay $0x1  }
0x99: {  	s4 =	simm.s32 $_scs_section_size  }
0x9a: {  	s5 =	simm.s32 $_size__tile_overlayer_lowered;
	s6 =	simm.s32 $_tile_overlayer_lowered  }
0x9b: {  	s22 =	simm.s32 $0x1BFF;
	s21 =	sshll.u32 s6, $0x1;
	s3 =	sadd.s32 s4, s19  }
0x9c: {  	s7 =	simm.s32 $0x0;
	s20 =	sshll.u32 s5, $0x1;
	s5 =	sadd.s32 s21, s3  }
0x9d: {  	[timem:s7], [sflag:s22] =	dma.local [hbm:s5], s20  }
0x9e: {  	_ =	swait.ge [sflag:s22], s20  }
0x9f: {  	s4 =	ssub.s32 $0x0, s20;
	[sflag:s22] =	ssyncset.done $0x0  }
0xa0: {  	[sflag:s22] =	ssyncadd.s32 s4;
	_ =	sdelay $0x1  }
0xa1: {  	s23 =	simm.s32 $0x1B8B  }
0xa2: {  	_ =	swait.ge [sflag:s23], $0x1  }
0xa3: {  	[sflag:s23] =	ssyncset.done $0x0  }
0xa4: {  	s25 =	simm.s32 $0x1B8E;
	s24 =	sld [smem:$0x3FFE];
	[sflag:s23] =	ssyncadd.s32 $0xFFFFFFFF  }
0xa5: {  	s26 =	simm.s32 $execute0_lowered;
	[smem:$0x3FD2] =	sst s25  }
0xa6: {  	s5 =	sshll.u32 s26, $0x1;
	_ =	strace $0x80000049;
	[dreg:$0x1] =	wrdreg $0xFFFFFFFF  }
0xa7: {  	s28 =	simm.s32 $_size_execute0_lowered;
	s3 =	sadd.s32 s3, s5;
	[dreg:$0x0] =	wrdreg $0x0  }
0xa8: {  	s5 =	sshll.u32 s28, $0x1;
	[dreg:$0x2] =	wrdreg s3  }
0xa9: {  	[dreg:$0x3] =	wrdreg s5  }
0xaa: {  	[dreg:$0x4] =	wrdreg $0xC0  }
0xab: {  	_ =	task [dreg:s7], $0x5FFFF  }
0xac: {  	[dreg:$0x1] =	wrdreg $0xFFFFFFFF  }
0xad: {  	[dreg:$0x0] =	wrdreg $0x60  }
0xae: {  	[dreg:$0x2] =	wrdreg s2  }
0xaf: {  	[dreg:$0x3] =	wrdreg s24  }
0xb0: {  	[dreg:$0x4] =	wrdreg $0x0  }
0xb1: {  	[dreg:$0x5] =	wrdreg $0x9  }
0xb2: {  	_ =	task.clear_ibuf [dreg:s7], $0x6FFFF;
	_ =	strace $0x90000049  }
0xb3: {  	s29 =	simm.s32 $0x9;
	_ =	strace $0x8000004B  }
0xb4: {  	_ =	swait.ge [sflag:s29], $0x1  }
0xb5: {  	[sflag:s29] =	ssyncadd.s32 $0xFFFFFFFF  }
0xb6: {  	_ =	strace $0x9000004B  }
0xb7: {  	_ =	sfence  }
0xb8: {  	s30 =	sld [smem:$0x0];
	_ =	sdelay $0x2  }
0xb9: {  	s31 =	sshll.u32 s1, $0xD;
	s1 =	sshrl.u32 s1, $0x2  }
0xba: {  	s3 =	sand.u32 $0x4000, s31;
	s1 =	sadd.s32 s1, s30  }
0xbb: {  	s0 =	sor.u32 s3, s0;
	s1 =	sshll.u32 s1, $0x11  }
0xbc: {  	s0 =	sor.u32 s1, s0  }
0xbd: {  	s0 =	sadd.s32 $0x8F2B, s0  }
0xbe: {  	[sflag:s0] =	ssyncadd.remote.s32 $0x1  }
0xbf: {  	_ =	sfence.sel $0xFFFF  }
0xc0: {  	[dreg:$0x0] =	wrdreg $0xFFFFFFFF;
	(pc) =	sbr.abs _section_cstart, $3  }
0xc1: {  	[dreg:$0x1] =	wrdreg $0xFFFFFFFF  }
0xc2: {  	_ =	task.clear_ibuf [dreg:s7], $0x2FFFF;
	_ =	strace $0x9FFFFFFF  }
0xc3: {  	(tm) =	ssettm $0x7FFFFFFF  }
tec
execute0_lowered:
.L_overlay_start_1:
0x0: {  	(tag) =	ssettag $0x1  }
0x1: {  	s1 =	rddreg [dreg:$0x0]  }
0x2: {  	s3 =	rddreg [dreg:$0x1]  }
0x3: {  	s2 =	rddreg [dreg:$0x2];
	s0 =	srdreg.scid;
	s4 =	simm.s32 $0x0  }
0x4: {  	s21 =	stileid.u32;
	s30 =	simm.s32 $0x7;
	s31 =	simm.s32 $0xC800  }
0x5: {  	s5 =	sand.u32 $0x1, s0;
	[smem:$0x7FF] =	sst s4;
	s7 =	smul.u32 $0xC800, s21  }
0x6: {  	s8 =	sadd.s32 $0x1E00, s3;
	s16 =	sshll.u32 s21, $0x1;
	p0 =	sgt.u32 s21, $0x1  }
0x7: {  	s21 =	simm.s32 $0x17300;
	s0 =	ssub.s32 $0x2, s5;
	_ =	strace $0x8000004A  }
0x8: {  	s10 =	smul.u32 $0xC8000, s5;
	s5 =	sor.u32 s5, s16;
	s6 =	sshrl.u32 s0, $0x1  }
0x9: {  	s9 =	sadd.s32 $0x2800, s7;
	s11 =	sadd.s32 $0x3C00, s7;
	s12 =	sadd.s32 $0x5000, s7  }
0xa: {  	s13 =	sadd.s32 $0x6400, s7;
	s15 =	sadd.s32 $0x7800, s7;
	s18 =	sadd.s32 $0x8C00, s7  }
0xb: {  	s19 =	sadd.s32 $0xA000, s7;
	s0 =	ssub.s32 s0, s6;
	s6 =	sadd.s32 $0x1400, s7  }
0xc: {  	s14 =	sadd.s32 s7, s10;
	s26 =	sadd.s32 s10, s9;
	s17 =	sadd.s32 s10, s11  }
0xd: {  	s20 =	sadd.s32 s10, s13;
	s22 =	sadd.s32 s10, s15;
	s14 =	sshrl.u32 s14, $0x3  }
0xe: {  	s25 =	sadd.s32 s10, s6;
	s28 =	sshrl.u32 s26, $0x3;
	s0 =	smax.u32 s0, $0x1  }
0xf: {  	s29 =	sshrl.u32 s17, $0x3;
	s14 =	sadd.s32 s8, s14;
	[smem:$0x7FD] =	sst s0  }
0x10: {  	s24 =	sshrl.u32 s22, $0x3;
	s16 =	sadd.s32 s8, s29;
	[dreg:$0x4] =	wrdreg s14  }
0x11: {  	s14 =	sshrl.u32 s25, $0x3;
	[dreg:$0x7] =	wrdreg s16;
	s25 =	sadd.s32 s8, s24  }
0x12: {  	s17 =	sadd.s32 s10, s12;
	s24 =	sadd.s32 s7, s2;
	[dreg:$0xa] =	wrdreg s25  }
0x13: {  	s23 =	sshrl.u32 s20, $0x3;
	s14 =	sadd.s32 s8, s14;
	[dreg:$0xe] =	wrdreg s24  }
0x14: {  	s26 =	sadd.s32 s10, s18;
	[dreg:$0x5] =	wrdreg s14;
	s14 =	sadd.s32 s8, s28  }
0x15: {  	s25 =	sadd.s32 s6, s2;
	[dreg:$0x6] =	wrdreg s14;
	s14 =	sshrl.u32 s17, $0x3  }
0x16: {  	s20 =	sadd.s32 $0xB400, s7;
	[dreg:$0xf] =	wrdreg s25;
	s14 =	sadd.s32 s8, s14  }
0x17: {  	s0 =	simm.s32 $0x3;
	[dreg:$0x8] =	wrdreg s14;
	s14 =	sadd.s32 s8, s23  }
0x18: {  	s16 =	sadd.s32 $0x4EDC00, s3;
	s6 =	sshll.u32 s5, $0x7;
	[dreg:$0x9] =	wrdreg s14  }
0x19: {  	s14 =	sshrl.u32 s26, $0x3;
	s26 =	sadd.s32 s9, s2;
	s9 =	sadd.s32 s11, s2  }
0x1a: {  	s28 =	sadd.s32 s10, s19;
	s11 =	sadd.s32 s13, s2;
	[dreg:$0x11] =	wrdreg s9  }
0x1b: {  	s10 =	sadd.s32 s10, s20;
	s13 =	sadd.s32 s18, s2;
	[dreg:$0x13] =	wrdreg s11  }
0x1c: {  	s22 =	sor.u32 $0x1000, s6;
	s18 =	sadd.s32 s20, s2;
	[dreg:$0x15] =	wrdreg s13  }
0x1d: {  	s29 =	sshrl.u32 s28, $0x3;
	s10 =	sshrl.u32 s10, $0x3;
	[dreg:$0x17] =	wrdreg s18  }
0x1e: {  	s17 =	sadd.s32 $0x4E3E00, s3;
	s14 =	sadd.s32 s8, s14;
	[dreg:$0x10] =	wrdreg s26  }
0x1f: {  	s28 =	sshrl.u32 s22, $0x3;
	[dreg:$0xb] =	wrdreg s14;
	s14 =	sadd.s32 s8, s29  }
0x20: {  	s9 =	sor.u32 $0x2000, s6;
	s8 =	sadd.s32 s8, s10;
	[dreg:$0xc] =	wrdreg s14  }
0x21: {  	s10 =	sadd.s32 s12, s2;
	s12 =	sadd.s32 s15, s2;
	[dreg:$0xd] =	wrdreg s8  }
0x22: {  	s15 =	sadd.s32 s19, s2;
	s19 =	sshll.u32 s5, $0x4;
	[dreg:$0x12] =	wrdreg s10  }
0x23: {  	s5 =	sshll.u32 s5, $0xA;
	s29 =	sshll.u32 s22, $0x3;
	[dreg:$0x14] =	wrdreg s12  }
0x24: {  	s11 =	sshrl.u32 s9, $0x3;
	s14 =	sadd.s32 $0x272E00, s3;
	[dreg:$0x16] =	wrdreg s15  }
0x25: {  	s20 =	sadd.s32 s16, s19;
	s3 =	sadd.s32 s17, s19;
	s8 =	sadd.s32 s16, s28  }
0x26: {  	s12 =	sshll.u32 s9, $0x3;
	s13 =	sadd.s32 s16, s11;
	[dreg:$0x18] =	wrdreg s20  }
0x27: {  	s15 =	sor.u32 $0x3000, s6;
	s9 =	simm.s32 $0x80;
	[dreg:$0x19] =	wrdreg s3  }
0x28: {  	s23 =	sadd.s32 s14, s5;
	[dreg:$0x1b] =	wrdreg s8;
	s3 =	sadd.s32 s17, s28  }
0x29: {  	s10 =	sadd.s32 s14, s29;
	[dreg:$0x1e] =	wrdreg s13;
	s18 =	sadd.s32 s14, s12  }
0x2a: {  	s19 =	sshrl.u32 s15, $0x3;
	s22 =	sshll.u32 s15, $0x3;
	[dreg:$0x1a] =	wrdreg s23  }
0x2b: {  	s12 =	sor.u32 $0x4000, s6;
	s13 =	sor.u32 $0x5000, s6;
	[dreg:$0x1c] =	wrdreg s3  }
0x2c: {  	s8 =	simm.s32 $0x1;
	[dreg:$0x1d] =	wrdreg s10;
	s3 =	sadd.s32 s17, s11  }
0x2d: {  	[smem:$0x7F6] =	sst s18;
	s20 =	sadd.s32 s16, s19;
	s23 =	sor.u32 $0x4E000, s6  }
0x2e: {  	s10 =	simm.s32 $0x10B00;
	s11 =	simm.s32 $0x2;
	[dreg:$0x1f] =	wrdreg s3  }
0x2f: {  	s18 =	simm.s32 $0x14B00;
	[smem:$0x7F7] =	sst s20;
	s3 =	sadd.s32 s17, s19  }
0x30: {  	s28 =	sshrl.u32 s23, $0x3;
	s19 =	simm.s32 $0x4;
	s20 =	simm.s32 $0x0  }
.Ltmp0:
0x31: {  	[smem:$0x7F8] =	sst s3;
	s3 =	sadd.s32 s14, s22;
	(pc) =	sbr.rel .LBB2_1-.Ltmp0, $4  }
0x32: {  	s29 =	sadd.s32 s16, s28;
	s5 =	sadd.s32 s17, s28;
	[smem:$0x7F9] =	sst s3  }
0x33: {  	s22 =	simm.s32 $0x5;
	s3 =	sshll.u32 s23, $0x3;
	[smem:$0x7FA] =	sst s29  }
0x34: {  	[smem:$0x7FB] =	sst s5;
	s5 =	simm.s32 $0xC880;
	s3 =	sadd.s32 s14, s3  }
0x35: {  	v0 =	vimm.f32 $0.0e+00;
	v1 =	vimm.f32 $1.000000000e+00;
	s23 =	simm.s32 $0x6;
	[smem:$0x7FC] =	sst s3;
	s3 =	simm.s32 $0xCA00  }
.LBB2_29:
0x36: {  	[tilespmem:s7+$0x0] =	vst v2  }
0x37: {  	[spmem:s2] =	stream.indirect.scatter.add.f32 [tilespmem:s18], [sflag:$0x5], $0x50, s3, s9, $0xb8;
	[tilespmem:$0x1AF00] =	vst v63  }
0x38: {  	_ =	swait.ge [sflag:s22], $0x2800  }
0x39: {  	[sflag:s22] =	ssyncset.done $0x0  }
0x3a: {  	s20 =	sld [smem:$0x7F5];
	[sflag:s22] =	ssyncadd.s32 $0xFFFFD800  }
.LBB2_30:
0x3b: {  	s6 =	stileid.u32;
	[bflag:$0x0] =	sbarrier.arrive $0xFFFF  }
0x3c: {  	s6 =	sshll.u32 s6, $0x6;
	s24 =	rddreg [dreg:$0xe]  }
0x3d: {  	s15 =	rddreg [dreg:$0x4];
	s6 =	sor.u32 $0x1C07, s6;
	s7 =	sshrl.u32 s24, $0x3  }
0x3e: {  	[hbm:s15], [sflag:s6] =	dma.local [spmem:s7], $0x280  }
0x3f: {  	_ =	swait.ge [sflag:s30], $0x280  }
0x40: {  	[sflag:s30] =	ssyncset.done $0x0;
	s25 =	rddreg [dreg:$0xf]  }
0x41: {  	s26 =	rddreg [dreg:$0x5];
	[sflag:s30] =	ssyncadd.s32 $0xFFFFFD80;
	s15 =	sshrl.u32 s25, $0x3  }
0x42: {  	[hbm:s26], [sflag:s6] =	dma.local [spmem:s15], $0x280  }
0x43: {  	_ =	swait.ge [sflag:s30], $0x280  }
0x44: {  	[sflag:s30] =	ssyncset.done $0x0;
	s26 =	rddreg [dreg:$0x10]  }
0x45: {  	s29 =	rddreg [dreg:$0x6];
	[sflag:s30] =	ssyncadd.s32 $0xFFFFFD80;
	s28 =	sshrl.u32 s26, $0x3  }
0x46: {  	[hbm:s29], [sflag:s6] =	dma.local [spmem:s28], $0x280  }
0x47: {  	_ =	swait.ge [sflag:s30], $0x280  }
0x48: {  	[sflag:s30] =	ssyncset.done $0x0;
	s28 =	rddreg [dreg:$0x11]  }
0x49: {  	s29 =	rddreg [dreg:$0x7];
	[sflag:s30] =	ssyncadd.s32 $0xFFFFFD80;
	s7 =	sshrl.u32 s28, $0x3  }
0x4a: {  	[hbm:s29], [sflag:s6] =	dma.local [spmem:s7], $0x280  }
0x4b: {  	_ =	swait.ge [sflag:s30], $0x280  }
0x4c: {  	[sflag:s30] =	ssyncset.done $0x0;
	s28 =	rddreg [dreg:$0x12]  }
0x4d: {  	s29 =	rddreg [dreg:$0x8];
	[sflag:s30] =	ssyncadd.s32 $0xFFFFFD80;
	s7 =	sshrl.u32 s28, $0x3  }
0x4e: {  	[hbm:s29], [sflag:s6] =	dma.local [spmem:s7], $0x280  }
0x4f: {  	_ =	swait.ge [sflag:s30], $0x280  }
0x50: {  	[sflag:s30] =	ssyncset.done $0x0;
	s28 =	rddreg [dreg:$0x13]  }
0x51: {  	s29 =	rddreg [dreg:$0x9];
	[sflag:s30] =	ssyncadd.s32 $0xFFFFFD80;
	s7 =	sshrl.u32 s28, $0x3  }
0x52: {  	[hbm:s29], [sflag:s6] =	dma.local [spmem:s7], $0x280  }
0x53: {  	_ =	swait.ge [sflag:s30], $0x280  }
0x54: {  	[sflag:s30] =	ssyncset.done $0x0;
	s28 =	rddreg [dreg:$0x14]  }
0x55: {  	s29 =	rddreg [dreg:$0xa];
	[sflag:s30] =	ssyncadd.s32 $0xFFFFFD80;
	s7 =	sshrl.u32 s28, $0x3  }
0x56: {  	[hbm:s29], [sflag:s6] =	dma.local [spmem:s7], $0x280  }
0x57: {  	_ =	swait.ge [sflag:s30], $0x280  }
0x58: {  	[sflag:s30] =	ssyncset.done $0x0;
	s28 =	rddreg [dreg:$0x15]  }
0x59: {  	s29 =	rddreg [dreg:$0xb];
	[sflag:s30] =	ssyncadd.s32 $0xFFFFFD80;
	s7 =	sshrl.u32 s28, $0x3  }
0x5a: {  	[hbm:s29], [sflag:s6] =	dma.local [spmem:s7], $0x280  }
0x5b: {  	_ =	swait.ge [sflag:s30], $0x280  }
0x5c: {  	[sflag:s30] =	ssyncset.done $0x0;
	s28 =	rddreg [dreg:$0x16]  }
0x5d: {  	s29 =	rddreg [dreg:$0xc];
	[sflag:s30] =	ssyncadd.s32 $0xFFFFFD80;
	s7 =	sshrl.u32 s28, $0x3  }
0x5e: {  	[hbm:s29], [sflag:s6] =	dma.local [spmem:s7], $0x280  }
0x5f: {  	_ =	swait.ge [sflag:s30], $0x280  }
0x60: {  	[sflag:s30] =	ssyncset.done $0x0;
	s15 =	rddreg [dreg:$0x17]  }
0x61: {  	s28 =	rddreg [dreg:$0xd];
	[sflag:s30] =	ssyncadd.s32 $0xFFFFFD80;
	s7 =	sshrl.u32 s15, $0x3  }
0x62: {  	[hbm:s28], [sflag:s6] =	dma.local [spmem:s7], $0x280  }
0x63: {  	_ =	swait.ge [sflag:s30], $0x280  }
0x64: {  	s29 =	sld [smem:$0x7FD];
	_ =	sdelay $0x1  }
0x65: {  	s20 =	sadd.s32 $0x1, s20  }
0x66: {  	p1 =	sne.s32 s20, s29  }
.Ltmp1:
0x67: {  	_ = 	snop;
	(pc) =	sbr.rel @!p1 .LBB2_31-.Ltmp1, $3  }
0x68: {  	_ =	sdelay $0x1  }
0x69: {  	[sflag:s30] =	ssyncset.done $0x0  }
0x6a: {  	[sflag:s30] =	ssyncadd.s32 $0xFFFFFD80  }
.LBB2_1:
0x6b: {  	[smem:$0x7F5] =	sst s20;
	s7 =	simm.s32 $0x140;
	s6 =	simm.s32 $0x0  }
.LBB2_2:
0x6c: {  	p1 =	sne.s32 s7, $0x4EC0;
	[tilespmem:s6+$0x19B40] =	vst v0;
	s15 =	smov.u32 s7;
	s7 =	sadd.s32 $0x140, s7  }
.Ltmp2:
0x6d: {  	[tilespmem:s6+$0x19B30] =	vst v0;
	(pc) =	sbr.rel @p1 .LBB2_2-.Ltmp2, $4  }
0x6e: {  	[tilespmem:s6+$0x19B20] =	vst v0  }
0x6f: {  	[tilespmem:s6+$0x19B00] =	vst v0  }
0x70: {  	[tilespmem:s6+$0x19B10] =	vst v0  }
0x71: {  	s6 =	sshra.s32 s15, $0x2  }
0x72: {  	[tilespmem:s6+$0x19B40] =	vst v0  }
0x73: {  	[tilespmem:s6+$0x19B30] =	vst v0  }
0x74: {  	[tilespmem:s6+$0x19B20] =	vst v0  }
0x75: {  	[tilespmem:s6+$0x19B00] =	vst v0  }
0x76: {  	[tilespmem:s6+$0x19B10] =	vst v0;
	s6 =	simm.s32 $0x140;
	s7 =	simm.s32 $0x0  }
.LBB2_4:
0x77: {  	p1 =	sne.s32 s6, $0x9EC0;
	[tilespmem:s7+$0x14B40] =	vst v1;
	s15 =	smov.u32 s6;
	s6 =	sadd.s32 $0x140, s6  }
.Ltmp3:
0x78: {  	[tilespmem:s7+$0x17340] =	vst v1;
	(pc) =	sbr.rel @p1 .LBB2_4-.Ltmp3, $2  }
0x79: {  	_ =	sdelay $0x2  }
0x7a: {  	s7 =	sshra.s32 s15, $0x2  }
0x7b: {  	[tilespmem:s7+$0x14B40] =	vst v1  }
0x7c: {  	[tilespmem:s7+$0x17340] =	vst v1;
	s7 =	simm.s32 $0x19B00  }
0x7d: {  	[spmem:s24] =	stream.linear.scatter [tilespmem:s7], [sflag:$0x7], $0x1400, $0x38;
	[tilespmem:$0x1AF00] =	vst v63  }
0x7e: {  	_ =	swait.ge [sflag:s30], $0x1400  }
0x7f: {  	[sflag:s30] =	ssyncset.done $0x0  }
0x80: {  	[sflag:s30] =	ssyncadd.s32 $0xFFFFEC00  }
0x81: {  	[spmem:s25] =	stream.linear.scatter [tilespmem:s7], [sflag:$0x7], $0x1400, $0x38;
	[tilespmem:$0x1AF00] =	vst v63  }
0x82: {  	_ =	swait.ge [sflag:s30], $0x1400  }
0x83: {  	[sflag:s30] =	ssyncset.done $0x0  }
0x84: {  	[sflag:s30] =	ssyncadd.s32 $0xFFFFEC00  }
0x85: {  	[spmem:s26] =	stream.linear.scatter [tilespmem:s7], [sflag:$0x7], $0x1400, $0x38;
	[tilespmem:$0x1AF00] =	vst v63  }
0x86: {  	_ =	swait.ge [sflag:s30], $0x1400  }
0x87: {  	[sflag:s30] =	ssyncset.done $0x0  }
0x88: {  	s6 =	rddreg [dreg:$0x11];
	[sflag:s30] =	ssyncadd.s32 $0xFFFFEC00  }
0x89: {  	[spmem:s6] =	stream.linear.scatter [tilespmem:s7], [sflag:$0x7], $0x1400, $0x38;
	[tilespmem:$0x1AF00] =	vst v63  }
0x8a: {  	_ =	swait.ge [sflag:s30], $0x1400  }
0x8b: {  	[sflag:s30] =	ssyncset.done $0x0  }
0x8c: {  	s25 =	rddreg [dreg:$0x12];
	[sflag:s30] =	ssyncadd.s32 $0xFFFFEC00  }
0x8d: {  	[spmem:s25] =	stream.linear.scatter [tilespmem:s7], [sflag:$0x7], $0x1400, $0x38;
	[tilespmem:$0x1AF00] =	vst v63  }
0x8e: {  	_ =	swait.ge [sflag:s30], $0x1400  }
0x8f: {  	[sflag:s30] =	ssyncset.done $0x0  }
0x90: {  	s26 =	rddreg [dreg:$0x13];
	[sflag:s30] =	ssyncadd.s32 $0xFFFFEC00  }
0x91: {  	[spmem:s26] =	stream.linear.scatter [tilespmem:s7], [sflag:$0x7], $0x1400, $0x38;
	[tilespmem:$0x1AF00] =	vst v63  }
0x92: {  	_ =	swait.ge [sflag:s30], $0x1400  }
0x93: {  	[sflag:s30] =	ssyncset.done $0x0  }
0x94: {  	s29 =	rddreg [dreg:$0x14];
	[sflag:s30] =	ssyncadd.s32 $0xFFFFEC00  }
0x95: {  	[spmem:s29] =	stream.linear.scatter [tilespmem:s7], [sflag:$0x7], $0x1400, $0x38;
	[tilespmem:$0x1AF00] =	vst v63  }
0x96: {  	_ =	swait.ge [sflag:s30], $0x1400  }
0x97: {  	[sflag:s30] =	ssyncset.done $0x0  }
0x98: {  	s15 =	rddreg [dreg:$0x15];
	[sflag:s30] =	ssyncadd.s32 $0xFFFFEC00  }
0x99: {  	[spmem:s15] =	stream.linear.scatter [tilespmem:s7], [sflag:$0x7], $0x1400, $0x38;
	[tilespmem:$0x1AF00] =	vst v63  }
0x9a: {  	_ =	swait.ge [sflag:s30], $0x1400  }
0x9b: {  	[sflag:s30] =	ssyncset.done $0x0  }
0x9c: {  	s20 =	rddreg [dreg:$0x16];
	[sflag:s30] =	ssyncadd.s32 $0xFFFFEC00  }
0x9d: {  	[spmem:s20] =	stream.linear.scatter [tilespmem:s7], [sflag:$0x7], $0x1400, $0x38;
	[tilespmem:$0x1AF00] =	vst v63  }
0x9e: {  	_ =	swait.ge [sflag:s30], $0x1400  }
0x9f: {  	[sflag:s30] =	ssyncset.done $0x0  }
0xa0: {  	s24 =	rddreg [dreg:$0x17];
	[sflag:s30] =	ssyncadd.s32 $0xFFFFEC00  }
0xa1: {  	[spmem:s24] =	stream.linear.scatter [tilespmem:s7], [sflag:$0x7], $0x1400, $0x38;
	[tilespmem:$0x1AF00] =	vst v63  }
0xa2: {  	_ =	swait.ge [sflag:s30], $0x1400  }
0xa3: {  	[sflag:s30] =	ssyncset.done $0x0  }
0xa4: {  	[sflag:s30] =	ssyncadd.s32 $0xFFFFEC00  }
0xa5: {  	[bflag:$0x0] =	sbarrier.arrive $0xFFFF  }
0xa6: {  	s25 =	rddreg [dreg:$0x18]  }
0xa7: {  	[tilespmem:s31], [sflag:$0x1] =	stream.linear.gather [hbm4b:s25+s4], $0x80, $0x38;
	[tilespmem:$0x1AF00] =	vst v63  }
0xa8: {  	s29 =	simm.s32 $0xC900;
	s26 =	rddreg [dreg:$0x19]  }
0xa9: {  	[tilespmem:s29], [sflag:$0x1] =	stream.linear.gather [hbm4b:s26+s4], $0x80, $0x38;
	[tilespmem:$0x1AF00] =	vst v63  }
0xaa: {  	s15 =	simm.s32 $0xCB00;
	s7 =	rddreg [dreg:$0x1a]  }
0xab: {  	[tilespmem:s15], [sflag:$0x1] =	stream.linear.gather [hbm4b:s7+s4], $0x2000, $0x38;
	[tilespmem:$0x1AF00] =	vst v63  }
0xac: {  	s20 =	rddreg [dreg:$0x1b]  }
0xad: {  	[tilespmem:s5], [sflag:$0x2] =	stream.linear.gather [hbm4b:s20+s4], $0x80, $0x38;
	[tilespmem:$0x1AF00] =	vst v63  }
0xae: {  	s24 =	rddreg [dreg:$0x1c];
	s25 =	simm.s32 $0xC980  }
0xaf: {  	[tilespmem:s25], [sflag:$0x2] =	stream.linear.gather [hbm4b:s24+s4], $0x80, $0x38;
	[tilespmem:$0x1AF00] =	vst v63  }
0xb0: {  	s26 =	rddreg [dreg:$0x1d];
	s29 =	simm.s32 $0xEB00  }
0xb1: {  	[tilespmem:s29], [sflag:$0x2] =	stream.linear.gather [hbm4b:s26+s4], $0x2000, $0x38;
	[tilespmem:$0x1AF00] =	vst v63  }
0xb2: {  	_ =	swait.ge [sflag:s8], $0x80  }
0xb3: {  	[sflag:s8] =	ssyncset.done $0x0  }
0xb4: {  	[sflag:s8] =	ssyncadd.s32 $0xFFFFFF80  }
0xb5: {  	_ =	swait.ge [sflag:s8], $0x80  }
0xb6: {  	[sflag:s8] =	ssyncset.done $0x0  }
0xb7: {  	[sflag:s8] =	ssyncadd.s32 $0xFFFFFF80  }
0xb8: {  	_ =	swait.ge [sflag:s8], $0x2000  }
0xb9: {  	[sflag:s8] =	ssyncset.done $0x0  }
0xba: {  	[sflag:s8] =	ssyncadd.s32 $0xFFFFE000  }
0xbb: {  	[tilespmem:s10], [sflag:$0x3] =	stream.indirect.gather [hbm4b:s1+s9], $0x40, s31, s9, $0xb8;
	[tilespmem:$0x1AF00] =	vst v63  }
0xbc: {  	_ =	swait.ge [sflag:s11], $0x80  }
0xbd: {  	[sflag:s11] =	ssyncset.done $0x0  }
0xbe: {  	[sflag:s11] =	ssyncadd.s32 $0xFFFFFF80  }
0xbf: {  	_ =	swait.ge [sflag:s11], $0x80  }
0xc0: {  	[sflag:s11] =	ssyncset.done $0x0  }
0xc1: {  	[sflag:s11] =	ssyncadd.s32 $0xFFFFFF80  }
0xc2: {  	_ =	swait.ge [sflag:s11], $0x2000  }
0xc3: {  	[sflag:s11] =	ssyncset.done $0x0  }
0xc4: {  	s15 =	simm.s32 $0x12B00;
	[sflag:s11] =	ssyncadd.s32 $0xFFFFE000  }
0xc5: {  	[tilespmem:s15], [sflag:$0x4] =	stream.indirect.gather [hbm4b:s1+s9], $0x40, s5, s9, $0xb8;
	[tilespmem:$0x1AF00] =	vst v63  }
0xc6: {  	_ =	swait.ge [sflag:s0], $0x2000  }
0xc7: {  	[sflag:s0] =	ssyncset.done $0x0  }
0xc8: {  	s20 =	simm.s32 $0x10B80;
	[sflag:s0] =	ssyncadd.s32 $0xFFFFE000  }
0xc9: {  	s29 =	simm.s32 $0xCB80;
	v2 =	vld [tilespmem:s20+$0x40]  }
0xca: {  	v3 =	vld [tilespmem:s29+$0x40];
	_ =	sdelay $0x1  }
0xcb: {  	v4 =	vld [tilespmem:s20+$0xFFFFFFC0]  }
0xcc: {  	v5 =	vld [tilespmem:s29+$0xFFFFFFC0]  }
0xcd: {  	v6 =	vld [tilespmem:s29+$0xFFFFFF80]  }
0xce: {  	v2 =	vadd.f32 v3, v2;
	v3 =	vld [tilespmem:s20+$0xFFFFFF80]  }
0xcf: {  	v7 =	vld [tilespmem:s20+$0x0]  }
0xd0: {  	s25 =	simm.s32 $0x14BA0;
	s26 =	simm.s32 $0x10C80;
	v8 =	vld [tilespmem:s29+$0x0];
	v2 =	vmax.f32 v2, $0.0e+00  }
0xd1: {  	s24 =	simm.s32 $0xCC80;
	v10 =	vld [tilespmem:s26+$0x40];
	[tilespmem:s25+$0x50] =	vst v2;
	v2 =	vadd.f32 v5, v4  }
0xd2: {  	v11 =	vld [tilespmem:s24+$0x40]  }
0xd3: {  	v4 =	vld [tilespmem:s20+$0x50];
	v2 =	vmax.f32 v2, $0.0e+00;
	v3 =	vadd.f32 v6, v3  }
0xd4: {  	v5 =	vld [tilespmem:s29+$0x50];
	[tilespmem:s25+$0xFFFFFFB0] =	vst v2  }
0xd5: {  	v2 =	vadd.f32 v8, v7;
	v6 =	vld [tilespmem:s20+$0xFFFFFFD0];
	v3 =	vmax.f32 v3, $0.0e+00  }
0xd6: {  	v7 =	vld [tilespmem:s29+$0xFFFFFFD0];
	[tilespmem:s25+$0xFFFFFF60] =	vst v3  }
0xd7: {  	v2 =	vmax.f32 v2, $0.0e+00;
	v3 =	vld [tilespmem:s20+$0xFFFFFF90]  }
0xd8: {  	[tilespmem:s25+$0x0] =	vst v2;
	v2 =	vld [tilespmem:s29+$0xFFFFFF90]  }
0xd9: {  	v4 =	vadd.f32 v5, v4;
	v5 =	vld [tilespmem:s20+$0x10]  }
0xda: {  	v8 =	vld [tilespmem:s29+$0x10]  }
0xdb: {  	v12 =	vld [tilespmem:s24+$0xFFFFFF80];
	v4 =	vmax.f32 v4, $0.0e+00  }
0xdc: {  	v13 =	vld [tilespmem:s26+$0xFFFFFFC0];
	[tilespmem:s25+$0x60] =	vst v4;
	v4 =	vadd.f32 v7, v6  }
0xdd: {  	v14 =	vld [tilespmem:s26+$0x0];
	v2 =	vadd.f32 v2, v3  }
0xde: {  	v6 =	vld [tilespmem:s20+$0x60];
	v4 =	vmax.f32 v4, $0.0e+00  }
0xdf: {  	v7 =	vld [tilespmem:s29+$0x60];
	[tilespmem:s25+$0xFFFFFFC0] =	vst v4;
	v4 =	vadd.f32 v8, v5;
	v2 =	vmax.f32 v2, $0.0e+00  }
0xe0: {  	v3 =	vld [tilespmem:s20+$0xFFFFFFE0];
	[tilespmem:s25+$0xFFFFFF70] =	vst v2  }
0xe1: {  	v2 =	vmax.f32 v4, $0.0e+00;
	v4 =	vld [tilespmem:s20+$0xFFFFFFA0]  }
0xe2: {  	[tilespmem:s25+$0x10] =	vst v2;
	v2 =	vld [tilespmem:s29+$0xFFFFFFA0]  }
0xe3: {  	v5 =	vld [tilespmem:s29+$0xFFFFFFE0]  }
0xe4: {  	v10 =	vadd.f32 v11, v10;
	v11 =	vld [tilespmem:s24+$0x0];
	v6 =	vadd.f32 v7, v6  }
0xe5: {  	v7 =	vld [tilespmem:s20+$0x20]  }
0xe6: {  	v8 =	vld [tilespmem:s29+$0x20];
	v6 =	vmax.f32 v6, $0.0e+00  }
0xe7: {  	[tilespmem:s25+$0x70] =	vst v6;
	v2 =	vadd.f32 v2, v4;
	v4 =	vld [tilespmem:s24+$0xFFFFFFC0]  }
0xe8: {  	s28 =	simm.s32 $0x14CE0;
	v3 =	vadd.f32 v5, v3;
	v5 =	vmax.f32 v10, $0.0e+00;
	v6 =	vld [tilespmem:s20+$0x70]  }
0xe9: {  	v9 =	vld [tilespmem:s29+$0x70];
	[tilespmem:s28+$0x50] =	vst v5;
	v2 =	vmax.f32 v2, $0.0e+00  }
0xea: {  	v3 =	vmax.f32 v3, $0.0e+00;
	[tilespmem:s25+$0xFFFFFF80] =	vst v2;
	v2 =	vld [tilespmem:s26+$0xFFFFFF80]  }
0xeb: {  	v58 =	vld [tilespmem:s26+$0x50];
	[tilespmem:s25+$0xFFFFFFD0] =	vst v3  }
0xec: {  	v59 =	vld [tilespmem:s20+$0xFFFFFFF0];
	v4 =	vadd.f32 v4, v13  }
0xed: {  	v10 =	vld [tilespmem:s20+$0xFFFFFFB0]  }
0xee: {  	v7 =	vadd.f32 v8, v7;
	v3 =	vmax.f32 v4, $0.0e+00;
	v4 =	vadd.f32 v11, v14;
	v11 =	vld [tilespmem:s24+$0x50]  }
0xef: {  	v5 =	vld [tilespmem:s29+$0xFFFFFFB0];
	v2 =	vadd.f32 v12, v2;
	[tilespmem:s28+$0xFFFFFFB0] =	vst v3  }
0xf0: {  	v7 =	vmax.f32 v7, $0.0e+00;
	v3 =	vld [tilespmem:s26+$0xFFFFFFD0]  }
0xf1: {  	[tilespmem:s25+$0x20] =	vst v7;
	v60 =	vld [tilespmem:s24+$0xFFFFFFD0];
	v2 =	vmax.f32 v2, $0.0e+00  }
0xf2: {  	v63 =	vld [tilespmem:s20+$0x30];
	v4 =	vmax.f32 v4, $0.0e+00;
	[tilespmem:s28+$0xFFFFFF60] =	vst v2  }
0xf3: {  	[tilespmem:s28+$0x0] =	vst v4;
	v4 =	vld [tilespmem:s26+$0xFFFFFF90];
	v11 =	vadd.f32 v11, v58  }
0xf4: {  	v61 =	vld [tilespmem:s24+$0xFFFFFF90]  }
0xf5: {  	v2 =	vld [tilespmem:s26+$0x10];
	v11 =	vmax.f32 v11, $0.0e+00  }
0xf6: {  	v8 =	vld [tilespmem:s24+$0x10];
	v3 =	vadd.f32 v60, v3;
	[tilespmem:s28+$0x60] =	vst v11  }
0xf7: {  	v62 =	vld [tilespmem:s26+$0x60]  }
0xf8: {  	v3 =	vmax.f32 v3, $0.0e+00;
	v7 =	vld [tilespmem:s24+$0x60]  }
0xf9: {  	v11 =	vld [tilespmem:s29+$0xFFFFFFF0];
	v4 =	vadd.f32 v61, v4;
	[tilespmem:s28+$0xFFFFFFC0] =	vst v3  }
0xfa: {  	v15 =	vld [tilespmem:s26+$0xFFFFFFE0]  }
0xfb: {  	v2 =	vadd.f32 v8, v2;
	v8 =	vld [tilespmem:s24+$0xFFFFFFE0];
	v3 =	vmax.f32 v4, $0.0e+00  }
0xfc: {  	v4 =	vadd.f32 v9, v6;
	v9 =	vld [tilespmem:s29+$0x30];
	[tilespmem:s28+$0xFFFFFF70] =	vst v3  }
0xfd: {  	v2 =	vmax.f32 v2, $0.0e+00;
	v7 =	vadd.f32 v7, v62;
	v3 =	vld [tilespmem:s26+$0xFFFFFFA0]  }
0xfe: {  	v5 =	vadd.f32 v5, v10;
	[tilespmem:s28+$0x10] =	vst v2;
	v4 =	vmax.f32 v4, $0.0e+00;
	v6 =	vld [tilespmem:s24+$0xFFFFFFA0]  }
0xff: {  	v2 =	vadd.f32 v11, v59;
	[tilespmem:s25+$0x80] =	vst v4;
	v4 =	vld [tilespmem:s26+$0x20];
	v7 =	vmax.f32 v7, $0.0e+00  }
0x100: {  	v5 =	vmax.f32 v5, $0.0e+00;
	v10 =	vadd.f32 v8, v15;
	[tilespmem:s28+$0x70] =	vst v7;
	v7 =	vld [tilespmem:s24+$0x20]  }
0x101: {  	[tilespmem:s25+$0xFFFFFF90] =	vst v5;
	v5 =	vmax.f32 v2, $0.0e+00;
	v8 =	vadd.f32 v9, v63;
	v2 =	vld [tilespmem:s26+$0x70]  }
0x102: {  	s6 =	simm.s32 $0xCC80;
	s7 =	simm.s32 $0x4;
	s15 =	simm.s32 $0x10D80;
	[tilespmem:s25+$0xFFFFFFE0] =	vst v5;
	v9 =	vmax.f32 v10, $0.0e+00;
	v5 =	vld [tilespmem:s24+$0x70]  }
.LBB2_6:
0x103: {  	v10 =	vld [tilespmem:s15+$0x40];
	v3 =	vadd.f32 v6, v3;
	[tilespmem:s28+$0xFFFFFFD0] =	vst v9;
	s24 =	sadd.s32 $0x100, s24;
	v6 =	vmax.f32 v8, $0.0e+00  }
0x104: {  	v8 =	vld [tilespmem:s24+$0x40];
	[tilespmem:s25+$0x30] =	vst v6;
	s25 =	smov.u32 s28  }
0x105: {  	v6 =	vld [tilespmem:s24+$0xFFFFFF80];
	v3 =	vmax.f32 v3, $0.0e+00;
	v4 =	vadd.f32 v7, v4  }
0x106: {  	v7 =	vld [tilespmem:s15+$0xFFFFFFC0];
	[tilespmem:s28+$0xFFFFFF80] =	vst v3  }
0x107: {  	s7 =	sadd.s32 $0x4, s7;
	v3 =	vld [tilespmem:s24+$0xFFFFFFC0];
	v4 =	vmax.f32 v4, $0.0e+00;
	v2 =	vadd.f32 v5, v2  }
0x108: {  	p1 =	slt.u32 s7, $0x7C;
	v5 =	vld [tilespmem:s15+$0x0];
	[tilespmem:s28+$0x20] =	vst v4  }
0x109: {  	v4 =	vld [tilespmem:s24+$0x0];
	v8 =	vadd.f32 v8, v10;
	v2 =	vmax.f32 v2, $0.0e+00  }
0x10a: {  	v9 =	vld [tilespmem:s15+$0xFFFFFF80];
	[tilespmem:s28+$0x80] =	vst v2  }
0x10b: {  	s28 =	sadd.s32 $0x140, s28;
	v2 =	vmax.f32 v8, $0.0e+00;
	v8 =	vld [tilespmem:s26+$0xFFFFFFB0]  }
0x10c: {  	v3 =	vadd.f32 v3, v7;
	[tilespmem:s28+$0x50] =	vst v2;
	v2 =	vld [tilespmem:s6+$0xFFFFFFB0]  }
0x10d: {  	v7 =	vld [tilespmem:s15+$0x50]  }
0x10e: {  	v3 =	vmax.f32 v3, $0.0e+00;
	v4 =	vadd.f32 v4, v5;
	v5 =	vld [tilespmem:s24+$0x50]  }
0x10f: {  	v6 =	vadd.f32 v6, v9;
	[tilespmem:s28+$0xFFFFFFB0] =	vst v3;
	v3 =	vld [tilespmem:s26+$0xFFFFFFF0]  }
0x110: {  	v9 =	vld [tilespmem:s15+$0xFFFFFFD0];
	v4 =	vmax.f32 v4, $0.0e+00  }
0x111: {  	v6 =	vmax.f32 v6, $0.0e+00;
	v10 =	vld [tilespmem:s24+$0xFFFFFFD0];
	[tilespmem:s28+$0x0] =	vst v4;
	v2 =	vadd.f32 v2, v8  }
0x112: {  	[tilespmem:s28+$0xFFFFFF60] =	vst v6;
	v4 =	vld [tilespmem:s15+$0x10]  }
0x113: {  	v6 =	vld [tilespmem:s15+$0xFFFFFF90];
	v5 =	vadd.f32 v5, v7;
	v2 =	vmax.f32 v2, $0.0e+00  }
0x114: {  	v7 =	vld [tilespmem:s24+$0xFFFFFF90];
	[tilespmem:s25+$0xFFFFFF90] =	vst v2  }
0x115: {  	v2 =	vld [tilespmem:s24+$0x10];
	v5 =	vmax.f32 v5, $0.0e+00  }
0x116: {  	v8 =	vadd.f32 v10, v9;
	[tilespmem:s28+$0x60] =	vst v5;
	v5 =	vld [tilespmem:s6+$0xFFFFFFF0]  }
0x117: {  	v9 =	vld [tilespmem:s15+$0x60]  }
0x118: {  	v8 =	vmax.f32 v8, $0.0e+00;
	v10 =	vld [tilespmem:s24+$0x60]  }
0x119: {  	v6 =	vadd.f32 v7, v6;
	[tilespmem:s28+$0xFFFFFFC0] =	vst v8;
	v8 =	vld [tilespmem:s26+$0x30];
	s26 =	smov.u32 s15  }
0x11a: {  	v7 =	vld [tilespmem:s15+$0xFFFFFFE0];
	v2 =	vadd.f32 v2, v4  }
0x11b: {  	v4 =	vmax.f32 v6, $0.0e+00;
	v11 =	vld [tilespmem:s24+$0xFFFFFFE0];
	v5 =	vadd.f32 v5, v3  }
0x11c: {  	[tilespmem:s28+$0xFFFFFF70] =	vst v4;
	v2 =	vmax.f32 v2, $0.0e+00;
	v12 =	vld [tilespmem:s6+$0x30];
	s6 =	smov.u32 s24  }
0x11d: {  	v3 =	vld [tilespmem:s15+$0xFFFFFFA0];
	[tilespmem:s28+$0x10] =	vst v2;
	v2 =	vadd.f32 v10, v9;
	v4 =	vmax.f32 v5, $0.0e+00  }
.Ltmp4:
0x11e: {  	v6 =	vld [tilespmem:s24+$0xFFFFFFA0];
	[tilespmem:s25+$0xFFFFFFE0] =	vst v4;
	(pc) =	sbr.rel @p1 .LBB2_6-.Ltmp4, $4  }
0x11f: {  	v4 =	vld [tilespmem:s15+$0x20];
	v2 =	vmax.f32 v2, $0.0e+00  }
0x120: {  	v5 =	vadd.f32 v11, v7;
	v7 =	vld [tilespmem:s24+$0x20];
	[tilespmem:s28+$0x70] =	vst v2  }
0x121: {  	v2 =	vld [tilespmem:s15+$0x70];
	v8 =	vadd.f32 v12, v8  }
0x122: {  	s15 =	sadd.s32 $0x100, s15;
	v9 =	vmax.f32 v5, $0.0e+00;
	v5 =	vld [tilespmem:s24+$0x70]  }
0x123: {  	v3 =	vadd.f32 v6, v3;
	_ =	sdelay $0x1  }
0x124: {  	[tilespmem:s28+$0xFFFFFFD0] =	vst v9;
	v3 =	vmax.f32 v3, $0.0e+00  }
0x125: {  	v60 =	vld [tilespmem:s26+$0xFFFFFFF0];
	[tilespmem:s28+$0xFFFFFF80] =	vst v3;
	v3 =	vadd.f32 v7, v4  }
0x126: {  	v58 =	vld [tilespmem:s26+$0xFFFFFFB0]  }
0x127: {  	v59 =	vld [tilespmem:s6+$0xFFFFFFB0];
	v3 =	vmax.f32 v3, $0.0e+00  }
0x128: {  	[tilespmem:s28+$0x20] =	vst v3;
	v3 =	vld [tilespmem:s6+$0xFFFFFFF0]  }
0x129: {  	v61 =	vld [tilespmem:s26+$0x30]  }
0x12a: {  	v10 =	vld [tilespmem:s6+$0x30];
	_ =	sdelay $0x1  }
0x12b: {  	v2 =	vadd.f32 v5, v2  }
0x12c: {  	v62 =	vmax.f32 v8, $0.0e+00;
	v4 =	vadd.f32 v59, v58  }
0x12d: {  	p1 =	por $0x1, $0x1;
	[tilespmem:s25+$0x30] =	vst v62;
	v2 =	vmax.f32 v2, $0.0e+00;
	v3 =	vadd.f32 v3, v60  }
.Ltmp5:
0x12e: {  	[tilespmem:s28+$0x80] =	vst v2;
	v2 =	vmax.f32 v4, $0.0e+00;
	v63 =	vadd.f32 v10, v61;
	(pc) =	sbr.rel @!p1 .LBB2_9-.Ltmp5, $4  }
0x12f: {  	[tilespmem:s28+$0xFFFFFF90] =	vst v2;
	v2 =	vmax.f32 v3, $0.0e+00  }
0x130: {  	[tilespmem:s28+$0xFFFFFFE0] =	vst v2;
	v2 =	vmax.f32 v63, $0.0e+00  }
0x131: {  	s6 =	simm.s32 $0xC900;
	[tilespmem:s28+$0x30] =	vst v2  }
0x132: {  	s7 =	simm.s32 $0xCA00;
	s15 =	simm.s32 $0x0;
	v2 =	vld [tilespmem:s6+$0x0]  }
.LBB2_8:
0x133: {  	s15 =	sadd.s32 $0x10, s15  }
0x134: {  	p1 =	slt.u32 s15, $0x70  }
.Ltmp6:
0x135: {  	_ = 	snop;
	(pc) =	sbr.rel @p1 .LBB2_8-.Ltmp6, $3  }
0x136: {  	_ =	sdelay $0x1  }
0x137: {  	s6 =	sadd.s32 $0x10, s6;
	[tilespmem:s7+$0x0] =	vst v2;
	s7 =	sadd.s32 $0x10, s7  }
0x138: {  	v2 =	vld [tilespmem:s6+$0x0]  }
.LBB2_9:
0x139: {  	_ =	sdelay $0x3  }
0x13a: {  	[tilespmem:s7+$0x0] =	vst v2  }
0x13b: {  	[spmem:s2] =	stream.indirect.scatter.add.f32 [tilespmem:s18], [sflag:$0x5], $0x50, s3, s9, $0xb8;
	[tilespmem:$0x1AF00] =	vst v63  }
0x13c: {  	s6 =	rddreg [dreg:$0x1e]  }
0x13d: {  	s26 =	rddreg [dreg:$0x1f]  }
0x13e: {  	[tilespmem:s31], [sflag:$0x1] =	stream.linear.gather [hbm4b:s6+s4], $0x80, $0x38;
	[tilespmem:$0x1AF00] =	vst v63  }
0x13f: {  	s29 =	simm.s32 $0xC900;
	s7 =	sld [smem:$0x7F6]  }
0x140: {  	[tilespmem:s29], [sflag:$0x1] =	stream.linear.gather [hbm4b:s26+s4], $0x80, $0x38;
	[tilespmem:$0x1AF00] =	vst v63  }
0x141: {  	s15 =	simm.s32 $0xCB00  }
0x142: {  	[tilespmem:s15], [sflag:$0x1] =	stream.linear.gather [hbm4b:s7+s4], $0x2000, $0x38;
	[tilespmem:$0x1AF00] =	vst v63  }
0x143: {  	_ =	swait.ge [sflag:s19], $0x2000  }
0x144: {  	[sflag:s19] =	ssyncset.done $0x0  }
0x145: {  	s20 =	simm.s32 $0x12BF0;
	[sflag:s19] =	ssyncadd.s32 $0xFFFFE000  }
0x146: {  	s29 =	simm.s32 $0xEBF0;
	v2 =	vld [tilespmem:s20+$0xFFFFFFD0]  }
0x147: {  	v3 =	vld [tilespmem:s29+$0xFFFFFFD0];
	_ =	sdelay $0x1  }
0x148: {  	v4 =	vld [tilespmem:s20+$0xFFFFFF50]  }
0x149: {  	v5 =	vld [tilespmem:s29+$0xFFFFFF50]  }
0x14a: {  	v6 =	vld [tilespmem:s29+$0xFFFFFF10]  }
0x14b: {  	v2 =	vadd.f32 v3, v2;
	v3 =	vld [tilespmem:s20+$0xFFFFFF10]  }
0x14c: {  	v7 =	vld [tilespmem:s20+$0xFFFFFF90]  }
0x14d: {  	s25 =	simm.s32 $0x17420;
	s26 =	simm.s32 $0x12CF0;
	v8 =	vld [tilespmem:s29+$0xFFFFFF90];
	v2 =	vmax.f32 v2, $0.0e+00  }
0x14e: {  	s24 =	simm.s32 $0xECF0;
	v10 =	vld [tilespmem:s26+$0xFFFFFFD0];
	[tilespmem:s25+$0xFFFFFFD0] =	vst v2;
	v2 =	vadd.f32 v5, v4  }
0x14f: {  	v11 =	vld [tilespmem:s24+$0xFFFFFFD0]  }
0x150: {  	v4 =	vld [tilespmem:s20+$0xFFFFFFE0];
	v2 =	vmax.f32 v2, $0.0e+00;
	v3 =	vadd.f32 v6, v3  }
0x151: {  	v5 =	vld [tilespmem:s29+$0xFFFFFFE0];
	[tilespmem:s25+$0xFFFFFF30] =	vst v2  }
0x152: {  	v2 =	vadd.f32 v8, v7;
	v6 =	vld [tilespmem:s20+$0xFFFFFF60];
	v3 =	vmax.f32 v3, $0.0e+00  }
0x153: {  	v7 =	vld [tilespmem:s29+$0xFFFFFF60];
	[tilespmem:s25+$0xFFFFFEE0] =	vst v3  }
0x154: {  	v2 =	vmax.f32 v2, $0.0e+00;
	v3 =	vld [tilespmem:s20+$0xFFFFFF20]  }
0x155: {  	[tilespmem:s25+$0xFFFFFF80] =	vst v2;
	v2 =	vld [tilespmem:s29+$0xFFFFFF20]  }
0x156: {  	v4 =	vadd.f32 v5, v4;
	v5 =	vld [tilespmem:s20+$0xFFFFFFA0]  }
0x157: {  	v8 =	vld [tilespmem:s29+$0xFFFFFFA0]  }
0x158: {  	v12 =	vld [tilespmem:s24+$0xFFFFFF10];
	v4 =	vmax.f32 v4, $0.0e+00  }
0x159: {  	v13 =	vld [tilespmem:s26+$0xFFFFFF50];
	[tilespmem:s25+$0xFFFFFFE0] =	vst v4;
	v4 =	vadd.f32 v7, v6  }
0x15a: {  	v14 =	vld [tilespmem:s26+$0xFFFFFF90];
	v2 =	vadd.f32 v2, v3  }
0x15b: {  	v6 =	vld [tilespmem:s20+$0xFFFFFFF0];
	v4 =	vmax.f32 v4, $0.0e+00  }
0x15c: {  	v7 =	vld [tilespmem:s29+$0xFFFFFFF0];
	[tilespmem:s25+$0xFFFFFF40] =	vst v4;
	v4 =	vadd.f32 v8, v5;
	v2 =	vmax.f32 v2, $0.0e+00  }
0x15d: {  	v3 =	vld [tilespmem:s20+$0xFFFFFF70];
	[tilespmem:s25+$0xFFFFFEF0] =	vst v2  }
0x15e: {  	v2 =	vmax.f32 v4, $0.0e+00;
	v4 =	vld [tilespmem:s20+$0xFFFFFF30]  }
0x15f: {  	[tilespmem:s25+$0xFFFFFF90] =	vst v2;
	v2 =	vld [tilespmem:s29+$0xFFFFFF30]  }
0x160: {  	v5 =	vld [tilespmem:s29+$0xFFFFFF70]  }
0x161: {  	v10 =	vadd.f32 v11, v10;
	v11 =	vld [tilespmem:s24+$0xFFFFFF90];
	v6 =	vadd.f32 v7, v6  }
0x162: {  	v7 =	vld [tilespmem:s20+$0xFFFFFFB0]  }
0x163: {  	v8 =	vld [tilespmem:s29+$0xFFFFFFB0];
	v6 =	vmax.f32 v6, $0.0e+00  }
0x164: {  	[tilespmem:s25+$0xFFFFFFF0] =	vst v6;
	v2 =	vadd.f32 v2, v4;
	v4 =	vld [tilespmem:s24+$0xFFFFFF50]  }
0x165: {  	s28 =	simm.s32 $0x17560;
	v3 =	vadd.f32 v5, v3;
	v5 =	vmax.f32 v10, $0.0e+00;
	v6 =	vld [tilespmem:s20+$0x0]  }
0x166: {  	v9 =	vld [tilespmem:s29+$0x0];
	[tilespmem:s28+$0xFFFFFFD0] =	vst v5;
	v2 =	vmax.f32 v2, $0.0e+00  }
0x167: {  	v3 =	vmax.f32 v3, $0.0e+00;
	[tilespmem:s25+$0xFFFFFF00] =	vst v2;
	v2 =	vld [tilespmem:s26+$0xFFFFFF10]  }
0x168: {  	v58 =	vld [tilespmem:s26+$0xFFFFFFE0];
	[tilespmem:s25+$0xFFFFFF50] =	vst v3  }
0x169: {  	v59 =	vld [tilespmem:s20+$0xFFFFFF80];
	v4 =	vadd.f32 v4, v13  }
0x16a: {  	v10 =	vld [tilespmem:s20+$0xFFFFFF40]  }
0x16b: {  	v7 =	vadd.f32 v8, v7;
	v3 =	vmax.f32 v4, $0.0e+00;
	v4 =	vadd.f32 v11, v14;
	v11 =	vld [tilespmem:s24+$0xFFFFFFE0]  }
0x16c: {  	v5 =	vld [tilespmem:s29+$0xFFFFFF40];
	v2 =	vadd.f32 v12, v2;
	[tilespmem:s28+$0xFFFFFF30] =	vst v3  }
0x16d: {  	v7 =	vmax.f32 v7, $0.0e+00;
	v3 =	vld [tilespmem:s26+$0xFFFFFF60]  }
0x16e: {  	[tilespmem:s25+$0xFFFFFFA0] =	vst v7;
	v60 =	vld [tilespmem:s24+$0xFFFFFF60];
	v2 =	vmax.f32 v2, $0.0e+00  }
0x16f: {  	v63 =	vld [tilespmem:s20+$0xFFFFFFC0];
	v4 =	vmax.f32 v4, $0.0e+00;
	[tilespmem:s28+$0xFFFFFEE0] =	vst v2  }
0x170: {  	[tilespmem:s28+$0xFFFFFF80] =	vst v4;
	v4 =	vld [tilespmem:s26+$0xFFFFFF20];
	v11 =	vadd.f32 v11, v58  }
0x171: {  	v61 =	vld [tilespmem:s24+$0xFFFFFF20]  }
0x172: {  	v2 =	vld [tilespmem:s26+$0xFFFFFFA0];
	v11 =	vmax.f32 v11, $0.0e+00  }
0x173: {  	v8 =	vld [tilespmem:s24+$0xFFFFFFA0];
	v3 =	vadd.f32 v60, v3;
	[tilespmem:s28+$0xFFFFFFE0] =	vst v11  }
0x174: {  	v62 =	vld [tilespmem:s26+$0xFFFFFFF0]  }
0x175: {  	v3 =	vmax.f32 v3, $0.0e+00;
	v7 =	vld [tilespmem:s24+$0xFFFFFFF0]  }
0x176: {  	v11 =	vld [tilespmem:s29+$0xFFFFFF80];
	v4 =	vadd.f32 v61, v4;
	[tilespmem:s28+$0xFFFFFF40] =	vst v3  }
0x177: {  	v15 =	vld [tilespmem:s26+$0xFFFFFF70]  }
0x178: {  	v2 =	vadd.f32 v8, v2;
	v8 =	vld [tilespmem:s24+$0xFFFFFF70];
	v3 =	vmax.f32 v4, $0.0e+00  }
0x179: {  	v4 =	vadd.f32 v9, v6;
	v9 =	vld [tilespmem:s29+$0xFFFFFFC0];
	[tilespmem:s28+$0xFFFFFEF0] =	vst v3  }
0x17a: {  	v2 =	vmax.f32 v2, $0.0e+00;
	v7 =	vadd.f32 v7, v62;
	v3 =	vld [tilespmem:s26+$0xFFFFFF30]  }
0x17b: {  	v5 =	vadd.f32 v5, v10;
	[tilespmem:s28+$0xFFFFFF90] =	vst v2;
	v4 =	vmax.f32 v4, $0.0e+00;
	v6 =	vld [tilespmem:s24+$0xFFFFFF30]  }
0x17c: {  	v2 =	vadd.f32 v11, v59;
	[tilespmem:s25+$0x0] =	vst v4;
	v4 =	vld [tilespmem:s26+$0xFFFFFFB0];
	v7 =	vmax.f32 v7, $0.0e+00  }
0x17d: {  	v5 =	vmax.f32 v5, $0.0e+00;
	v10 =	vadd.f32 v8, v15;
	[tilespmem:s28+$0xFFFFFFF0] =	vst v7;
	v7 =	vld [tilespmem:s24+$0xFFFFFFB0]  }
0x17e: {  	[tilespmem:s25+$0xFFFFFF10] =	vst v5;
	v5 =	vmax.f32 v2, $0.0e+00;
	v8 =	vadd.f32 v9, v63;
	v2 =	vld [tilespmem:s26+$0x0]  }
0x17f: {  	s6 =	simm.s32 $0xECF0;
	s7 =	simm.s32 $0x4;
	s15 =	simm.s32 $0x12DF0;
	[tilespmem:s25+$0xFFFFFF60] =	vst v5;
	v9 =	vmax.f32 v10, $0.0e+00;
	v5 =	vld [tilespmem:s24+$0x0]  }
.LBB2_10:
0x180: {  	v10 =	vld [tilespmem:s15+$0xFFFFFFD0];
	v3 =	vadd.f32 v6, v3;
	[tilespmem:s28+$0xFFFFFF50] =	vst v9;
	s24 =	sadd.s32 $0x100, s24;
	v6 =	vmax.f32 v8, $0.0e+00  }
0x181: {  	v8 =	vld [tilespmem:s24+$0xFFFFFFD0];
	[tilespmem:s25+$0xFFFFFFB0] =	vst v6;
	s25 =	smov.u32 s28  }
0x182: {  	v6 =	vld [tilespmem:s24+$0xFFFFFF10];
	v3 =	vmax.f32 v3, $0.0e+00;
	v4 =	vadd.f32 v7, v4  }
0x183: {  	v7 =	vld [tilespmem:s15+$0xFFFFFF50];
	[tilespmem:s28+$0xFFFFFF00] =	vst v3  }
0x184: {  	s7 =	sadd.s32 $0x4, s7;
	v3 =	vld [tilespmem:s24+$0xFFFFFF50];
	v4 =	vmax.f32 v4, $0.0e+00;
	v2 =	vadd.f32 v5, v2  }
0x185: {  	p1 =	slt.u32 s7, $0x7C;
	v5 =	vld [tilespmem:s15+$0xFFFFFF90];
	[tilespmem:s28+$0xFFFFFFA0] =	vst v4  }
0x186: {  	v4 =	vld [tilespmem:s24+$0xFFFFFF90];
	v8 =	vadd.f32 v8, v10;
	v2 =	vmax.f32 v2, $0.0e+00  }
0x187: {  	v9 =	vld [tilespmem:s15+$0xFFFFFF10];
	[tilespmem:s28+$0x0] =	vst v2  }
0x188: {  	s28 =	sadd.s32 $0x140, s28;
	v2 =	vmax.f32 v8, $0.0e+00;
	v8 =	vld [tilespmem:s26+$0xFFFFFF40]  }
0x189: {  	v3 =	vadd.f32 v3, v7;
	[tilespmem:s28+$0xFFFFFFD0] =	vst v2;
	v2 =	vld [tilespmem:s6+$0xFFFFFF40]  }
0x18a: {  	v7 =	vld [tilespmem:s15+$0xFFFFFFE0]  }
0x18b: {  	v3 =	vmax.f32 v3, $0.0e+00;
	v4 =	vadd.f32 v4, v5;
	v5 =	vld [tilespmem:s24+$0xFFFFFFE0]  }
0x18c: {  	v6 =	vadd.f32 v6, v9;
	[tilespmem:s28+$0xFFFFFF30] =	vst v3;
	v3 =	vld [tilespmem:s26+$0xFFFFFF80]  }
0x18d: {  	v9 =	vld [tilespmem:s15+$0xFFFFFF60];
	v4 =	vmax.f32 v4, $0.0e+00  }
0x18e: {  	v6 =	vmax.f32 v6, $0.0e+00;
	v10 =	vld [tilespmem:s24+$0xFFFFFF60];
	[tilespmem:s28+$0xFFFFFF80] =	vst v4;
	v2 =	vadd.f32 v2, v8  }
0x18f: {  	[tilespmem:s28+$0xFFFFFEE0] =	vst v6;
	v4 =	vld [tilespmem:s15+$0xFFFFFFA0]  }
0x190: {  	v6 =	vld [tilespmem:s15+$0xFFFFFF20];
	v5 =	vadd.f32 v5, v7;
	v2 =	vmax.f32 v2, $0.0e+00  }
0x191: {  	v7 =	vld [tilespmem:s24+$0xFFFFFF20];
	[tilespmem:s25+$0xFFFFFF10] =	vst v2  }
0x192: {  	v2 =	vld [tilespmem:s24+$0xFFFFFFA0];
	v5 =	vmax.f32 v5, $0.0e+00  }
0x193: {  	v8 =	vadd.f32 v10, v9;
	[tilespmem:s28+$0xFFFFFFE0] =	vst v5;
	v5 =	vld [tilespmem:s6+$0xFFFFFF80]  }
0x194: {  	v9 =	vld [tilespmem:s15+$0xFFFFFFF0]  }
0x195: {  	v8 =	vmax.f32 v8, $0.0e+00;
	v10 =	vld [tilespmem:s24+$0xFFFFFFF0]  }
0x196: {  	v6 =	vadd.f32 v7, v6;
	[tilespmem:s28+$0xFFFFFF40] =	vst v8;
	v8 =	vld [tilespmem:s26+$0xFFFFFFC0];
	s26 =	smov.u32 s15  }
0x197: {  	v7 =	vld [tilespmem:s15+$0xFFFFFF70];
	v2 =	vadd.f32 v2, v4  }
0x198: {  	v4 =	vmax.f32 v6, $0.0e+00;
	v11 =	vld [tilespmem:s24+$0xFFFFFF70];
	v5 =	vadd.f32 v5, v3  }
0x199: {  	[tilespmem:s28+$0xFFFFFEF0] =	vst v4;
	v2 =	vmax.f32 v2, $0.0e+00;
	v12 =	vld [tilespmem:s6+$0xFFFFFFC0];
	s6 =	smov.u32 s24  }
0x19a: {  	v3 =	vld [tilespmem:s15+$0xFFFFFF30];
	[tilespmem:s28+$0xFFFFFF90] =	vst v2;
	v2 =	vadd.f32 v10, v9;
	v4 =	vmax.f32 v5, $0.0e+00  }
.Ltmp7:
0x19b: {  	v6 =	vld [tilespmem:s24+$0xFFFFFF30];
	[tilespmem:s25+$0xFFFFFF60] =	vst v4;
	(pc) =	sbr.rel @p1 .LBB2_10-.Ltmp7, $4  }
0x19c: {  	v4 =	vld [tilespmem:s15+$0xFFFFFFB0];
	v2 =	vmax.f32 v2, $0.0e+00  }
0x19d: {  	v5 =	vadd.f32 v11, v7;
	v7 =	vld [tilespmem:s24+$0xFFFFFFB0];
	[tilespmem:s28+$0xFFFFFFF0] =	vst v2  }
0x19e: {  	v2 =	vld [tilespmem:s15+$0x0];
	v8 =	vadd.f32 v12, v8  }
0x19f: {  	s15 =	sadd.s32 $0x100, s15;
	v9 =	vmax.f32 v5, $0.0e+00;
	v5 =	vld [tilespmem:s24+$0x0]  }
0x1a0: {  	v3 =	vadd.f32 v6, v3;
	_ =	sdelay $0x1  }
0x1a1: {  	[tilespmem:s28+$0xFFFFFF50] =	vst v9;
	v3 =	vmax.f32 v3, $0.0e+00  }
0x1a2: {  	v60 =	vld [tilespmem:s26+$0xFFFFFF80];
	[tilespmem:s28+$0xFFFFFF00] =	vst v3;
	v3 =	vadd.f32 v7, v4  }
0x1a3: {  	v58 =	vld [tilespmem:s26+$0xFFFFFF40]  }
0x1a4: {  	v59 =	vld [tilespmem:s6+$0xFFFFFF40];
	v3 =	vmax.f32 v3, $0.0e+00  }
0x1a5: {  	[tilespmem:s28+$0xFFFFFFA0] =	vst v3;
	v3 =	vld [tilespmem:s6+$0xFFFFFF80]  }
0x1a6: {  	v61 =	vld [tilespmem:s26+$0xFFFFFFC0]  }
0x1a7: {  	v10 =	vld [tilespmem:s6+$0xFFFFFFC0];
	_ =	sdelay $0x1  }
0x1a8: {  	v2 =	vadd.f32 v5, v2  }
0x1a9: {  	v62 =	vmax.f32 v8, $0.0e+00;
	v4 =	vadd.f32 v59, v58  }
0x1aa: {  	p1 =	por $0x1, $0x1;
	[tilespmem:s25+$0xFFFFFFB0] =	vst v62;
	v2 =	vmax.f32 v2, $0.0e+00;
	v3 =	vadd.f32 v3, v60  }
.Ltmp8:
0x1ab: {  	[tilespmem:s28+$0x0] =	vst v2;
	v2 =	vmax.f32 v4, $0.0e+00;
	v63 =	vadd.f32 v10, v61;
	(pc) =	sbr.rel @!p1 .LBB2_13-.Ltmp8, $4  }
0x1ac: {  	[tilespmem:s28+$0xFFFFFF10] =	vst v2;
	v2 =	vmax.f32 v3, $0.0e+00  }
0x1ad: {  	[tilespmem:s28+$0xFFFFFF60] =	vst v2;
	v2 =	vmax.f32 v63, $0.0e+00  }
0x1ae: {  	s6 =	simm.s32 $0xC980;
	[tilespmem:s28+$0xFFFFFFB0] =	vst v2  }
0x1af: {  	s7 =	simm.s32 $0xCA80;
	s15 =	simm.s32 $0x0;
	v2 =	vld [tilespmem:s6+$0x0]  }
.LBB2_12:
0x1b0: {  	s15 =	sadd.s32 $0x10, s15  }
0x1b1: {  	p1 =	slt.u32 s15, $0x70  }
.Ltmp9:
0x1b2: {  	_ = 	snop;
	(pc) =	sbr.rel @p1 .LBB2_12-.Ltmp9, $3  }
0x1b3: {  	_ =	sdelay $0x1  }
0x1b4: {  	s6 =	sadd.s32 $0x10, s6;
	[tilespmem:s7+$0x0] =	vst v2;
	s7 =	sadd.s32 $0x10, s7  }
0x1b5: {  	v2 =	vld [tilespmem:s6+$0x0]  }
.LBB2_13:
0x1b6: {  	_ =	sdelay $0x3  }
0x1b7: {  	[tilespmem:s7+$0x0] =	vst v2  }
0x1b8: {  	s6 =	simm.s32 $0xCA80;
	s20 =	sld [smem:$0x7F7]  }
0x1b9: {  	[spmem:s2] =	stream.indirect.scatter.add.f32 [tilespmem:s21], [sflag:$0x6], $0x50, s6, s9, $0xb8;
	[tilespmem:$0x1AF00] =	vst v63  }
0x1ba: {  	s25 =	simm.s32 $0x0;
	s24 =	sld [smem:$0x7F8]  }
0x1bb: {  	[tilespmem:s5], [sflag:$0x2] =	stream.linear.gather [hbm4b:s20+s25], $0x80, $0x38;
	[tilespmem:$0x1AF00] =	vst v63  }
0x1bc: {  	s26 =	simm.s32 $0xC980;
	s28 =	sld [smem:$0x7F9]  }
0x1bd: {  	[tilespmem:s26], [sflag:$0x2] =	stream.linear.gather [hbm4b:s24+s25], $0x80, $0x38;
	[tilespmem:$0x1AF00] =	vst v63  }
0x1be: {  	s29 =	simm.s32 $0xEB00  }
0x1bf: {  	[tilespmem:s29], [sflag:$0x2] =	stream.linear.gather [hbm4b:s28+s25], $0x2000, $0x38;
	[tilespmem:$0x1AF00] =	vst v63  }
.LBB2_14:
0x1c0: {  	_ =	swait.ge [sflag:s22], $0x2800  }
0x1c1: {  	[sflag:s22] =	ssyncset.done $0x0  }
0x1c2: {  	[sflag:s22] =	ssyncadd.s32 $0xFFFFD800  }
0x1c3: {  	_ =	swait.ge [sflag:s8], $0x80  }
0x1c4: {  	[sflag:s8] =	ssyncset.done $0x0  }
0x1c5: {  	[sflag:s8] =	ssyncadd.s32 $0xFFFFFF80  }
0x1c6: {  	_ =	swait.ge [sflag:s8], $0x80  }
0x1c7: {  	[sflag:s8] =	ssyncset.done $0x0  }
0x1c8: {  	[sflag:s8] =	ssyncadd.s32 $0xFFFFFF80  }
0x1c9: {  	_ =	swait.ge [sflag:s8], $0x2000  }
0x1ca: {  	[sflag:s8] =	ssyncset.done $0x0  }
0x1cb: {  	[sflag:s8] =	ssyncadd.s32 $0xFFFFE000  }
0x1cc: {  	[tilespmem:s10], [sflag:$0x3] =	stream.indirect.gather [hbm4b:s1+s9], $0x40, s31, s9, $0xb8;
	[tilespmem:$0x1AF00] =	vst v63  }
0x1cd: {  	_ =	swait.ge [sflag:s23], $0x2800  }
0x1ce: {  	[sflag:s23] =	ssyncset.done $0x0  }
0x1cf: {  	[sflag:s23] =	ssyncadd.s32 $0xFFFFD800  }
0x1d0: {  	_ =	swait.ge [sflag:s11], $0x80  }
0x1d1: {  	[sflag:s11] =	ssyncset.done $0x0  }
0x1d2: {  	[sflag:s11] =	ssyncadd.s32 $0xFFFFFF80  }
0x1d3: {  	_ =	swait.ge [sflag:s11], $0x80  }
0x1d4: {  	[sflag:s11] =	ssyncset.done $0x0  }
0x1d5: {  	[sflag:s11] =	ssyncadd.s32 $0xFFFFFF80  }
0x1d6: {  	_ =	swait.ge [sflag:s11], $0x2000  }
0x1d7: {  	[sflag:s11] =	ssyncset.done $0x0  }
0x1d8: {  	s6 =	simm.s32 $0x12B00;
	[sflag:s11] =	ssyncadd.s32 $0xFFFFE000  }
0x1d9: {  	[tilespmem:s6], [sflag:$0x4] =	stream.indirect.gather [hbm4b:s1+s9], $0x40, s5, s9, $0xb8;
	[tilespmem:$0x1AF00] =	vst v63  }
0x1da: {  	_ =	swait.ge [sflag:s0], $0x2000  }
0x1db: {  	[sflag:s0] =	ssyncset.done $0x0  }
0x1dc: {  	s7 =	simm.s32 $0x10B80;
	[sflag:s0] =	ssyncadd.s32 $0xFFFFE000  }
0x1dd: {  	s20 =	simm.s32 $0xCB80;
	v2 =	vld [tilespmem:s7+$0x40]  }
0x1de: {  	v3 =	vld [tilespmem:s20+$0x40];
	_ =	sdelay $0x1  }
0x1df: {  	v4 =	vld [tilespmem:s7+$0xFFFFFFC0]  }
0x1e0: {  	v5 =	vld [tilespmem:s20+$0xFFFFFFC0]  }
0x1e1: {  	v6 =	vld [tilespmem:s20+$0xFFFFFF80]  }
0x1e2: {  	v2 =	vadd.f32 v3, v2;
	v3 =	vld [tilespmem:s7+$0xFFFFFF80]  }
0x1e3: {  	v7 =	vld [tilespmem:s7+$0x0]  }
0x1e4: {  	s26 =	simm.s32 $0x14BA0;
	s28 =	simm.s32 $0x10C80;
	v8 =	vld [tilespmem:s20+$0x0];
	v2 =	vmax.f32 v2, $0.0e+00  }
0x1e5: {  	s24 =	simm.s32 $0xCC80;
	v10 =	vld [tilespmem:s28+$0x40];
	[tilespmem:s26+$0x50] =	vst v2;
	v2 =	vadd.f32 v5, v4  }
0x1e6: {  	v11 =	vld [tilespmem:s24+$0x40]  }
0x1e7: {  	v4 =	vld [tilespmem:s7+$0x50];
	v2 =	vmax.f32 v2, $0.0e+00;
	v3 =	vadd.f32 v6, v3  }
0x1e8: {  	v5 =	vld [tilespmem:s20+$0x50];
	[tilespmem:s26+$0xFFFFFFB0] =	vst v2  }
0x1e9: {  	v2 =	vadd.f32 v8, v7;
	v6 =	vld [tilespmem:s7+$0xFFFFFFD0];
	v3 =	vmax.f32 v3, $0.0e+00  }
0x1ea: {  	v7 =	vld [tilespmem:s20+$0xFFFFFFD0];
	[tilespmem:s26+$0xFFFFFF60] =	vst v3  }
0x1eb: {  	v2 =	vmax.f32 v2, $0.0e+00;
	v3 =	vld [tilespmem:s7+$0xFFFFFF90]  }
0x1ec: {  	[tilespmem:s26+$0x0] =	vst v2;
	v2 =	vld [tilespmem:s20+$0xFFFFFF90]  }
0x1ed: {  	v4 =	vadd.f32 v5, v4;
	v5 =	vld [tilespmem:s7+$0x10]  }
0x1ee: {  	v8 =	vld [tilespmem:s20+$0x10]  }
0x1ef: {  	v12 =	vld [tilespmem:s24+$0xFFFFFF80];
	v4 =	vmax.f32 v4, $0.0e+00  }
0x1f0: {  	v13 =	vld [tilespmem:s28+$0xFFFFFFC0];
	[tilespmem:s26+$0x60] =	vst v4;
	v4 =	vadd.f32 v7, v6  }
0x1f1: {  	v14 =	vld [tilespmem:s28+$0x0];
	v2 =	vadd.f32 v2, v3  }
0x1f2: {  	v6 =	vld [tilespmem:s7+$0x60];
	v4 =	vmax.f32 v4, $0.0e+00  }
0x1f3: {  	v7 =	vld [tilespmem:s20+$0x60];
	[tilespmem:s26+$0xFFFFFFC0] =	vst v4;
	v4 =	vadd.f32 v8, v5;
	v2 =	vmax.f32 v2, $0.0e+00  }
0x1f4: {  	v3 =	vld [tilespmem:s7+$0xFFFFFFE0];
	[tilespmem:s26+$0xFFFFFF70] =	vst v2  }
0x1f5: {  	v2 =	vmax.f32 v4, $0.0e+00;
	v4 =	vld [tilespmem:s7+$0xFFFFFFA0]  }
0x1f6: {  	[tilespmem:s26+$0x10] =	vst v2;
	v2 =	vld [tilespmem:s20+$0xFFFFFFA0]  }
0x1f7: {  	v5 =	vld [tilespmem:s20+$0xFFFFFFE0]  }
0x1f8: {  	v10 =	vadd.f32 v11, v10;
	v11 =	vld [tilespmem:s24+$0x0];
	v6 =	vadd.f32 v7, v6  }
0x1f9: {  	v7 =	vld [tilespmem:s7+$0x20]  }
0x1fa: {  	v8 =	vld [tilespmem:s20+$0x20];
	v6 =	vmax.f32 v6, $0.0e+00  }
0x1fb: {  	[tilespmem:s26+$0x70] =	vst v6;
	v2 =	vadd.f32 v2, v4;
	v4 =	vld [tilespmem:s24+$0xFFFFFFC0]  }
0x1fc: {  	s29 =	simm.s32 $0x14CE0;
	v3 =	vadd.f32 v5, v3;
	v5 =	vmax.f32 v10, $0.0e+00;
	v6 =	vld [tilespmem:s7+$0x70]  }
0x1fd: {  	v9 =	vld [tilespmem:s20+$0x70];
	[tilespmem:s29+$0x50] =	vst v5;
	v2 =	vmax.f32 v2, $0.0e+00  }
0x1fe: {  	v3 =	vmax.f32 v3, $0.0e+00;
	[tilespmem:s26+$0xFFFFFF80] =	vst v2;
	v2 =	vld [tilespmem:s28+$0xFFFFFF80]  }
0x1ff: {  	v58 =	vld [tilespmem:s28+$0x50];
	[tilespmem:s26+$0xFFFFFFD0] =	vst v3  }
0x200: {  	v59 =	vld [tilespmem:s7+$0xFFFFFFF0];
	v4 =	vadd.f32 v4, v13  }
0x201: {  	v10 =	vld [tilespmem:s7+$0xFFFFFFB0]  }
0x202: {  	v7 =	vadd.f32 v8, v7;
	v3 =	vmax.f32 v4, $0.0e+00;
	v4 =	vadd.f32 v11, v14;
	v11 =	vld [tilespmem:s24+$0x50]  }
0x203: {  	v5 =	vld [tilespmem:s20+$0xFFFFFFB0];
	v2 =	vadd.f32 v12, v2;
	[tilespmem:s29+$0xFFFFFFB0] =	vst v3  }
0x204: {  	v7 =	vmax.f32 v7, $0.0e+00;
	v3 =	vld [tilespmem:s28+$0xFFFFFFD0]  }
0x205: {  	[tilespmem:s26+$0x20] =	vst v7;
	v60 =	vld [tilespmem:s24+$0xFFFFFFD0];
	v2 =	vmax.f32 v2, $0.0e+00  }
0x206: {  	v63 =	vld [tilespmem:s7+$0x30];
	v4 =	vmax.f32 v4, $0.0e+00;
	[tilespmem:s29+$0xFFFFFF60] =	vst v2  }
0x207: {  	[tilespmem:s29+$0x0] =	vst v4;
	v4 =	vld [tilespmem:s28+$0xFFFFFF90];
	v11 =	vadd.f32 v11, v58  }
0x208: {  	v61 =	vld [tilespmem:s24+$0xFFFFFF90]  }
0x209: {  	v2 =	vld [tilespmem:s28+$0x10];
	v11 =	vmax.f32 v11, $0.0e+00  }
0x20a: {  	v8 =	vld [tilespmem:s24+$0x10];
	v3 =	vadd.f32 v60, v3;
	[tilespmem:s29+$0x60] =	vst v11  }
0x20b: {  	v62 =	vld [tilespmem:s28+$0x60]  }
0x20c: {  	v3 =	vmax.f32 v3, $0.0e+00;
	v7 =	vld [tilespmem:s24+$0x60]  }
0x20d: {  	v11 =	vld [tilespmem:s20+$0xFFFFFFF0];
	v4 =	vadd.f32 v61, v4;
	[tilespmem:s29+$0xFFFFFFC0] =	vst v3  }
0x20e: {  	v15 =	vld [tilespmem:s28+$0xFFFFFFE0]  }
0x20f: {  	v2 =	vadd.f32 v8, v2;
	v8 =	vld [tilespmem:s24+$0xFFFFFFE0];
	v3 =	vmax.f32 v4, $0.0e+00  }
0x210: {  	v4 =	vadd.f32 v9, v6;
	v9 =	vld [tilespmem:s20+$0x30];
	[tilespmem:s29+$0xFFFFFF70] =	vst v3  }
0x211: {  	v2 =	vmax.f32 v2, $0.0e+00;
	v7 =	vadd.f32 v7, v62;
	v3 =	vld [tilespmem:s28+$0xFFFFFFA0]  }
0x212: {  	v5 =	vadd.f32 v5, v10;
	[tilespmem:s29+$0x10] =	vst v2;
	v4 =	vmax.f32 v4, $0.0e+00;
	v6 =	vld [tilespmem:s24+$0xFFFFFFA0]  }
0x213: {  	v2 =	vadd.f32 v11, v59;
	[tilespmem:s26+$0x80] =	vst v4;
	v4 =	vld [tilespmem:s28+$0x20];
	v7 =	vmax.f32 v7, $0.0e+00  }
0x214: {  	v5 =	vmax.f32 v5, $0.0e+00;
	v10 =	vadd.f32 v8, v15;
	[tilespmem:s29+$0x70] =	vst v7;
	v7 =	vld [tilespmem:s24+$0x20]  }
0x215: {  	[tilespmem:s26+$0xFFFFFF90] =	vst v5;
	v5 =	vmax.f32 v2, $0.0e+00;
	v8 =	vadd.f32 v9, v63;
	v2 =	vld [tilespmem:s28+$0x70]  }
0x216: {  	s15 =	simm.s32 $0x10D80;
	s6 =	simm.s32 $0xCC80;
	s7 =	simm.s32 $0x4;
	[tilespmem:s26+$0xFFFFFFE0] =	vst v5;
	v9 =	vmax.f32 v10, $0.0e+00;
	v5 =	vld [tilespmem:s24+$0x70]  }
.LBB2_15:
0x217: {  	v10 =	vld [tilespmem:s15+$0x40];
	v3 =	vadd.f32 v6, v3;
	[tilespmem:s29+$0xFFFFFFD0] =	vst v9;
	s24 =	sadd.s32 $0x100, s24;
	v6 =	vmax.f32 v8, $0.0e+00  }
0x218: {  	v8 =	vld [tilespmem:s24+$0x40];
	[tilespmem:s26+$0x30] =	vst v6;
	s26 =	smov.u32 s29  }
0x219: {  	v6 =	vld [tilespmem:s24+$0xFFFFFF80];
	v3 =	vmax.f32 v3, $0.0e+00;
	v4 =	vadd.f32 v7, v4  }
0x21a: {  	v7 =	vld [tilespmem:s15+$0xFFFFFFC0];
	[tilespmem:s29+$0xFFFFFF80] =	vst v3  }
0x21b: {  	s7 =	sadd.s32 $0x4, s7;
	v3 =	vld [tilespmem:s24+$0xFFFFFFC0];
	v4 =	vmax.f32 v4, $0.0e+00;
	v2 =	vadd.f32 v5, v2  }
0x21c: {  	p1 =	slt.u32 s7, $0x7C;
	v5 =	vld [tilespmem:s15+$0x0];
	[tilespmem:s29+$0x20] =	vst v4  }
0x21d: {  	v4 =	vld [tilespmem:s24+$0x0];
	v8 =	vadd.f32 v8, v10;
	v2 =	vmax.f32 v2, $0.0e+00  }
0x21e: {  	v9 =	vld [tilespmem:s15+$0xFFFFFF80];
	[tilespmem:s29+$0x80] =	vst v2  }
0x21f: {  	s29 =	sadd.s32 $0x140, s29;
	v2 =	vmax.f32 v8, $0.0e+00;
	v8 =	vld [tilespmem:s28+$0xFFFFFFB0]  }
0x220: {  	v3 =	vadd.f32 v3, v7;
	[tilespmem:s29+$0x50] =	vst v2;
	v2 =	vld [tilespmem:s6+$0xFFFFFFB0]  }
0x221: {  	v7 =	vld [tilespmem:s15+$0x50]  }
0x222: {  	v3 =	vmax.f32 v3, $0.0e+00;
	v4 =	vadd.f32 v4, v5;
	v5 =	vld [tilespmem:s24+$0x50]  }
0x223: {  	v6 =	vadd.f32 v6, v9;
	[tilespmem:s29+$0xFFFFFFB0] =	vst v3;
	v3 =	vld [tilespmem:s28+$0xFFFFFFF0]  }
0x224: {  	v9 =	vld [tilespmem:s15+$0xFFFFFFD0];
	v4 =	vmax.f32 v4, $0.0e+00  }
0x225: {  	v6 =	vmax.f32 v6, $0.0e+00;
	v10 =	vld [tilespmem:s24+$0xFFFFFFD0];
	[tilespmem:s29+$0x0] =	vst v4;
	v2 =	vadd.f32 v2, v8  }
0x226: {  	[tilespmem:s29+$0xFFFFFF60] =	vst v6;
	v4 =	vld [tilespmem:s15+$0x10]  }
0x227: {  	v6 =	vld [tilespmem:s15+$0xFFFFFF90];
	v5 =	vadd.f32 v5, v7;
	v2 =	vmax.f32 v2, $0.0e+00  }
0x228: {  	v7 =	vld [tilespmem:s24+$0xFFFFFF90];
	[tilespmem:s26+$0xFFFFFF90] =	vst v2  }
0x229: {  	v2 =	vld [tilespmem:s24+$0x10];
	v5 =	vmax.f32 v5, $0.0e+00  }
0x22a: {  	v8 =	vadd.f32 v10, v9;
	[tilespmem:s29+$0x60] =	vst v5;
	v5 =	vld [tilespmem:s6+$0xFFFFFFF0]  }
0x22b: {  	v9 =	vld [tilespmem:s15+$0x60]  }
0x22c: {  	v8 =	vmax.f32 v8, $0.0e+00;
	v10 =	vld [tilespmem:s24+$0x60]  }
0x22d: {  	v6 =	vadd.f32 v7, v6;
	[tilespmem:s29+$0xFFFFFFC0] =	vst v8;
	v8 =	vld [tilespmem:s28+$0x30];
	s28 =	smov.u32 s15  }
0x22e: {  	v7 =	vld [tilespmem:s15+$0xFFFFFFE0];
	v2 =	vadd.f32 v2, v4  }
0x22f: {  	v4 =	vmax.f32 v6, $0.0e+00;
	v11 =	vld [tilespmem:s24+$0xFFFFFFE0];
	v5 =	vadd.f32 v5, v3  }
0x230: {  	[tilespmem:s29+$0xFFFFFF70] =	vst v4;
	v2 =	vmax.f32 v2, $0.0e+00;
	v12 =	vld [tilespmem:s6+$0x30];
	s6 =	smov.u32 s24  }
0x231: {  	v3 =	vld [tilespmem:s15+$0xFFFFFFA0];
	[tilespmem:s29+$0x10] =	vst v2;
	v2 =	vadd.f32 v10, v9;
	v4 =	vmax.f32 v5, $0.0e+00  }
.Ltmp10:
0x232: {  	v6 =	vld [tilespmem:s24+$0xFFFFFFA0];
	[tilespmem:s26+$0xFFFFFFE0] =	vst v4;
	(pc) =	sbr.rel @p1 .LBB2_15-.Ltmp10, $4  }
0x233: {  	v4 =	vld [tilespmem:s15+$0x20];
	v2 =	vmax.f32 v2, $0.0e+00  }
0x234: {  	v5 =	vadd.f32 v11, v7;
	v7 =	vld [tilespmem:s24+$0x20];
	[tilespmem:s29+$0x70] =	vst v2  }
0x235: {  	v2 =	vld [tilespmem:s15+$0x70];
	v8 =	vadd.f32 v12, v8  }
0x236: {  	s15 =	sadd.s32 $0x100, s15;
	v9 =	vmax.f32 v5, $0.0e+00;
	v5 =	vld [tilespmem:s24+$0x70]  }
0x237: {  	v3 =	vadd.f32 v6, v3;
	_ =	sdelay $0x1  }
0x238: {  	[tilespmem:s29+$0xFFFFFFD0] =	vst v9;
	v3 =	vmax.f32 v3, $0.0e+00  }
0x239: {  	v60 =	vld [tilespmem:s28+$0xFFFFFFF0];
	[tilespmem:s29+$0xFFFFFF80] =	vst v3;
	v3 =	vadd.f32 v7, v4  }
0x23a: {  	v58 =	vld [tilespmem:s28+$0xFFFFFFB0]  }
0x23b: {  	v59 =	vld [tilespmem:s6+$0xFFFFFFB0];
	v3 =	vmax.f32 v3, $0.0e+00  }
0x23c: {  	[tilespmem:s29+$0x20] =	vst v3;
	v3 =	vld [tilespmem:s6+$0xFFFFFFF0]  }
0x23d: {  	v61 =	vld [tilespmem:s28+$0x30]  }
0x23e: {  	v10 =	vld [tilespmem:s6+$0x30];
	_ =	sdelay $0x1  }
0x23f: {  	v2 =	vadd.f32 v5, v2  }
0x240: {  	v62 =	vmax.f32 v8, $0.0e+00;
	v4 =	vadd.f32 v59, v58  }
0x241: {  	p1 =	por $0x1, $0x1;
	[tilespmem:s26+$0x30] =	vst v62;
	v2 =	vmax.f32 v2, $0.0e+00;
	v3 =	vadd.f32 v3, v60  }
.Ltmp11:
0x242: {  	[tilespmem:s29+$0x80] =	vst v2;
	v2 =	vmax.f32 v4, $0.0e+00;
	v63 =	vadd.f32 v10, v61;
	(pc) =	sbr.rel @!p1 .LBB2_18-.Ltmp11, $4  }
0x243: {  	[tilespmem:s29+$0xFFFFFF90] =	vst v2;
	v2 =	vmax.f32 v3, $0.0e+00  }
0x244: {  	[tilespmem:s29+$0xFFFFFFE0] =	vst v2;
	v2 =	vmax.f32 v63, $0.0e+00  }
0x245: {  	s6 =	simm.s32 $0xC900;
	[tilespmem:s29+$0x30] =	vst v2  }
0x246: {  	s7 =	simm.s32 $0xCA00;
	s15 =	simm.s32 $0x0;
	v2 =	vld [tilespmem:s6+$0x0]  }
.LBB2_17:
0x247: {  	s15 =	sadd.s32 $0x10, s15  }
0x248: {  	p1 =	slt.u32 s15, $0x70  }
.Ltmp12:
0x249: {  	_ = 	snop;
	(pc) =	sbr.rel @p1 .LBB2_17-.Ltmp12, $3  }
0x24a: {  	_ =	sdelay $0x1  }
0x24b: {  	s6 =	sadd.s32 $0x10, s6;
	[tilespmem:s7+$0x0] =	vst v2;
	s7 =	sadd.s32 $0x10, s7  }
0x24c: {  	v2 =	vld [tilespmem:s6+$0x0]  }
.LBB2_18:
0x24d: {  	_ =	sdelay $0x1  }
0x24e: {  	s26 =	sshll.u32 s25, $0xD;
	p1 =	seq.s32 s25, $0x25  }
0x24f: {  	s6 =	sadd.s32 @!p1 s12, s26  }
0x250: {  	s20 =	simm.s32 @!p1 $0x0;
	[tilespmem:s7+$0x0] =	vst v2;
	s7 =	sshrl.u32 @!p1 s6, $0x3  }
0x251: {  	[spmem:s2] =	stream.indirect.scatter.add.f32 [tilespmem:s18], [sflag:$0x5], $0x50, s3, s9, $0xb8;
	[tilespmem:$0x1AF00] =	vst v63  }
0x252: {  	s24 =	simm.s32 @!p1 $0xC800;
	s6 =	sshll.u32 @!p1 s6, $0x3;
	s15 =	sadd.s32 @!p1 s16, s7  }
0x253: {  	[tilespmem:s24], [sflag:$0x1] =	stream.linear.gather @!p1 [hbm4b:s15+s20], $0x80, $0x38;
	[tilespmem:$0x1AF00] =	vst v63  }
0x254: {  	s7 =	sadd.s32 @!p1 s17, s7;
	s6 =	sand.u32 @!p1 $0x1FFFFC00, s6;
	s15 =	simm.s32 @!p1 $0xC900  }
0x255: {  	[tilespmem:s15], [sflag:$0x1] =	stream.linear.gather @!p1 [hbm4b:s7+s20], $0x80, $0x38;
	[tilespmem:$0x1AF00] =	vst v63  }
0x256: {  	s6 =	sadd.s32 @!p1 s14, s6;
	s7 =	simm.s32 @!p1 $0xCB00  }
0x257: {  	[tilespmem:s7], [sflag:$0x1] =	stream.linear.gather @!p1 [hbm4b:s6+s20], $0x2000, $0x38;
	[tilespmem:$0x1AF00] =	vst v63  }
0x258: {  	_ =	swait.ge [sflag:s19], $0x2000  }
0x259: {  	[sflag:s19] =	ssyncset.done $0x0  }
0x25a: {  	s7 =	simm.s32 $0x12BF0;
	[sflag:s19] =	ssyncadd.s32 $0xFFFFE000  }
0x25b: {  	s20 =	simm.s32 $0xEBF0;
	v2 =	vld [tilespmem:s7+$0xFFFFFFD0]  }
0x25c: {  	v3 =	vld [tilespmem:s20+$0xFFFFFFD0];
	_ =	sdelay $0x1  }
0x25d: {  	v4 =	vld [tilespmem:s7+$0xFFFFFF50]  }
0x25e: {  	v5 =	vld [tilespmem:s20+$0xFFFFFF50]  }
0x25f: {  	v6 =	vld [tilespmem:s20+$0xFFFFFF10]  }
0x260: {  	v2 =	vadd.f32 v3, v2;
	v3 =	vld [tilespmem:s7+$0xFFFFFF10]  }
0x261: {  	v7 =	vld [tilespmem:s7+$0xFFFFFF90]  }
0x262: {  	s28 =	simm.s32 $0x17420;
	s29 =	simm.s32 $0x12CF0;
	v8 =	vld [tilespmem:s20+$0xFFFFFF90];
	v2 =	vmax.f32 v2, $0.0e+00  }
0x263: {  	s6 =	simm.s32 $0xECF0;
	v10 =	vld [tilespmem:s29+$0xFFFFFFD0];
	[tilespmem:s28+$0xFFFFFFD0] =	vst v2;
	v2 =	vadd.f32 v5, v4  }
0x264: {  	v11 =	vld [tilespmem:s6+$0xFFFFFFD0]  }
0x265: {  	v4 =	vld [tilespmem:s7+$0xFFFFFFE0];
	v2 =	vmax.f32 v2, $0.0e+00;
	v3 =	vadd.f32 v6, v3  }
0x266: {  	v5 =	vld [tilespmem:s20+$0xFFFFFFE0];
	[tilespmem:s28+$0xFFFFFF30] =	vst v2  }
0x267: {  	v2 =	vadd.f32 v8, v7;
	v6 =	vld [tilespmem:s7+$0xFFFFFF60];
	v3 =	vmax.f32 v3, $0.0e+00  }
0x268: {  	v7 =	vld [tilespmem:s20+$0xFFFFFF60];
	[tilespmem:s28+$0xFFFFFEE0] =	vst v3  }
0x269: {  	v2 =	vmax.f32 v2, $0.0e+00;
	v3 =	vld [tilespmem:s7+$0xFFFFFF20]  }
0x26a: {  	[tilespmem:s28+$0xFFFFFF80] =	vst v2;
	v2 =	vld [tilespmem:s20+$0xFFFFFF20]  }
0x26b: {  	v4 =	vadd.f32 v5, v4;
	v5 =	vld [tilespmem:s7+$0xFFFFFFA0]  }
0x26c: {  	v8 =	vld [tilespmem:s20+$0xFFFFFFA0]  }
0x26d: {  	v12 =	vld [tilespmem:s6+$0xFFFFFF10];
	v4 =	vmax.f32 v4, $0.0e+00  }
0x26e: {  	v13 =	vld [tilespmem:s29+$0xFFFFFF50];
	[tilespmem:s28+$0xFFFFFFE0] =	vst v4;
	v4 =	vadd.f32 v7, v6  }
0x26f: {  	v14 =	vld [tilespmem:s29+$0xFFFFFF90];
	v2 =	vadd.f32 v2, v3  }
0x270: {  	v6 =	vld [tilespmem:s7+$0xFFFFFFF0];
	v4 =	vmax.f32 v4, $0.0e+00  }
0x271: {  	v7 =	vld [tilespmem:s20+$0xFFFFFFF0];
	[tilespmem:s28+$0xFFFFFF40] =	vst v4;
	v4 =	vadd.f32 v8, v5;
	v2 =	vmax.f32 v2, $0.0e+00  }
0x272: {  	v3 =	vld [tilespmem:s7+$0xFFFFFF70];
	[tilespmem:s28+$0xFFFFFEF0] =	vst v2  }
0x273: {  	v2 =	vmax.f32 v4, $0.0e+00;
	v4 =	vld [tilespmem:s7+$0xFFFFFF30]  }
0x274: {  	[tilespmem:s28+$0xFFFFFF90] =	vst v2;
	v2 =	vld [tilespmem:s20+$0xFFFFFF30]  }
0x275: {  	v5 =	vld [tilespmem:s20+$0xFFFFFF70]  }
0x276: {  	v10 =	vadd.f32 v11, v10;
	v11 =	vld [tilespmem:s6+$0xFFFFFF90];
	v6 =	vadd.f32 v7, v6  }
0x277: {  	v7 =	vld [tilespmem:s7+$0xFFFFFFB0]  }
0x278: {  	v8 =	vld [tilespmem:s20+$0xFFFFFFB0];
	v6 =	vmax.f32 v6, $0.0e+00  }
0x279: {  	[tilespmem:s28+$0xFFFFFFF0] =	vst v6;
	v2 =	vadd.f32 v2, v4;
	v4 =	vld [tilespmem:s6+$0xFFFFFF50]  }
0x27a: {  	s24 =	simm.s32 $0x17560;
	v3 =	vadd.f32 v5, v3;
	v5 =	vmax.f32 v10, $0.0e+00;
	v6 =	vld [tilespmem:s7+$0x0]  }
0x27b: {  	v9 =	vld [tilespmem:s20+$0x0];
	[tilespmem:s24+$0xFFFFFFD0] =	vst v5;
	v2 =	vmax.f32 v2, $0.0e+00  }
0x27c: {  	v3 =	vmax.f32 v3, $0.0e+00;
	[tilespmem:s28+$0xFFFFFF00] =	vst v2;
	v2 =	vld [tilespmem:s29+$0xFFFFFF10]  }
0x27d: {  	v58 =	vld [tilespmem:s29+$0xFFFFFFE0];
	[tilespmem:s28+$0xFFFFFF50] =	vst v3  }
0x27e: {  	v59 =	vld [tilespmem:s7+$0xFFFFFF80];
	v4 =	vadd.f32 v4, v13  }
0x27f: {  	v10 =	vld [tilespmem:s7+$0xFFFFFF40]  }
0x280: {  	v7 =	vadd.f32 v8, v7;
	v3 =	vmax.f32 v4, $0.0e+00;
	v4 =	vadd.f32 v11, v14;
	v11 =	vld [tilespmem:s6+$0xFFFFFFE0]  }
0x281: {  	v5 =	vld [tilespmem:s20+$0xFFFFFF40];
	v2 =	vadd.f32 v12, v2;
	[tilespmem:s24+$0xFFFFFF30] =	vst v3  }
0x282: {  	v7 =	vmax.f32 v7, $0.0e+00;
	v3 =	vld [tilespmem:s29+$0xFFFFFF60]  }
0x283: {  	[tilespmem:s28+$0xFFFFFFA0] =	vst v7;
	v60 =	vld [tilespmem:s6+$0xFFFFFF60];
	v2 =	vmax.f32 v2, $0.0e+00  }
0x284: {  	v63 =	vld [tilespmem:s7+$0xFFFFFFC0];
	v4 =	vmax.f32 v4, $0.0e+00;
	[tilespmem:s24+$0xFFFFFEE0] =	vst v2  }
0x285: {  	[tilespmem:s24+$0xFFFFFF80] =	vst v4;
	v4 =	vld [tilespmem:s29+$0xFFFFFF20];
	v11 =	vadd.f32 v11, v58  }
0x286: {  	v61 =	vld [tilespmem:s6+$0xFFFFFF20]  }
0x287: {  	v2 =	vld [tilespmem:s29+$0xFFFFFFA0];
	v11 =	vmax.f32 v11, $0.0e+00  }
0x288: {  	v8 =	vld [tilespmem:s6+$0xFFFFFFA0];
	v3 =	vadd.f32 v60, v3;
	[tilespmem:s24+$0xFFFFFFE0] =	vst v11  }
0x289: {  	v62 =	vld [tilespmem:s29+$0xFFFFFFF0]  }
0x28a: {  	v3 =	vmax.f32 v3, $0.0e+00;
	v7 =	vld [tilespmem:s6+$0xFFFFFFF0]  }
0x28b: {  	v11 =	vld [tilespmem:s20+$0xFFFFFF80];
	v4 =	vadd.f32 v61, v4;
	[tilespmem:s24+$0xFFFFFF40] =	vst v3  }
0x28c: {  	v15 =	vld [tilespmem:s29+$0xFFFFFF70]  }
0x28d: {  	v2 =	vadd.f32 v8, v2;
	v8 =	vld [tilespmem:s6+$0xFFFFFF70];
	v3 =	vmax.f32 v4, $0.0e+00  }
0x28e: {  	v4 =	vadd.f32 v9, v6;
	v9 =	vld [tilespmem:s20+$0xFFFFFFC0];
	[tilespmem:s24+$0xFFFFFEF0] =	vst v3  }
0x28f: {  	v2 =	vmax.f32 v2, $0.0e+00;
	v7 =	vadd.f32 v7, v62;
	v3 =	vld [tilespmem:s29+$0xFFFFFF30]  }
0x290: {  	v5 =	vadd.f32 v5, v10;
	[tilespmem:s24+$0xFFFFFF90] =	vst v2;
	v4 =	vmax.f32 v4, $0.0e+00;
	v6 =	vld [tilespmem:s6+$0xFFFFFF30]  }
0x291: {  	v2 =	vadd.f32 v11, v59;
	[tilespmem:s28+$0x0] =	vst v4;
	v4 =	vld [tilespmem:s29+$0xFFFFFFB0];
	v7 =	vmax.f32 v7, $0.0e+00  }
0x292: {  	v5 =	vmax.f32 v5, $0.0e+00;
	v10 =	vadd.f32 v8, v15;
	[tilespmem:s24+$0xFFFFFFF0] =	vst v7;
	v7 =	vld [tilespmem:s6+$0xFFFFFFB0]  }
0x293: {  	[tilespmem:s28+$0xFFFFFF10] =	vst v5;
	v5 =	vmax.f32 v2, $0.0e+00;
	v8 =	vadd.f32 v9, v63;
	v2 =	vld [tilespmem:s29+$0x0]  }
0x294: {  	s15 =	simm.s32 $0x4;
	s7 =	simm.s32 $0xECF0;
	s20 =	simm.s32 $0x12DF0;
	[tilespmem:s28+$0xFFFFFF60] =	vst v5;
	v9 =	vmax.f32 v10, $0.0e+00;
	v5 =	vld [tilespmem:s6+$0x0]  }
.LBB2_19:
0x295: {  	v10 =	vld [tilespmem:s20+$0xFFFFFFD0];
	v3 =	vadd.f32 v6, v3;
	[tilespmem:s24+$0xFFFFFF50] =	vst v9;
	s6 =	sadd.s32 $0x100, s6;
	v6 =	vmax.f32 v8, $0.0e+00  }
0x296: {  	v8 =	vld [tilespmem:s6+$0xFFFFFFD0];
	[tilespmem:s28+$0xFFFFFFB0] =	vst v6;
	s28 =	smov.u32 s24  }
0x297: {  	v6 =	vld [tilespmem:s6+$0xFFFFFF10];
	v3 =	vmax.f32 v3, $0.0e+00;
	v4 =	vadd.f32 v7, v4  }
0x298: {  	v7 =	vld [tilespmem:s20+$0xFFFFFF50];
	[tilespmem:s24+$0xFFFFFF00] =	vst v3  }
0x299: {  	s15 =	sadd.s32 $0x4, s15;
	v3 =	vld [tilespmem:s6+$0xFFFFFF50];
	v4 =	vmax.f32 v4, $0.0e+00;
	v2 =	vadd.f32 v5, v2  }
0x29a: {  	p2 =	slt.u32 s15, $0x7C;
	v5 =	vld [tilespmem:s20+$0xFFFFFF90];
	[tilespmem:s24+$0xFFFFFFA0] =	vst v4  }
0x29b: {  	v4 =	vld [tilespmem:s6+$0xFFFFFF90];
	v8 =	vadd.f32 v8, v10;
	v2 =	vmax.f32 v2, $0.0e+00  }
0x29c: {  	v9 =	vld [tilespmem:s20+$0xFFFFFF10];
	[tilespmem:s24+$0x0] =	vst v2  }
0x29d: {  	s24 =	sadd.s32 $0x140, s24;
	v2 =	vmax.f32 v8, $0.0e+00;
	v8 =	vld [tilespmem:s29+$0xFFFFFF40]  }
0x29e: {  	v3 =	vadd.f32 v3, v7;
	[tilespmem:s24+$0xFFFFFFD0] =	vst v2;
	v2 =	vld [tilespmem:s7+$0xFFFFFF40]  }
0x29f: {  	v7 =	vld [tilespmem:s20+$0xFFFFFFE0]  }
0x2a0: {  	v3 =	vmax.f32 v3, $0.0e+00;
	v4 =	vadd.f32 v4, v5;
	v5 =	vld [tilespmem:s6+$0xFFFFFFE0]  }
0x2a1: {  	v6 =	vadd.f32 v6, v9;
	[tilespmem:s24+$0xFFFFFF30] =	vst v3;
	v3 =	vld [tilespmem:s29+$0xFFFFFF80]  }
0x2a2: {  	v9 =	vld [tilespmem:s20+$0xFFFFFF60];
	v4 =	vmax.f32 v4, $0.0e+00  }
0x2a3: {  	v6 =	vmax.f32 v6, $0.0e+00;
	v10 =	vld [tilespmem:s6+$0xFFFFFF60];
	[tilespmem:s24+$0xFFFFFF80] =	vst v4;
	v2 =	vadd.f32 v2, v8  }
0x2a4: {  	[tilespmem:s24+$0xFFFFFEE0] =	vst v6;
	v4 =	vld [tilespmem:s20+$0xFFFFFFA0]  }
0x2a5: {  	v6 =	vld [tilespmem:s20+$0xFFFFFF20];
	v5 =	vadd.f32 v5, v7;
	v2 =	vmax.f32 v2, $0.0e+00  }
0x2a6: {  	v7 =	vld [tilespmem:s6+$0xFFFFFF20];
	[tilespmem:s28+$0xFFFFFF10] =	vst v2  }
0x2a7: {  	v2 =	vld [tilespmem:s6+$0xFFFFFFA0];
	v5 =	vmax.f32 v5, $0.0e+00  }
0x2a8: {  	v8 =	vadd.f32 v10, v9;
	[tilespmem:s24+$0xFFFFFFE0] =	vst v5;
	v5 =	vld [tilespmem:s7+$0xFFFFFF80]  }
0x2a9: {  	v9 =	vld [tilespmem:s20+$0xFFFFFFF0]  }
0x2aa: {  	v8 =	vmax.f32 v8, $0.0e+00;
	v10 =	vld [tilespmem:s6+$0xFFFFFFF0]  }
0x2ab: {  	v6 =	vadd.f32 v7, v6;
	[tilespmem:s24+$0xFFFFFF40] =	vst v8;
	v8 =	vld [tilespmem:s29+$0xFFFFFFC0];
	s29 =	smov.u32 s20  }
0x2ac: {  	v7 =	vld [tilespmem:s20+$0xFFFFFF70];
	v2 =	vadd.f32 v2, v4  }
0x2ad: {  	v4 =	vmax.f32 v6, $0.0e+00;
	v11 =	vld [tilespmem:s6+$0xFFFFFF70];
	v5 =	vadd.f32 v5, v3  }
0x2ae: {  	[tilespmem:s24+$0xFFFFFEF0] =	vst v4;
	v2 =	vmax.f32 v2, $0.0e+00;
	v12 =	vld [tilespmem:s7+$0xFFFFFFC0];
	s7 =	smov.u32 s6  }
0x2af: {  	v3 =	vld [tilespmem:s20+$0xFFFFFF30];
	[tilespmem:s24+$0xFFFFFF90] =	vst v2;
	v2 =	vadd.f32 v10, v9;
	v4 =	vmax.f32 v5, $0.0e+00  }
.Ltmp13:
0x2b0: {  	v6 =	vld [tilespmem:s6+$0xFFFFFF30];
	[tilespmem:s28+$0xFFFFFF60] =	vst v4;
	(pc) =	sbr.rel @p2 .LBB2_19-.Ltmp13, $4  }
0x2b1: {  	v4 =	vld [tilespmem:s20+$0xFFFFFFB0];
	v2 =	vmax.f32 v2, $0.0e+00  }
0x2b2: {  	v5 =	vadd.f32 v11, v7;
	v7 =	vld [tilespmem:s6+$0xFFFFFFB0];
	[tilespmem:s24+$0xFFFFFFF0] =	vst v2  }
0x2b3: {  	v2 =	vld [tilespmem:s20+$0x0];
	v8 =	vadd.f32 v12, v8  }
0x2b4: {  	s20 =	sadd.s32 $0x100, s20;
	v9 =	vmax.f32 v5, $0.0e+00;
	v5 =	vld [tilespmem:s6+$0x0]  }
0x2b5: {  	v3 =	vadd.f32 v6, v3;
	_ =	sdelay $0x1  }
0x2b6: {  	[tilespmem:s24+$0xFFFFFF50] =	vst v9;
	v3 =	vmax.f32 v3, $0.0e+00  }
0x2b7: {  	v60 =	vld [tilespmem:s29+$0xFFFFFF80];
	[tilespmem:s24+$0xFFFFFF00] =	vst v3;
	v3 =	vadd.f32 v7, v4  }
0x2b8: {  	v58 =	vld [tilespmem:s29+$0xFFFFFF40]  }
0x2b9: {  	v59 =	vld [tilespmem:s7+$0xFFFFFF40];
	v3 =	vmax.f32 v3, $0.0e+00  }
0x2ba: {  	[tilespmem:s24+$0xFFFFFFA0] =	vst v3;
	v3 =	vld [tilespmem:s7+$0xFFFFFF80]  }
0x2bb: {  	v61 =	vld [tilespmem:s29+$0xFFFFFFC0]  }
0x2bc: {  	v10 =	vld [tilespmem:s7+$0xFFFFFFC0];
	_ =	sdelay $0x1  }
0x2bd: {  	v2 =	vadd.f32 v5, v2  }
0x2be: {  	v62 =	vmax.f32 v8, $0.0e+00;
	v4 =	vadd.f32 v59, v58  }
0x2bf: {  	p2 =	por $0x1, $0x1;
	[tilespmem:s28+$0xFFFFFFB0] =	vst v62;
	v2 =	vmax.f32 v2, $0.0e+00;
	v3 =	vadd.f32 v3, v60  }
.Ltmp14:
0x2c0: {  	[tilespmem:s24+$0x0] =	vst v2;
	v2 =	vmax.f32 v4, $0.0e+00;
	v63 =	vadd.f32 v10, v61;
	(pc) =	sbr.rel @!p2 .LBB2_22-.Ltmp14, $4  }
0x2c1: {  	[tilespmem:s24+$0xFFFFFF10] =	vst v2;
	v2 =	vmax.f32 v3, $0.0e+00  }
0x2c2: {  	[tilespmem:s24+$0xFFFFFF60] =	vst v2;
	v2 =	vmax.f32 v63, $0.0e+00  }
0x2c3: {  	s6 =	simm.s32 $0xC980;
	[tilespmem:s24+$0xFFFFFFB0] =	vst v2  }
0x2c4: {  	s15 =	simm.s32 $0x0;
	s7 =	simm.s32 $0xCA80;
	v2 =	vld [tilespmem:s6+$0x0]  }
.LBB2_21:
0x2c5: {  	s15 =	sadd.s32 $0x10, s15  }
0x2c6: {  	p2 =	slt.u32 s15, $0x70  }
.Ltmp15:
0x2c7: {  	_ = 	snop;
	(pc) =	sbr.rel @p2 .LBB2_21-.Ltmp15, $3  }
0x2c8: {  	_ =	sdelay $0x1  }
0x2c9: {  	s6 =	sadd.s32 $0x10, s6;
	[tilespmem:s7+$0x0] =	vst v2;
	s7 =	sadd.s32 $0x10, s7  }
0x2ca: {  	v2 =	vld [tilespmem:s6+$0x0]  }
.LBB2_22:
0x2cb: {  	_ = 	snop  }
.Ltmp16:
0x2cc: {  	_ = 	snop;
	(pc) =	sbr.rel @p1 .LBB2_24-.Ltmp16, $3  }
0x2cd: {  	_ =	sdelay $0x1  }
0x2ce: {  	s6 =	simm.s32 $0xCA80;
	[tilespmem:s7+$0x0] =	vst v2  }
0x2cf: {  	[spmem:s2] =	stream.indirect.scatter.add.f32 [tilespmem:s21], [sflag:$0x6], $0x50, s6, s9, $0xb8;
	[tilespmem:$0x1AF00] =	vst v63  }
0x2d0: {  	s6 =	sadd.s32 s13, s26  }
0x2d1: {  	s7 =	sshrl.u32 s6, $0x3  }
0x2d2: {  	s15 =	sadd.s32 s16, s7  }
0x2d3: {  	[tilespmem:s5], [sflag:$0x2] =	stream.linear.gather [hbm4b:s15+s4], $0x80, $0x38;
	[tilespmem:$0x1AF00] =	vst v63  }
.Ltmp17:
0x2d4: {  	s6 =	sshll.u32 s6, $0x3;
	(pc) =	sbr.rel .LBB2_14-.Ltmp17, $4  }
0x2d5: {  	s28 =	simm.s32 $0xC980;
	s7 =	sadd.s32 s17, s7;
	s6 =	sand.u32 $0x1FFFFC00, s6  }
0x2d6: {  	[tilespmem:s28], [sflag:$0x2] =	stream.linear.gather [hbm4b:s7+s4], $0x80, $0x38;
	[tilespmem:$0x1AF00] =	vst v63  }
0x2d7: {  	s29 =	simm.s32 $0xEB00;
	s25 =	sadd.s32 $0x1, s25;
	s6 =	sadd.s32 s14, s6  }
0x2d8: {  	[tilespmem:s29], [sflag:$0x2] =	stream.linear.gather [hbm4b:s6+s4], $0x2000, $0x38;
	[tilespmem:$0x1AF00] =	vst v63  }
.LBB2_24:
0x2d9: {  	_ =	swait.ge [sflag:s22], $0x2800  }
.Ltmp18:
0x2da: {  	[sflag:s22] =	ssyncset.done $0x0;
	(pc) =	sbr.rel @p0 .LBB2_30-.Ltmp18, $4  }
0x2db: {  	[sflag:s22] =	ssyncadd.s32 $0xFFFFD800  }
0x2dc: {  	_ =	swait.ge [sflag:s23], $0x2800  }
0x2dd: {  	[sflag:s23] =	ssyncset.done $0x0  }
0x2de: {  	s20 =	sld [smem:$0x7F5];
	[sflag:s23] =	ssyncadd.s32 $0xFFFFD800  }
0x2df: {  	s6 =	sld [smem:$0x7FA];
	_ =	sdelay $0x1  }
0x2e0: {  	s25 =	sld [smem:$0x7FB]  }
0x2e1: {  	[tilespmem:s31], [sflag:$0x1] =	stream.linear.gather [hbm4b:s6+s4], $0x80, $0x38;
	[tilespmem:$0x1AF00] =	vst v63  }
0x2e2: {  	s7 =	simm.s32 $0xC900;
	s26 =	sld [smem:$0x7FC]  }
0x2e3: {  	[tilespmem:s7], [sflag:$0x1] =	stream.linear.gather [hbm4b:s25+s4], $0x80, $0x38;
	[tilespmem:$0x1AF00] =	vst v63  }
0x2e4: {  	s28 =	simm.s32 $0xCB00  }
0x2e5: {  	[tilespmem:s28], [sflag:$0x1] =	stream.linear.gather [hbm4b:s26+s4], $0x2000, $0x38;
	[tilespmem:$0x1AF00] =	vst v63  }
0x2e6: {  	_ =	swait.ge [sflag:s8], $0x80  }
0x2e7: {  	[sflag:s8] =	ssyncset.done $0x0  }
0x2e8: {  	[sflag:s8] =	ssyncadd.s32 $0xFFFFFF80  }
0x2e9: {  	_ =	swait.ge [sflag:s8], $0x80  }
0x2ea: {  	[sflag:s8] =	ssyncset.done $0x0  }
0x2eb: {  	[sflag:s8] =	ssyncadd.s32 $0xFFFFFF80  }
0x2ec: {  	_ =	swait.ge [sflag:s8], $0x2000  }
0x2ed: {  	[sflag:s8] =	ssyncset.done $0x0  }
0x2ee: {  	[sflag:s8] =	ssyncadd.s32 $0xFFFFE000  }
0x2ef: {  	[tilespmem:s10], [sflag:$0x3] =	stream.indirect.gather [hbm4b:s1+s9], $0x40, s31, s9, $0xb8;
	[tilespmem:$0x1AF00] =	vst v63  }
0x2f0: {  	_ =	swait.ge [sflag:s0], $0x2000  }
0x2f1: {  	[sflag:s0] =	ssyncset.done $0x0  }
0x2f2: {  	s15 =	simm.s32 $0x10B80;
	[sflag:s0] =	ssyncadd.s32 $0xFFFFE000  }
0x2f3: {  	s29 =	simm.s32 $0xCB80;
	v2 =	vld [tilespmem:s15+$0x40]  }
0x2f4: {  	v3 =	vld [tilespmem:s29+$0x40];
	_ =	sdelay $0x1  }
0x2f5: {  	v4 =	vld [tilespmem:s15+$0xFFFFFFC0]  }
0x2f6: {  	v5 =	vld [tilespmem:s29+$0xFFFFFFC0]  }
0x2f7: {  	v6 =	vld [tilespmem:s29+$0xFFFFFF80]  }
0x2f8: {  	v2 =	vadd.f32 v3, v2;
	v3 =	vld [tilespmem:s15+$0xFFFFFF80]  }
0x2f9: {  	v7 =	vld [tilespmem:s15+$0x0]  }
0x2fa: {  	s25 =	simm.s32 $0x14BA0;
	s26 =	simm.s32 $0x10C80;
	v8 =	vld [tilespmem:s29+$0x0];
	v2 =	vmax.f32 v2, $0.0e+00  }
0x2fb: {  	s6 =	simm.s32 $0xCC80;
	v10 =	vld [tilespmem:s26+$0x40];
	[tilespmem:s25+$0x50] =	vst v2;
	v2 =	vadd.f32 v5, v4  }
0x2fc: {  	v11 =	vld [tilespmem:s6+$0x40]  }
0x2fd: {  	v4 =	vld [tilespmem:s15+$0x50];
	v2 =	vmax.f32 v2, $0.0e+00;
	v3 =	vadd.f32 v6, v3  }
0x2fe: {  	v5 =	vld [tilespmem:s29+$0x50];
	[tilespmem:s25+$0xFFFFFFB0] =	vst v2  }
0x2ff: {  	v2 =	vadd.f32 v8, v7;
	v6 =	vld [tilespmem:s15+$0xFFFFFFD0];
	v3 =	vmax.f32 v3, $0.0e+00  }
0x300: {  	v7 =	vld [tilespmem:s29+$0xFFFFFFD0];
	[tilespmem:s25+$0xFFFFFF60] =	vst v3  }
0x301: {  	v2 =	vmax.f32 v2, $0.0e+00;
	v3 =	vld [tilespmem:s15+$0xFFFFFF90]  }
0x302: {  	[tilespmem:s25+$0x0] =	vst v2;
	v2 =	vld [tilespmem:s29+$0xFFFFFF90]  }
0x303: {  	v4 =	vadd.f32 v5, v4;
	v5 =	vld [tilespmem:s15+$0x10]  }
0x304: {  	v8 =	vld [tilespmem:s29+$0x10]  }
0x305: {  	v12 =	vld [tilespmem:s6+$0xFFFFFF80];
	v4 =	vmax.f32 v4, $0.0e+00  }
0x306: {  	v13 =	vld [tilespmem:s26+$0xFFFFFFC0];
	[tilespmem:s25+$0x60] =	vst v4;
	v4 =	vadd.f32 v7, v6  }
0x307: {  	v14 =	vld [tilespmem:s26+$0x0];
	v2 =	vadd.f32 v2, v3  }
0x308: {  	v6 =	vld [tilespmem:s15+$0x60];
	v4 =	vmax.f32 v4, $0.0e+00  }
0x309: {  	v7 =	vld [tilespmem:s29+$0x60];
	[tilespmem:s25+$0xFFFFFFC0] =	vst v4;
	v4 =	vadd.f32 v8, v5;
	v2 =	vmax.f32 v2, $0.0e+00  }
0x30a: {  	v3 =	vld [tilespmem:s15+$0xFFFFFFE0];
	[tilespmem:s25+$0xFFFFFF70] =	vst v2  }
0x30b: {  	v2 =	vmax.f32 v4, $0.0e+00;
	v4 =	vld [tilespmem:s15+$0xFFFFFFA0]  }
0x30c: {  	[tilespmem:s25+$0x10] =	vst v2;
	v2 =	vld [tilespmem:s29+$0xFFFFFFA0]  }
0x30d: {  	v5 =	vld [tilespmem:s29+$0xFFFFFFE0]  }
0x30e: {  	v10 =	vadd.f32 v11, v10;
	v11 =	vld [tilespmem:s6+$0x0];
	v6 =	vadd.f32 v7, v6  }
0x30f: {  	v7 =	vld [tilespmem:s15+$0x20]  }
0x310: {  	v8 =	vld [tilespmem:s29+$0x20];
	v6 =	vmax.f32 v6, $0.0e+00  }
0x311: {  	[tilespmem:s25+$0x70] =	vst v6;
	v2 =	vadd.f32 v2, v4;
	v4 =	vld [tilespmem:s6+$0xFFFFFFC0]  }
0x312: {  	s24 =	simm.s32 $0x14CE0;
	v3 =	vadd.f32 v5, v3;
	v5 =	vmax.f32 v10, $0.0e+00;
	v6 =	vld [tilespmem:s15+$0x70]  }
0x313: {  	v9 =	vld [tilespmem:s29+$0x70];
	[tilespmem:s24+$0x50] =	vst v5;
	v2 =	vmax.f32 v2, $0.0e+00  }
0x314: {  	v3 =	vmax.f32 v3, $0.0e+00;
	[tilespmem:s25+$0xFFFFFF80] =	vst v2;
	v2 =	vld [tilespmem:s26+$0xFFFFFF80]  }
0x315: {  	v58 =	vld [tilespmem:s26+$0x50];
	[tilespmem:s25+$0xFFFFFFD0] =	vst v3  }
0x316: {  	v59 =	vld [tilespmem:s15+$0xFFFFFFF0];
	v4 =	vadd.f32 v4, v13  }
0x317: {  	v10 =	vld [tilespmem:s15+$0xFFFFFFB0]  }
0x318: {  	v7 =	vadd.f32 v8, v7;
	v3 =	vmax.f32 v4, $0.0e+00;
	v4 =	vadd.f32 v11, v14;
	v11 =	vld [tilespmem:s6+$0x50]  }
0x319: {  	v5 =	vld [tilespmem:s29+$0xFFFFFFB0];
	v2 =	vadd.f32 v12, v2;
	[tilespmem:s24+$0xFFFFFFB0] =	vst v3  }
0x31a: {  	v7 =	vmax.f32 v7, $0.0e+00;
	v3 =	vld [tilespmem:s26+$0xFFFFFFD0]  }
0x31b: {  	[tilespmem:s25+$0x20] =	vst v7;
	v60 =	vld [tilespmem:s6+$0xFFFFFFD0];
	v2 =	vmax.f32 v2, $0.0e+00  }
0x31c: {  	v63 =	vld [tilespmem:s15+$0x30];
	v4 =	vmax.f32 v4, $0.0e+00;
	[tilespmem:s24+$0xFFFFFF60] =	vst v2  }
0x31d: {  	[tilespmem:s24+$0x0] =	vst v4;
	v4 =	vld [tilespmem:s26+$0xFFFFFF90];
	v11 =	vadd.f32 v11, v58  }
0x31e: {  	v61 =	vld [tilespmem:s6+$0xFFFFFF90]  }
0x31f: {  	v2 =	vld [tilespmem:s26+$0x10];
	v11 =	vmax.f32 v11, $0.0e+00  }
0x320: {  	v8 =	vld [tilespmem:s6+$0x10];
	v3 =	vadd.f32 v60, v3;
	[tilespmem:s24+$0x60] =	vst v11  }
0x321: {  	v62 =	vld [tilespmem:s26+$0x60]  }
0x322: {  	v3 =	vmax.f32 v3, $0.0e+00;
	v7 =	vld [tilespmem:s6+$0x60]  }
0x323: {  	v11 =	vld [tilespmem:s29+$0xFFFFFFF0];
	v4 =	vadd.f32 v61, v4;
	[tilespmem:s24+$0xFFFFFFC0] =	vst v3  }
0x324: {  	v15 =	vld [tilespmem:s26+$0xFFFFFFE0]  }
0x325: {  	v2 =	vadd.f32 v8, v2;
	v8 =	vld [tilespmem:s6+$0xFFFFFFE0];
	v3 =	vmax.f32 v4, $0.0e+00  }
0x326: {  	v4 =	vadd.f32 v9, v6;
	v9 =	vld [tilespmem:s29+$0x30];
	[tilespmem:s24+$0xFFFFFF70] =	vst v3  }
0x327: {  	v2 =	vmax.f32 v2, $0.0e+00;
	v7 =	vadd.f32 v7, v62;
	v3 =	vld [tilespmem:s26+$0xFFFFFFA0]  }
0x328: {  	v5 =	vadd.f32 v5, v10;
	[tilespmem:s24+$0x10] =	vst v2;
	v4 =	vmax.f32 v4, $0.0e+00;
	v6 =	vld [tilespmem:s6+$0xFFFFFFA0]  }
0x329: {  	v2 =	vadd.f32 v11, v59;
	[tilespmem:s25+$0x80] =	vst v4;
	v4 =	vld [tilespmem:s26+$0x20];
	v7 =	vmax.f32 v7, $0.0e+00  }
0x32a: {  	v5 =	vmax.f32 v5, $0.0e+00;
	v10 =	vadd.f32 v8, v15;
	[tilespmem:s24+$0x70] =	vst v7;
	v7 =	vld [tilespmem:s6+$0x20]  }
0x32b: {  	[tilespmem:s25+$0xFFFFFF90] =	vst v5;
	v5 =	vmax.f32 v2, $0.0e+00;
	v8 =	vadd.f32 v9, v63;
	v2 =	vld [tilespmem:s26+$0x70]  }
0x32c: {  	s20 =	simm.s32 $0x10D80;
	s7 =	simm.s32 $0xCC80;
	s15 =	simm.s32 $0x4;
	[tilespmem:s25+$0xFFFFFFE0] =	vst v5;
	v9 =	vmax.f32 v10, $0.0e+00;
	v5 =	vld [tilespmem:s6+$0x70]  }
.LBB2_26:
0x32d: {  	v10 =	vld [tilespmem:s20+$0x40];
	v3 =	vadd.f32 v6, v3;
	[tilespmem:s24+$0xFFFFFFD0] =	vst v9;
	s6 =	sadd.s32 $0x100, s6;
	v6 =	vmax.f32 v8, $0.0e+00  }
0x32e: {  	v8 =	vld [tilespmem:s6+$0x40];
	[tilespmem:s25+$0x30] =	vst v6;
	s25 =	smov.u32 s24  }
0x32f: {  	v6 =	vld [tilespmem:s6+$0xFFFFFF80];
	v3 =	vmax.f32 v3, $0.0e+00;
	v4 =	vadd.f32 v7, v4  }
0x330: {  	v7 =	vld [tilespmem:s20+$0xFFFFFFC0];
	[tilespmem:s24+$0xFFFFFF80] =	vst v3  }
0x331: {  	s15 =	sadd.s32 $0x4, s15;
	v3 =	vld [tilespmem:s6+$0xFFFFFFC0];
	v4 =	vmax.f32 v4, $0.0e+00;
	v2 =	vadd.f32 v5, v2  }
0x332: {  	p1 =	slt.u32 s15, $0x7C;
	v5 =	vld [tilespmem:s20+$0x0];
	[tilespmem:s24+$0x20] =	vst v4  }
0x333: {  	v4 =	vld [tilespmem:s6+$0x0];
	v8 =	vadd.f32 v8, v10;
	v2 =	vmax.f32 v2, $0.0e+00  }
0x334: {  	v9 =	vld [tilespmem:s20+$0xFFFFFF80];
	[tilespmem:s24+$0x80] =	vst v2  }
0x335: {  	s24 =	sadd.s32 $0x140, s24;
	v2 =	vmax.f32 v8, $0.0e+00;
	v8 =	vld [tilespmem:s26+$0xFFFFFFB0]  }
0x336: {  	v3 =	vadd.f32 v3, v7;
	[tilespmem:s24+$0x50] =	vst v2;
	v2 =	vld [tilespmem:s7+$0xFFFFFFB0]  }
0x337: {  	v7 =	vld [tilespmem:s20+$0x50]  }
0x338: {  	v3 =	vmax.f32 v3, $0.0e+00;
	v4 =	vadd.f32 v4, v5;
	v5 =	vld [tilespmem:s6+$0x50]  }
0x339: {  	v6 =	vadd.f32 v6, v9;
	[tilespmem:s24+$0xFFFFFFB0] =	vst v3;
	v3 =	vld [tilespmem:s26+$0xFFFFFFF0]  }
0x33a: {  	v9 =	vld [tilespmem:s20+$0xFFFFFFD0];
	v4 =	vmax.f32 v4, $0.0e+00  }
0x33b: {  	v6 =	vmax.f32 v6, $0.0e+00;
	v10 =	vld [tilespmem:s6+$0xFFFFFFD0];
	[tilespmem:s24+$0x0] =	vst v4;
	v2 =	vadd.f32 v2, v8  }
0x33c: {  	[tilespmem:s24+$0xFFFFFF60] =	vst v6;
	v4 =	vld [tilespmem:s20+$0x10]  }
0x33d: {  	v6 =	vld [tilespmem:s20+$0xFFFFFF90];
	v5 =	vadd.f32 v5, v7;
	v2 =	vmax.f32 v2, $0.0e+00  }
0x33e: {  	v7 =	vld [tilespmem:s6+$0xFFFFFF90];
	[tilespmem:s25+$0xFFFFFF90] =	vst v2  }
0x33f: {  	v2 =	vld [tilespmem:s6+$0x10];
	v5 =	vmax.f32 v5, $0.0e+00  }
0x340: {  	v8 =	vadd.f32 v10, v9;
	[tilespmem:s24+$0x60] =	vst v5;
	v5 =	vld [tilespmem:s7+$0xFFFFFFF0]  }
0x341: {  	v9 =	vld [tilespmem:s20+$0x60]  }
0x342: {  	v8 =	vmax.f32 v8, $0.0e+00;
	v10 =	vld [tilespmem:s6+$0x60]  }
0x343: {  	v6 =	vadd.f32 v7, v6;
	[tilespmem:s24+$0xFFFFFFC0] =	vst v8;
	v8 =	vld [tilespmem:s26+$0x30];
	s26 =	smov.u32 s20  }
0x344: {  	v7 =	vld [tilespmem:s20+$0xFFFFFFE0];
	v2 =	vadd.f32 v2, v4  }
0x345: {  	v4 =	vmax.f32 v6, $0.0e+00;
	v11 =	vld [tilespmem:s6+$0xFFFFFFE0];
	v5 =	vadd.f32 v5, v3  }
0x346: {  	[tilespmem:s24+$0xFFFFFF70] =	vst v4;
	v2 =	vmax.f32 v2, $0.0e+00;
	v12 =	vld [tilespmem:s7+$0x30];
	s7 =	smov.u32 s6  }
0x347: {  	v3 =	vld [tilespmem:s20+$0xFFFFFFA0];
	[tilespmem:s24+$0x10] =	vst v2;
	v2 =	vadd.f32 v10, v9;
	v4 =	vmax.f32 v5, $0.0e+00  }
.Ltmp19:
0x348: {  	v6 =	vld [tilespmem:s6+$0xFFFFFFA0];
	[tilespmem:s25+$0xFFFFFFE0] =	vst v4;
	(pc) =	sbr.rel @p1 .LBB2_26-.Ltmp19, $4  }
0x349: {  	v4 =	vld [tilespmem:s20+$0x20];
	v2 =	vmax.f32 v2, $0.0e+00  }
0x34a: {  	v5 =	vadd.f32 v11, v7;
	v7 =	vld [tilespmem:s6+$0x20];
	[tilespmem:s24+$0x70] =	vst v2  }
0x34b: {  	v2 =	vld [tilespmem:s20+$0x70];
	v8 =	vadd.f32 v12, v8  }
0x34c: {  	s20 =	sadd.s32 $0x100, s20;
	v9 =	vmax.f32 v5, $0.0e+00;
	v5 =	vld [tilespmem:s6+$0x70]  }
0x34d: {  	v3 =	vadd.f32 v6, v3;
	_ =	sdelay $0x1  }
0x34e: {  	[tilespmem:s24+$0xFFFFFFD0] =	vst v9;
	v3 =	vmax.f32 v3, $0.0e+00  }
0x34f: {  	v60 =	vld [tilespmem:s26+$0xFFFFFFF0];
	[tilespmem:s24+$0xFFFFFF80] =	vst v3;
	v3 =	vadd.f32 v7, v4  }
0x350: {  	v58 =	vld [tilespmem:s26+$0xFFFFFFB0]  }
0x351: {  	v59 =	vld [tilespmem:s7+$0xFFFFFFB0];
	v3 =	vmax.f32 v3, $0.0e+00  }
0x352: {  	[tilespmem:s24+$0x20] =	vst v3;
	v3 =	vld [tilespmem:s7+$0xFFFFFFF0]  }
0x353: {  	v61 =	vld [tilespmem:s26+$0x30]  }
0x354: {  	v10 =	vld [tilespmem:s7+$0x30];
	_ =	sdelay $0x1  }
0x355: {  	v2 =	vadd.f32 v5, v2  }
0x356: {  	v62 =	vmax.f32 v8, $0.0e+00;
	v4 =	vadd.f32 v59, v58  }
0x357: {  	[tilespmem:s25+$0x30] =	vst v62;
	v2 =	vmax.f32 v2, $0.0e+00;
	v3 =	vadd.f32 v3, v60  }
0x358: {  	[tilespmem:s24+$0x80] =	vst v2;
	v2 =	vmax.f32 v4, $0.0e+00;
	v63 =	vadd.f32 v10, v61  }
0x359: {  	[tilespmem:s24+$0xFFFFFF90] =	vst v2;
	v2 =	vmax.f32 v3, $0.0e+00  }
0x35a: {  	[tilespmem:s24+$0xFFFFFFE0] =	vst v2;
	v2 =	vmax.f32 v63, $0.0e+00  }
0x35b: {  	s6 =	simm.s32 $0xC900;
	p1 =	por $0x1, $0x1;
	[tilespmem:s24+$0x30] =	vst v2  }
.Ltmp20:
0x35c: {  	v2 =	vld [tilespmem:s6+$0x0];
	(pc) =	sbr.rel @!p1 .LBB2_29-.Ltmp20, $2  }
0x35d: {  	_ =	sdelay $0x2  }
0x35e: {  	s15 =	simm.s32 $0x0;
	s7 =	simm.s32 $0xCA00  }
.LBB2_28:
0x35f: {  	s15 =	sadd.s32 $0x10, s15  }
0x360: {  	p1 =	slt.u32 s15, $0x70  }
.Ltmp21:
0x361: {  	_ = 	snop;
	(pc) =	sbr.rel @p1 .LBB2_28-.Ltmp21, $3  }
0x362: {  	_ =	sdelay $0x1  }
0x363: {  	[tilespmem:s7+$0x0] =	vst v2;
	s7 =	sadd.s32 $0x10, s7;
	s6 =	sadd.s32 $0x10, s6  }
0x364: {  	v2 =	vld [tilespmem:s6+$0x0]  }
.Ltmp22:
0x365: {  	_ = 	snop;
	(pc) =	sbr.rel .LBB2_29-.Ltmp22, $1  }
0x366: {  	_ =	sdelay $0x3  }
.LBB2_31:
0x367: {  	_ =	sfence.sel $0x180000  }
0x368: {  	[bflag:$0x0] =	sbarrier.arrive $0xFFFF  }
0x369: {  	_ =	strace $0x9000004A  }
0x36a: {  	s0 =	stileid.u32;
	[bflag:$0x2] =	sbarrier.arrive $0xFFFF  }
0x36b: {  	p0 =	sne.s32 s0, $0x0;
	s0 =	rddreg [dreg:$0x3]  }
0x36c: {  	s0 =	sadd.s32 @!p0 $0x100000, s0  }
0x36d: {  	[sflag:s0] =	ssyncadd.tile.s32 @!p0 $0x1;
	_ =	shalt  }
.Lfunc_end2:
_tile_overlayer_lowered:
.L_overlay_start_2:
0x36e: {  	(tag) =	ssettag $0x2  }
0x36f: {  	s0 =	rddreg [dreg:$0x0];
	s2 =	stileid.u32  }
0x370: {  	s1 =	rddreg [dreg:$0x1];
	p0 =	sne.s32 s2, $0x0  }
0x371: {  	s3 =	rddreg [dreg:$0x2];
	[bflag:$0x3] =	sbarrier.arrive $0xFFFF;
	s2 =	simm.s32 @!p0 $0x1C07  }
0x372: {  	[timem:s3], [sflag:s2] =	dma.local @!p0 [hbm:s0], s1  }
0x373: {  	s0 =	simm.s32 @!p0 $0x7  }
0x374: {  	_ =	swait.ge @!p0 [sflag:s0], s1  }
0x375: {  	s1 =	ssub.s32 @!p0 $0x0, s1;
	[sflag:s0] =	ssyncset.done @!p0 $0x0  }
0x376: {  	[sflag:s0] =	ssyncadd.s32 @!p0 s1  }
0x377: {  	[bflag:$0x3] =	sbarrier.arrive $0xFFFF  }
0x378: {  	_ =	shalt  }

// kernel: sparse-core-data-format-call.cloned.1.call-start
scs
called_computation_lowered:
.L_overlay_start_0:
0x0: {  	s1 =	sld [smem:$0x3FD9]  }
0x1: {  	s2 =	sld [smem:$0x3FFE];
	_ =	sdelay $0x1  }
0x2: {  	s3 =	srdreg.scid  }
0x3: {  	s0 =	sand.u32 $0x1, s3  }
0x4: {  	s17 =	sshll.u32 s0, $0xA;
	s1 =	sadd.s32 s2, s1  }
0x5: {  	s1 =	sadd.s32 s1, s17  }
0x6: {  	[smem:$0x3FBB] =	sst s1  }
0x7: {  	_ = 	snop  }
0x8: {  	(tm) =	ssettm $0x1  }
0x9: {  	s18 =	sld [smem:$0x3FFB];
	_ =	sdelay $0x3  }
0xa: {  	_ =	strace s18  }
0xb: {  	s1 =	sld [smem:$0x3FFC];
	_ =	sdelay $0x3  }
0xc: {  	_ =	strace s1  }
0xd: {  	s1 =	sld [smem:$0x3FFD];
	_ =	sdelay $0x3  }
0xe: {  	_ =	strace s1  }
0xf: {  	_ =	strace $0x8FFFFFFF  }
0x10: {  	s19 =	sld [smem:$0x3FDB];
	_ =	sdelay $0x1  }
0x11: {  	s20 =	simm.s32 $_scs_section_size  }
0x12: {  	s4 =	simm.s32 $_size__tile_overlayer_lowered;
	s5 =	simm.s32 $_tile_overlayer_lowered  }
0x13: {  	s23 =	simm.s32 $0x1BFF;
	s22 =	sshll.u32 s5, $0x1;
	s1 =	sadd.s32 s20, s19  }
0x14: {  	s6 =	simm.s32 $0x0;
	s21 =	sshll.u32 s4, $0x1;
	s4 =	sadd.s32 s22, s1  }
0x15: {  	[timem:s6], [sflag:s23] =	dma.local [hbm:s4], s21  }
0x16: {  	_ =	swait.ge [sflag:s23], s21  }
0x17: {  	s2 =	ssub.s32 $0x0, s21;
	[sflag:s23] =	ssyncset.done $0x0  }
0x18: {  	[sflag:s23] =	ssyncadd.s32 s2;
	_ =	sdelay $0x1  }
0x19: {  	s24 =	simm.s32 $0x1B8B  }
0x1a: {  	_ =	swait.ge [sflag:s24], $0x1  }
0x1b: {  	[sflag:s24] =	ssyncset.done $0x0  }
0x1c: {  	s26 =	simm.s32 $0x1B8E;
	s25 =	sld [smem:$0x3FFE];
	[sflag:s24] =	ssyncadd.s32 $0xFFFFFFFF  }
0x1d: {  	s27 =	simm.s32 $execute0_lowered;
	[smem:$0x3FD2] =	sst s26  }
0x1e: {  	s4 =	sshll.u32 s27, $0x1;
	_ =	strace $0x80000046;
	[dreg:$0x1] =	wrdreg $0xFFFFFFFF  }
0x1f: {  	s28 =	simm.s32 $_size_execute0_lowered;
	s1 =	sadd.s32 s1, s4;
	[dreg:$0x0] =	wrdreg $0x0  }
0x20: {  	s4 =	sshll.u32 s28, $0x1;
	[dreg:$0x2] =	wrdreg s1  }
0x21: {  	[dreg:$0x3] =	wrdreg s4  }
0x22: {  	[dreg:$0x4] =	wrdreg $0xC0  }
0x23: {  	_ =	task [dreg:s6], $0x5FFFF  }
0x24: {  	[dreg:$0x1] =	wrdreg $0xFFFFFFFF  }
0x25: {  	[dreg:$0x0] =	wrdreg $0x60  }
0x26: {  	[dreg:$0x2] =	wrdreg s25  }
0x27: {  	[dreg:$0x3] =	wrdreg $0x9  }
0x28: {  	_ =	task.clear_ibuf [dreg:s6], $0x4FFFF;
	_ =	strace $0x90000046  }
0x29: {  	s29 =	simm.s32 $0x9;
	_ =	strace $0x80000048  }
0x2a: {  	_ =	swait.ge [sflag:s29], $0x1  }
0x2b: {  	[sflag:s29] =	ssyncadd.s32 $0xFFFFFFFF  }
0x2c: {  	_ =	strace $0x90000048  }
0x2d: {  	_ =	sfence  }
0x2e: {  	s30 =	sld [smem:$0x0];
	_ =	sdelay $0x2  }
0x2f: {  	s31 =	sshll.u32 s3, $0xD;
	s3 =	sshrl.u32 s3, $0x2  }
0x30: {  	s2 =	sand.u32 $0x4000, s31;
	s1 =	sadd.s32 s3, s30  }
0x31: {  	s0 =	sor.u32 s2, s0;
	s1 =	sshll.u32 s1, $0x11  }
0x32: {  	s0 =	sor.u32 s1, s0  }
0x33: {  	s0 =	sadd.s32 $0x8F2B, s0  }
0x34: {  	[sflag:s0] =	ssyncadd.remote.s32 $0x1  }
0x35: {  	_ =	sfence.sel $0xFFFF  }
0x36: {  	[dreg:$0x0] =	wrdreg $0xFFFFFFFF;
	(pc) =	sbr.abs _section_cstart, $3  }
0x37: {  	[dreg:$0x1] =	wrdreg $0xFFFFFFFF  }
0x38: {  	_ =	task.clear_ibuf [dreg:s6], $0x2FFFF;
	_ =	strace $0x9FFFFFFF  }
0x39: {  	(tm) =	ssettm $0x7FFFFFFF  }
tec
execute0_lowered:
.L_overlay_start_1:
0x0: {  	(tag) =	ssettag $0x1  }
0x1: {  	s0 =	srdreg.scid  }
0x2: {  	s1 =	sshll.u32 s0, $0x4  }
0x3: {  	s4 =	rddreg [dreg:$0x0];
	s0 =	stileid.u32;
	s1 =	sand.u32 $0x10, s1  }
0x4: {  	s7 =	simm.s32 $0x1;
	s8 =	simm.s32 $0x2;
	s1 =	sor.u32 s0, s1  }
0x5: {  	s9 =	simm.s32 $0x0;
	s12 =	simm.s32 $0x0;
	s2 =	sshll.u32 s1, $0x2  }
0x6: {  	s11 =	simm.s32 $0x0;
	s3 =	sadd.s32 $0x1E00, s4;
	s6 =	ssub.s32 $0x1388, s2  }
.Ltmp0:
0x7: {  	s4 =	sadd.s32 $0x272E00, s4;
	s5 =	sand.u32 $0x7C, s6;
	(pc) =	sbr.rel .LBB1_1-.Ltmp0, $4  }
0x8: {  	s1 =	rddreg [dreg:$0x1];
	_ =	strace $0x80000047;
	p0 =	sne.s32 s5, $0x0  }
0x9: {  	s6 =	sshrl.u32 s6, $0x7;
	s5 =	simm.s32 $0x1;
	s7 =	simm.s32 @!p0 $0x0  }
0xa: {  	s10 =	smov.u32 s2;
	[sflag:s5] =	ssyncpa.u1 $0x0;
	s6 =	sadd.s32 s7, s6  }
0xb: {  	[sflag:s8] =	ssyncpa.u1 $0x0;
	s8 =	simm.s32 $0x0;
	s7 =	sadd.s32 $0x1, s6  }
.LBB1_9:
0xc: {  	s14 =	sadd.s32 $0x80, s10  }
0xd: {  	p1 =	sgt.s32 s14, $0x1387  }
0xe: {  	s14 =	smov.u32 @p1 s2;
	p1 =	sne.s32 s11, s7  }
.Ltmp1:
0xf: {  	p0 =	slt.u32 s11, $0x2;
	(pc) =	sbr.rel @!p1 .LBB1_10-.Ltmp1, $4  }
0x10: {  	s13 =	simm.s32 @!p0 $0x2  }
0x11: {  	s15 =	sadd.s32 $0x1, s11;
	_ =	swait.ge @!p0 [sflag:s13], $0x4000  }
0x12: {  	s12 =	smov.u32 s10;
	s9 =	sadd.s32 $0x4000, s9;
	[sflag:s13] =	ssyncset.done @!p0 $0x0  }
0x13: {  	s11 =	smov.u32 s15;
	s10 =	smov.u32 s14;
	[sflag:s13] =	ssyncadd.s32 @!p0 $0xFFFFC000  }
.LBB1_1:
0x14: {  	p0 =	sge.u32 s11, s6  }
0x15: {  	s13 =	sxor.u32 @!p0 $0xFFFFFFFF, s11  }
0x16: {  	s31 =	sadd.s32 $0xFFFFFFFF, s11;
	s14 =	sshll.u32 @!p0 s10, $0x9;
	s13 =	sshll.u32 @!p0 s13, $0xE  }
0x17: {  	s15 =	simm.s32 @!p0 $0x0;
	s14 =	sadd.s32 @!p0 s3, s14;
	s13 =	sand.u32 @!p0 $0x4000, s13  }
0x18: {  	[tilespmem:s13], [sflag:$0x1] =	stream.linear.gather @!p0 [hbm4b:s14+s15], $0x4000, $0x38;
	[tilespmem:$0x10000] =	vst v63  }
0x19: {  	p0 =	sge.u32 s31, s6  }
.Ltmp2:
0x1a: {  	_ = 	snop;
	(pc) =	sbr.rel @p0 .LBB1_9-.Ltmp2, $1  }
0x1b: {  	_ =	sdelay $0x3  }
0x1c: {  	s14 =	sand.u32 $0x4000, s9  }
0x1d: {  	_ =	swait.ge [sflag:s5], $0x4000;
	s15 =	sshll.u32 s11, $0xE;
	s16 =	simm.s32 $0x0  }
0x1e: {  	s13 =	sor.u32 $0x40, s14;
	[sflag:s5] =	ssyncset.done $0x0;
	s15 =	sand.u32 $0x4000, s15  }
0x1f: {  	s14 =	sor.u32 $0x8040, s14;
	[sflag:s5] =	ssyncadd.s32 $0xFFFFC000;
	s15 =	sor.u32 $0x8000, s15  }
.LBB1_3:
0x20: {  	s17 =	smov.u32 s14;
	s18 =	smov.u32 s13;
	s19 =	simm.s32 $0x0  }
.LBB1_4:
0x21: {  	v0 =	vmov s17;
	v2 =	vld [tilespmem:s18+$0x30]  }
0x22: {  	v4 =	vld [tilespmem:s18+$0xFFFFFFD0]  }
0x23: {  	v6 =	vld [tilespmem:s18+$0xFFFFFFE0]  }
0x24: {  	v7 =	vld [tilespmem:s18+$0xFFFFFFF0]  }
0x25: {  	s20 =	simm.s32 $0x0;
	v1 =	vld [tilespmem:s18+$0x0]  }
0x26: {  	v3 =	vld [tilespmem:s18+$0x10];
	[tilespmem:v0+s20+$0x30 ss:$0x1] =	vst.idx.msk $0xffff, v2  }
0x27: {  	v5 =	vld [tilespmem:s18+$0x20];
	[tilespmem:v0+s20+$0xFFFFFFD0 ss:$0x1] =	vst.idx.msk $0xffff, v4  }
0x28: {  	s21 =	sadd.s32 $0x80, s18;
	v2 =	vld [tilespmem:s18+$0xFFFFFFC0];
	[tilespmem:v0+s20+$0xFFFFFFE0 ss:$0x1] =	vst.idx.msk $0xffff, v6  }
0x29: {  	s22 =	simm.s32 $0x800;
	s23 =	simm.s32 $0x1000;
	v4 =	vld [tilespmem:s21+$0x30];
	[tilespmem:v0+s20+$0xFFFFFFF0 ss:$0x1] =	vst.idx.msk $0xffff, v7  }
.LBB1_5:
0x2a: {  	p0 =	sne.s32 s23, $0x3800;
	v6 =	vld [tilespmem:s21+$0xFFFFFFD0];
	[tilespmem:v0+s20+$0x0 ss:$0x1] =	vst.idx.msk $0xffff, v1  }
0x2b: {  	v7 =	vld [tilespmem:s21+$0xFFFFFFE0];
	[tilespmem:v0+s20+$0x10 ss:$0x1] =	vst.idx.msk $0xffff, v3  }
0x2c: {  	v8 =	vld [tilespmem:s21+$0xFFFFFFF0];
	[tilespmem:v0+s20+$0x20 ss:$0x1] =	vst.idx.msk $0xffff, v5  }
.Ltmp3:
0x2d: {  	v1 =	vld [tilespmem:s21+$0x0];
	[tilespmem:v0+s20+$0xFFFFFFC0 ss:$0x1] =	vst.idx.msk $0xffff, v2;
	s20 =	sshra.s32 s22, $0x2;
	s22 =	smov.u32 s23;
	(pc) =	sbr.rel @p0 .LBB1_5-.Ltmp3, $4  }
0x2e: {  	v3 =	vld [tilespmem:s21+$0x10];
	[tilespmem:v0+s20+$0x30 ss:$0x1] =	vst.idx.msk $0xffff, v4  }
0x2f: {  	[tilespmem:v0+s20+$0xFFFFFFD0 ss:$0x1] =	vst.idx.msk $0xffff, v6;
	v5 =	vld [tilespmem:s21+$0x20]  }
0x30: {  	v2 =	vld [tilespmem:s21+$0xFFFFFFC0];
	[tilespmem:v0+s20+$0xFFFFFFE0 ss:$0x1] =	vst.idx.msk $0xffff, v7;
	s21 =	sadd.s32 $0x80, s21  }
0x31: {  	s23 =	sadd.s32 $0x800, s23;
	v4 =	vld [tilespmem:s21+$0x30];
	[tilespmem:v0+s20+$0xFFFFFFF0 ss:$0x1] =	vst.idx.msk $0xffff, v8  }
0x32: {  	_ =	sdelay $0x3  }
0x33: {  	v6 =	vld [tilespmem:s21+$0xFFFFFFD0];
	[tilespmem:v0+s20+$0x0 ss:$0x1] =	vst.idx.msk $0xffff, v1  }
0x34: {  	v58 =	vld [tilespmem:s21+$0xFFFFFFE0];
	[tilespmem:v0+s20+$0x10 ss:$0x1] =	vst.idx.msk $0xffff, v3  }
0x35: {  	v59 =	vld [tilespmem:s21+$0xFFFFFFF0];
	[tilespmem:v0+s20+$0x20 ss:$0x1] =	vst.idx.msk $0xffff, v5  }
0x36: {  	s22 =	sshra.s32 s22, $0x2;
	v60 =	vld [tilespmem:s21+$0x0];
	[tilespmem:v0+s20+$0xFFFFFFC0 ss:$0x1] =	vst.idx.msk $0xffff, v2  }
0x37: {  	v61 =	vld [tilespmem:s21+$0x10];
	[tilespmem:v0+s22+$0x30 ss:$0x1] =	vst.idx.msk $0xffff, v4  }
0x38: {  	v62 =	vld [tilespmem:s21+$0x20];
	s19 =	sadd.s32 $0x1, s19;
	[tilespmem:v0+s22+$0xFFFFFFD0 ss:$0x1] =	vst.idx.msk $0xffff, v6  }
0x39: {  	v63 =	vld [tilespmem:s21+$0xFFFFFFC0];
	p0 =	sne.s32 s19, $0x4;
	[tilespmem:v0+s22+$0xFFFFFFE0 ss:$0x1] =	vst.idx.msk $0xffff, v58  }
.Ltmp4:
0x3a: {  	[tilespmem:v0+s22+$0xFFFFFFF0 ss:$0x1] =	vst.idx.msk $0xffff, v59;
	(pc) =	sbr.rel @p0 .LBB1_4-.Ltmp4, $4  }
0x3b: {  	[tilespmem:v0+s22+$0x0 ss:$0x1] =	vst.idx.msk $0xffff, v60  }
0x3c: {  	[tilespmem:v0+s22+$0x10 ss:$0x1] =	vst.idx.msk $0xffff, v61  }
0x3d: {  	[tilespmem:v0+s22+$0x20 ss:$0x1] =	vst.idx.msk $0xffff, v62  }
0x3e: {  	s18 =	sadd.s32 $0x400, s18;
	s17 =	sadd.s32 $0x80, s17;
	[tilespmem:v0+s22+$0xFFFFFFC0 ss:$0x1] =	vst.idx.msk $0xffff, v63  }
0x3f: {  	s16 =	sadd.s32 $0x1, s16  }
0x40: {  	p0 =	sne.s32 s16, $0x4  }
.Ltmp5:
0x41: {  	_ = 	snop;
	(pc) =	sbr.rel @p0 .LBB1_3-.Ltmp5, $2  }
0x42: {  	_ =	sdelay $0x2  }
0x43: {  	s13 =	sadd.s32 $0x1000, s13;
	s14 =	sadd.s32 $0x1000, s14  }
.Ltmp6:
0x44: {  	(pc) =	sbr.rel .LBB1_9-.Ltmp6, $4  }
0x45: {  	_ = 	snop  }
0x46: {  	s12 =	sshll.u32 s12, $0x9  }
0x47: {  	s12 =	sadd.s32 s4, s12  }
0x48: {  	[hbm4b:s12+s8] =	stream.linear.scatter [tilespmem:s15], [sflag:$0x2], $0x4000, $0x38;
	[tilespmem:$0x10000] =	vst v63  }
.LBB1_10:
0x49: {  	_ =	sfence.sel $0x180000  }
0x4a: {  	s2 =	simm.s32 $0x1;
	[bflag:$0x0] =	sbarrier.arrive $0xFFFF  }
0x4b: {  	s31 =	simm.s32 $0x2;
	[sflag:s2] =	ssyncpa.u1 $0x1  }
0x4c: {  	[sflag:s31] =	ssyncpa.u1 $0x1  }
0x4d: {  	p0 =	sne.s32 s0, $0x0;
	_ =	strace $0x90000047  }
0x4e: {  	s0 =	sadd.s32 @!p0 $0x100000, s1;
	[bflag:$0x2] =	sbarrier.arrive $0xFFFF  }
0x4f: {  	[sflag:s0] =	ssyncadd.tile.s32 @!p0 $0x1;
	_ =	shalt  }
.Lfunc_end1:
_tile_overlayer_lowered:
.L_overlay_start_2:
0x50: {  	(tag) =	ssettag $0x2  }
0x51: {  	s0 =	rddreg [dreg:$0x0];
	s2 =	stileid.u32  }
0x52: {  	s1 =	rddreg [dreg:$0x1];
	p0 =	sne.s32 s2, $0x0  }
0x53: {  	s3 =	rddreg [dreg:$0x2];
	[bflag:$0x3] =	sbarrier.arrive $0xFFFF;
	s2 =	simm.s32 @!p0 $0x1C01  }
0x54: {  	[timem:s3], [sflag:s2] =	dma.local @!p0 [hbm:s0], s1  }
0x55: {  	s0 =	simm.s32 @!p0 $0x1  }
0x56: {  	_ =	swait.ge @!p0 [sflag:s0], s1  }
0x57: {  	s1 =	ssub.s32 @!p0 $0x0, s1;
	[sflag:s0] =	ssyncset.done @!p0 $0x0  }
0x58: {  	[sflag:s0] =	ssyncadd.s32 @!p0 s1  }
0x59: {  	[bflag:$0x3] =	sbarrier.arrive $0xFFFF  }
0x5a: {  	_ =	shalt  }

</sc_bundles>
